<compile_context>
chip_gen: v7x
topology: tpu7x:2x2x1
jax: 0.10.2.dev20260603
libtpu: 0.0.44.dev20260713+nightly
codegen_flags: <defaults>
</compile_context>

<pallas_src>
import functools

import jax
import jax.numpy as jnp
from jax import lax
from jax.experimental import pallas as pl
from jax.experimental.pallas import tpu as pltpu
from jax.experimental.pallas import tpu_sc as plsc

NC = 2
NS = 16
LANES = 16
CHUNK = 128
NB = 4
NBD = 2
HC = 64

_f32 = jnp.float32
_i32 = jnp.int32


def _mesh():
    return plsc.VectorSubcoreMesh(core_axis_name="c", subcore_axis_name="s",
                                  num_cores=NC, num_subcores=NS)


def _strip_sizes(nrows, width=None):
    width = CHUNK if width is None else width
    full = nrows // width
    tail = nrows - full * width
    return [width] * full + ([tail] if tail else [])


IDC = 1024


def _sc_segment_sum(table2, src_ids, dst_ids, zeros_hbm, acc_rows):
    e_pad = src_ids.shape[0]
    per_tile = e_pad // NS
    nm = per_tile // IDC
    nw = IDC // (CHUNK * NB)
    zrows = acc_rows // NS
    zstrips = _strip_sizes(zrows)

    @functools.partial(
        pl.kernel,
        out_type=jax.ShapeDtypeStruct((NC, acc_rows, HC), _f32),
        mesh=_mesh(),
        scratch_types=[
            pltpu.VMEM_SHARED((acc_rows, HC), _f32),
            pltpu.VMEM((128, HC), _f32),
            pltpu.VMEM((IDC,), _i32),
            pltpu.VMEM((IDC,), _i32),
            [pltpu.VMEM((CHUNK, HC), _f32) for _ in range(NB * 2)],
            pltpu.SemaphoreType.DMA,
            pltpu.SemaphoreType.DMA,
            pltpu.SemaphoreType.DMA,
        ],
        compiler_params=pltpu.CompilerParams(use_tc_tiling_on_sc=False,
                                             needs_layout_passes=False),
    )
    def body(table_h, src_h, dst_h, zeros_h, out_h, acc, zbuf, sidx, didx,
             rows, sem_i, sem_g, sem_s):
        c = lax.axis_index("c")
        s = lax.axis_index("s")
        pltpu.sync_copy(zeros_h, zbuf)
        for k, sz in enumerate(_strip_sizes(zrows, 128)):
            pltpu.sync_copy(zbuf.at[pl.ds(0, sz)],
                            acc.at[pl.ds(s * zrows + k * 128, sz)])
        plsc.subcore_barrier()
        base = s * per_tile

        def m_body(m, carry):
            off = base + m * IDC
            d1 = pltpu.async_copy(src_h.at[pl.ds(off, IDC)], sidx, sem_i)
            d2 = pltpu.async_copy(dst_h.at[pl.ds(off, IDC)], didx, sem_i)
            d1.wait()
            d2.wait()
            pend = []
            for q in range(nw):
                qb = q * NB * CHUNK
                rb = (q % 2) * NB
                ds = [pltpu.async_copy(
                    table_h.at[c].at[sidx.at[pl.ds(qb + b * CHUNK, CHUNK)]],
                    rows[rb + b], sem_g) for b in range(NB)]
                for d in ds:
                    d.wait()
                pend += [pltpu.async_copy(
                    rows[rb + b],
                    acc.at[didx.at[pl.ds(qb + b * CHUNK, CHUNK)]],
                    sem_s, add=True) for b in range(NB)]
            for d in pend:
                d.wait()
            return carry

        lax.fori_loop(0, nm, m_body, 0)
        plsc.subcore_barrier()
        wbase = s * zrows
        bufs = [rows[k] if sz == CHUNK else zbuf
                for k, sz in enumerate(zstrips)]
        ds = [pltpu.async_copy(acc.at[pl.ds(wbase + k * CHUNK, sz)],
                               bufs[k].at[pl.ds(0, sz)], sem_g)
              for k, sz in enumerate(zstrips)]
        for d in ds:
            d.wait()
        ds = [pltpu.async_copy(bufs[k].at[pl.ds(0, sz)],
                               out_h.at[c, pl.ds(wbase + k * CHUNK, sz)],
                               sem_s)
              for k, sz in enumerate(zstrips)]
        for d in ds:
            d.wait()

    return body(table2, src_ids, dst_ids, zeros_hbm)


def _sc_segment_sum_rounds(table2, src_ids, dst_ids, zeros_hbm, out_rows, ch):
    e_pad = src_ids.shape[0]
    per_tile = e_pad // NS
    nm = per_tile // IDC
    gsz = CHUNK * NBD
    acc_rows = ch + 128
    zrows = acc_rows // NS
    wrows = ch // NS
    rounds = out_rows // ch
    clen = per_tile + gsz
    zstrips = _strip_sizes(zrows)
    wstrips = _strip_sizes(wrows)

    @functools.partial(
        pl.kernel,
        out_type=jax.ShapeDtypeStruct((NC, out_rows, HC), _f32),
        mesh=_mesh(),
        scratch_types=[
            pltpu.VMEM_SHARED((acc_rows, HC), _f32),
            pltpu.VMEM((128, HC), _f32),
            pltpu.VMEM((IDC,), _i32),
            pltpu.VMEM((IDC,), _i32),
            [pltpu.VMEM((CHUNK,), _i32) for _ in range(NBD)],
            [pltpu.VMEM((CHUNK,), _i32) for _ in range(NBD)],
            pltpu.VMEM((clen,), _i32),
            [pltpu.VMEM((CHUNK, HC), _f32) for _ in range(NBD)],
            pltpu.SemaphoreType.DMA,
            pltpu.SemaphoreType.DMA,
            pltpu.SemaphoreType.DMA,
        ],
        compiler_params=pltpu.CompilerParams(use_tc_tiling_on_sc=False,
                                             needs_layout_passes=False),
    )
    def body(table_h, src_h, dst_h, zeros_h, out_h, acc, zbuf, sbig, dbig,
             sidx, didx, cpack, rows, sem_i, sem_g, sem_s):
        c = lax.axis_index("c")
        s = lax.axis_index("s")
        base = s * per_tile

        def round_body(r, carry):
            lo = r * ch
            pltpu.sync_copy(zeros_h, zbuf)
            for k, sz in enumerate(_strip_sizes(zrows, 128)):
                pltpu.sync_copy(zbuf.at[pl.ds(0, sz)],
                                acc.at[pl.ds(s * zrows + k * 128, sz)])
            plsc.subcore_barrier()

            def scan_m(m, cnt):
                off = base + m * IDC
                d1 = pltpu.async_copy(src_h.at[pl.ds(off, IDC)], sbig, sem_i)
                d2 = pltpu.async_copy(dst_h.at[pl.ds(off, IDC)], dbig, sem_i)
                d1.wait()
                d2.wait()

                def sub_body(k4, cnt2):
                    for j in range(LANES):
                        o16 = (k4 * LANES + j) * LANES
                        dv = dbig[pl.ds(o16, LANES)]
                        sv = sbig[pl.ds(o16, LANES)]
                        ld = dv - lo
                        ok = (ld >= 0) & (ld < ch)
                        pk = (ld << 14) | sv
                        plsc.store_compressed(cpack.at[pl.ds(cnt2, LANES)],
                                              pk, mask=ok)
                        cnt2 = cnt2 + jnp.sum(ok.astype(_i32))
                    return cnt2

                return lax.fori_loop(0, IDC // (LANES * LANES), sub_body,
                                     cnt)

            cnt = lax.fori_loop(0, nm, scan_m, jnp.int32(0))

            ngroups_r = (cnt + (gsz - 1)) // gsz
            trash_pk = ch << 14

            @pl.when(cnt > 0)
            def _():
                tbase = (ngroups_r - 1) * gsz
                lane = lax.iota(_i32, LANES)
                for k in range(gsz // LANES):
                    off = tbase + k * LANES
                    sel = (off + lane) < cnt
                    pv = cpack[pl.ds(off, LANES)]
                    cpack[pl.ds(off, LANES)] = jnp.where(sel, pv, trash_pk)

            def gs_body(g, icarry):
                off = g * gsz
                for b in range(NBD):
                    for j in range(CHUNK // LANES):
                        pv = cpack[pl.ds(off + b * CHUNK + j * LANES, LANES)]
                        sidx[b][pl.ds(j * LANES, LANES)] = pv & 16383
                        didx[b][pl.ds(j * LANES, LANES)] = pv >> 14
                ds = [pltpu.async_copy(table_h.at[c].at[sidx[b]], rows[b],
                                       sem_g) for b in range(NBD)]
                for d in ds:
                    d.wait()
                ds = [pltpu.async_copy(rows[b], acc.at[didx[b]], sem_s,
                                       add=True) for b in range(NBD)]
                for d in ds:
                    d.wait()
                return icarry

            lax.fori_loop(0, ngroups_r, gs_body, 0)
            plsc.subcore_barrier()

            wbase = s * wrows
            obase = lo + s * wrows
            for i0 in range(0, len(wstrips), NBD):
                wave = wstrips[i0:i0 + NBD]
                bufs = [rows[k] if sz == CHUNK else zbuf
                        for k, sz in enumerate(wave)]
                ds = [pltpu.async_copy(
                    acc.at[pl.ds(wbase + (i0 + k) * CHUNK, sz)],
                    bufs[k].at[pl.ds(0, sz)], sem_g)
                    for k, sz in enumerate(wave)]
                for d in ds:
                    d.wait()
                ds = [pltpu.async_copy(
                    bufs[k].at[pl.ds(0, sz)],
                    out_h.at[c, pl.ds(obase + (i0 + k) * CHUNK, sz)], sem_s)
                    for k, sz in enumerate(wave)]
                for d in ds:
                    d.wait()
            plsc.subcore_barrier()
            return carry

        lax.fori_loop(0, rounds, round_body, 0)

    return body(table2, src_ids, dst_ids, zeros_hbm)



_BM = 512


def _cdiv(n, m):
    return (n + m - 1) // m


def _round_up(n, m):
    return ((n + m - 1) // m) * m


def _stage1_body(x2_ref, ll_ref, tr_ref, w_ref, o_ref):
    v = x2_ref.shape[2]
    attr = jnp.concatenate(
        [jnp.sin(ll_ref[...]), jnp.cos(ll_ref[...]), tr_ref[...]], -1)
    acc = (jnp.dot(x2_ref[0], w_ref[:v], preferred_element_type=_f32)
           + jnp.dot(x2_ref[1], w_ref[v:2 * v], preferred_element_type=_f32)
           + jnp.dot(attr, w_ref[2 * v:], preferred_element_type=_f32))
    o_ref[0] = acc[:, :HC]
    o_ref[1] = acc[:, HC:]


def _stage3_body(xh_ref, wd_ref, a_ref, wp_ref, xl_ref, msg_ref):
    af = jnp.concatenate([a_ref[0], a_ref[1]], -1)
    xl = jax.nn.relu(jnp.dot(xh_ref[...], wd_ref[...],
                             preferred_element_type=_f32) + af)
    xl_ref[0] = xl[:, :HC]
    xl_ref[1] = xl[:, HC:]
    m = jnp.dot(xl, wp_ref[...], preferred_element_type=_f32)
    msg_ref[0] = m[:, :HC]
    msg_ref[1] = m[:, HC:]


def _stage5_body(xl_ref, p_ref, wd_ref, o_ref):
    xlf = jnp.concatenate([xl_ref[0], xl_ref[1]], -1)
    pf = jnp.concatenate([p_ref[0], p_ref[1]], -1)
    xlp = 2.0 * xlf + jax.nn.relu(pf)
    dm = jnp.dot(xlp, wd_ref[...], preferred_element_type=_f32)
    o_ref[0] = dm[:, :HC]
    o_ref[1] = dm[:, HC:]


def _stage7_body(a_ref, se_ref, wo_ref, xl_ref, o_ref):
    af = jnp.concatenate([a_ref[0], a_ref[1]], -1)
    sf = jnp.concatenate([se_ref[0], se_ref[1]], -1)
    xd = jax.nn.relu(af + jax.nn.relu(sf))
    o_ref[...] = jnp.dot(xd, wo_ref[...],
                         preferred_element_type=_f32) + xl_ref[...]


def _row_spec(shape3):
    return pl.BlockSpec((2, _BM, shape3[2]), lambda i: (0, i, 0))


def _full_spec(shape):
    nd = len(shape)
    return pl.BlockSpec(shape, lambda i, _n=nd: (0,) * _n)


def kernel(x, latlons_data, latlons_hidden, trainable_data, trainable_hidden,
           W_src_enc, W_dst_enc, W_proc, W_dec, W_out,
           edge_index_enc, edge_index_proc, edge_index_dec):
    b, t, e, nd, v = x.shape
    nh = latlons_hidden.shape[0]
    cdim = W_src_enc.shape[1]

    gd = _cdiv(nd, _BM)
    gh = _cdiv(nh, _BM)

    x2 = x[0, :, 0]
    xh_lat = jnp.concatenate(
        [jnp.sin(latlons_hidden), jnp.cos(latlons_hidden), trainable_hidden],
        -1)

    acc_h = _round_up(nh + 1, NS * 8)

    def pad_edges(ei, trash):
        ecnt = ei.shape[1]
        epad = _round_up(ecnt, NS * IDC)
        src = jnp.concatenate([ei[0], jnp.zeros((epad - ecnt,), _i32)])
        dst = jnp.concatenate([ei[1], jnp.full((epad - ecnt,), trash, _i32)])
        return src, dst

    enc_src, enc_dst = pad_edges(edge_index_enc, nh)
    proc_src, proc_dst = pad_edges(edge_index_proc, nh)
    dec_src, dec_dst = pad_edges(edge_index_dec, nd)

    zeros_h = jnp.zeros((128, HC), _f32)

    ch = 10112
    dec_rows = _round_up(nd, ch)

    src_emb2 = pl.pallas_call(
        _stage1_body, grid=(gd,),
        in_specs=[pl.BlockSpec((t, _BM, v), lambda i: (0, i, 0)),
                  pl.BlockSpec((_BM, 2), lambda i: (i, 0)),
                  pl.BlockSpec((_BM, trainable_data.shape[1]),
                               lambda i: (i, 0)),
                  _full_spec(W_src_enc.shape)],
        out_specs=pl.BlockSpec((2, _BM, HC), lambda i: (0, i, 0)),
        out_shape=jax.ShapeDtypeStruct((2, nd, HC), _f32),
    )(x2, latlons_data, trainable_data, W_src_enc)

    agg_enc = _sc_segment_sum(src_emb2, enc_src, enc_dst, zeros_h, acc_h)

    xl2, msg2 = pl.pallas_call(
        _stage3_body, grid=(gh,),
        in_specs=[pl.BlockSpec((_BM, xh_lat.shape[1]), lambda i: (i, 0)),
                  _full_spec(W_dst_enc.shape),
                  _row_spec((2, acc_h, HC)),
                  _full_spec(W_proc.shape)],
        out_specs=[pl.BlockSpec((2, _BM, HC), lambda i: (0, i, 0)),
                   pl.BlockSpec((2, _BM, HC), lambda i: (0, i, 0))],
        out_shape=[jax.ShapeDtypeStruct((2, nh, HC), _f32),
                   jax.ShapeDtypeStruct((2, nh, HC), _f32)],
    )(xh_lat, W_dst_enc, agg_enc, W_proc)

    agg_p = _sc_segment_sum(msg2, proc_src, proc_dst, zeros_h, acc_h)

    dmsg2 = pl.pallas_call(
        _stage5_body, grid=(gh,),
        in_specs=[_row_spec((2, nh, HC)),
                  _row_spec((2, acc_h, HC)),
                  _full_spec(W_dec.shape)],
        out_specs=pl.BlockSpec((2, _BM, HC), lambda i: (0, i, 0)),
        out_shape=jax.ShapeDtypeStruct((2, nh, HC), _f32),
    )(xl2, agg_p, W_dec)

    agg_d = _sc_segment_sum_rounds(dmsg2, dec_src, dec_dst, zeros_h,
                                   dec_rows, ch)

    x_last = x[0, -1, 0]
    out = pl.pallas_call(
        _stage7_body, grid=(gd,),
        in_specs=[_row_spec((2, dec_rows, HC)),
                  _row_spec((2, nd, HC)),
                  _full_spec(W_out.shape),
                  pl.BlockSpec((_BM, v), lambda i: (i, 0))],
        out_specs=pl.BlockSpec((_BM, v), lambda i: (i, 0)),
        out_shape=jax.ShapeDtypeStruct((nd, v), _f32),
    )(agg_d, src_emb2, W_out, x_last)

    return out.reshape(b, e, nd, v)

# --- scband reference (transcript-rebuilt; emitter-appended) ---
"""Pipeline reference for scband-anemoi-model-enc-proc-dec-hierachical-56702158241850 (READ-ONLY COPY).

The authoritative reference and input builder live on the scoring server;
editing this copy changes nothing except your own understanding.
"""

import jax, jax.numpy as jnp
import numpy as np

ND = 50000
NH = 10000
E_ENC = 600000
E_PROC = 320000
E_DEC = 600000
NUM_CHANNELS = 128
VARS = 60
MULTI_STEP = 2
T_DATA = 8
T_HIDDEN = 8


def setup_inputs(seed: int = 0) -> dict:
    key = jax.random.key(seed)
    ks = jax.random.split(key, 16)
    x = jax.random.normal(ks[0], (1, MULTI_STEP, 1, ND, VARS), dtype=jnp.float32)
    edge_index_enc = jnp.stack([
        jax.random.randint(ks[1], (E_ENC,), 0, ND, dtype=jnp.int32),
        jax.random.randint(ks[2], (E_ENC,), 0, NH, dtype=jnp.int32)])
    edge_index_proc = jnp.stack([
        jax.random.randint(ks[3], (E_PROC,), 0, NH, dtype=jnp.int32),
        jax.random.randint(ks[4], (E_PROC,), 0, NH, dtype=jnp.int32)])
    edge_index_dec = jnp.stack([
        jax.random.randint(ks[5], (E_DEC,), 0, NH, dtype=jnp.int32),
        jax.random.randint(ks[6], (E_DEC,), 0, ND, dtype=jnp.int32)])
    latlons_data = jax.random.uniform(ks[7], (ND, 2), dtype=jnp.float32, minval=-3.14, maxval=3.14)
    latlons_hidden = jax.random.uniform(ks[8], (NH, 2), dtype=jnp.float32, minval=-3.14, maxval=3.14)
    trainable_data = jax.random.normal(ks[9], (ND, T_DATA), dtype=jnp.float32) * 0.02
    trainable_hidden = jax.random.normal(ks[10], (NH, T_HIDDEN), dtype=jnp.float32) * 0.02
    in_dim = MULTI_STEP * VARS + 4 + T_DATA  # 132
    hid_in_dim = 4 + T_HIDDEN  # 12
    W_src_enc = jax.random.normal(ks[11], (in_dim, NUM_CHANNELS), dtype=jnp.float32) / np.sqrt(in_dim)
    W_dst_enc = jax.random.normal(ks[12], (hid_in_dim, NUM_CHANNELS), dtype=jnp.float32) / np.sqrt(hid_in_dim)
    W_proc = jax.random.normal(ks[13], (NUM_CHANNELS, NUM_CHANNELS), dtype=jnp.float32) / np.sqrt(NUM_CHANNELS)
    W_dec = jax.random.normal(ks[14], (NUM_CHANNELS, NUM_CHANNELS), dtype=jnp.float32) / np.sqrt(NUM_CHANNELS)
    W_out = jax.random.normal(ks[15], (NUM_CHANNELS, VARS), dtype=jnp.float32) / np.sqrt(NUM_CHANNELS)
    return {"x": x, "latlons_data": latlons_data, "latlons_hidden": latlons_hidden,
            "trainable_data": trainable_data, "trainable_hidden": trainable_hidden,
            "W_src_enc": W_src_enc, "W_dst_enc": W_dst_enc, "W_proc": W_proc,
            "W_dec": W_dec, "W_out": W_out,
            "edge_index_enc": edge_index_enc, "edge_index_proc": edge_index_proc,
            "edge_index_dec": edge_index_dec}


def reference(x, latlons_data, latlons_hidden, trainable_data, trainable_hidden,
              W_src_enc, W_dst_enc, W_proc, W_dec, W_out,
              edge_index_enc, edge_index_proc, edge_index_dec):
    b, t, e, g, v = x.shape
    # einops: 'batch time ensemble grid vars -> (batch ensemble grid) (time vars)'
    x_flat = jnp.transpose(x, (0, 2, 3, 1, 4)).reshape(b * e * g, t * v)
    # TrainableTensor: sin/cos latlon buffer concat with trainable node embedding
    sc_d = jnp.concatenate([jnp.sin(latlons_data), jnp.cos(latlons_data)], axis=-1)
    node_attr_d = jnp.concatenate([sc_d, trainable_data], axis=-1)
    x_data_latent = jnp.concatenate([x_flat, jnp.tile(node_attr_d, (b * e, 1))], axis=-1)
    sc_h = jnp.concatenate([jnp.sin(latlons_hidden), jnp.cos(latlons_hidden)], axis=-1)
    x_hidden_latent = jnp.tile(jnp.concatenate([sc_h, trainable_hidden], axis=-1), (b * e, 1))
    # encoder mapper: data -> hidden message passing (gather src, scatter-add to dst)
    src_emb = x_data_latent @ W_src_enc
    dst_emb = x_hidden_latent @ W_dst_enc
    agg_enc = jax.ops.segment_sum(src_emb[edge_index_enc[0]], edge_index_enc[1], num_segments=NH)
    x_latent = jax.nn.relu(dst_emb + agg_enc)
    x_data_lat = jax.nn.relu(src_emb)
    # processor: hidden -> hidden message passing with residual
    msg = x_latent @ W_proc
    agg_p = jax.ops.segment_sum(msg[edge_index_proc[0]], edge_index_proc[1], num_segments=NH)
    h = x_latent + jax.nn.relu(agg_p)
    x_latent_proc = h + x_latent  # skip connection as in forward()
    # decoder mapper: hidden -> data
    dmsg = x_latent_proc @ W_dec
    agg_d = jax.ops.segment_sum(dmsg[edge_index_dec[0]], edge_index_dec[1], num_segments=ND)
    x_dec = jax.nn.relu(agg_d + x_data_lat)
    out = x_dec @ W_out
    # rearrange '(batch ensemble grid) vars -> batch ensemble grid vars' + prognostic residual
    x_out = out.reshape(b, e, g, v) + x[:, -1]
    return x_out

if __name__ == "__main__":
    import jax
    _d = setup_inputs()
    print(jax.jit(kernel)(*tuple(_d.values())))

</pallas_src>

<mosaic_0001>
#map = affine_map<(d0, d1) -> (0, 0, 0)>
#map1 = affine_map<(d0, d1) -> (0)>
#map2 = affine_map<(d0, d1) -> (0, 0)>
module attributes {stable_mosaic.version = 14 : i64} {
  func.func @body(%arg0: i32, %arg1: i32, %arg2: memref<2x50000x64xf32, #tpu.memory_space<hbm>>, %arg3: memref<606208xi32, #tpu.memory_space<hbm>>, %arg4: memref<606208xi32, #tpu.memory_space<hbm>>, %arg5: memref<128x64xf32, #tpu.memory_space<hbm>>, %arg6: memref<2x10112x64xf32, #tpu.memory_space<hbm>>, %arg7: memref<10112x64xf32, #tpu.memory_space<vmem_shared>>, %arg8: memref<128x64xf32, #tpu.memory_space<vmem>>, %arg9: memref<1024xi32, #tpu.memory_space<vmem>>, %arg10: memref<1024xi32, #tpu.memory_space<vmem>>, %arg11: memref<128x64xf32, #tpu.memory_space<vmem>>, %arg12: memref<128x64xf32, #tpu.memory_space<vmem>>, %arg13: memref<128x64xf32, #tpu.memory_space<vmem>>, %arg14: memref<128x64xf32, #tpu.memory_space<vmem>>, %arg15: memref<128x64xf32, #tpu.memory_space<vmem>>, %arg16: memref<128x64xf32, #tpu.memory_space<vmem>>, %arg17: memref<128x64xf32, #tpu.memory_space<vmem>>, %arg18: memref<128x64xf32, #tpu.memory_space<vmem>>, %arg19: memref<!tpu.dma_semaphore, #tpu.memory_space<semaphore_mem>>, %arg20: memref<!tpu.dma_semaphore, #tpu.memory_space<semaphore_mem>>, %arg21: memref<!tpu.dma_semaphore, #tpu.memory_space<semaphore_mem>>) attributes {dimension_semantics = [#tpu.dimension_semantics<core_parallel>, #tpu.dimension_semantics<subcore_parallel>], iteration_bounds = array<i64: 2, 16>, scalar_prefetch = 0 : i64, scratch_operands = 15 : i64, tpu.core_type = #tpu.core_type<sc_vector_subcore>, window_params = [{transform_indices = #map}, {transform_indices = #map1}, {transform_indices = #map1}, {transform_indices = #map2}, {transform_indices = #map}]} {
    "tpu.region"() ({
      %run_scoped3A = tpu.sem_alloc : memref<!tpu.dma_semaphore, #tpu.memory_space<semaphore_mem>>
      tpu.enqueue_dma source(%arg5 : memref<128x64xf32, #tpu.memory_space<hbm>>) target(%arg8 : memref<128x64xf32, #tpu.memory_space<vmem>>) target_semaphore(%run_scoped3A : memref<!tpu.dma_semaphore, #tpu.memory_space<semaphore_mem>>)
      tpu.wait_dma2 semaphore(%run_scoped3A : memref<!tpu.dma_semaphore, #tpu.memory_space<semaphore_mem>>) src(%arg5 : memref<128x64xf32, #tpu.memory_space<hbm>>) dst(%arg8 : memref<128x64xf32, #tpu.memory_space<vmem>>)
      tpu.yield
    }) : () -> ()
    %mul3A = arith.constant 632 : i32
    %mul3A_0 = arith.muli %arg1, %mul3A : i32
    %add3A = arith.constant 0 : i32
    %add3A_1 = arith.addi %mul3A_0, %add3A : i32
    "tpu.region"() ({
      %run_scoped3A = tpu.sem_alloc : memref<!tpu.dma_semaphore, #tpu.memory_space<semaphore_mem>>
      %dma_start3A_266 = arith.constant 0 : i32
      %dma_start3A_267 = arith.constant 0 : i32
      %dma_start3A_268 = tpu.memref_slice %arg8[%dma_start3A_266, %dma_start3A_267] : memref<128x64xf32, #tpu.memory_space<vmem>> -> memref<128x64xf32, #tpu.memory_space<vmem>>
      %dma_start3A_269 = arith.constant 0 : i32
      %dma_start3A_270 = tpu.memref_slice %arg7[%add3A_1, %dma_start3A_269] : memref<10112x64xf32, #tpu.memory_space<vmem_shared>> -> memref<128x64xf32, #tpu.memory_space<vmem_shared>>
      %dma_start3A_271 = arith.constant 0 : i32
      %dma_start3A_272 = tpu.memref_slice %arg7[%add3A_1, %dma_start3A_271] : memref<10112x64xf32, #tpu.memory_space<vmem_shared>> -> memref<128x64xf32, #tpu.memory_space<vmem_shared>>
      %dma_start3A_273 = arith.constant 0 : i32
      %dma_start3A_274 = arith.constant 0 : i32
      %dma_start3A_275 = tpu.memref_slice %arg8[%dma_start3A_273, %dma_start3A_274] : memref<128x64xf32, #tpu.memory_space<vmem>> -> memref<128x64xf32, #tpu.memory_space<vmem>>
      tpu.enqueue_dma source(%dma_start3A_275 : memref<128x64xf32, #tpu.memory_space<vmem>>) target(%dma_start3A_272 : memref<128x64xf32, #tpu.memory_space<vmem_shared>>) target_semaphore(%run_scoped3A : memref<!tpu.dma_semaphore, #tpu.memory_space<semaphore_mem>>)
      %dma_wait3A_276 = arith.constant 0 : i32
      %dma_wait3A_277 = arith.constant 0 : i32
      %dma_wait3A_278 = tpu.memref_slice %arg8[%dma_wait3A_276, %dma_wait3A_277] : memref<128x64xf32, #tpu.memory_space<vmem>> -> memref<128x64xf32, #tpu.memory_space<vmem>>
      %dma_wait3A_279 = arith.constant 0 : i32
      %dma_wait3A_280 = tpu.memref_slice %arg7[%add3A_1, %dma_wait3A_279] : memref<10112x64xf32, #tpu.memory_space<vmem_shared>> -> memref<128x64xf32, #tpu.memory_space<vmem_shared>>
      %dma_wait3A_281 = arith.constant 0 : i32
      %dma_wait3A_282 = tpu.memref_slice %arg7[%add3A_1, %dma_wait3A_281] : memref<10112x64xf32, #tpu.memory_space<vmem_shared>> -> memref<128x64xf32, #tpu.memory_space<vmem_shared>>
      %dma_wait3A_283 = arith.constant 0 : i32
      %dma_wait3A_284 = arith.constant 0 : i32
      %dma_wait3A_285 = tpu.memref_slice %arg8[%dma_wait3A_283, %dma_wait3A_284] : memref<128x64xf32, #tpu.memory_space<vmem>> -> memref<128x64xf32, #tpu.memory_space<vmem>>
      tpu.wait_dma2 semaphore(%run_scoped3A : memref<!tpu.dma_semaphore, #tpu.memory_space<semaphore_mem>>) src(%dma_wait3A_285 : memref<128x64xf32, #tpu.memory_space<vmem>>) dst(%dma_wait3A_282 : memref<128x64xf32, #tpu.memory_space<vmem_shared>>)
      tpu.yield
    }) : () -> ()
    %mul3A_2 = arith.constant 632 : i32
    %mul3A_3 = arith.muli %arg1, %mul3A_2 : i32
    %add3A_4 = arith.constant 128 : i32
    %add3A_5 = arith.addi %mul3A_3, %add3A_4 : i32
    "tpu.region"() ({
      %run_scoped3A = tpu.sem_alloc : memref<!tpu.dma_semaphore, #tpu.memory_space<semaphore_mem>>
      %dma_start3A_266 = arith.constant 0 : i32
      %dma_start3A_267 = arith.constant 0 : i32
      %dma_start3A_268 = tpu.memref_slice %arg8[%dma_start3A_266, %dma_start3A_267] : memref<128x64xf32, #tpu.memory_space<vmem>> -> memref<128x64xf32, #tpu.memory_space<vmem>>
      %dma_start3A_269 = arith.constant 0 : i32
      %dma_start3A_270 = tpu.memref_slice %arg7[%add3A_5, %dma_start3A_269] : memref<10112x64xf32, #tpu.memory_space<vmem_shared>> -> memref<128x64xf32, #tpu.memory_space<vmem_shared>>
      %dma_start3A_271 = arith.constant 0 : i32
      %dma_start3A_272 = tpu.memref_slice %arg7[%add3A_5, %dma_start3A_271] : memref<10112x64xf32, #tpu.memory_space<vmem_shared>> -> memref<128x64xf32, #tpu.memory_space<vmem_shared>>
      %dma_start3A_273 = arith.constant 0 : i32
      %dma_start3A_274 = arith.constant 0 : i32
      %dma_start3A_275 = tpu.memref_slice %arg8[%dma_start3A_273, %dma_start3A_274] : memref<128x64xf32, #tpu.memory_space<vmem>> -> memref<128x64xf32, #tpu.memory_space<vmem>>
      tpu.enqueue_dma source(%dma_start3A_275 : memref<128x64xf32, #tpu.memory_space<vmem>>) target(%dma_start3A_272 : memref<128x64xf32, #tpu.memory_space<vmem_shared>>) target_semaphore(%run_scoped3A : memref<!tpu.dma_semaphore, #tpu.memory_space<semaphore_mem>>)
      %dma_wait3A_276 = arith.constant 0 : i32
      %dma_wait3A_277 = arith.constant 0 : i32
      %dma_wait3A_278 = tpu.memref_slice %arg8[%dma_wait3A_276, %dma_wait3A_277] : memref<128x64xf32, #tpu.memory_space<vmem>> -> memref<128x64xf32, #tpu.memory_space<vmem>>
      %dma_wait3A_279 = arith.constant 0 : i32
      %dma_wait3A_280 = tpu.memref_slice %arg7[%add3A_5, %dma_wait3A_279] : memref<10112x64xf32, #tpu.memory_space<vmem_shared>> -> memref<128x64xf32, #tpu.memory_space<vmem_shared>>
      %dma_wait3A_281 = arith.constant 0 : i32
      %dma_wait3A_282 = tpu.memref_slice %arg7[%add3A_5, %dma_wait3A_281] : memref<10112x64xf32, #tpu.memory_space<vmem_shared>> -> memref<128x64xf32, #tpu.memory_space<vmem_shared>>
      %dma_wait3A_283 = arith.constant 0 : i32
      %dma_wait3A_284 = arith.constant 0 : i32
      %dma_wait3A_285 = tpu.memref_slice %arg8[%dma_wait3A_283, %dma_wait3A_284] : memref<128x64xf32, #tpu.memory_space<vmem>> -> memref<128x64xf32, #tpu.memory_space<vmem>>
      tpu.wait_dma2 semaphore(%run_scoped3A : memref<!tpu.dma_semaphore, #tpu.memory_space<semaphore_mem>>) src(%dma_wait3A_285 : memref<128x64xf32, #tpu.memory_space<vmem>>) dst(%dma_wait3A_282 : memref<128x64xf32, #tpu.memory_space<vmem_shared>>)
      tpu.yield
    }) : () -> ()
    %mul3A_6 = arith.constant 632 : i32
    %mul3A_7 = arith.muli %arg1, %mul3A_6 : i32
    %add3A_8 = arith.constant 256 : i32
    %add3A_9 = arith.addi %mul3A_7, %add3A_8 : i32
    "tpu.region"() ({
      %run_scoped3A = tpu.sem_alloc : memref<!tpu.dma_semaphore, #tpu.memory_space<semaphore_mem>>
      %dma_start3A_266 = arith.constant 0 : i32
      %dma_start3A_267 = arith.constant 0 : i32
      %dma_start3A_268 = tpu.memref_slice %arg8[%dma_start3A_266, %dma_start3A_267] : memref<128x64xf32, #tpu.memory_space<vmem>> -> memref<128x64xf32, #tpu.memory_space<vmem>>
      %dma_start3A_269 = arith.constant 0 : i32
      %dma_start3A_270 = tpu.memref_slice %arg7[%add3A_9, %dma_start3A_269] : memref<10112x64xf32, #tpu.memory_space<vmem_shared>> -> memref<128x64xf32, #tpu.memory_space<vmem_shared>>
      %dma_start3A_271 = arith.constant 0 : i32
      %dma_start3A_272 = tpu.memref_slice %arg7[%add3A_9, %dma_start3A_271] : memref<10112x64xf32, #tpu.memory_space<vmem_shared>> -> memref<128x64xf32, #tpu.memory_space<vmem_shared>>
      %dma_start3A_273 = arith.constant 0 : i32
      %dma_start3A_274 = arith.constant 0 : i32
      %dma_start3A_275 = tpu.memref_slice %arg8[%dma_start3A_273, %dma_start3A_274] : memref<128x64xf32, #tpu.memory_space<vmem>> -> memref<128x64xf32, #tpu.memory_space<vmem>>
      tpu.enqueue_dma source(%dma_start3A_275 : memref<128x64xf32, #tpu.memory_space<vmem>>) target(%dma_start3A_272 : memref<128x64xf32, #tpu.memory_space<vmem_shared>>) target_semaphore(%run_scoped3A : memref<!tpu.dma_semaphore, #tpu.memory_space<semaphore_mem>>)
      %dma_wait3A_276 = arith.constant 0 : i32
      %dma_wait3A_277 = arith.constant 0 : i32
      %dma_wait3A_278 = tpu.memref_slice %arg8[%dma_wait3A_276, %dma_wait3A_277] : memref<128x64xf32, #tpu.memory_space<vmem>> -> memref<128x64xf32, #tpu.memory_space<vmem>>
      %dma_wait3A_279 = arith.constant 0 : i32
      %dma_wait3A_280 = tpu.memref_slice %arg7[%add3A_9, %dma_wait3A_279] : memref<10112x64xf32, #tpu.memory_space<vmem_shared>> -> memref<128x64xf32, #tpu.memory_space<vmem_shared>>
      %dma_wait3A_281 = arith.constant 0 : i32
      %dma_wait3A_282 = tpu.memref_slice %arg7[%add3A_9, %dma_wait3A_281] : memref<10112x64xf32, #tpu.memory_space<vmem_shared>> -> memref<128x64xf32, #tpu.memory_space<vmem_shared>>
      %dma_wait3A_283 = arith.constant 0 : i32
      %dma_wait3A_284 = arith.constant 0 : i32
      %dma_wait3A_285 = tpu.memref_slice %arg8[%dma_wait3A_283, %dma_wait3A_284] : memref<128x64xf32, #tpu.memory_space<vmem>> -> memref<128x64xf32, #tpu.memory_space<vmem>>
      tpu.wait_dma2 semaphore(%run_scoped3A : memref<!tpu.dma_semaphore, #tpu.memory_space<semaphore_mem>>) src(%dma_wait3A_285 : memref<128x64xf32, #tpu.memory_space<vmem>>) dst(%dma_wait3A_282 : memref<128x64xf32, #tpu.memory_space<vmem_shared>>)
      tpu.yield
    }) : () -> ()
    %mul3A_10 = arith.constant 632 : i32
    %mul3A_11 = arith.muli %arg1, %mul3A_10 : i32
    %add3A_12 = arith.constant 384 : i32
    %add3A_13 = arith.addi %mul3A_11, %add3A_12 : i32
    "tpu.region"() ({
      %run_scoped3A = tpu.sem_alloc : memref<!tpu.dma_semaphore, #tpu.memory_space<semaphore_mem>>
      %dma_start3A_266 = arith.constant 0 : i32
      %dma_start3A_267 = arith.constant 0 : i32
      %dma_start3A_268 = tpu.memref_slice %arg8[%dma_start3A_266, %dma_start3A_267] : memref<128x64xf32, #tpu.memory_space<vmem>> -> memref<128x64xf32, #tpu.memory_space<vmem>>
      %dma_start3A_269 = arith.constant 0 : i32
      %dma_start3A_270 = tpu.memref_slice %arg7[%add3A_13, %dma_start3A_269] : memref<10112x64xf32, #tpu.memory_space<vmem_shared>> -> memref<128x64xf32, #tpu.memory_space<vmem_shared>>
      %dma_start3A_271 = arith.constant 0 : i32
      %dma_start3A_272 = tpu.memref_slice %arg7[%add3A_13, %dma_start3A_271] : memref<10112x64xf32, #tpu.memory_space<vmem_shared>> -> memref<128x64xf32, #tpu.memory_space<vmem_shared>>
      %dma_start3A_273 = arith.constant 0 : i32
      %dma_start3A_274 = arith.constant 0 : i32
      %dma_start3A_275 = tpu.memref_slice %arg8[%dma_start3A_273, %dma_start3A_274] : memref<128x64xf32, #tpu.memory_space<vmem>> -> memref<128x64xf32, #tpu.memory_space<vmem>>
      tpu.enqueue_dma source(%dma_start3A_275 : memref<128x64xf32, #tpu.memory_space<vmem>>) target(%dma_start3A_272 : memref<128x64xf32, #tpu.memory_space<vmem_shared>>) target_semaphore(%run_scoped3A : memref<!tpu.dma_semaphore, #tpu.memory_space<semaphore_mem>>)
      %dma_wait3A_276 = arith.constant 0 : i32
      %dma_wait3A_277 = arith.constant 0 : i32
      %dma_wait3A_278 = tpu.memref_slice %arg8[%dma_wait3A_276, %dma_wait3A_277] : memref<128x64xf32, #tpu.memory_space<vmem>> -> memref<128x64xf32, #tpu.memory_space<vmem>>
      %dma_wait3A_279 = arith.constant 0 : i32
      %dma_wait3A_280 = tpu.memref_slice %arg7[%add3A_13, %dma_wait3A_279] : memref<10112x64xf32, #tpu.memory_space<vmem_shared>> -> memref<128x64xf32, #tpu.memory_space<vmem_shared>>
      %dma_wait3A_281 = arith.constant 0 : i32
      %dma_wait3A_282 = tpu.memref_slice %arg7[%add3A_13, %dma_wait3A_281] : memref<10112x64xf32, #tpu.memory_space<vmem_shared>> -> memref<128x64xf32, #tpu.memory_space<vmem_shared>>
      %dma_wait3A_283 = arith.constant 0 : i32
      %dma_wait3A_284 = arith.constant 0 : i32
      %dma_wait3A_285 = tpu.memref_slice %arg8[%dma_wait3A_283, %dma_wait3A_284] : memref<128x64xf32, #tpu.memory_space<vmem>> -> memref<128x64xf32, #tpu.memory_space<vmem>>
      tpu.wait_dma2 semaphore(%run_scoped3A : memref<!tpu.dma_semaphore, #tpu.memory_space<semaphore_mem>>) src(%dma_wait3A_285 : memref<128x64xf32, #tpu.memory_space<vmem>>) dst(%dma_wait3A_282 : memref<128x64xf32, #tpu.memory_space<vmem_shared>>)
      tpu.yield
    }) : () -> ()
    %mul3A_14 = arith.constant 632 : i32
    %mul3A_15 = arith.muli %arg1, %mul3A_14 : i32
    %add3A_16 = arith.constant 512 : i32
    %add3A_17 = arith.addi %mul3A_15, %add3A_16 : i32
    "tpu.region"() ({
      %run_scoped3A = tpu.sem_alloc : memref<!tpu.dma_semaphore, #tpu.memory_space<semaphore_mem>>
      %dma_start3A_266 = arith.constant 0 : i32
      %dma_start3A_267 = arith.constant 0 : i32
      %dma_start3A_268 = tpu.memref_slice %arg8[%dma_start3A_266, %dma_start3A_267] : memref<128x64xf32, #tpu.memory_space<vmem>> -> memref<120x64xf32, #tpu.memory_space<vmem>>
      %dma_start3A_269 = arith.constant 0 : i32
      %dma_start3A_270 = tpu.memref_slice %arg7[%add3A_17, %dma_start3A_269] : memref<10112x64xf32, #tpu.memory_space<vmem_shared>> -> memref<120x64xf32, #tpu.memory_space<vmem_shared>>
      %dma_start3A_271 = arith.constant 0 : i32
      %dma_start3A_272 = tpu.memref_slice %arg7[%add3A_17, %dma_start3A_271] : memref<10112x64xf32, #tpu.memory_space<vmem_shared>> -> memref<120x64xf32, #tpu.memory_space<vmem_shared>>
      %dma_start3A_273 = arith.constant 0 : i32
      %dma_start3A_274 = arith.constant 0 : i32
      %dma_start3A_275 = tpu.memref_slice %arg8[%dma_start3A_273, %dma_start3A_274] : memref<128x64xf32, #tpu.memory_space<vmem>> -> memref<120x64xf32, #tpu.memory_space<vmem>>
      tpu.enqueue_dma source(%dma_start3A_275 : memref<120x64xf32, #tpu.memory_space<vmem>>) target(%dma_start3A_272 : memref<120x64xf32, #tpu.memory_space<vmem_shared>>) target_semaphore(%run_scoped3A : memref<!tpu.dma_semaphore, #tpu.memory_space<semaphore_mem>>)
      %dma_wait3A_276 = arith.constant 0 : i32
      %dma_wait3A_277 = arith.constant 0 : i32
      %dma_wait3A_278 = tpu.memref_slice %arg8[%dma_wait3A_276, %dma_wait3A_277] : memref<128x64xf32, #tpu.memory_space<vmem>> -> memref<120x64xf32, #tpu.memory_space<vmem>>
      %dma_wait3A_279 = arith.constant 0 : i32
      %dma_wait3A_280 = tpu.memref_slice %arg7[%add3A_17, %dma_wait3A_279] : memref<10112x64xf32, #tpu.memory_space<vmem_shared>> -> memref<120x64xf32, #tpu.memory_space<vmem_shared>>
      %dma_wait3A_281 = arith.constant 0 : i32
      %dma_wait3A_282 = tpu.memref_slice %arg7[%add3A_17, %dma_wait3A_281] : memref<10112x64xf32, #tpu.memory_space<vmem_shared>> -> memref<120x64xf32, #tpu.memory_space<vmem_shared>>
      %dma_wait3A_283 = arith.constant 0 : i32
      %dma_wait3A_284 = arith.constant 0 : i32
      %dma_wait3A_285 = tpu.memref_slice %arg8[%dma_wait3A_283, %dma_wait3A_284] : memref<128x64xf32, #tpu.memory_space<vmem>> -> memref<120x64xf32, #tpu.memory_space<vmem>>
      tpu.wait_dma2 semaphore(%run_scoped3A : memref<!tpu.dma_semaphore, #tpu.memory_space<semaphore_mem>>) src(%dma_wait3A_285 : memref<120x64xf32, #tpu.memory_space<vmem>>) dst(%dma_wait3A_282 : memref<120x64xf32, #tpu.memory_space<vmem_shared>>)
      tpu.yield
    }) : () -> ()
    %barrier3A = arith.constant 0 : index
    tpu.barrier barrier_id(%barrier3A)
    %mul3A_18 = arith.constant 37888 : i32
    %mul3A_19 = arith.muli %arg1, %mul3A_18 : i32
    %scan3A = arith.constant 0 : i32
    %scan3A_20 = arith.constant 0 : i32
    %scan3A_21 = arith.constant 37 : i32
    %scan3A_22 = arith.addi %scan3A_20, %scan3A_21 : i32
    %scan3A_23 = arith.constant 1 : i32
    scf.for %scan3A_266 = %scan3A_20 to %scan3A_22 step %scan3A_23  : i32 {
      %mul3A_267 = arith.constant 1024 : i32
      %mul3A_268 = arith.muli %scan3A_266, %mul3A_267 : i32
      %add3A_269 = arith.addi %mul3A_19, %mul3A_268 : i32
      %dma_start3A_270 = tpu.memref_slice %arg3[%add3A_269] : memref<606208xi32, #tpu.memory_space<hbm>> -> memref<1024xi32, #tpu.memory_space<hbm>>
      %dma_start3A_271 = tpu.memref_slice %arg3[%add3A_269] : memref<606208xi32, #tpu.memory_space<hbm>> -> memref<1024xi32, #tpu.memory_space<hbm>>
      tpu.enqueue_dma source(%dma_start3A_271 : memref<1024xi32, #tpu.memory_space<hbm>>) target(%arg9 : memref<1024xi32, #tpu.memory_space<vmem>>) target_semaphore(%arg19 : memref<!tpu.dma_semaphore, #tpu.memory_space<semaphore_mem>>)
      %dma_start3A_272 = tpu.memref_slice %arg4[%add3A_269] : memref<606208xi32, #tpu.memory_space<hbm>> -> memref<1024xi32, #tpu.memory_space<hbm>>
      %dma_start3A_273 = tpu.memref_slice %arg4[%add3A_269] : memref<606208xi32, #tpu.memory_space<hbm>> -> memref<1024xi32, #tpu.memory_space<hbm>>
      tpu.enqueue_dma source(%dma_start3A_273 : memref<1024xi32, #tpu.memory_space<hbm>>) target(%arg10 : memref<1024xi32, #tpu.memory_space<vmem>>) target_semaphore(%arg19 : memref<!tpu.dma_semaphore, #tpu.memory_space<semaphore_mem>>)
      %dma_wait3A_274 = tpu.memref_slice %arg3[%add3A_269] : memref<606208xi32, #tpu.memory_space<hbm>> -> memref<1024xi32, #tpu.memory_space<hbm>>
      %dma_wait3A_275 = tpu.memref_slice %arg3[%add3A_269] : memref<606208xi32, #tpu.memory_space<hbm>> -> memref<1024xi32, #tpu.memory_space<hbm>>
      tpu.wait_dma2 semaphore(%arg19 : memref<!tpu.dma_semaphore, #tpu.memory_space<semaphore_mem>>) src(%dma_wait3A_275 : memref<1024xi32, #tpu.memory_space<hbm>>) dst(%arg9 : memref<1024xi32, #tpu.memory_space<vmem>>)
      %dma_wait3A_276 = tpu.memref_slice %arg4[%add3A_269] : memref<606208xi32, #tpu.memory_space<hbm>> -> memref<1024xi32, #tpu.memory_space<hbm>>
      %dma_wait3A_277 = tpu.memref_slice %arg4[%add3A_269] : memref<606208xi32, #tpu.memory_space<hbm>> -> memref<1024xi32, #tpu.memory_space<hbm>>
      tpu.wait_dma2 semaphore(%arg19 : memref<!tpu.dma_semaphore, #tpu.memory_space<semaphore_mem>>) src(%dma_wait3A_277 : memref<1024xi32, #tpu.memory_space<hbm>>) dst(%arg10 : memref<1024xi32, #tpu.memory_space<vmem>>)
      %dma_start3A_278 = arith.constant 0 : i32
      %dma_start3A_279 = tpu.memref_slice %arg9[%dma_start3A_278] : memref<1024xi32, #tpu.memory_space<vmem>> -> memref<128xi32, #tpu.memory_space<vmem>>
      %dma_start3A_280 = arith.constant 0 : i32
      %dma_start3A_281 = arith.constant 0 : i32
      %dma_start3A_282 = tpu.memref_slice %arg2[%arg0, %dma_start3A_280, %dma_start3A_281] : memref<2x50000x64xf32, #tpu.memory_space<hbm>> -> memref<1x50000x64xf32, #tpu.memory_space<hbm>>
      %dma_start3A_283 = tpu.memref_squeeze %dma_start3A_282 : memref<1x50000x64xf32, #tpu.memory_space<hbm>> -> memref<50000x64xf32, #tpu.memory_space<hbm>>
      %dma_start3A_284 = arith.constant 0 : i32
      %dma_start3A_285 = arith.constant 0 : i32
      %dma_start3A_286 = tpu.memref_slice %dma_start3A_283[%dma_start3A_284, %dma_start3A_285] : memref<50000x64xf32, #tpu.memory_space<hbm>> -> memref<50000x64xf32, #tpu.memory_space<hbm>>
      tpu.enqueue_indirect_dma source(%dma_start3A_286 : memref<50000x64xf32, #tpu.memory_space<hbm>>) target(%arg11 : memref<128x64xf32, #tpu.memory_space<vmem>>) offsets(%dma_start3A_279 : memref<128xi32, #tpu.memory_space<vmem>>) semaphore(%arg20 : memref<!tpu.dma_semaphore, #tpu.memory_space<semaphore_mem>>)
      %dma_start3A_287 = arith.constant 128 : i32
      %dma_start3A_288 = tpu.memref_slice %arg9[%dma_start3A_287] : memref<1024xi32, #tpu.memory_space<vmem>> -> memref<128xi32, #tpu.memory_space<vmem>>
      %dma_start3A_289 = arith.constant 0 : i32
      %dma_start3A_290 = arith.constant 0 : i32
      %dma_start3A_291 = tpu.memref_slice %arg2[%arg0, %dma_start3A_289, %dma_start3A_290] : memref<2x50000x64xf32, #tpu.memory_space<hbm>> -> memref<1x50000x64xf32, #tpu.memory_space<hbm>>
      %dma_start3A_292 = tpu.memref_squeeze %dma_start3A_291 : memref<1x50000x64xf32, #tpu.memory_space<hbm>> -> memref<50000x64xf32, #tpu.memory_space<hbm>>
      %dma_start3A_293 = arith.constant 0 : i32
      %dma_start3A_294 = arith.constant 0 : i32
      %dma_start3A_295 = tpu.memref_slice %dma_start3A_292[%dma_start3A_293, %dma_start3A_294] : memref<50000x64xf32, #tpu.memory_space<hbm>> -> memref<50000x64xf32, #tpu.memory_space<hbm>>
      tpu.enqueue_indirect_dma source(%dma_start3A_295 : memref<50000x64xf32, #tpu.memory_space<hbm>>) target(%arg12 : memref<128x64xf32, #tpu.memory_space<vmem>>) offsets(%dma_start3A_288 : memref<128xi32, #tpu.memory_space<vmem>>) semaphore(%arg20 : memref<!tpu.dma_semaphore, #tpu.memory_space<semaphore_mem>>)
      %dma_start3A_296 = arith.constant 256 : i32
      %dma_start3A_297 = tpu.memref_slice %arg9[%dma_start3A_296] : memref<1024xi32, #tpu.memory_space<vmem>> -> memref<128xi32, #tpu.memory_space<vmem>>
      %dma_start3A_298 = arith.constant 0 : i32
      %dma_start3A_299 = arith.constant 0 : i32
      %dma_start3A_300 = tpu.memref_slice %arg2[%arg0, %dma_start3A_298, %dma_start3A_299] : memref<2x50000x64xf32, #tpu.memory_space<hbm>> -> memref<1x50000x64xf32, #tpu.memory_space<hbm>>
      %dma_start3A_301 = tpu.memref_squeeze %dma_start3A_300 : memref<1x50000x64xf32, #tpu.memory_space<hbm>> -> memref<50000x64xf32, #tpu.memory_space<hbm>>
      %dma_start3A_302 = arith.constant 0 : i32
      %dma_start3A_303 = arith.constant 0 : i32
      %dma_start3A_304 = tpu.memref_slice %dma_start3A_301[%dma_start3A_302, %dma_start3A_303] : memref<50000x64xf32, #tpu.memory_space<hbm>> -> memref<50000x64xf32, #tpu.memory_space<hbm>>
      tpu.enqueue_indirect_dma source(%dma_start3A_304 : memref<50000x64xf32, #tpu.memory_space<hbm>>) target(%arg13 : memref<128x64xf32, #tpu.memory_space<vmem>>) offsets(%dma_start3A_297 : memref<128xi32, #tpu.memory_space<vmem>>) semaphore(%arg20 : memref<!tpu.dma_semaphore, #tpu.memory_space<semaphore_mem>>)
      %dma_start3A_305 = arith.constant 384 : i32
      %dma_start3A_306 = tpu.memref_slice %arg9[%dma_start3A_305] : memref<1024xi32, #tpu.memory_space<vmem>> -> memref<128xi32, #tpu.memory_space<vmem>>
      %dma_start3A_307 = arith.constant 0 : i32
      %dma_start3A_308 = arith.constant 0 : i32
      %dma_start3A_309 = tpu.memref_slice %arg2[%arg0, %dma_start3A_307, %dma_start3A_308] : memref<2x50000x64xf32, #tpu.memory_space<hbm>> -> memref<1x50000x64xf32, #tpu.memory_space<hbm>>
      %dma_start3A_310 = tpu.memref_squeeze %dma_start3A_309 : memref<1x50000x64xf32, #tpu.memory_space<hbm>> -> memref<50000x64xf32, #tpu.memory_space<hbm>>
      %dma_start3A_311 = arith.constant 0 : i32
      %dma_start3A_312 = arith.constant 0 : i32
      %dma_start3A_313 = tpu.memref_slice %dma_start3A_310[%dma_start3A_311, %dma_start3A_312] : memref<50000x64xf32, #tpu.memory_space<hbm>> -> memref<50000x64xf32, #tpu.memory_space<hbm>>
      tpu.enqueue_indirect_dma source(%dma_start3A_313 : memref<50000x64xf32, #tpu.memory_space<hbm>>) target(%arg14 : memref<128x64xf32, #tpu.memory_space<vmem>>) offsets(%dma_start3A_306 : memref<128xi32, #tpu.memory_space<vmem>>) semaphore(%arg20 : memref<!tpu.dma_semaphore, #tpu.memory_space<semaphore_mem>>)
      %dma_wait3A_314 = arith.constant 0 : i32
      %dma_wait3A_315 = tpu.memref_slice %arg9[%dma_wait3A_314] : memref<1024xi32, #tpu.memory_space<vmem>> -> memref<128xi32, #tpu.memory_space<vmem>>
      %dma_wait3A_316 = arith.constant 0 : i32
      %dma_wait3A_317 = arith.constant 0 : i32
      %dma_wait3A_318 = tpu.memref_slice %arg2[%arg0, %dma_wait3A_316, %dma_wait3A_317] : memref<2x50000x64xf32, #tpu.memory_space<hbm>> -> memref<1x50000x64xf32, #tpu.memory_space<hbm>>
      %dma_wait3A_319 = tpu.memref_squeeze %dma_wait3A_318 : memref<1x50000x64xf32, #tpu.memory_space<hbm>> -> memref<50000x64xf32, #tpu.memory_space<hbm>>
      %dma_wait3A_320 = arith.constant 0 : i32
      %dma_wait3A_321 = arith.constant 0 : i32
      %dma_wait3A_322 = tpu.memref_slice %dma_wait3A_319[%dma_wait3A_320, %dma_wait3A_321] : memref<50000x64xf32, #tpu.memory_space<hbm>> -> memref<50000x64xf32, #tpu.memory_space<hbm>>
      tpu.wait_indirect_dma semaphore(%arg20 : memref<!tpu.dma_semaphore, #tpu.memory_space<semaphore_mem>>) src(%dma_wait3A_322 : memref<50000x64xf32, #tpu.memory_space<hbm>>) dst(%arg11 : memref<128x64xf32, #tpu.memory_space<vmem>>)
      %dma_wait3A_323 = arith.constant 128 : i32
      %dma_wait3A_324 = tpu.memref_slice %arg9[%dma_wait3A_323] : memref<1024xi32, #tpu.memory_space<vmem>> -> memref<128xi32, #tpu.memory_space<vmem>>
      %dma_wait3A_325 = arith.constant 0 : i32
      %dma_wait3A_326 = arith.constant 0 : i32
      %dma_wait3A_327 = tpu.memref_slice %arg2[%arg0, %dma_wait3A_325, %dma_wait3A_326] : memref<2x50000x64xf32, #tpu.memory_space<hbm>> -> memref<1x50000x64xf32, #tpu.memory_space<hbm>>
      %dma_wait3A_328 = tpu.memref_squeeze %dma_wait3A_327 : memref<1x50000x64xf32, #tpu.memory_space<hbm>> -> memref<50000x64xf32, #tpu.memory_space<hbm>>
      %dma_wait3A_329 = arith.constant 0 : i32
      %dma_wait3A_330 = arith.constant 0 : i32
      %dma_wait3A_331 = tpu.memref_slice %dma_wait3A_328[%dma_wait3A_329, %dma_wait3A_330] : memref<50000x64xf32, #tpu.memory_space<hbm>> -> memref<50000x64xf32, #tpu.memory_space<hbm>>
      tpu.wait_indirect_dma semaphore(%arg20 : memref<!tpu.dma_semaphore, #tpu.memory_space<semaphore_mem>>) src(%dma_wait3A_331 : memref<50000x64xf32, #tpu.memory_space<hbm>>) dst(%arg12 : memref<128x64xf32, #tpu.memory_space<vmem>>)
      %dma_wait3A_332 = arith.constant 256 : i32
      %dma_wait3A_333 = tpu.memref_slice %arg9[%dma_wait3A_332] : memref<1024xi32, #tpu.memory_space<vmem>> -> memref<128xi32, #tpu.memory_space<vmem>>
      %dma_wait3A_334 = arith.constant 0 : i32
      %dma_wait3A_335 = arith.constant 0 : i32
      %dma_wait3A_336 = tpu.memref_slice %arg2[%arg0, %dma_wait3A_334, %dma_wait3A_335] : memref<2x50000x64xf32, #tpu.memory_space<hbm>> -> memref<1x50000x64xf32, #tpu.memory_space<hbm>>
      %dma_wait3A_337 = tpu.memref_squeeze %dma_wait3A_336 : memref<1x50000x64xf32, #tpu.memory_space<hbm>> -> memref<50000x64xf32, #tpu.memory_space<hbm>>
      %dma_wait3A_338 = arith.constant 0 : i32
      %dma_wait3A_339 = arith.constant 0 : i32
      %dma_wait3A_340 = tpu.memref_slice %dma_wait3A_337[%dma_wait3A_338, %dma_wait3A_339] : memref<50000x64xf32, #tpu.memory_space<hbm>> -> memref<50000x64xf32, #tpu.memory_space<hbm>>
      tpu.wait_indirect_dma semaphore(%arg20 : memref<!tpu.dma_semaphore, #tpu.memory_space<semaphore_mem>>) src(%dma_wait3A_340 : memref<50000x64xf32, #tpu.memory_space<hbm>>) dst(%arg13 : memref<128x64xf32, #tpu.memory_space<vmem>>)
      %dma_wait3A_341 = arith.constant 384 : i32
      %dma_wait3A_342 = tpu.memref_slice %arg9[%dma_wait3A_341] : memref<1024xi32, #tpu.memory_space<vmem>> -> memref<128xi32, #tpu.memory_space<vmem>>
      %dma_wait3A_343 = arith.constant 0 : i32
      %dma_wait3A_344 = arith.constant 0 : i32
      %dma_wait3A_345 = tpu.memref_slice %arg2[%arg0, %dma_wait3A_343, %dma_wait3A_344] : memref<2x50000x64xf32, #tpu.memory_space<hbm>> -> memref<1x50000x64xf32, #tpu.memory_space<hbm>>
      %dma_wait3A_346 = tpu.memref_squeeze %dma_wait3A_345 : memref<1x50000x64xf32, #tpu.memory_space<hbm>> -> memref<50000x64xf32, #tpu.memory_space<hbm>>
      %dma_wait3A_347 = arith.constant 0 : i32
      %dma_wait3A_348 = arith.constant 0 : i32
      %dma_wait3A_349 = tpu.memref_slice %dma_wait3A_346[%dma_wait3A_347, %dma_wait3A_348] : memref<50000x64xf32, #tpu.memory_space<hbm>> -> memref<50000x64xf32, #tpu.memory_space<hbm>>
      tpu.wait_indirect_dma semaphore(%arg20 : memref<!tpu.dma_semaphore, #tpu.memory_space<semaphore_mem>>) src(%dma_wait3A_349 : memref<50000x64xf32, #tpu.memory_space<hbm>>) dst(%arg14 : memref<128x64xf32, #tpu.memory_space<vmem>>)
      %dma_start3A_350 = arith.constant 0 : i32
      %dma_start3A_351 = tpu.memref_slice %arg10[%dma_start3A_350] : memref<1024xi32, #tpu.memory_space<vmem>> -> memref<128xi32, #tpu.memory_space<vmem>>
      %dma_start3A_352 = arith.constant 0 : i32
      %dma_start3A_353 = arith.constant 0 : i32
      %dma_start3A_354 = tpu.memref_slice %arg7[%dma_start3A_352, %dma_start3A_353] : memref<10112x64xf32, #tpu.memory_space<vmem_shared>> -> memref<10112x64xf32, #tpu.memory_space<vmem_shared>>
      tpu.enqueue_indirect_dma source(%arg11 : memref<128x64xf32, #tpu.memory_space<vmem>>) target(%dma_start3A_354 : memref<10112x64xf32, #tpu.memory_space<vmem_shared>>) offsets(%dma_start3A_351 : memref<128xi32, #tpu.memory_space<vmem>>) semaphore(%arg21 : memref<!tpu.dma_semaphore, #tpu.memory_space<semaphore_mem>>) {add = true}
      %dma_start3A_355 = arith.constant 128 : i32
      %dma_start3A_356 = tpu.memref_slice %arg10[%dma_start3A_355] : memref<1024xi32, #tpu.memory_space<vmem>> -> memref<128xi32, #tpu.memory_space<vmem>>
      %dma_start3A_357 = arith.constant 0 : i32
      %dma_start3A_358 = arith.constant 0 : i32
      %dma_start3A_359 = tpu.memref_slice %arg7[%dma_start3A_357, %dma_start3A_358] : memref<10112x64xf32, #tpu.memory_space<vmem_shared>> -> memref<10112x64xf32, #tpu.memory_space<vmem_shared>>
      tpu.enqueue_indirect_dma source(%arg12 : memref<128x64xf32, #tpu.memory_space<vmem>>) target(%dma_start3A_359 : memref<10112x64xf32, #tpu.memory_space<vmem_shared>>) offsets(%dma_start3A_356 : memref<128xi32, #tpu.memory_space<vmem>>) semaphore(%arg21 : memref<!tpu.dma_semaphore, #tpu.memory_space<semaphore_mem>>) {add = true}
      %dma_start3A_360 = arith.constant 256 : i32
      %dma_start3A_361 = tpu.memref_slice %arg10[%dma_start3A_360] : memref<1024xi32, #tpu.memory_space<vmem>> -> memref<128xi32, #tpu.memory_space<vmem>>
      %dma_start3A_362 = arith.constant 0 : i32
      %dma_start3A_363 = arith.constant 0 : i32
      %dma_start3A_364 = tpu.memref_slice %arg7[%dma_start3A_362, %dma_start3A_363] : memref<10112x64xf32, #tpu.memory_space<vmem_shared>> -> memref<10112x64xf32, #tpu.memory_space<vmem_shared>>
      tpu.enqueue_indirect_dma source(%arg13 : memref<128x64xf32, #tpu.memory_space<vmem>>) target(%dma_start3A_364 : memref<10112x64xf32, #tpu.memory_space<vmem_shared>>) offsets(%dma_start3A_361 : memref<128xi32, #tpu.memory_space<vmem>>) semaphore(%arg21 : memref<!tpu.dma_semaphore, #tpu.memory_space<semaphore_mem>>) {add = true}
      %dma_start3A_365 = arith.constant 384 : i32
      %dma_start3A_366 = tpu.memref_slice %arg10[%dma_start3A_365] : memref<1024xi32, #tpu.memory_space<vmem>> -> memref<128xi32, #tpu.memory_space<vmem>>
      %dma_start3A_367 = arith.constant 0 : i32
      %dma_start3A_368 = arith.constant 0 : i32
      %dma_start3A_369 = tpu.memref_slice %arg7[%dma_start3A_367, %dma_start3A_368] : memref<10112x64xf32, #tpu.memory_space<vmem_shared>> -> memref<10112x64xf32, #tpu.memory_space<vmem_shared>>
      tpu.enqueue_indirect_dma source(%arg14 : memref<128x64xf32, #tpu.memory_space<vmem>>) target(%dma_start3A_369 : memref<10112x64xf32, #tpu.memory_space<vmem_shared>>) offsets(%dma_start3A_366 : memref<128xi32, #tpu.memory_space<vmem>>) semaphore(%arg21 : memref<!tpu.dma_semaphore, #tpu.memory_space<semaphore_mem>>) {add = true}
      %dma_start3A_370 = arith.constant 512 : i32
      %dma_start3A_371 = tpu.memref_slice %arg9[%dma_start3A_370] : memref<1024xi32, #tpu.memory_space<vmem>> -> memref<128xi32, #tpu.memory_space<vmem>>
      %dma_start3A_372 = arith.constant 0 : i32
      %dma_start3A_373 = arith.constant 0 : i32
      %dma_start3A_374 = tpu.memref_slice %arg2[%arg0, %dma_start3A_372, %dma_start3A_373] : memref<2x50000x64xf32, #tpu.memory_space<hbm>> -> memref<1x50000x64xf32, #tpu.memory_space<hbm>>
      %dma_start3A_375 = tpu.memref_squeeze %dma_start3A_374 : memref<1x50000x64xf32, #tpu.memory_space<hbm>> -> memref<50000x64xf32, #tpu.memory_space<hbm>>
      %dma_start3A_376 = arith.constant 0 : i32
      %dma_start3A_377 = arith.constant 0 : i32
      %dma_start3A_378 = tpu.memref_slice %dma_start3A_375[%dma_start3A_376, %dma_start3A_377] : memref<50000x64xf32, #tpu.memory_space<hbm>> -> memref<50000x64xf32, #tpu.memory_space<hbm>>
      tpu.enqueue_indirect_dma source(%dma_start3A_378 : memref<50000x64xf32, #tpu.memory_space<hbm>>) target(%arg15 : memref<128x64xf32, #tpu.memory_space<vmem>>) offsets(%dma_start3A_371 : memref<128xi32, #tpu.memory_space<vmem>>) semaphore(%arg20 : memref<!tpu.dma_semaphore, #tpu.memory_space<semaphore_mem>>)
      %dma_start3A_379 = arith.constant 640 : i32
      %dma_start3A_380 = tpu.memref_slice %arg9[%dma_start3A_379] : memref<1024xi32, #tpu.memory_space<vmem>> -> memref<128xi32, #tpu.memory_space<vmem>>
      %dma_start3A_381 = arith.constant 0 : i32
      %dma_start3A_382 = arith.constant 0 : i32
      %dma_start3A_383 = tpu.memref_slice %arg2[%arg0, %dma_start3A_381, %dma_start3A_382] : memref<2x50000x64xf32, #tpu.memory_space<hbm>> -> memref<1x50000x64xf32, #tpu.memory_space<hbm>>
      %dma_start3A_384 = tpu.memref_squeeze %dma_start3A_383 : memref<1x50000x64xf32, #tpu.memory_space<hbm>> -> memref<50000x64xf32, #tpu.memory_space<hbm>>
      %dma_start3A_385 = arith.constant 0 : i32
      %dma_start3A_386 = arith.constant 0 : i32
      %dma_start3A_387 = tpu.memref_slice %dma_start3A_384[%dma_start3A_385, %dma_start3A_386] : memref<50000x64xf32, #tpu.memory_space<hbm>> -> memref<50000x64xf32, #tpu.memory_space<hbm>>
      tpu.enqueue_indirect_dma source(%dma_start3A_387 : memref<50000x64xf32, #tpu.memory_space<hbm>>) target(%arg16 : memref<128x64xf32, #tpu.memory_space<vmem>>) offsets(%dma_start3A_380 : memref<128xi32, #tpu.memory_space<vmem>>) semaphore(%arg20 : memref<!tpu.dma_semaphore, #tpu.memory_space<semaphore_mem>>)
      %dma_start3A_388 = arith.constant 768 : i32
      %dma_start3A_389 = tpu.memref_slice %arg9[%dma_start3A_388] : memref<1024xi32, #tpu.memory_space<vmem>> -> memref<128xi32, #tpu.memory_space<vmem>>
      %dma_start3A_390 = arith.constant 0 : i32
      %dma_start3A_391 = arith.constant 0 : i32
      %dma_start3A_392 = tpu.memref_slice %arg2[%arg0, %dma_start3A_390, %dma_start3A_391] : memref<2x50000x64xf32, #tpu.memory_space<hbm>> -> memref<1x50000x64xf32, #tpu.memory_space<hbm>>
      %dma_start3A_393 = tpu.memref_squeeze %dma_start3A_392 : memref<1x50000x64xf32, #tpu.memory_space<hbm>> -> memref<50000x64xf32, #tpu.memory_space<hbm>>
      %dma_start3A_394 = arith.constant 0 : i32
      %dma_start3A_395 = arith.constant 0 : i32
      %dma_start3A_396 = tpu.memref_slice %dma_start3A_393[%dma_start3A_394, %dma_start3A_395] : memref<50000x64xf32, #tpu.memory_space<hbm>> -> memref<50000x64xf32, #tpu.memory_space<hbm>>
      tpu.enqueue_indirect_dma source(%dma_start3A_396 : memref<50000x64xf32, #tpu.memory_space<hbm>>) target(%arg17 : memref<128x64xf32, #tpu.memory_space<vmem>>) offsets(%dma_start3A_389 : memref<128xi32, #tpu.memory_space<vmem>>) semaphore(%arg20 : memref<!tpu.dma_semaphore, #tpu.memory_space<semaphore_mem>>)
      %dma_start3A_397 = arith.constant 896 : i32
      %dma_start3A_398 = tpu.memref_slice %arg9[%dma_start3A_397] : memref<1024xi32, #tpu.memory_space<vmem>> -> memref<128xi32, #tpu.memory_space<vmem>>
      %dma_start3A_399 = arith.constant 0 : i32
      %dma_start3A_400 = arith.constant 0 : i32
      %dma_start3A_401 = tpu.memref_slice %arg2[%arg0, %dma_start3A_399, %dma_start3A_400] : memref<2x50000x64xf32, #tpu.memory_space<hbm>> -> memref<1x50000x64xf32, #tpu.memory_space<hbm>>
      %dma_start3A_402 = tpu.memref_squeeze %dma_start3A_401 : memref<1x50000x64xf32, #tpu.memory_space<hbm>> -> memref<50000x64xf32, #tpu.memory_space<hbm>>
      %dma_start3A_403 = arith.constant 0 : i32
      %dma_start3A_404 = arith.constant 0 : i32
      %dma_start3A_405 = tpu.memref_slice %dma_start3A_402[%dma_start3A_403, %dma_start3A_404] : memref<50000x64xf32, #tpu.memory_space<hbm>> -> memref<50000x64xf32, #tpu.memory_space<hbm>>
      tpu.enqueue_indirect_dma source(%dma_start3A_405 : memref<50000x64xf32, #tpu.memory_space<hbm>>) target(%arg18 : memref<128x64xf32, #tpu.memory_space<vmem>>) offsets(%dma_start3A_398 : memref<128xi32, #tpu.memory_space<vmem>>) semaphore(%arg20 : memref<!tpu.dma_semaphore, #tpu.memory_space<semaphore_mem>>)
      %dma_wait3A_406 = arith.constant 512 : i32
      %dma_wait3A_407 = tpu.memref_slice %arg9[%dma_wait3A_406] : memref<1024xi32, #tpu.memory_space<vmem>> -> memref<128xi32, #tpu.memory_space<vmem>>
      %dma_wait3A_408 = arith.constant 0 : i32
      %dma_wait3A_409 = arith.constant 0 : i32
      %dma_wait3A_410 = tpu.memref_slice %arg2[%arg0, %dma_wait3A_408, %dma_wait3A_409] : memref<2x50000x64xf32, #tpu.memory_space<hbm>> -> memref<1x50000x64xf32, #tpu.memory_space<hbm>>
      %dma_wait3A_411 = tpu.memref_squeeze %dma_wait3A_410 : memref<1x50000x64xf32, #tpu.memory_space<hbm>> -> memref<50000x64xf32, #tpu.memory_space<hbm>>
      %dma_wait3A_412 = arith.constant 0 : i32
      %dma_wait3A_413 = arith.constant 0 : i32
      %dma_wait3A_414 = tpu.memref_slice %dma_wait3A_411[%dma_wait3A_412, %dma_wait3A_413] : memref<50000x64xf32, #tpu.memory_space<hbm>> -> memref<50000x64xf32, #tpu.memory_space<hbm>>
      tpu.wait_indirect_dma semaphore(%arg20 : memref<!tpu.dma_semaphore, #tpu.memory_space<semaphore_mem>>) src(%dma_wait3A_414 : memref<50000x64xf32, #tpu.memory_space<hbm>>) dst(%arg15 : memref<128x64xf32, #tpu.memory_space<vmem>>)
      %dma_wait3A_415 = arith.constant 640 : i32
      %dma_wait3A_416 = tpu.memref_slice %arg9[%dma_wait3A_415] : memref<1024xi32, #tpu.memory_space<vmem>> -> memref<128xi32, #tpu.memory_space<vmem>>
      %dma_wait3A_417 = arith.constant 0 : i32
      %dma_wait3A_418 = arith.constant 0 : i32
      %dma_wait3A_419 = tpu.memref_slice %arg2[%arg0, %dma_wait3A_417, %dma_wait3A_418] : memref<2x50000x64xf32, #tpu.memory_space<hbm>> -> memref<1x50000x64xf32, #tpu.memory_space<hbm>>
      %dma_wait3A_420 = tpu.memref_squeeze %dma_wait3A_419 : memref<1x50000x64xf32, #tpu.memory_space<hbm>> -> memref<50000x64xf32, #tpu.memory_space<hbm>>
      %dma_wait3A_421 = arith.constant 0 : i32
      %dma_wait3A_422 = arith.constant 0 : i32
      %dma_wait3A_423 = tpu.memref_slice %dma_wait3A_420[%dma_wait3A_421, %dma_wait3A_422] : memref<50000x64xf32, #tpu.memory_space<hbm>> -> memref<50000x64xf32, #tpu.memory_space<hbm>>
      tpu.wait_indirect_dma semaphore(%arg20 : memref<!tpu.dma_semaphore, #tpu.memory_space<semaphore_mem>>) src(%dma_wait3A_423 : memref<50000x64xf32, #tpu.memory_space<hbm>>) dst(%arg16 : memref<128x64xf32, #tpu.memory_space<vmem>>)
      %dma_wait3A_424 = arith.constant 768 : i32
      %dma_wait3A_425 = tpu.memref_slice %arg9[%dma_wait3A_424] : memref<1024xi32, #tpu.memory_space<vmem>> -> memref<128xi32, #tpu.memory_space<vmem>>
      %dma_wait3A_426 = arith.constant 0 : i32
      %dma_wait3A_427 = arith.constant 0 : i32
      %dma_wait3A_428 = tpu.memref_slice %arg2[%arg0, %dma_wait3A_426, %dma_wait3A_427] : memref<2x50000x64xf32, #tpu.memory_space<hbm>> -> memref<1x50000x64xf32, #tpu.memory_space<hbm>>
      %dma_wait3A_429 = tpu.memref_squeeze %dma_wait3A_428 : memref<1x50000x64xf32, #tpu.memory_space<hbm>> -> memref<50000x64xf32, #tpu.memory_space<hbm>>
      %dma_wait3A_430 = arith.constant 0 : i32
      %dma_wait3A_431 = arith.constant 0 : i32
      %dma_wait3A_432 = tpu.memref_slice %dma_wait3A_429[%dma_wait3A_430, %dma_wait3A_431] : memref<50000x64xf32, #tpu.memory_space<hbm>> -> memref<50000x64xf32, #tpu.memory_space<hbm>>
      tpu.wait_indirect_dma semaphore(%arg20 : memref<!tpu.dma_semaphore, #tpu.memory_space<semaphore_mem>>) src(%dma_wait3A_432 : memref<50000x64xf32, #tpu.memory_space<hbm>>) dst(%arg17 : memref<128x64xf32, #tpu.memory_space<vmem>>)
      %dma_wait3A_433 = arith.constant 896 : i32
      %dma_wait3A_434 = tpu.memref_slice %arg9[%dma_wait3A_433] : memref<1024xi32, #tpu.memory_space<vmem>> -> memref<128xi32, #tpu.memory_space<vmem>>
      %dma_wait3A_435 = arith.constant 0 : i32
      %dma_wait3A_436 = arith.constant 0 : i32
      %dma_wait3A_437 = tpu.memref_slice %arg2[%arg0, %dma_wait3A_435, %dma_wait3A_436] : memref<2x50000x64xf32, #tpu.memory_space<hbm>> -> memref<1x50000x64xf32, #tpu.memory_space<hbm>>
      %dma_wait3A_438 = tpu.memref_squeeze %dma_wait3A_437 : memref<1x50000x64xf32, #tpu.memory_space<hbm>> -> memref<50000x64xf32, #tpu.memory_space<hbm>>
      %dma_wait3A_439 = arith.constant 0 : i32
      %dma_wait3A_440 = arith.constant 0 : i32
      %dma_wait3A_441 = tpu.memref_slice %dma_wait3A_438[%dma_wait3A_439, %dma_wait3A_440] : memref<50000x64xf32, #tpu.memory_space<hbm>> -> memref<50000x64xf32, #tpu.memory_space<hbm>>
      tpu.wait_indirect_dma semaphore(%arg20 : memref<!tpu.dma_semaphore, #tpu.memory_space<semaphore_mem>>) src(%dma_wait3A_441 : memref<50000x64xf32, #tpu.memory_space<hbm>>) dst(%arg18 : memref<128x64xf32, #tpu.memory_space<vmem>>)
      %dma_start3A_442 = arith.constant 512 : i32
      %dma_start3A_443 = tpu.memref_slice %arg10[%dma_start3A_442] : memref<1024xi32, #tpu.memory_space<vmem>> -> memref<128xi32, #tpu.memory_space<vmem>>
      %dma_start3A_444 = arith.constant 0 : i32
      %dma_start3A_445 = arith.constant 0 : i32
      %dma_start3A_446 = tpu.memref_slice %arg7[%dma_start3A_444, %dma_start3A_445] : memref<10112x64xf32, #tpu.memory_space<vmem_shared>> -> memref<10112x64xf32, #tpu.memory_space<vmem_shared>>
      tpu.enqueue_indirect_dma source(%arg15 : memref<128x64xf32, #tpu.memory_space<vmem>>) target(%dma_start3A_446 : memref<10112x64xf32, #tpu.memory_space<vmem_shared>>) offsets(%dma_start3A_443 : memref<128xi32, #tpu.memory_space<vmem>>) semaphore(%arg21 : memref<!tpu.dma_semaphore, #tpu.memory_space<semaphore_mem>>) {add = true}
      %dma_start3A_447 = arith.constant 640 : i32
      %dma_start3A_448 = tpu.memref_slice %arg10[%dma_start3A_447] : memref<1024xi32, #tpu.memory_space<vmem>> -> memref<128xi32, #tpu.memory_space<vmem>>
      %dma_start3A_449 = arith.constant 0 : i32
      %dma_start3A_450 = arith.constant 0 : i32
      %dma_start3A_451 = tpu.memref_slice %arg7[%dma_start3A_449, %dma_start3A_450] : memref<10112x64xf32, #tpu.memory_space<vmem_shared>> -> memref<10112x64xf32, #tpu.memory_space<vmem_shared>>
      tpu.enqueue_indirect_dma source(%arg16 : memref<128x64xf32, #tpu.memory_space<vmem>>) target(%dma_start3A_451 : memref<10112x64xf32, #tpu.memory_space<vmem_shared>>) offsets(%dma_start3A_448 : memref<128xi32, #tpu.memory_space<vmem>>) semaphore(%arg21 : memref<!tpu.dma_semaphore, #tpu.memory_space<semaphore_mem>>) {add = true}
      %dma_start3A_452 = arith.constant 768 : i32
      %dma_start3A_453 = tpu.memref_slice %arg10[%dma_start3A_452] : memref<1024xi32, #tpu.memory_space<vmem>> -> memref<128xi32, #tpu.memory_space<vmem>>
      %dma_start3A_454 = arith.constant 0 : i32
      %dma_start3A_455 = arith.constant 0 : i32
      %dma_start3A_456 = tpu.memref_slice %arg7[%dma_start3A_454, %dma_start3A_455] : memref<10112x64xf32, #tpu.memory_space<vmem_shared>> -> memref<10112x64xf32, #tpu.memory_space<vmem_shared>>
      tpu.enqueue_indirect_dma source(%arg17 : memref<128x64xf32, #tpu.memory_space<vmem>>) target(%dma_start3A_456 : memref<10112x64xf32, #tpu.memory_space<vmem_shared>>) offsets(%dma_start3A_453 : memref<128xi32, #tpu.memory_space<vmem>>) semaphore(%arg21 : memref<!tpu.dma_semaphore, #tpu.memory_space<semaphore_mem>>) {add = true}
      %dma_start3A_457 = arith.constant 896 : i32
      %dma_start3A_458 = tpu.memref_slice %arg10[%dma_start3A_457] : memref<1024xi32, #tpu.memory_space<vmem>> -> memref<128xi32, #tpu.memory_space<vmem>>
      %dma_start3A_459 = arith.constant 0 : i32
      %dma_start3A_460 = arith.constant 0 : i32
      %dma_start3A_461 = tpu.memref_slice %arg7[%dma_start3A_459, %dma_start3A_460] : memref<10112x64xf32, #tpu.memory_space<vmem_shared>> -> memref<10112x64xf32, #tpu.memory_space<vmem_shared>>
      tpu.enqueue_indirect_dma source(%arg18 : memref<128x64xf32, #tpu.memory_space<vmem>>) target(%dma_start3A_461 : memref<10112x64xf32, #tpu.memory_space<vmem_shared>>) offsets(%dma_start3A_458 : memref<128xi32, #tpu.memory_space<vmem>>) semaphore(%arg21 : memref<!tpu.dma_semaphore, #tpu.memory_space<semaphore_mem>>) {add = true}
      %dma_wait3A_462 = arith.constant 0 : i32
      %dma_wait3A_463 = tpu.memref_slice %arg10[%dma_wait3A_462] : memref<1024xi32, #tpu.memory_space<vmem>> -> memref<128xi32, #tpu.memory_space<vmem>>
      %dma_wait3A_464 = arith.constant 0 : i32
      %dma_wait3A_465 = arith.constant 0 : i32
      %dma_wait3A_466 = tpu.memref_slice %arg7[%dma_wait3A_464, %dma_wait3A_465] : memref<10112x64xf32, #tpu.memory_space<vmem_shared>> -> memref<10112x64xf32, #tpu.memory_space<vmem_shared>>
      tpu.wait_indirect_dma semaphore(%arg21 : memref<!tpu.dma_semaphore, #tpu.memory_space<semaphore_mem>>) src(%arg11 : memref<128x64xf32, #tpu.memory_space<vmem>>) dst(%dma_wait3A_466 : memref<10112x64xf32, #tpu.memory_space<vmem_shared>>)
      %dma_wait3A_467 = arith.constant 128 : i32
      %dma_wait3A_468 = tpu.memref_slice %arg10[%dma_wait3A_467] : memref<1024xi32, #tpu.memory_space<vmem>> -> memref<128xi32, #tpu.memory_space<vmem>>
      %dma_wait3A_469 = arith.constant 0 : i32
      %dma_wait3A_470 = arith.constant 0 : i32
      %dma_wait3A_471 = tpu.memref_slice %arg7[%dma_wait3A_469, %dma_wait3A_470] : memref<10112x64xf32, #tpu.memory_space<vmem_shared>> -> memref<10112x64xf32, #tpu.memory_space<vmem_shared>>
      tpu.wait_indirect_dma semaphore(%arg21 : memref<!tpu.dma_semaphore, #tpu.memory_space<semaphore_mem>>) src(%arg12 : memref<128x64xf32, #tpu.memory_space<vmem>>) dst(%dma_wait3A_471 : memref<10112x64xf32, #tpu.memory_space<vmem_shared>>)
      %dma_wait3A_472 = arith.constant 256 : i32
      %dma_wait3A_473 = tpu.memref_slice %arg10[%dma_wait3A_472] : memref<1024xi32, #tpu.memory_space<vmem>> -> memref<128xi32, #tpu.memory_space<vmem>>
      %dma_wait3A_474 = arith.constant 0 : i32
      %dma_wait3A_475 = arith.constant 0 : i32
      %dma_wait3A_476 = tpu.memref_slice %arg7[%dma_wait3A_474, %dma_wait3A_475] : memref<10112x64xf32, #tpu.memory_space<vmem_shared>> -> memref<10112x64xf32, #tpu.memory_space<vmem_shared>>
      tpu.wait_indirect_dma semaphore(%arg21 : memref<!tpu.dma_semaphore, #tpu.memory_space<semaphore_mem>>) src(%arg13 : memref<128x64xf32, #tpu.memory_space<vmem>>) dst(%dma_wait3A_476 : memref<10112x64xf32, #tpu.memory_space<vmem_shared>>)
      %dma_wait3A_477 = arith.constant 384 : i32
      %dma_wait3A_478 = tpu.memref_slice %arg10[%dma_wait3A_477] : memref<1024xi32, #tpu.memory_space<vmem>> -> memref<128xi32, #tpu.memory_space<vmem>>
      %dma_wait3A_479 = arith.constant 0 : i32
      %dma_wait3A_480 = arith.constant 0 : i32
      %dma_wait3A_481 = tpu.memref_slice %arg7[%dma_wait3A_479, %dma_wait3A_480] : memref<10112x64xf32, #tpu.memory_space<vmem_shared>> -> memref<10112x64xf32, #tpu.memory_space<vmem_shared>>
      tpu.wait_indirect_dma semaphore(%arg21 : memref<!tpu.dma_semaphore, #tpu.memory_space<semaphore_mem>>) src(%arg14 : memref<128x64xf32, #tpu.memory_space<vmem>>) dst(%dma_wait3A_481 : memref<10112x64xf32, #tpu.memory_space<vmem_shared>>)
      %dma_wait3A_482 = arith.constant 512 : i32
      %dma_wait3A_483 = tpu.memref_slice %arg10[%dma_wait3A_482] : memref<1024xi32, #tpu.memory_space<vmem>> -> memref<128xi32, #tpu.memory_space<vmem>>
      %dma_wait3A_484 = arith.constant 0 : i32
      %dma_wait3A_485 = arith.constant 0 : i32
      %dma_wait3A_486 = tpu.memref_slice %arg7[%dma_wait3A_484, %dma_wait3A_485] : memref<10112x64xf32, #tpu.memory_space<vmem_shared>> -> memref<10112x64xf32, #tpu.memory_space<vmem_shared>>
      tpu.wait_indirect_dma semaphore(%arg21 : memref<!tpu.dma_semaphore, #tpu.memory_space<semaphore_mem>>) src(%arg15 : memref<128x64xf32, #tpu.memory_space<vmem>>) dst(%dma_wait3A_486 : memref<10112x64xf32, #tpu.memory_space<vmem_shared>>)
      %dma_wait3A_487 = arith.constant 640 : i32
      %dma_wait3A_488 = tpu.memref_slice %arg10[%dma_wait3A_487] : memref<1024xi32, #tpu.memory_space<vmem>> -> memref<128xi32, #tpu.memory_space<vmem>>
      %dma_wait3A_489 = arith.constant 0 : i32
      %dma_wait3A_490 = arith.constant 0 : i32
      %dma_wait3A_491 = tpu.memref_slice %arg7[%dma_wait3A_489, %dma_wait3A_490] : memref<10112x64xf32, #tpu.memory_space<vmem_shared>> -> memref<10112x64xf32, #tpu.memory_space<vmem_shared>>
      tpu.wait_indirect_dma semaphore(%arg21 : memref<!tpu.dma_semaphore, #tpu.memory_space<semaphore_mem>>) src(%arg16 : memref<128x64xf32, #tpu.memory_space<vmem>>) dst(%dma_wait3A_491 : memref<10112x64xf32, #tpu.memory_space<vmem_shared>>)
      %dma_wait3A_492 = arith.constant 768 : i32
      %dma_wait3A_493 = tpu.memref_slice %arg10[%dma_wait3A_492] : memref<1024xi32, #tpu.memory_space<vmem>> -> memref<128xi32, #tpu.memory_space<vmem>>
      %dma_wait3A_494 = arith.constant 0 : i32
      %dma_wait3A_495 = arith.constant 0 : i32
      %dma_wait3A_496 = tpu.memref_slice %arg7[%dma_wait3A_494, %dma_wait3A_495] : memref<10112x64xf32, #tpu.memory_space<vmem_shared>> -> memref<10112x64xf32, #tpu.memory_space<vmem_shared>>
      tpu.wait_indirect_dma semaphore(%arg21 : memref<!tpu.dma_semaphore, #tpu.memory_space<semaphore_mem>>) src(%arg17 : memref<128x64xf32, #tpu.memory_space<vmem>>) dst(%dma_wait3A_496 : memref<10112x64xf32, #tpu.memory_space<vmem_shared>>)
      %dma_wait3A_497 = arith.constant 896 : i32
      %dma_wait3A_498 = tpu.memref_slice %arg10[%dma_wait3A_497] : memref<1024xi32, #tpu.memory_space<vmem>> -> memref<128xi32, #tpu.memory_space<vmem>>
      %dma_wait3A_499 = arith.constant 0 : i32
      %dma_wait3A_500 = arith.constant 0 : i32
      %dma_wait3A_501 = tpu.memref_slice %arg7[%dma_wait3A_499, %dma_wait3A_500] : memref<10112x64xf32, #tpu.memory_space<vmem_shared>> -> memref<10112x64xf32, #tpu.memory_space<vmem_shared>>
      tpu.wait_indirect_dma semaphore(%arg21 : memref<!tpu.dma_semaphore, #tpu.memory_space<semaphore_mem>>) src(%arg18 : memref<128x64xf32, #tpu.memory_space<vmem>>) dst(%dma_wait3A_501 : memref<10112x64xf32, #tpu.memory_space<vmem_shared>>)
    }
    %scan3A_24 = arith.constant 37 : i32
    %barrier3A_25 = arith.constant 0 : index
    tpu.barrier barrier_id(%barrier3A_25)
    %mul3A_26 = arith.constant 632 : i32
    %mul3A_27 = arith.muli %arg1, %mul3A_26 : i32
    %add3A_28 = arith.constant 0 : i32
    %add3A_29 = arith.addi %mul3A_27, %add3A_28 : i32
    %dma_start3A = arith.constant 0 : i32
    %dma_start3A_30 = arith.constant 0 : i32
    %dma_start3A_31 = tpu.memref_slice %arg11[%dma_start3A, %dma_start3A_30] : memref<128x64xf32, #tpu.memory_space<vmem>> -> memref<128x64xf32, #tpu.memory_space<vmem>>
    %dma_start3A_32 = arith.constant 0 : i32
    %dma_start3A_33 = tpu.memref_slice %arg7[%add3A_29, %dma_start3A_32] : memref<10112x64xf32, #tpu.memory_space<vmem_shared>> -> memref<128x64xf32, #tpu.memory_space<vmem_shared>>
    %dma_start3A_34 = arith.constant 0 : i32
    %dma_start3A_35 = arith.constant 0 : i32
    %dma_start3A_36 = tpu.memref_slice %arg11[%dma_start3A_34, %dma_start3A_35] : memref<128x64xf32, #tpu.memory_space<vmem>> -> memref<128x64xf32, #tpu.memory_space<vmem>>
    %dma_start3A_37 = arith.constant 0 : i32
    %dma_start3A_38 = tpu.memref_slice %arg7[%add3A_29, %dma_start3A_37] : memref<10112x64xf32, #tpu.memory_space<vmem_shared>> -> memref<128x64xf32, #tpu.memory_space<vmem_shared>>
    tpu.enqueue_dma source(%dma_start3A_38 : memref<128x64xf32, #tpu.memory_space<vmem_shared>>) target(%dma_start3A_36 : memref<128x64xf32, #tpu.memory_space<vmem>>) target_semaphore(%arg20 : memref<!tpu.dma_semaphore, #tpu.memory_space<semaphore_mem>>)
    %add3A_39 = arith.constant 128 : i32
    %add3A_40 = arith.addi %mul3A_27, %add3A_39 : i32
    %dma_start3A_41 = arith.constant 0 : i32
    %dma_start3A_42 = arith.constant 0 : i32
    %dma_start3A_43 = tpu.memref_slice %arg12[%dma_start3A_41, %dma_start3A_42] : memref<128x64xf32, #tpu.memory_space<vmem>> -> memref<128x64xf32, #tpu.memory_space<vmem>>
    %dma_start3A_44 = arith.constant 0 : i32
    %dma_start3A_45 = tpu.memref_slice %arg7[%add3A_40, %dma_start3A_44] : memref<10112x64xf32, #tpu.memory_space<vmem_shared>> -> memref<128x64xf32, #tpu.memory_space<vmem_shared>>
    %dma_start3A_46 = arith.constant 0 : i32
    %dma_start3A_47 = arith.constant 0 : i32
    %dma_start3A_48 = tpu.memref_slice %arg12[%dma_start3A_46, %dma_start3A_47] : memref<128x64xf32, #tpu.memory_space<vmem>> -> memref<128x64xf32, #tpu.memory_space<vmem>>
    %dma_start3A_49 = arith.constant 0 : i32
    %dma_start3A_50 = tpu.memref_slice %arg7[%add3A_40, %dma_start3A_49] : memref<10112x64xf32, #tpu.memory_space<vmem_shared>> -> memref<128x64xf32, #tpu.memory_space<vmem_shared>>
    tpu.enqueue_dma source(%dma_start3A_50 : memref<128x64xf32, #tpu.memory_space<vmem_shared>>) target(%dma_start3A_48 : memref<128x64xf32, #tpu.memory_space<vmem>>) target_semaphore(%arg20 : memref<!tpu.dma_semaphore, #tpu.memory_space<semaphore_mem>>)
    %add3A_51 = arith.constant 256 : i32
    %add3A_52 = arith.addi %mul3A_27, %add3A_51 : i32
    %dma_start3A_53 = arith.constant 0 : i32
    %dma_start3A_54 = arith.constant 0 : i32
    %dma_start3A_55 = tpu.memref_slice %arg13[%dma_start3A_53, %dma_start3A_54] : memref<128x64xf32, #tpu.memory_space<vmem>> -> memref<128x64xf32, #tpu.memory_space<vmem>>
    %dma_start3A_56 = arith.constant 0 : i32
    %dma_start3A_57 = tpu.memref_slice %arg7[%add3A_52, %dma_start3A_56] : memref<10112x64xf32, #tpu.memory_space<vmem_shared>> -> memref<128x64xf32, #tpu.memory_space<vmem_shared>>
    %dma_start3A_58 = arith.constant 0 : i32
    %dma_start3A_59 = arith.constant 0 : i32
    %dma_start3A_60 = tpu.memref_slice %arg13[%dma_start3A_58, %dma_start3A_59] : memref<128x64xf32, #tpu.memory_space<vmem>> -> memref<128x64xf32, #tpu.memory_space<vmem>>
    %dma_start3A_61 = arith.constant 0 : i32
    %dma_start3A_62 = tpu.memref_slice %arg7[%add3A_52, %dma_start3A_61] : memref<10112x64xf32, #tpu.memory_space<vmem_shared>> -> memref<128x64xf32, #tpu.memory_space<vmem_shared>>
    tpu.enqueue_dma source(%dma_start3A_62 : memref<128x64xf32, #tpu.memory_space<vmem_shared>>) target(%dma_start3A_60 : memref<128x64xf32, #tpu.memory_space<vmem>>) target_semaphore(%arg20 : memref<!tpu.dma_semaphore, #tpu.memory_space<semaphore_mem>>)
    %add3A_63 = arith.constant 384 : i32
    %add3A_64 = arith.addi %mul3A_27, %add3A_63 : i32
    %dma_start3A_65 = arith.constant 0 : i32
    %dma_start3A_66 = arith.constant 0 : i32
    %dma_start3A_67 = tpu.memref_slice %arg14[%dma_start3A_65, %dma_start3A_66] : memref<128x64xf32, #tpu.memory_space<vmem>> -> memref<128x64xf32, #tpu.memory_space<vmem>>
    %dma_start3A_68 = arith.constant 0 : i32
    %dma_start3A_69 = tpu.memref_slice %arg7[%add3A_64, %dma_start3A_68] : memref<10112x64xf32, #tpu.memory_space<vmem_shared>> -> memref<128x64xf32, #tpu.memory_space<vmem_shared>>
    %dma_start3A_70 = arith.constant 0 : i32
    %dma_start3A_71 = arith.constant 0 : i32
    %dma_start3A_72 = tpu.memref_slice %arg14[%dma_start3A_70, %dma_start3A_71] : memref<128x64xf32, #tpu.memory_space<vmem>> -> memref<128x64xf32, #tpu.memory_space<vmem>>
    %dma_start3A_73 = arith.constant 0 : i32
    %dma_start3A_74 = tpu.memref_slice %arg7[%add3A_64, %dma_start3A_73] : memref<10112x64xf32, #tpu.memory_space<vmem_shared>> -> memref<128x64xf32, #tpu.memory_space<vmem_shared>>
    tpu.enqueue_dma source(%dma_start3A_74 : memref<128x64xf32, #tpu.memory_space<vmem_shared>>) target(%dma_start3A_72 : memref<128x64xf32, #tpu.memory_space<vmem>>) target_semaphore(%arg20 : memref<!tpu.dma_semaphore, #tpu.memory_space<semaphore_mem>>)
    %add3A_75 = arith.constant 512 : i32
    %add3A_76 = arith.addi %mul3A_27, %add3A_75 : i32
    %dma_start3A_77 = arith.constant 0 : i32
    %dma_start3A_78 = arith.constant 0 : i32
    %dma_start3A_79 = tpu.memref_slice %arg8[%dma_start3A_77, %dma_start3A_78] : memref<128x64xf32, #tpu.memory_space<vmem>> -> memref<120x64xf32, #tpu.memory_space<vmem>>
    %dma_start3A_80 = arith.constant 0 : i32
    %dma_start3A_81 = tpu.memref_slice %arg7[%add3A_76, %dma_start3A_80] : memref<10112x64xf32, #tpu.memory_space<vmem_shared>> -> memref<120x64xf32, #tpu.memory_space<vmem_shared>>
    %dma_start3A_82 = arith.constant 0 : i32
    %dma_start3A_83 = arith.constant 0 : i32
    %dma_start3A_84 = tpu.memref_slice %arg8[%dma_start3A_82, %dma_start3A_83] : memref<128x64xf32, #tpu.memory_space<vmem>> -> memref<120x64xf32, #tpu.memory_space<vmem>>
    %dma_start3A_85 = arith.constant 0 : i32
    %dma_start3A_86 = tpu.memref_slice %arg7[%add3A_76, %dma_start3A_85] : memref<10112x64xf32, #tpu.memory_space<vmem_shared>> -> memref<120x64xf32, #tpu.memory_space<vmem_shared>>
    tpu.enqueue_dma source(%dma_start3A_86 : memref<120x64xf32, #tpu.memory_space<vmem_shared>>) target(%dma_start3A_84 : memref<120x64xf32, #tpu.memory_space<vmem>>) target_semaphore(%arg20 : memref<!tpu.dma_semaphore, #tpu.memory_space<semaphore_mem>>)
    %dma_wait3A = arith.constant 0 : i32
    %dma_wait3A_87 = arith.constant 0 : i32
    %dma_wait3A_88 = tpu.memref_slice %arg11[%dma_wait3A, %dma_wait3A_87] : memref<128x64xf32, #tpu.memory_space<vmem>> -> memref<128x64xf32, #tpu.memory_space<vmem>>
    %dma_wait3A_89 = arith.constant 0 : i32
    %dma_wait3A_90 = tpu.memref_slice %arg7[%add3A_29, %dma_wait3A_89] : memref<10112x64xf32, #tpu.memory_space<vmem_shared>> -> memref<128x64xf32, #tpu.memory_space<vmem_shared>>
    %dma_wait3A_91 = arith.constant 0 : i32
    %dma_wait3A_92 = arith.constant 0 : i32
    %dma_wait3A_93 = tpu.memref_slice %arg11[%dma_wait3A_91, %dma_wait3A_92] : memref<128x64xf32, #tpu.memory_space<vmem>> -> memref<128x64xf32, #tpu.memory_space<vmem>>
    %dma_wait3A_94 = arith.constant 0 : i32
    %dma_wait3A_95 = tpu.memref_slice %arg7[%add3A_29, %dma_wait3A_94] : memref<10112x64xf32, #tpu.memory_space<vmem_shared>> -> memref<128x64xf32, #tpu.memory_space<vmem_shared>>
    tpu.wait_dma2 semaphore(%arg20 : memref<!tpu.dma_semaphore, #tpu.memory_space<semaphore_mem>>) src(%dma_wait3A_95 : memref<128x64xf32, #tpu.memory_space<vmem_shared>>) dst(%dma_wait3A_93 : memref<128x64xf32, #tpu.memory_space<vmem>>)
    %dma_wait3A_96 = arith.constant 0 : i32
    %dma_wait3A_97 = arith.constant 0 : i32
    %dma_wait3A_98 = tpu.memref_slice %arg12[%dma_wait3A_96, %dma_wait3A_97] : memref<128x64xf32, #tpu.memory_space<vmem>> -> memref<128x64xf32, #tpu.memory_space<vmem>>
    %dma_wait3A_99 = arith.constant 0 : i32
    %dma_wait3A_100 = tpu.memref_slice %arg7[%add3A_40, %dma_wait3A_99] : memref<10112x64xf32, #tpu.memory_space<vmem_shared>> -> memref<128x64xf32, #tpu.memory_space<vmem_shared>>
    %dma_wait3A_101 = arith.constant 0 : i32
    %dma_wait3A_102 = arith.constant 0 : i32
    %dma_wait3A_103 = tpu.memref_slice %arg12[%dma_wait3A_101, %dma_wait3A_102] : memref<128x64xf32, #tpu.memory_space<vmem>> -> memref<128x64xf32, #tpu.memory_space<vmem>>
    %dma_wait3A_104 = arith.constant 0 : i32
    %dma_wait3A_105 = tpu.memref_slice %arg7[%add3A_40, %dma_wait3A_104] : memref<10112x64xf32, #tpu.memory_space<vmem_shared>> -> memref<128x64xf32, #tpu.memory_space<vmem_shared>>
    tpu.wait_dma2 semaphore(%arg20 : memref<!tpu.dma_semaphore, #tpu.memory_space<semaphore_mem>>) src(%dma_wait3A_105 : memref<128x64xf32, #tpu.memory_space<vmem_shared>>) dst(%dma_wait3A_103 : memref<128x64xf32, #tpu.memory_space<vmem>>)
    %dma_wait3A_106 = arith.constant 0 : i32
    %dma_wait3A_107 = arith.constant 0 : i32
    %dma_wait3A_108 = tpu.memref_slice %arg13[%dma_wait3A_106, %dma_wait3A_107] : memref<128x64xf32, #tpu.memory_space<vmem>> -> memref<128x64xf32, #tpu.memory_space<vmem>>
    %dma_wait3A_109 = arith.constant 0 : i32
    %dma_wait3A_110 = tpu.memref_slice %arg7[%add3A_52, %dma_wait3A_109] : memref<10112x64xf32, #tpu.memory_space<vmem_shared>> -> memref<128x64xf32, #tpu.memory_space<vmem_shared>>
    %dma_wait3A_111 = arith.constant 0 : i32
    %dma_wait3A_112 = arith.constant 0 : i32
    %dma_wait3A_113 = tpu.memref_slice %arg13[%dma_wait3A_111, %dma_wait3A_112] : memref<128x64xf32, #tpu.memory_space<vmem>> -> memref<128x64xf32, #tpu.memory_space<vmem>>
    %dma_wait3A_114 = arith.constant 0 : i32
    %dma_wait3A_115 = tpu.memref_slice %arg7[%add3A_52, %dma_wait3A_114] : memref<10112x64xf32, #tpu.memory_space<vmem_shared>> -> memref<128x64xf32, #tpu.memory_space<vmem_shared>>
    tpu.wait_dma2 semaphore(%arg20 : memref<!tpu.dma_semaphore, #tpu.memory_space<semaphore_mem>>) src(%dma_wait3A_115 : memref<128x64xf32, #tpu.memory_space<vmem_shared>>) dst(%dma_wait3A_113 : memref<128x64xf32, #tpu.memory_space<vmem>>)
    %dma_wait3A_116 = arith.constant 0 : i32
    %dma_wait3A_117 = arith.constant 0 : i32
    %dma_wait3A_118 = tpu.memref_slice %arg14[%dma_wait3A_116, %dma_wait3A_117] : memref<128x64xf32, #tpu.memory_space<vmem>> -> memref<128x64xf32, #tpu.memory_space<vmem>>
    %dma_wait3A_119 = arith.constant 0 : i32
    %dma_wait3A_120 = tpu.memref_slice %arg7[%add3A_64, %dma_wait3A_119] : memref<10112x64xf32, #tpu.memory_space<vmem_shared>> -> memref<128x64xf32, #tpu.memory_space<vmem_shared>>
    %dma_wait3A_121 = arith.constant 0 : i32
    %dma_wait3A_122 = arith.constant 0 : i32
    %dma_wait3A_123 = tpu.memref_slice %arg14[%dma_wait3A_121, %dma_wait3A_122] : memref<128x64xf32, #tpu.memory_space<vmem>> -> memref<128x64xf32, #tpu.memory_space<vmem>>
    %dma_wait3A_124 = arith.constant 0 : i32
    %dma_wait3A_125 = tpu.memref_slice %arg7[%add3A_64, %dma_wait3A_124] : memref<10112x64xf32, #tpu.memory_space<vmem_shared>> -> memref<128x64xf32, #tpu.memory_space<vmem_shared>>
    tpu.wait_dma2 semaphore(%arg20 : memref<!tpu.dma_semaphore, #tpu.memory_space<semaphore_mem>>) src(%dma_wait3A_125 : memref<128x64xf32, #tpu.memory_space<vmem_shared>>) dst(%dma_wait3A_123 : memref<128x64xf32, #tpu.memory_space<vmem>>)
    %dma_wait3A_126 = arith.constant 0 : i32
    %dma_wait3A_127 = arith.constant 0 : i32
    %dma_wait3A_128 = tpu.memref_slice %arg8[%dma_wait3A_126, %dma_wait3A_127] : memref<128x64xf32, #tpu.memory_space<vmem>> -> memref<120x64xf32, #tpu.memory_space<vmem>>
    %dma_wait3A_129 = arith.constant 0 : i32
    %dma_wait3A_130 = tpu.memref_slice %arg7[%add3A_76, %dma_wait3A_129] : memref<10112x64xf32, #tpu.memory_space<vmem_shared>> -> memref<120x64xf32, #tpu.memory_space<vmem_shared>>
    %dma_wait3A_131 = arith.constant 0 : i32
    %dma_wait3A_132 = arith.constant 0 : i32
    %dma_wait3A_133 = tpu.memref_slice %arg8[%dma_wait3A_131, %dma_wait3A_132] : memref<128x64xf32, #tpu.memory_space<vmem>> -> memref<120x64xf32, #tpu.memory_space<vmem>>
    %dma_wait3A_134 = arith.constant 0 : i32
    %dma_wait3A_135 = tpu.memref_slice %arg7[%add3A_76, %dma_wait3A_134] : memref<10112x64xf32, #tpu.memory_space<vmem_shared>> -> memref<120x64xf32, #tpu.memory_space<vmem_shared>>
    tpu.wait_dma2 semaphore(%arg20 : memref<!tpu.dma_semaphore, #tpu.memory_space<semaphore_mem>>) src(%dma_wait3A_135 : memref<120x64xf32, #tpu.memory_space<vmem_shared>>) dst(%dma_wait3A_133 : memref<120x64xf32, #tpu.memory_space<vmem>>)
    %add3A_136 = arith.constant 0 : i32
    %add3A_137 = arith.addi %mul3A_27, %add3A_136 : i32
    %dma_start3A_138 = arith.constant 0 : i32
    %dma_start3A_139 = arith.constant 0 : i32
    %dma_start3A_140 = tpu.memref_slice %arg11[%dma_start3A_138, %dma_start3A_139] : memref<128x64xf32, #tpu.memory_space<vmem>> -> memref<128x64xf32, #tpu.memory_space<vmem>>
    %dma_start3A_141 = arith.constant 0 : i32
    %dma_start3A_142 = tpu.memref_slice %arg6[%arg0, %add3A_137, %dma_start3A_141] : memref<2x10112x64xf32, #tpu.memory_space<hbm>> -> memref<1x128x64xf32, #tpu.memory_space<hbm>>
    %dma_start3A_143 = tpu.memref_squeeze %dma_start3A_142 : memref<1x128x64xf32, #tpu.memory_space<hbm>> -> memref<128x64xf32, #tpu.memory_space<hbm>>
    %dma_start3A_144 = arith.constant 0 : i32
    %dma_start3A_145 = tpu.memref_slice %arg6[%arg0, %add3A_137, %dma_start3A_144] : memref<2x10112x64xf32, #tpu.memory_space<hbm>> -> memref<1x128x64xf32, #tpu.memory_space<hbm>>
    %dma_start3A_146 = tpu.memref_squeeze %dma_start3A_145 : memref<1x128x64xf32, #tpu.memory_space<hbm>> -> memref<128x64xf32, #tpu.memory_space<hbm>>
    %dma_start3A_147 = arith.constant 0 : i32
    %dma_start3A_148 = arith.constant 0 : i32
    %dma_start3A_149 = tpu.memref_slice %arg11[%dma_start3A_147, %dma_start3A_148] : memref<128x64xf32, #tpu.memory_space<vmem>> -> memref<128x64xf32, #tpu.memory_space<vmem>>
    tpu.enqueue_dma source(%dma_start3A_149 : memref<128x64xf32, #tpu.memory_space<vmem>>) target(%dma_start3A_146 : memref<128x64xf32, #tpu.memory_space<hbm>>) target_semaphore(%arg21 : memref<!tpu.dma_semaphore, #tpu.memory_space<semaphore_mem>>)
    %add3A_150 = arith.constant 128 : i32
    %add3A_151 = arith.addi %mul3A_27, %add3A_150 : i32
    %dma_start3A_152 = arith.constant 0 : i32
    %dma_start3A_153 = arith.constant 0 : i32
    %dma_start3A_154 = tpu.memref_slice %arg12[%dma_start3A_152, %dma_start3A_153] : memref<128x64xf32, #tpu.memory_space<vmem>> -> memref<128x64xf32, #tpu.memory_space<vmem>>
    %dma_start3A_155 = arith.constant 0 : i32
    %dma_start3A_156 = tpu.memref_slice %arg6[%arg0, %add3A_151, %dma_start3A_155] : memref<2x10112x64xf32, #tpu.memory_space<hbm>> -> memref<1x128x64xf32, #tpu.memory_space<hbm>>
    %dma_start3A_157 = tpu.memref_squeeze %dma_start3A_156 : memref<1x128x64xf32, #tpu.memory_space<hbm>> -> memref<128x64xf32, #tpu.memory_space<hbm>>
    %dma_start3A_158 = arith.constant 0 : i32
    %dma_start3A_159 = tpu.memref_slice %arg6[%arg0, %add3A_151, %dma_start3A_158] : memref<2x10112x64xf32, #tpu.memory_space<hbm>> -> memref<1x128x64xf32, #tpu.memory_space<hbm>>
    %dma_start3A_160 = tpu.memref_squeeze %dma_start3A_159 : memref<1x128x64xf32, #tpu.memory_space<hbm>> -> memref<128x64xf32, #tpu.memory_space<hbm>>
    %dma_start3A_161 = arith.constant 0 : i32
    %dma_start3A_162 = arith.constant 0 : i32
    %dma_start3A_163 = tpu.memref_slice %arg12[%dma_start3A_161, %dma_start3A_162] : memref<128x64xf32, #tpu.memory_space<vmem>> -> memref<128x64xf32, #tpu.memory_space<vmem>>
    tpu.enqueue_dma source(%dma_start3A_163 : memref<128x64xf32, #tpu.memory_space<vmem>>) target(%dma_start3A_160 : memref<128x64xf32, #tpu.memory_space<hbm>>) target_semaphore(%arg21 : memref<!tpu.dma_semaphore, #tpu.memory_space<semaphore_mem>>)
    %add3A_164 = arith.constant 256 : i32
    %add3A_165 = arith.addi %mul3A_27, %add3A_164 : i32
    %dma_start3A_166 = arith.constant 0 : i32
    %dma_start3A_167 = arith.constant 0 : i32
    %dma_start3A_168 = tpu.memref_slice %arg13[%dma_start3A_166, %dma_start3A_167] : memref<128x64xf32, #tpu.memory_space<vmem>> -> memref<128x64xf32, #tpu.memory_space<vmem>>
    %dma_start3A_169 = arith.constant 0 : i32
    %dma_start3A_170 = tpu.memref_slice %arg6[%arg0, %add3A_165, %dma_start3A_169] : memref<2x10112x64xf32, #tpu.memory_space<hbm>> -> memref<1x128x64xf32, #tpu.memory_space<hbm>>
    %dma_start3A_171 = tpu.memref_squeeze %dma_start3A_170 : memref<1x128x64xf32, #tpu.memory_space<hbm>> -> memref<128x64xf32, #tpu.memory_space<hbm>>
    %dma_start3A_172 = arith.constant 0 : i32
    %dma_start3A_173 = tpu.memref_slice %arg6[%arg0, %add3A_165, %dma_start3A_172] : memref<2x10112x64xf32, #tpu.memory_space<hbm>> -> memref<1x128x64xf32, #tpu.memory_space<hbm>>
    %dma_start3A_174 = tpu.memref_squeeze %dma_start3A_173 : memref<1x128x64xf32, #tpu.memory_space<hbm>> -> memref<128x64xf32, #tpu.memory_space<hbm>>
    %dma_start3A_175 = arith.constant 0 : i32
    %dma_start3A_176 = arith.constant 0 : i32
    %dma_start3A_177 = tpu.memref_slice %arg13[%dma_start3A_175, %dma_start3A_176] : memref<128x64xf32, #tpu.memory_space<vmem>> -> memref<128x64xf32, #tpu.memory_space<vmem>>
    tpu.enqueue_dma source(%dma_start3A_177 : memref<128x64xf32, #tpu.memory_space<vmem>>) target(%dma_start3A_174 : memref<128x64xf32, #tpu.memory_space<hbm>>) target_semaphore(%arg21 : memref<!tpu.dma_semaphore, #tpu.memory_space<semaphore_mem>>)
    %add3A_178 = arith.constant 384 : i32
    %add3A_179 = arith.addi %mul3A_27, %add3A_178 : i32
    %dma_start3A_180 = arith.constant 0 : i32
    %dma_start3A_181 = arith.constant 0 : i32
    %dma_start3A_182 = tpu.memref_slice %arg14[%dma_start3A_180, %dma_start3A_181] : memref<128x64xf32, #tpu.memory_space<vmem>> -> memref<128x64xf32, #tpu.memory_space<vmem>>
    %dma_start3A_183 = arith.constant 0 : i32
    %dma_start3A_184 = tpu.memref_slice %arg6[%arg0, %add3A_179, %dma_start3A_183] : memref<2x10112x64xf32, #tpu.memory_space<hbm>> -> memref<1x128x64xf32, #tpu.memory_space<hbm>>
    %dma_start3A_185 = tpu.memref_squeeze %dma_start3A_184 : memref<1x128x64xf32, #tpu.memory_space<hbm>> -> memref<128x64xf32, #tpu.memory_space<hbm>>
    %dma_start3A_186 = arith.constant 0 : i32
    %dma_start3A_187 = tpu.memref_slice %arg6[%arg0, %add3A_179, %dma_start3A_186] : memref<2x10112x64xf32, #tpu.memory_space<hbm>> -> memref<1x128x64xf32, #tpu.memory_space<hbm>>
    %dma_start3A_188 = tpu.memref_squeeze %dma_start3A_187 : memref<1x128x64xf32, #tpu.memory_space<hbm>> -> memref<128x64xf32, #tpu.memory_space<hbm>>
    %dma_start3A_189 = arith.constant 0 : i32
    %dma_start3A_190 = arith.constant 0 : i32
    %dma_start3A_191 = tpu.memref_slice %arg14[%dma_start3A_189, %dma_start3A_190] : memref<128x64xf32, #tpu.memory_space<vmem>> -> memref<128x64xf32, #tpu.memory_space<vmem>>
    tpu.enqueue_dma source(%dma_start3A_191 : memref<128x64xf32, #tpu.memory_space<vmem>>) target(%dma_start3A_188 : memref<128x64xf32, #tpu.memory_space<hbm>>) target_semaphore(%arg21 : memref<!tpu.dma_semaphore, #tpu.memory_space<semaphore_mem>>)
    %add3A_192 = arith.constant 512 : i32
    %add3A_193 = arith.addi %mul3A_27, %add3A_192 : i32
    %dma_start3A_194 = arith.constant 0 : i32
    %dma_start3A_195 = arith.constant 0 : i32
    %dma_start3A_196 = tpu.memref_slice %arg8[%dma_start3A_194, %dma_start3A_195] : memref<128x64xf32, #tpu.memory_space<vmem>> -> memref<120x64xf32, #tpu.memory_space<vmem>>
    %dma_start3A_197 = arith.constant 0 : i32
    %dma_start3A_198 = tpu.memref_slice %arg6[%arg0, %add3A_193, %dma_start3A_197] : memref<2x10112x64xf32, #tpu.memory_space<hbm>> -> memref<1x120x64xf32, #tpu.memory_space<hbm>>
    %dma_start3A_199 = tpu.memref_squeeze %dma_start3A_198 : memref<1x120x64xf32, #tpu.memory_space<hbm>> -> memref<120x64xf32, #tpu.memory_space<hbm>>
    %dma_start3A_200 = arith.constant 0 : i32
    %dma_start3A_201 = tpu.memref_slice %arg6[%arg0, %add3A_193, %dma_start3A_200] : memref<2x10112x64xf32, #tpu.memory_space<hbm>> -> memref<1x120x64xf32, #tpu.memory_space<hbm>>
    %dma_start3A_202 = tpu.memref_squeeze %dma_start3A_201 : memref<1x120x64xf32, #tpu.memory_space<hbm>> -> memref<120x64xf32, #tpu.memory_space<hbm>>
    %dma_start3A_203 = arith.constant 0 : i32
    %dma_start3A_204 = arith.constant 0 : i32
    %dma_start3A_205 = tpu.memref_slice %arg8[%dma_start3A_203, %dma_start3A_204] : memref<128x64xf32, #tpu.memory_space<vmem>> -> memref<120x64xf32, #tpu.memory_space<vmem>>
    tpu.enqueue_dma source(%dma_start3A_205 : memref<120x64xf32, #tpu.memory_space<vmem>>) target(%dma_start3A_202 : memref<120x64xf32, #tpu.memory_space<hbm>>) target_semaphore(%arg21 : memref<!tpu.dma_semaphore, #tpu.memory_space<semaphore_mem>>)
    %dma_wait3A_206 = arith.constant 0 : i32
    %dma_wait3A_207 = arith.constant 0 : i32
    %dma_wait3A_208 = tpu.memref_slice %arg11[%dma_wait3A_206, %dma_wait3A_207] : memref<128x64xf32, #tpu.memory_space<vmem>> -> memref<128x64xf32, #tpu.memory_space<vmem>>
    %dma_wait3A_209 = arith.constant 0 : i32
    %dma_wait3A_210 = tpu.memref_slice %arg6[%arg0, %add3A_137, %dma_wait3A_209] : memref<2x10112x64xf32, #tpu.memory_space<hbm>> -> memref<1x128x64xf32, #tpu.memory_space<hbm>>
    %dma_wait3A_211 = tpu.memref_squeeze %dma_wait3A_210 : memref<1x128x64xf32, #tpu.memory_space<hbm>> -> memref<128x64xf32, #tpu.memory_space<hbm>>
    %dma_wait3A_212 = arith.constant 0 : i32
    %dma_wait3A_213 = tpu.memref_slice %arg6[%arg0, %add3A_137, %dma_wait3A_212] : memref<2x10112x64xf32, #tpu.memory_space<hbm>> -> memref<1x128x64xf32, #tpu.memory_space<hbm>>
    %dma_wait3A_214 = tpu.memref_squeeze %dma_wait3A_213 : memref<1x128x64xf32, #tpu.memory_space<hbm>> -> memref<128x64xf32, #tpu.memory_space<hbm>>
    %dma_wait3A_215 = arith.constant 0 : i32
    %dma_wait3A_216 = arith.constant 0 : i32
    %dma_wait3A_217 = tpu.memref_slice %arg11[%dma_wait3A_215, %dma_wait3A_216] : memref<128x64xf32, #tpu.memory_space<vmem>> -> memref<128x64xf32, #tpu.memory_space<vmem>>
    tpu.wait_dma2 semaphore(%arg21 : memref<!tpu.dma_semaphore, #tpu.memory_space<semaphore_mem>>) src(%dma_wait3A_217 : memref<128x64xf32, #tpu.memory_space<vmem>>) dst(%dma_wait3A_214 : memref<128x64xf32, #tpu.memory_space<hbm>>)
    %dma_wait3A_218 = arith.constant 0 : i32
    %dma_wait3A_219 = arith.constant 0 : i32
    %dma_wait3A_220 = tpu.memref_slice %arg12[%dma_wait3A_218, %dma_wait3A_219] : memref<128x64xf32, #tpu.memory_space<vmem>> -> memref<128x64xf32, #tpu.memory_space<vmem>>
    %dma_wait3A_221 = arith.constant 0 : i32
    %dma_wait3A_222 = tpu.memref_slice %arg6[%arg0, %add3A_151, %dma_wait3A_221] : memref<2x10112x64xf32, #tpu.memory_space<hbm>> -> memref<1x128x64xf32, #tpu.memory_space<hbm>>
    %dma_wait3A_223 = tpu.memref_squeeze %dma_wait3A_222 : memref<1x128x64xf32, #tpu.memory_space<hbm>> -> memref<128x64xf32, #tpu.memory_space<hbm>>
    %dma_wait3A_224 = arith.constant 0 : i32
    %dma_wait3A_225 = tpu.memref_slice %arg6[%arg0, %add3A_151, %dma_wait3A_224] : memref<2x10112x64xf32, #tpu.memory_space<hbm>> -> memref<1x128x64xf32, #tpu.memory_space<hbm>>
    %dma_wait3A_226 = tpu.memref_squeeze %dma_wait3A_225 : memref<1x128x64xf32, #tpu.memory_space<hbm>> -> memref<128x64xf32, #tpu.memory_space<hbm>>
    %dma_wait3A_227 = arith.constant 0 : i32
    %dma_wait3A_228 = arith.constant 0 : i32
    %dma_wait3A_229 = tpu.memref_slice %arg12[%dma_wait3A_227, %dma_wait3A_228] : memref<128x64xf32, #tpu.memory_space<vmem>> -> memref<128x64xf32, #tpu.memory_space<vmem>>
    tpu.wait_dma2 semaphore(%arg21 : memref<!tpu.dma_semaphore, #tpu.memory_space<semaphore_mem>>) src(%dma_wait3A_229 : memref<128x64xf32, #tpu.memory_space<vmem>>) dst(%dma_wait3A_226 : memref<128x64xf32, #tpu.memory_space<hbm>>)
    %dma_wait3A_230 = arith.constant 0 : i32
    %dma_wait3A_231 = arith.constant 0 : i32
    %dma_wait3A_232 = tpu.memref_slice %arg13[%dma_wait3A_230, %dma_wait3A_231] : memref<128x64xf32, #tpu.memory_space<vmem>> -> memref<128x64xf32, #tpu.memory_space<vmem>>
    %dma_wait3A_233 = arith.constant 0 : i32
    %dma_wait3A_234 = tpu.memref_slice %arg6[%arg0, %add3A_165, %dma_wait3A_233] : memref<2x10112x64xf32, #tpu.memory_space<hbm>> -> memref<1x128x64xf32, #tpu.memory_space<hbm>>
    %dma_wait3A_235 = tpu.memref_squeeze %dma_wait3A_234 : memref<1x128x64xf32, #tpu.memory_space<hbm>> -> memref<128x64xf32, #tpu.memory_space<hbm>>
    %dma_wait3A_236 = arith.constant 0 : i32
    %dma_wait3A_237 = tpu.memref_slice %arg6[%arg0, %add3A_165, %dma_wait3A_236] : memref<2x10112x64xf32, #tpu.memory_space<hbm>> -> memref<1x128x64xf32, #tpu.memory_space<hbm>>
    %dma_wait3A_238 = tpu.memref_squeeze %dma_wait3A_237 : memref<1x128x64xf32, #tpu.memory_space<hbm>> -> memref<128x64xf32, #tpu.memory_space<hbm>>
    %dma_wait3A_239 = arith.constant 0 : i32
    %dma_wait3A_240 = arith.constant 0 : i32
    %dma_wait3A_241 = tpu.memref_slice %arg13[%dma_wait3A_239, %dma_wait3A_240] : memref<128x64xf32, #tpu.memory_space<vmem>> -> memref<128x64xf32, #tpu.memory_space<vmem>>
    tpu.wait_dma2 semaphore(%arg21 : memref<!tpu.dma_semaphore, #tpu.memory_space<semaphore_mem>>) src(%dma_wait3A_241 : memref<128x64xf32, #tpu.memory_space<vmem>>) dst(%dma_wait3A_238 : memref<128x64xf32, #tpu.memory_space<hbm>>)
    %dma_wait3A_242 = arith.constant 0 : i32
    %dma_wait3A_243 = arith.constant 0 : i32
    %dma_wait3A_244 = tpu.memref_slice %arg14[%dma_wait3A_242, %dma_wait3A_243] : memref<128x64xf32, #tpu.memory_space<vmem>> -> memref<128x64xf32, #tpu.memory_space<vmem>>
    %dma_wait3A_245 = arith.constant 0 : i32
    %dma_wait3A_246 = tpu.memref_slice %arg6[%arg0, %add3A_179, %dma_wait3A_245] : memref<2x10112x64xf32, #tpu.memory_space<hbm>> -> memref<1x128x64xf32, #tpu.memory_space<hbm>>
    %dma_wait3A_247 = tpu.memref_squeeze %dma_wait3A_246 : memref<1x128x64xf32, #tpu.memory_space<hbm>> -> memref<128x64xf32, #tpu.memory_space<hbm>>
    %dma_wait3A_248 = arith.constant 0 : i32
    %dma_wait3A_249 = tpu.memref_slice %arg6[%arg0, %add3A_179, %dma_wait3A_248] : memref<2x10112x64xf32, #tpu.memory_space<hbm>> -> memref<1x128x64xf32, #tpu.memory_space<hbm>>
    %dma_wait3A_250 = tpu.memref_squeeze %dma_wait3A_249 : memref<1x128x64xf32, #tpu.memory_space<hbm>> -> memref<128x64xf32, #tpu.memory_space<hbm>>
    %dma_wait3A_251 = arith.constant 0 : i32
    %dma_wait3A_252 = arith.constant 0 : i32
    %dma_wait3A_253 = tpu.memref_slice %arg14[%dma_wait3A_251, %dma_wait3A_252] : memref<128x64xf32, #tpu.memory_space<vmem>> -> memref<128x64xf32, #tpu.memory_space<vmem>>
    tpu.wait_dma2 semaphore(%arg21 : memref<!tpu.dma_semaphore, #tpu.memory_space<semaphore_mem>>) src(%dma_wait3A_253 : memref<128x64xf32, #tpu.memory_space<vmem>>) dst(%dma_wait3A_250 : memref<128x64xf32, #tpu.memory_space<hbm>>)
    %dma_wait3A_254 = arith.constant 0 : i32
    %dma_wait3A_255 = arith.constant 0 : i32
    %dma_wait3A_256 = tpu.memref_slice %arg8[%dma_wait3A_254, %dma_wait3A_255] : memref<128x64xf32, #tpu.memory_space<vmem>> -> memref<120x64xf32, #tpu.memory_space<vmem>>
    %dma_wait3A_257 = arith.constant 0 : i32
    %dma_wait3A_258 = tpu.memref_slice %arg6[%arg0, %add3A_193, %dma_wait3A_257] : memref<2x10112x64xf32, #tpu.memory_space<hbm>> -> memref<1x120x64xf32, #tpu.memory_space<hbm>>
    %dma_wait3A_259 = tpu.memref_squeeze %dma_wait3A_258 : memref<1x120x64xf32, #tpu.memory_space<hbm>> -> memref<120x64xf32, #tpu.memory_space<hbm>>
    %dma_wait3A_260 = arith.constant 0 : i32
    %dma_wait3A_261 = tpu.memref_slice %arg6[%arg0, %add3A_193, %dma_wait3A_260] : memref<2x10112x64xf32, #tpu.memory_space<hbm>> -> memref<1x120x64xf32, #tpu.memory_space<hbm>>
    %dma_wait3A_262 = tpu.memref_squeeze %dma_wait3A_261 : memref<1x120x64xf32, #tpu.memory_space<hbm>> -> memref<120x64xf32, #tpu.memory_space<hbm>>
    %dma_wait3A_263 = arith.constant 0 : i32
    %dma_wait3A_264 = arith.constant 0 : i32
    %dma_wait3A_265 = tpu.memref_slice %arg8[%dma_wait3A_263, %dma_wait3A_264] : memref<128x64xf32, #tpu.memory_space<vmem>> -> memref<120x64xf32, #tpu.memory_space<vmem>>
    tpu.wait_dma2 semaphore(%arg21 : memref<!tpu.dma_semaphore, #tpu.memory_space<semaphore_mem>>) src(%dma_wait3A_265 : memref<120x64xf32, #tpu.memory_space<vmem>>) dst(%dma_wait3A_262 : memref<120x64xf32, #tpu.memory_space<hbm>>)
    return
  }
}

#map = affine_map<(d0, d1) -> (0, 0, 0)>
#map1 = affine_map<(d0, d1) -> (0)>
#map2 = affine_map<(d0, d1) -> (0, 0)>
module attributes {stable_mosaic.version = 14 : i64} {
  func.func @body(%arg0: i32, %arg1: i32, %arg2: memref<2x10000x64xf32, #tpu.memory_space<hbm>>, %arg3: memref<606208xi32, #tpu.memory_space<hbm>>, %arg4: memref<606208xi32, #tpu.memory_space<hbm>>, %arg5: memref<128x64xf32, #tpu.memory_space<hbm>>, %arg6: memref<2x50560x64xf32, #tpu.memory_space<hbm>>, %arg7: memref<10240x64xf32, #tpu.memory_space<vmem_shared>>, %arg8: memref<128x64xf32, #tpu.memory_space<vmem>>, %arg9: memref<1024xi32, #tpu.memory_space<vmem>>, %arg10: memref<1024xi32, #tpu.memory_space<vmem>>, %arg11: memref<128xi32, #tpu.memory_space<vmem>>, %arg12: memref<128xi32, #tpu.memory_space<vmem>>, %arg13: memref<128xi32, #tpu.memory_space<vmem>>, %arg14: memref<128xi32, #tpu.memory_space<vmem>>, %arg15: memref<38144xi32, #tpu.memory_space<vmem>>, %arg16: memref<128x64xf32, #tpu.memory_space<vmem>>, %arg17: memref<128x64xf32, #tpu.memory_space<vmem>>, %arg18: memref<!tpu.dma_semaphore, #tpu.memory_space<semaphore_mem>>, %arg19: memref<!tpu.dma_semaphore, #tpu.memory_space<semaphore_mem>>, %arg20: memref<!tpu.dma_semaphore, #tpu.memory_space<semaphore_mem>>) attributes {dimension_semantics = [#tpu.dimension_semantics<core_parallel>, #tpu.dimension_semantics<subcore_parallel>], iteration_bounds = array<i64: 2, 16>, scalar_prefetch = 0 : i64, scratch_operands = 14 : i64, tpu.core_type = #tpu.core_type<sc_vector_subcore>, window_params = [{transform_indices = #map}, {transform_indices = #map1}, {transform_indices = #map1}, {transform_indices = #map2}, {transform_indices = #map}]} {
    %mul3A = arith.constant 37888 : i32
    %mul3A_0 = arith.muli %arg1, %mul3A : i32
    %scan3A = arith.constant 0 : i32
    %scan3A_1 = arith.constant 0 : i32
    %scan3A_2 = arith.constant 5 : i32
    %scan3A_3 = arith.addi %scan3A_1, %scan3A_2 : i32
    %scan3A_4 = arith.constant 1 : i32
    scf.for %scan3A_6 = %scan3A_1 to %scan3A_3 step %scan3A_4  : i32 {
      %mul3A_7 = arith.constant 10112 : i32
      %mul3A_8 = arith.muli %scan3A_6, %mul3A_7 : i32
      "tpu.region"() ({
        %run_scoped3A = tpu.sem_alloc : memref<!tpu.dma_semaphore, #tpu.memory_space<semaphore_mem>>
        tpu.enqueue_dma source(%arg5 : memref<128x64xf32, #tpu.memory_space<hbm>>) target(%arg8 : memref<128x64xf32, #tpu.memory_space<vmem>>) target_semaphore(%run_scoped3A : memref<!tpu.dma_semaphore, #tpu.memory_space<semaphore_mem>>)
        tpu.wait_dma2 semaphore(%run_scoped3A : memref<!tpu.dma_semaphore, #tpu.memory_space<semaphore_mem>>) src(%arg5 : memref<128x64xf32, #tpu.memory_space<hbm>>) dst(%arg8 : memref<128x64xf32, #tpu.memory_space<vmem>>)
        tpu.yield
      }) : () -> ()
      %mul3A_9 = arith.constant 640 : i32
      %mul3A_10 = arith.muli %arg1, %mul3A_9 : i32
      %add3A = arith.constant 0 : i32
      %add3A_11 = arith.addi %mul3A_10, %add3A : i32
      "tpu.region"() ({
        %run_scoped3A = tpu.sem_alloc : memref<!tpu.dma_semaphore, #tpu.memory_space<semaphore_mem>>
        %dma_start3A_309 = arith.constant 0 : i32
        %dma_start3A_310 = arith.constant 0 : i32
        %dma_start3A_311 = tpu.memref_slice %arg8[%dma_start3A_309, %dma_start3A_310] : memref<128x64xf32, #tpu.memory_space<vmem>> -> memref<128x64xf32, #tpu.memory_space<vmem>>
        %dma_start3A_312 = arith.constant 0 : i32
        %dma_start3A_313 = tpu.memref_slice %arg7[%add3A_11, %dma_start3A_312] : memref<10240x64xf32, #tpu.memory_space<vmem_shared>> -> memref<128x64xf32, #tpu.memory_space<vmem_shared>>
        %dma_start3A_314 = arith.constant 0 : i32
        %dma_start3A_315 = tpu.memref_slice %arg7[%add3A_11, %dma_start3A_314] : memref<10240x64xf32, #tpu.memory_space<vmem_shared>> -> memref<128x64xf32, #tpu.memory_space<vmem_shared>>
        %dma_start3A_316 = arith.constant 0 : i32
        %dma_start3A_317 = arith.constant 0 : i32
        %dma_start3A_318 = tpu.memref_slice %arg8[%dma_start3A_316, %dma_start3A_317] : memref<128x64xf32, #tpu.memory_space<vmem>> -> memref<128x64xf32, #tpu.memory_space<vmem>>
        tpu.enqueue_dma source(%dma_start3A_318 : memref<128x64xf32, #tpu.memory_space<vmem>>) target(%dma_start3A_315 : memref<128x64xf32, #tpu.memory_space<vmem_shared>>) target_semaphore(%run_scoped3A : memref<!tpu.dma_semaphore, #tpu.memory_space<semaphore_mem>>)
        %dma_wait3A_319 = arith.constant 0 : i32
        %dma_wait3A_320 = arith.constant 0 : i32
        %dma_wait3A_321 = tpu.memref_slice %arg8[%dma_wait3A_319, %dma_wait3A_320] : memref<128x64xf32, #tpu.memory_space<vmem>> -> memref<128x64xf32, #tpu.memory_space<vmem>>
        %dma_wait3A_322 = arith.constant 0 : i32
        %dma_wait3A_323 = tpu.memref_slice %arg7[%add3A_11, %dma_wait3A_322] : memref<10240x64xf32, #tpu.memory_space<vmem_shared>> -> memref<128x64xf32, #tpu.memory_space<vmem_shared>>
        %dma_wait3A_324 = arith.constant 0 : i32
        %dma_wait3A_325 = tpu.memref_slice %arg7[%add3A_11, %dma_wait3A_324] : memref<10240x64xf32, #tpu.memory_space<vmem_shared>> -> memref<128x64xf32, #tpu.memory_space<vmem_shared>>
        %dma_wait3A_326 = arith.constant 0 : i32
        %dma_wait3A_327 = arith.constant 0 : i32
        %dma_wait3A_328 = tpu.memref_slice %arg8[%dma_wait3A_326, %dma_wait3A_327] : memref<128x64xf32, #tpu.memory_space<vmem>> -> memref<128x64xf32, #tpu.memory_space<vmem>>
        tpu.wait_dma2 semaphore(%run_scoped3A : memref<!tpu.dma_semaphore, #tpu.memory_space<semaphore_mem>>) src(%dma_wait3A_328 : memref<128x64xf32, #tpu.memory_space<vmem>>) dst(%dma_wait3A_325 : memref<128x64xf32, #tpu.memory_space<vmem_shared>>)
        tpu.yield
      }) : () -> ()
      %mul3A_12 = arith.constant 640 : i32
      %mul3A_13 = arith.muli %arg1, %mul3A_12 : i32
      %add3A_14 = arith.constant 128 : i32
      %add3A_15 = arith.addi %mul3A_13, %add3A_14 : i32
      "tpu.region"() ({
        %run_scoped3A = tpu.sem_alloc : memref<!tpu.dma_semaphore, #tpu.memory_space<semaphore_mem>>
        %dma_start3A_309 = arith.constant 0 : i32
        %dma_start3A_310 = arith.constant 0 : i32
        %dma_start3A_311 = tpu.memref_slice %arg8[%dma_start3A_309, %dma_start3A_310] : memref<128x64xf32, #tpu.memory_space<vmem>> -> memref<128x64xf32, #tpu.memory_space<vmem>>
        %dma_start3A_312 = arith.constant 0 : i32
        %dma_start3A_313 = tpu.memref_slice %arg7[%add3A_15, %dma_start3A_312] : memref<10240x64xf32, #tpu.memory_space<vmem_shared>> -> memref<128x64xf32, #tpu.memory_space<vmem_shared>>
        %dma_start3A_314 = arith.constant 0 : i32
        %dma_start3A_315 = tpu.memref_slice %arg7[%add3A_15, %dma_start3A_314] : memref<10240x64xf32, #tpu.memory_space<vmem_shared>> -> memref<128x64xf32, #tpu.memory_space<vmem_shared>>
        %dma_start3A_316 = arith.constant 0 : i32
        %dma_start3A_317 = arith.constant 0 : i32
        %dma_start3A_318 = tpu.memref_slice %arg8[%dma_start3A_316, %dma_start3A_317] : memref<128x64xf32, #tpu.memory_space<vmem>> -> memref<128x64xf32, #tpu.memory_space<vmem>>
        tpu.enqueue_dma source(%dma_start3A_318 : memref<128x64xf32, #tpu.memory_space<vmem>>) target(%dma_start3A_315 : memref<128x64xf32, #tpu.memory_space<vmem_shared>>) target_semaphore(%run_scoped3A : memref<!tpu.dma_semaphore, #tpu.memory_space<semaphore_mem>>)
        %dma_wait3A_319 = arith.constant 0 : i32
        %dma_wait3A_320 = arith.constant 0 : i32
        %dma_wait3A_321 = tpu.memref_slice %arg8[%dma_wait3A_319, %dma_wait3A_320] : memref<128x64xf32, #tpu.memory_space<vmem>> -> memref<128x64xf32, #tpu.memory_space<vmem>>
        %dma_wait3A_322 = arith.constant 0 : i32
        %dma_wait3A_323 = tpu.memref_slice %arg7[%add3A_15, %dma_wait3A_322] : memref<10240x64xf32, #tpu.memory_space<vmem_shared>> -> memref<128x64xf32, #tpu.memory_space<vmem_shared>>
        %dma_wait3A_324 = arith.constant 0 : i32
        %dma_wait3A_325 = tpu.memref_slice %arg7[%add3A_15, %dma_wait3A_324] : memref<10240x64xf32, #tpu.memory_space<vmem_shared>> -> memref<128x64xf32, #tpu.memory_space<vmem_shared>>
        %dma_wait3A_326 = arith.constant 0 : i32
        %dma_wait3A_327 = arith.constant 0 : i32
        %dma_wait3A_328 = tpu.memref_slice %arg8[%dma_wait3A_326, %dma_wait3A_327] : memref<128x64xf32, #tpu.memory_space<vmem>> -> memref<128x64xf32, #tpu.memory_space<vmem>>
        tpu.wait_dma2 semaphore(%run_scoped3A : memref<!tpu.dma_semaphore, #tpu.memory_space<semaphore_mem>>) src(%dma_wait3A_328 : memref<128x64xf32, #tpu.memory_space<vmem>>) dst(%dma_wait3A_325 : memref<128x64xf32, #tpu.memory_space<vmem_shared>>)
        tpu.yield
      }) : () -> ()
      %mul3A_16 = arith.constant 640 : i32
      %mul3A_17 = arith.muli %arg1, %mul3A_16 : i32
      %add3A_18 = arith.constant 256 : i32
      %add3A_19 = arith.addi %mul3A_17, %add3A_18 : i32
      "tpu.region"() ({
        %run_scoped3A = tpu.sem_alloc : memref<!tpu.dma_semaphore, #tpu.memory_space<semaphore_mem>>
        %dma_start3A_309 = arith.constant 0 : i32
        %dma_start3A_310 = arith.constant 0 : i32
        %dma_start3A_311 = tpu.memref_slice %arg8[%dma_start3A_309, %dma_start3A_310] : memref<128x64xf32, #tpu.memory_space<vmem>> -> memref<128x64xf32, #tpu.memory_space<vmem>>
        %dma_start3A_312 = arith.constant 0 : i32
        %dma_start3A_313 = tpu.memref_slice %arg7[%add3A_19, %dma_start3A_312] : memref<10240x64xf32, #tpu.memory_space<vmem_shared>> -> memref<128x64xf32, #tpu.memory_space<vmem_shared>>
        %dma_start3A_314 = arith.constant 0 : i32
        %dma_start3A_315 = tpu.memref_slice %arg7[%add3A_19, %dma_start3A_314] : memref<10240x64xf32, #tpu.memory_space<vmem_shared>> -> memref<128x64xf32, #tpu.memory_space<vmem_shared>>
        %dma_start3A_316 = arith.constant 0 : i32
        %dma_start3A_317 = arith.constant 0 : i32
        %dma_start3A_318 = tpu.memref_slice %arg8[%dma_start3A_316, %dma_start3A_317] : memref<128x64xf32, #tpu.memory_space<vmem>> -> memref<128x64xf32, #tpu.memory_space<vmem>>
        tpu.enqueue_dma source(%dma_start3A_318 : memref<128x64xf32, #tpu.memory_space<vmem>>) target(%dma_start3A_315 : memref<128x64xf32, #tpu.memory_space<vmem_shared>>) target_semaphore(%run_scoped3A : memref<!tpu.dma_semaphore, #tpu.memory_space<semaphore_mem>>)
        %dma_wait3A_319 = arith.constant 0 : i32
        %dma_wait3A_320 = arith.constant 0 : i32
        %dma_wait3A_321 = tpu.memref_slice %arg8[%dma_wait3A_319, %dma_wait3A_320] : memref<128x64xf32, #tpu.memory_space<vmem>> -> memref<128x64xf32, #tpu.memory_space<vmem>>
        %dma_wait3A_322 = arith.constant 0 : i32
        %dma_wait3A_323 = tpu.memref_slice %arg7[%add3A_19, %dma_wait3A_322] : memref<10240x64xf32, #tpu.memory_space<vmem_shared>> -> memref<128x64xf32, #tpu.memory_space<vmem_shared>>
        %dma_wait3A_324 = arith.constant 0 : i32
        %dma_wait3A_325 = tpu.memref_slice %arg7[%add3A_19, %dma_wait3A_324] : memref<10240x64xf32, #tpu.memory_space<vmem_shared>> -> memref<128x64xf32, #tpu.memory_space<vmem_shared>>
        %dma_wait3A_326 = arith.constant 0 : i32
        %dma_wait3A_327 = arith.constant 0 : i32
        %dma_wait3A_328 = tpu.memref_slice %arg8[%dma_wait3A_326, %dma_wait3A_327] : memref<128x64xf32, #tpu.memory_space<vmem>> -> memref<128x64xf32, #tpu.memory_space<vmem>>
        tpu.wait_dma2 semaphore(%run_scoped3A : memref<!tpu.dma_semaphore, #tpu.memory_space<semaphore_mem>>) src(%dma_wait3A_328 : memref<128x64xf32, #tpu.memory_space<vmem>>) dst(%dma_wait3A_325 : memref<128x64xf32, #tpu.memory_space<vmem_shared>>)
        tpu.yield
      }) : () -> ()
      %mul3A_20 = arith.constant 640 : i32
      %mul3A_21 = arith.muli %arg1, %mul3A_20 : i32
      %add3A_22 = arith.constant 384 : i32
      %add3A_23 = arith.addi %mul3A_21, %add3A_22 : i32
      "tpu.region"() ({
        %run_scoped3A = tpu.sem_alloc : memref<!tpu.dma_semaphore, #tpu.memory_space<semaphore_mem>>
        %dma_start3A_309 = arith.constant 0 : i32
        %dma_start3A_310 = arith.constant 0 : i32
        %dma_start3A_311 = tpu.memref_slice %arg8[%dma_start3A_309, %dma_start3A_310] : memref<128x64xf32, #tpu.memory_space<vmem>> -> memref<128x64xf32, #tpu.memory_space<vmem>>
        %dma_start3A_312 = arith.constant 0 : i32
        %dma_start3A_313 = tpu.memref_slice %arg7[%add3A_23, %dma_start3A_312] : memref<10240x64xf32, #tpu.memory_space<vmem_shared>> -> memref<128x64xf32, #tpu.memory_space<vmem_shared>>
        %dma_start3A_314 = arith.constant 0 : i32
        %dma_start3A_315 = tpu.memref_slice %arg7[%add3A_23, %dma_start3A_314] : memref<10240x64xf32, #tpu.memory_space<vmem_shared>> -> memref<128x64xf32, #tpu.memory_space<vmem_shared>>
        %dma_start3A_316 = arith.constant 0 : i32
        %dma_start3A_317 = arith.constant 0 : i32
        %dma_start3A_318 = tpu.memref_slice %arg8[%dma_start3A_316, %dma_start3A_317] : memref<128x64xf32, #tpu.memory_space<vmem>> -> memref<128x64xf32, #tpu.memory_space<vmem>>
        tpu.enqueue_dma source(%dma_start3A_318 : memref<128x64xf32, #tpu.memory_space<vmem>>) target(%dma_start3A_315 : memref<128x64xf32, #tpu.memory_space<vmem_shared>>) target_semaphore(%run_scoped3A : memref<!tpu.dma_semaphore, #tpu.memory_space<semaphore_mem>>)
        %dma_wait3A_319 = arith.constant 0 : i32
        %dma_wait3A_320 = arith.constant 0 : i32
        %dma_wait3A_321 = tpu.memref_slice %arg8[%dma_wait3A_319, %dma_wait3A_320] : memref<128x64xf32, #tpu.memory_space<vmem>> -> memref<128x64xf32, #tpu.memory_space<vmem>>
        %dma_wait3A_322 = arith.constant 0 : i32
        %dma_wait3A_323 = tpu.memref_slice %arg7[%add3A_23, %dma_wait3A_322] : memref<10240x64xf32, #tpu.memory_space<vmem_shared>> -> memref<128x64xf32, #tpu.memory_space<vmem_shared>>
        %dma_wait3A_324 = arith.constant 0 : i32
        %dma_wait3A_325 = tpu.memref_slice %arg7[%add3A_23, %dma_wait3A_324] : memref<10240x64xf32, #tpu.memory_space<vmem_shared>> -> memref<128x64xf32, #tpu.memory_space<vmem_shared>>
        %dma_wait3A_326 = arith.constant 0 : i32
        %dma_wait3A_327 = arith.constant 0 : i32
        %dma_wait3A_328 = tpu.memref_slice %arg8[%dma_wait3A_326, %dma_wait3A_327] : memref<128x64xf32, #tpu.memory_space<vmem>> -> memref<128x64xf32, #tpu.memory_space<vmem>>
        tpu.wait_dma2 semaphore(%run_scoped3A : memref<!tpu.dma_semaphore, #tpu.memory_space<semaphore_mem>>) src(%dma_wait3A_328 : memref<128x64xf32, #tpu.memory_space<vmem>>) dst(%dma_wait3A_325 : memref<128x64xf32, #tpu.memory_space<vmem_shared>>)
        tpu.yield
      }) : () -> ()
      %mul3A_24 = arith.constant 640 : i32
      %mul3A_25 = arith.muli %arg1, %mul3A_24 : i32
      %add3A_26 = arith.constant 512 : i32
      %add3A_27 = arith.addi %mul3A_25, %add3A_26 : i32
      "tpu.region"() ({
        %run_scoped3A = tpu.sem_alloc : memref<!tpu.dma_semaphore, #tpu.memory_space<semaphore_mem>>
        %dma_start3A_309 = arith.constant 0 : i32
        %dma_start3A_310 = arith.constant 0 : i32
        %dma_start3A_311 = tpu.memref_slice %arg8[%dma_start3A_309, %dma_start3A_310] : memref<128x64xf32, #tpu.memory_space<vmem>> -> memref<128x64xf32, #tpu.memory_space<vmem>>
        %dma_start3A_312 = arith.constant 0 : i32
        %dma_start3A_313 = tpu.memref_slice %arg7[%add3A_27, %dma_start3A_312] : memref<10240x64xf32, #tpu.memory_space<vmem_shared>> -> memref<128x64xf32, #tpu.memory_space<vmem_shared>>
        %dma_start3A_314 = arith.constant 0 : i32
        %dma_start3A_315 = tpu.memref_slice %arg7[%add3A_27, %dma_start3A_314] : memref<10240x64xf32, #tpu.memory_space<vmem_shared>> -> memref<128x64xf32, #tpu.memory_space<vmem_shared>>
        %dma_start3A_316 = arith.constant 0 : i32
        %dma_start3A_317 = arith.constant 0 : i32
        %dma_start3A_318 = tpu.memref_slice %arg8[%dma_start3A_316, %dma_start3A_317] : memref<128x64xf32, #tpu.memory_space<vmem>> -> memref<128x64xf32, #tpu.memory_space<vmem>>
        tpu.enqueue_dma source(%dma_start3A_318 : memref<128x64xf32, #tpu.memory_space<vmem>>) target(%dma_start3A_315 : memref<128x64xf32, #tpu.memory_space<vmem_shared>>) target_semaphore(%run_scoped3A : memref<!tpu.dma_semaphore, #tpu.memory_space<semaphore_mem>>)
        %dma_wait3A_319 = arith.constant 0 : i32
        %dma_wait3A_320 = arith.constant 0 : i32
        %dma_wait3A_321 = tpu.memref_slice %arg8[%dma_wait3A_319, %dma_wait3A_320] : memref<128x64xf32, #tpu.memory_space<vmem>> -> memref<128x64xf32, #tpu.memory_space<vmem>>
        %dma_wait3A_322 = arith.constant 0 : i32
        %dma_wait3A_323 = tpu.memref_slice %arg7[%add3A_27, %dma_wait3A_322] : memref<10240x64xf32, #tpu.memory_space<vmem_shared>> -> memref<128x64xf32, #tpu.memory_space<vmem_shared>>
        %dma_wait3A_324 = arith.constant 0 : i32
        %dma_wait3A_325 = tpu.memref_slice %arg7[%add3A_27, %dma_wait3A_324] : memref<10240x64xf32, #tpu.memory_space<vmem_shared>> -> memref<128x64xf32, #tpu.memory_space<vmem_shared>>
        %dma_wait3A_326 = arith.constant 0 : i32
        %dma_wait3A_327 = arith.constant 0 : i32
        %dma_wait3A_328 = tpu.memref_slice %arg8[%dma_wait3A_326, %dma_wait3A_327] : memref<128x64xf32, #tpu.memory_space<vmem>> -> memref<128x64xf32, #tpu.memory_space<vmem>>
        tpu.wait_dma2 semaphore(%run_scoped3A : memref<!tpu.dma_semaphore, #tpu.memory_space<semaphore_mem>>) src(%dma_wait3A_328 : memref<128x64xf32, #tpu.memory_space<vmem>>) dst(%dma_wait3A_325 : memref<128x64xf32, #tpu.memory_space<vmem_shared>>)
        tpu.yield
      }) : () -> ()
      %barrier3A = arith.constant 0 : index
      tpu.barrier barrier_id(%barrier3A)
      %scan3A_28 = arith.constant 0 : i32
      %scan3A_29 = arith.constant 0 : i32
      %scan3A_30 = arith.constant 37 : i32
      %scan3A_31 = arith.addi %scan3A_29, %scan3A_30 : i32
      %scan3A_32 = arith.constant 1 : i32
      %scan3A_33 = scf.for %scan3A_309 = %scan3A_29 to %scan3A_31 step %scan3A_32 iter_args(%scan3A_310 = %scan3A_28) -> (i32)  : i32 {
        %mul3A_311 = arith.constant 1024 : i32
        %mul3A_312 = arith.muli %scan3A_309, %mul3A_311 : i32
        %add3A_313 = arith.addi %mul3A_0, %mul3A_312 : i32
        %dma_start3A_314 = tpu.memref_slice %arg3[%add3A_313] : memref<606208xi32, #tpu.memory_space<hbm>> -> memref<1024xi32, #tpu.memory_space<hbm>>
        %dma_start3A_315 = tpu.memref_slice %arg3[%add3A_313] : memref<606208xi32, #tpu.memory_space<hbm>> -> memref<1024xi32, #tpu.memory_space<hbm>>
        tpu.enqueue_dma source(%dma_start3A_315 : memref<1024xi32, #tpu.memory_space<hbm>>) target(%arg9 : memref<1024xi32, #tpu.memory_space<vmem>>) target_semaphore(%arg18 : memref<!tpu.dma_semaphore, #tpu.memory_space<semaphore_mem>>)
        %dma_start3A_316 = tpu.memref_slice %arg4[%add3A_313] : memref<606208xi32, #tpu.memory_space<hbm>> -> memref<1024xi32, #tpu.memory_space<hbm>>
        %dma_start3A_317 = tpu.memref_slice %arg4[%add3A_313] : memref<606208xi32, #tpu.memory_space<hbm>> -> memref<1024xi32, #tpu.memory_space<hbm>>
        tpu.enqueue_dma source(%dma_start3A_317 : memref<1024xi32, #tpu.memory_space<hbm>>) target(%arg10 : memref<1024xi32, #tpu.memory_space<vmem>>) target_semaphore(%arg18 : memref<!tpu.dma_semaphore, #tpu.memory_space<semaphore_mem>>)
        %dma_wait3A_318 = tpu.memref_slice %arg3[%add3A_313] : memref<606208xi32, #tpu.memory_space<hbm>> -> memref<1024xi32, #tpu.memory_space<hbm>>
        %dma_wait3A_319 = tpu.memref_slice %arg3[%add3A_313] : memref<606208xi32, #tpu.memory_space<hbm>> -> memref<1024xi32, #tpu.memory_space<hbm>>
        tpu.wait_dma2 semaphore(%arg18 : memref<!tpu.dma_semaphore, #tpu.memory_space<semaphore_mem>>) src(%dma_wait3A_319 : memref<1024xi32, #tpu.memory_space<hbm>>) dst(%arg9 : memref<1024xi32, #tpu.memory_space<vmem>>)
        %dma_wait3A_320 = tpu.memref_slice %arg4[%add3A_313] : memref<606208xi32, #tpu.memory_space<hbm>> -> memref<1024xi32, #tpu.memory_space<hbm>>
        %dma_wait3A_321 = tpu.memref_slice %arg4[%add3A_313] : memref<606208xi32, #tpu.memory_space<hbm>> -> memref<1024xi32, #tpu.memory_space<hbm>>
        tpu.wait_dma2 semaphore(%arg18 : memref<!tpu.dma_semaphore, #tpu.memory_space<semaphore_mem>>) src(%dma_wait3A_321 : memref<1024xi32, #tpu.memory_space<hbm>>) dst(%arg10 : memref<1024xi32, #tpu.memory_space<vmem>>)
        %scan3A_322 = arith.constant 0 : i32
        %scan3A_323 = arith.constant 4 : i32
        %scan3A_324 = arith.addi %scan3A_322, %scan3A_323 : i32
        %scan3A_325 = arith.constant 1 : i32
        %scan3A_326 = scf.for %scan3A_328 = %scan3A_322 to %scan3A_324 step %scan3A_325 iter_args(%scan3A_329 = %scan3A_310) -> (i32)  : i32 {
          %mul3A_330 = arith.constant 16 : i32
          %mul3A_331 = arith.muli %scan3A_328, %mul3A_330 : i32
          %add3A_332 = arith.constant 0 : i32
          %add3A_333 = arith.addi %mul3A_331, %add3A_332 : i32
          %mul3A_334 = arith.constant 16 : i32
          %mul3A_335 = arith.muli %add3A_333, %mul3A_334 : i32
          %get3A = arith.index_cast %mul3A_335 : i32 to index
          %get3A_336 = tpu.vector_load %arg10[%get3A] {strides = array<i32>} : memref<1024xi32, #tpu.memory_space<vmem>>, vector<16xi32>,
          %get3A_337 = arith.index_cast %mul3A_335 : i32 to index
          %get3A_338 = tpu.vector_load %arg9[%get3A_337] {strides = array<i32>} : memref<1024xi32, #tpu.memory_space<vmem>>, vector<16xi32>,
          %sub3A_339 = vector.broadcast %mul3A_8 : i32 to vector<16xi32>
          %sub3A_340 = arith.subi %get3A_336, %sub3A_339 : vector<16xi32>
          %ge3A = arith.constant 0 : i32
          %ge3A_341 = vector.broadcast %ge3A : i32 to vector<16xi32>
          %ge3A_342 = arith.cmpi sge, %sub3A_340, %ge3A_341 : vector<16xi32>
          %lt3A = arith.constant 10112 : i32
          %lt3A_343 = vector.broadcast %lt3A : i32 to vector<16xi32>
          %lt3A_344 = arith.cmpi slt, %sub3A_340, %lt3A_343 : vector<16xi32>
          %and3A_345 = arith.andi %ge3A_342, %lt3A_344 : vector<16xi1>
          %shift_left3A = arith.constant 14 : i32
          %shift_left3A_346 = vector.broadcast %shift_left3A : i32 to vector<16xi32>
          %shift_left3A_347 = arith.shli %sub3A_340, %shift_left3A_346 : vector<16xi32>
          %or3A = arith.ori %shift_left3A_347, %get3A_338 : vector<16xi32>
          %swap3A = arith.index_cast %scan3A_329 : i32 to index
          %swap3A_348 = tpu.vector_load %arg15[%swap3A] masked %and3A_345 {strides = array<i32>} : memref<38144xi32, #tpu.memory_space<vmem>>, vector<16xi32>, vector<16xi1>
          tpu.vector_store %arg15[%swap3A], %or3A masked %and3A_345 {strides = array<i32>} : memref<38144xi32, #tpu.memory_space<vmem>>, vector<16xi32>, vector<16xi1>
          %convert_element_type3A_349 = arith.extui %and3A_345 : vector<16xi1> to vector<16xi32>
          %reduce_sum3A = arith.constant true
          %reduce_sum3A_350 = vector.broadcast %reduce_sum3A : i1 to vector<16xi1>
          %reduce_sum3A_351 = tpu.scan <sum>, %convert_element_type3A_349 masked %reduce_sum3A_350 : vector<16xi32>, vector<16xi1> -> vector<16xi32>
          %reduce_sum3A_352 = vector.extract %reduce_sum3A_351[15] : i32 from vector<16xi32>
          %add3A_353 = arith.addi %scan3A_329, %reduce_sum3A_352 : i32
          %mul3A_354 = arith.constant 16 : i32
          %mul3A_355 = arith.muli %scan3A_328, %mul3A_354 : i32
          %add3A_356 = arith.constant 1 : i32
          %add3A_357 = arith.addi %mul3A_355, %add3A_356 : i32
          %mul3A_358 = arith.constant 16 : i32
          %mul3A_359 = arith.muli %add3A_357, %mul3A_358 : i32
          %get3A_360 = arith.index_cast %mul3A_359 : i32 to index
          %get3A_361 = tpu.vector_load %arg10[%get3A_360] {strides = array<i32>} : memref<1024xi32, #tpu.memory_space<vmem>>, vector<16xi32>,
          %get3A_362 = arith.index_cast %mul3A_359 : i32 to index
          %get3A_363 = tpu.vector_load %arg9[%get3A_362] {strides = array<i32>} : memref<1024xi32, #tpu.memory_space<vmem>>, vector<16xi32>,
          %sub3A_364 = vector.broadcast %mul3A_8 : i32 to vector<16xi32>
          %sub3A_365 = arith.subi %get3A_361, %sub3A_364 : vector<16xi32>
          %ge3A_366 = arith.constant 0 : i32
          %ge3A_367 = vector.broadcast %ge3A_366 : i32 to vector<16xi32>
          %ge3A_368 = arith.cmpi sge, %sub3A_365, %ge3A_367 : vector<16xi32>
          %lt3A_369 = arith.constant 10112 : i32
          %lt3A_370 = vector.broadcast %lt3A_369 : i32 to vector<16xi32>
          %lt3A_371 = arith.cmpi slt, %sub3A_365, %lt3A_370 : vector<16xi32>
          %and3A_372 = arith.andi %ge3A_368, %lt3A_371 : vector<16xi1>
          %shift_left3A_373 = arith.constant 14 : i32
          %shift_left3A_374 = vector.broadcast %shift_left3A_373 : i32 to vector<16xi32>
          %shift_left3A_375 = arith.shli %sub3A_365, %shift_left3A_374 : vector<16xi32>
          %or3A_376 = arith.ori %shift_left3A_375, %get3A_363 : vector<16xi32>
          %swap3A_377 = arith.index_cast %add3A_353 : i32 to index
          %swap3A_378 = tpu.vector_load %arg15[%swap3A_377] masked %and3A_372 {strides = array<i32>} : memref<38144xi32, #tpu.memory_space<vmem>>, vector<16xi32>, vector<16xi1>
          tpu.vector_store %arg15[%swap3A_377], %or3A_376 masked %and3A_372 {strides = array<i32>} : memref<38144xi32, #tpu.memory_space<vmem>>, vector<16xi32>, vector<16xi1>
          %convert_element_type3A_379 = arith.extui %and3A_372 : vector<16xi1> to vector<16xi32>
          %reduce_sum3A_380 = arith.constant true
          %reduce_sum3A_381 = vector.broadcast %reduce_sum3A_380 : i1 to vector<16xi1>
          %reduce_sum3A_382 = tpu.scan <sum>, %convert_element_type3A_379 masked %reduce_sum3A_381 : vector<16xi32>, vector<16xi1> -> vector<16xi32>
          %reduce_sum3A_383 = vector.extract %reduce_sum3A_382[15] : i32 from vector<16xi32>
          %add3A_384 = arith.addi %add3A_353, %reduce_sum3A_383 : i32
          %mul3A_385 = arith.constant 16 : i32
          %mul3A_386 = arith.muli %scan3A_328, %mul3A_385 : i32
          %add3A_387 = arith.constant 2 : i32
          %add3A_388 = arith.addi %mul3A_386, %add3A_387 : i32
          %mul3A_389 = arith.constant 16 : i32
          %mul3A_390 = arith.muli %add3A_388, %mul3A_389 : i32
          %get3A_391 = arith.index_cast %mul3A_390 : i32 to index
          %get3A_392 = tpu.vector_load %arg10[%get3A_391] {strides = array<i32>} : memref<1024xi32, #tpu.memory_space<vmem>>, vector<16xi32>,
          %get3A_393 = arith.index_cast %mul3A_390 : i32 to index
          %get3A_394 = tpu.vector_load %arg9[%get3A_393] {strides = array<i32>} : memref<1024xi32, #tpu.memory_space<vmem>>, vector<16xi32>,
          %sub3A_395 = vector.broadcast %mul3A_8 : i32 to vector<16xi32>
          %sub3A_396 = arith.subi %get3A_392, %sub3A_395 : vector<16xi32>
          %ge3A_397 = arith.constant 0 : i32
          %ge3A_398 = vector.broadcast %ge3A_397 : i32 to vector<16xi32>
          %ge3A_399 = arith.cmpi sge, %sub3A_396, %ge3A_398 : vector<16xi32>
          %lt3A_400 = arith.constant 10112 : i32
          %lt3A_401 = vector.broadcast %lt3A_400 : i32 to vector<16xi32>
          %lt3A_402 = arith.cmpi slt, %sub3A_396, %lt3A_401 : vector<16xi32>
          %and3A_403 = arith.andi %ge3A_399, %lt3A_402 : vector<16xi1>
          %shift_left3A_404 = arith.constant 14 : i32
          %shift_left3A_405 = vector.broadcast %shift_left3A_404 : i32 to vector<16xi32>
          %shift_left3A_406 = arith.shli %sub3A_396, %shift_left3A_405 : vector<16xi32>
          %or3A_407 = arith.ori %shift_left3A_406, %get3A_394 : vector<16xi32>
          %swap3A_408 = arith.index_cast %add3A_384 : i32 to index
          %swap3A_409 = tpu.vector_load %arg15[%swap3A_408] masked %and3A_403 {strides = array<i32>} : memref<38144xi32, #tpu.memory_space<vmem>>, vector<16xi32>, vector<16xi1>
          tpu.vector_store %arg15[%swap3A_408], %or3A_407 masked %and3A_403 {strides = array<i32>} : memref<38144xi32, #tpu.memory_space<vmem>>, vector<16xi32>, vector<16xi1>
          %convert_element_type3A_410 = arith.extui %and3A_403 : vector<16xi1> to vector<16xi32>
          %reduce_sum3A_411 = arith.constant true
          %reduce_sum3A_412 = vector.broadcast %reduce_sum3A_411 : i1 to vector<16xi1>
          %reduce_sum3A_413 = tpu.scan <sum>, %convert_element_type3A_410 masked %reduce_sum3A_412 : vector<16xi32>, vector<16xi1> -> vector<16xi32>
          %reduce_sum3A_414 = vector.extract %reduce_sum3A_413[15] : i32 from vector<16xi32>
          %add3A_415 = arith.addi %add3A_384, %reduce_sum3A_414 : i32
          %mul3A_416 = arith.constant 16 : i32
          %mul3A_417 = arith.muli %scan3A_328, %mul3A_416 : i32
          %add3A_418 = arith.constant 3 : i32
          %add3A_419 = arith.addi %mul3A_417, %add3A_418 : i32
          %mul3A_420 = arith.constant 16 : i32
          %mul3A_421 = arith.muli %add3A_419, %mul3A_420 : i32
          %get3A_422 = arith.index_cast %mul3A_421 : i32 to index
          %get3A_423 = tpu.vector_load %arg10[%get3A_422] {strides = array<i32>} : memref<1024xi32, #tpu.memory_space<vmem>>, vector<16xi32>,
          %get3A_424 = arith.index_cast %mul3A_421 : i32 to index
          %get3A_425 = tpu.vector_load %arg9[%get3A_424] {strides = array<i32>} : memref<1024xi32, #tpu.memory_space<vmem>>, vector<16xi32>,
          %sub3A_426 = vector.broadcast %mul3A_8 : i32 to vector<16xi32>
          %sub3A_427 = arith.subi %get3A_423, %sub3A_426 : vector<16xi32>
          %ge3A_428 = arith.constant 0 : i32
          %ge3A_429 = vector.broadcast %ge3A_428 : i32 to vector<16xi32>
          %ge3A_430 = arith.cmpi sge, %sub3A_427, %ge3A_429 : vector<16xi32>
          %lt3A_431 = arith.constant 10112 : i32
          %lt3A_432 = vector.broadcast %lt3A_431 : i32 to vector<16xi32>
          %lt3A_433 = arith.cmpi slt, %sub3A_427, %lt3A_432 : vector<16xi32>
          %and3A_434 = arith.andi %ge3A_430, %lt3A_433 : vector<16xi1>
          %shift_left3A_435 = arith.constant 14 : i32
          %shift_left3A_436 = vector.broadcast %shift_left3A_435 : i32 to vector<16xi32>
          %shift_left3A_437 = arith.shli %sub3A_427, %shift_left3A_436 : vector<16xi32>
          %or3A_438 = arith.ori %shift_left3A_437, %get3A_425 : vector<16xi32>
          %swap3A_439 = arith.index_cast %add3A_415 : i32 to index
          %swap3A_440 = tpu.vector_load %arg15[%swap3A_439] masked %and3A_434 {strides = array<i32>} : memref<38144xi32, #tpu.memory_space<vmem>>, vector<16xi32>, vector<16xi1>
          tpu.vector_store %arg15[%swap3A_439], %or3A_438 masked %and3A_434 {strides = array<i32>} : memref<38144xi32, #tpu.memory_space<vmem>>, vector<16xi32>, vector<16xi1>
          %convert_element_type3A_441 = arith.extui %and3A_434 : vector<16xi1> to vector<16xi32>
          %reduce_sum3A_442 = arith.constant true
          %reduce_sum3A_443 = vector.broadcast %reduce_sum3A_442 : i1 to vector<16xi1>
          %reduce_sum3A_444 = tpu.scan <sum>, %convert_element_type3A_441 masked %reduce_sum3A_443 : vector<16xi32>, vector<16xi1> -> vector<16xi32>
          %reduce_sum3A_445 = vector.extract %reduce_sum3A_444[15] : i32 from vector<16xi32>
          %add3A_446 = arith.addi %add3A_415, %reduce_sum3A_445 : i32
          %mul3A_447 = arith.constant 16 : i32
          %mul3A_448 = arith.muli %scan3A_328, %mul3A_447 : i32
          %add3A_449 = arith.constant 4 : i32
          %add3A_450 = arith.addi %mul3A_448, %add3A_449 : i32
          %mul3A_451 = arith.constant 16 : i32
          %mul3A_452 = arith.muli %add3A_450, %mul3A_451 : i32
          %get3A_453 = arith.index_cast %mul3A_452 : i32 to index
          %get3A_454 = tpu.vector_load %arg10[%get3A_453] {strides = array<i32>} : memref<1024xi32, #tpu.memory_space<vmem>>, vector<16xi32>,
          %get3A_455 = arith.index_cast %mul3A_452 : i32 to index
          %get3A_456 = tpu.vector_load %arg9[%get3A_455] {strides = array<i32>} : memref<1024xi32, #tpu.memory_space<vmem>>, vector<16xi32>,
          %sub3A_457 = vector.broadcast %mul3A_8 : i32 to vector<16xi32>
          %sub3A_458 = arith.subi %get3A_454, %sub3A_457 : vector<16xi32>
          %ge3A_459 = arith.constant 0 : i32
          %ge3A_460 = vector.broadcast %ge3A_459 : i32 to vector<16xi32>
          %ge3A_461 = arith.cmpi sge, %sub3A_458, %ge3A_460 : vector<16xi32>
          %lt3A_462 = arith.constant 10112 : i32
          %lt3A_463 = vector.broadcast %lt3A_462 : i32 to vector<16xi32>
          %lt3A_464 = arith.cmpi slt, %sub3A_458, %lt3A_463 : vector<16xi32>
          %and3A_465 = arith.andi %ge3A_461, %lt3A_464 : vector<16xi1>
          %shift_left3A_466 = arith.constant 14 : i32
          %shift_left3A_467 = vector.broadcast %shift_left3A_466 : i32 to vector<16xi32>
          %shift_left3A_468 = arith.shli %sub3A_458, %shift_left3A_467 : vector<16xi32>
          %or3A_469 = arith.ori %shift_left3A_468, %get3A_456 : vector<16xi32>
          %swap3A_470 = arith.index_cast %add3A_446 : i32 to index
          %swap3A_471 = tpu.vector_load %arg15[%swap3A_470] masked %and3A_465 {strides = array<i32>} : memref<38144xi32, #tpu.memory_space<vmem>>, vector<16xi32>, vector<16xi1>
          tpu.vector_store %arg15[%swap3A_470], %or3A_469 masked %and3A_465 {strides = array<i32>} : memref<38144xi32, #tpu.memory_space<vmem>>, vector<16xi32>, vector<16xi1>
          %convert_element_type3A_472 = arith.extui %and3A_465 : vector<16xi1> to vector<16xi32>
          %reduce_sum3A_473 = arith.constant true
          %reduce_sum3A_474 = vector.broadcast %reduce_sum3A_473 : i1 to vector<16xi1>
          %reduce_sum3A_475 = tpu.scan <sum>, %convert_element_type3A_472 masked %reduce_sum3A_474 : vector<16xi32>, vector<16xi1> -> vector<16xi32>
          %reduce_sum3A_476 = vector.extract %reduce_sum3A_475[15] : i32 from vector<16xi32>
          %add3A_477 = arith.addi %add3A_446, %reduce_sum3A_476 : i32
          %mul3A_478 = arith.constant 16 : i32
          %mul3A_479 = arith.muli %scan3A_328, %mul3A_478 : i32
          %add3A_480 = arith.constant 5 : i32
          %add3A_481 = arith.addi %mul3A_479, %add3A_480 : i32
          %mul3A_482 = arith.constant 16 : i32
          %mul3A_483 = arith.muli %add3A_481, %mul3A_482 : i32
          %get3A_484 = arith.index_cast %mul3A_483 : i32 to index
          %get3A_485 = tpu.vector_load %arg10[%get3A_484] {strides = array<i32>} : memref<1024xi32, #tpu.memory_space<vmem>>, vector<16xi32>,
          %get3A_486 = arith.index_cast %mul3A_483 : i32 to index
          %get3A_487 = tpu.vector_load %arg9[%get3A_486] {strides = array<i32>} : memref<1024xi32, #tpu.memory_space<vmem>>, vector<16xi32>,
          %sub3A_488 = vector.broadcast %mul3A_8 : i32 to vector<16xi32>
          %sub3A_489 = arith.subi %get3A_485, %sub3A_488 : vector<16xi32>
          %ge3A_490 = arith.constant 0 : i32
          %ge3A_491 = vector.broadcast %ge3A_490 : i32 to vector<16xi32>
          %ge3A_492 = arith.cmpi sge, %sub3A_489, %ge3A_491 : vector<16xi32>
          %lt3A_493 = arith.constant 10112 : i32
          %lt3A_494 = vector.broadcast %lt3A_493 : i32 to vector<16xi32>
          %lt3A_495 = arith.cmpi slt, %sub3A_489, %lt3A_494 : vector<16xi32>
          %and3A_496 = arith.andi %ge3A_492, %lt3A_495 : vector<16xi1>
          %shift_left3A_497 = arith.constant 14 : i32
          %shift_left3A_498 = vector.broadcast %shift_left3A_497 : i32 to vector<16xi32>
          %shift_left3A_499 = arith.shli %sub3A_489, %shift_left3A_498 : vector<16xi32>
          %or3A_500 = arith.ori %shift_left3A_499, %get3A_487 : vector<16xi32>
          %swap3A_501 = arith.index_cast %add3A_477 : i32 to index
          %swap3A_502 = tpu.vector_load %arg15[%swap3A_501] masked %and3A_496 {strides = array<i32>} : memref<38144xi32, #tpu.memory_space<vmem>>, vector<16xi32>, vector<16xi1>
          tpu.vector_store %arg15[%swap3A_501], %or3A_500 masked %and3A_496 {strides = array<i32>} : memref<38144xi32, #tpu.memory_space<vmem>>, vector<16xi32>, vector<16xi1>
          %convert_element_type3A_503 = arith.extui %and3A_496 : vector<16xi1> to vector<16xi32>
          %reduce_sum3A_504 = arith.constant true
          %reduce_sum3A_505 = vector.broadcast %reduce_sum3A_504 : i1 to vector<16xi1>
          %reduce_sum3A_506 = tpu.scan <sum>, %convert_element_type3A_503 masked %reduce_sum3A_505 : vector<16xi32>, vector<16xi1> -> vector<16xi32>
          %reduce_sum3A_507 = vector.extract %reduce_sum3A_506[15] : i32 from vector<16xi32>
          %add3A_508 = arith.addi %add3A_477, %reduce_sum3A_507 : i32
          %mul3A_509 = arith.constant 16 : i32
          %mul3A_510 = arith.muli %scan3A_328, %mul3A_509 : i32
          %add3A_511 = arith.constant 6 : i32
          %add3A_512 = arith.addi %mul3A_510, %add3A_511 : i32
          %mul3A_513 = arith.constant 16 : i32
          %mul3A_514 = arith.muli %add3A_512, %mul3A_513 : i32
          %get3A_515 = arith.index_cast %mul3A_514 : i32 to index
          %get3A_516 = tpu.vector_load %arg10[%get3A_515] {strides = array<i32>} : memref<1024xi32, #tpu.memory_space<vmem>>, vector<16xi32>,
          %get3A_517 = arith.index_cast %mul3A_514 : i32 to index
          %get3A_518 = tpu.vector_load %arg9[%get3A_517] {strides = array<i32>} : memref<1024xi32, #tpu.memory_space<vmem>>, vector<16xi32>,
          %sub3A_519 = vector.broadcast %mul3A_8 : i32 to vector<16xi32>
          %sub3A_520 = arith.subi %get3A_516, %sub3A_519 : vector<16xi32>
          %ge3A_521 = arith.constant 0 : i32
          %ge3A_522 = vector.broadcast %ge3A_521 : i32 to vector<16xi32>
          %ge3A_523 = arith.cmpi sge, %sub3A_520, %ge3A_522 : vector<16xi32>
          %lt3A_524 = arith.constant 10112 : i32
          %lt3A_525 = vector.broadcast %lt3A_524 : i32 to vector<16xi32>
          %lt3A_526 = arith.cmpi slt, %sub3A_520, %lt3A_525 : vector<16xi32>
          %and3A_527 = arith.andi %ge3A_523, %lt3A_526 : vector<16xi1>
          %shift_left3A_528 = arith.constant 14 : i32
          %shift_left3A_529 = vector.broadcast %shift_left3A_528 : i32 to vector<16xi32>
          %shift_left3A_530 = arith.shli %sub3A_520, %shift_left3A_529 : vector<16xi32>
          %or3A_531 = arith.ori %shift_left3A_530, %get3A_518 : vector<16xi32>
          %swap3A_532 = arith.index_cast %add3A_508 : i32 to index
          %swap3A_533 = tpu.vector_load %arg15[%swap3A_532] masked %and3A_527 {strides = array<i32>} : memref<38144xi32, #tpu.memory_space<vmem>>, vector<16xi32>, vector<16xi1>
          tpu.vector_store %arg15[%swap3A_532], %or3A_531 masked %and3A_527 {strides = array<i32>} : memref<38144xi32, #tpu.memory_space<vmem>>, vector<16xi32>, vector<16xi1>
          %convert_element_type3A_534 = arith.extui %and3A_527 : vector<16xi1> to vector<16xi32>
          %reduce_sum3A_535 = arith.constant true
          %reduce_sum3A_536 = vector.broadcast %reduce_sum3A_535 : i1 to vector<16xi1>
          %reduce_sum3A_537 = tpu.scan <sum>, %convert_element_type3A_534 masked %reduce_sum3A_536 : vector<16xi32>, vector<16xi1> -> vector<16xi32>
          %reduce_sum3A_538 = vector.extract %reduce_sum3A_537[15] : i32 from vector<16xi32>
          %add3A_539 = arith.addi %add3A_508, %reduce_sum3A_538 : i32
          %mul3A_540 = arith.constant 16 : i32
          %mul3A_541 = arith.muli %scan3A_328, %mul3A_540 : i32
          %add3A_542 = arith.constant 7 : i32
          %add3A_543 = arith.addi %mul3A_541, %add3A_542 : i32
          %mul3A_544 = arith.constant 16 : i32
          %mul3A_545 = arith.muli %add3A_543, %mul3A_544 : i32
          %get3A_546 = arith.index_cast %mul3A_545 : i32 to index
          %get3A_547 = tpu.vector_load %arg10[%get3A_546] {strides = array<i32>} : memref<1024xi32, #tpu.memory_space<vmem>>, vector<16xi32>,
          %get3A_548 = arith.index_cast %mul3A_545 : i32 to index
          %get3A_549 = tpu.vector_load %arg9[%get3A_548] {strides = array<i32>} : memref<1024xi32, #tpu.memory_space<vmem>>, vector<16xi32>,
          %sub3A_550 = vector.broadcast %mul3A_8 : i32 to vector<16xi32>
          %sub3A_551 = arith.subi %get3A_547, %sub3A_550 : vector<16xi32>
          %ge3A_552 = arith.constant 0 : i32
          %ge3A_553 = vector.broadcast %ge3A_552 : i32 to vector<16xi32>
          %ge3A_554 = arith.cmpi sge, %sub3A_551, %ge3A_553 : vector<16xi32>
          %lt3A_555 = arith.constant 10112 : i32
          %lt3A_556 = vector.broadcast %lt3A_555 : i32 to vector<16xi32>
          %lt3A_557 = arith.cmpi slt, %sub3A_551, %lt3A_556 : vector<16xi32>
          %and3A_558 = arith.andi %ge3A_554, %lt3A_557 : vector<16xi1>
          %shift_left3A_559 = arith.constant 14 : i32
          %shift_left3A_560 = vector.broadcast %shift_left3A_559 : i32 to vector<16xi32>
          %shift_left3A_561 = arith.shli %sub3A_551, %shift_left3A_560 : vector<16xi32>
          %or3A_562 = arith.ori %shift_left3A_561, %get3A_549 : vector<16xi32>
          %swap3A_563 = arith.index_cast %add3A_539 : i32 to index
          %swap3A_564 = tpu.vector_load %arg15[%swap3A_563] masked %and3A_558 {strides = array<i32>} : memref<38144xi32, #tpu.memory_space<vmem>>, vector<16xi32>, vector<16xi1>
          tpu.vector_store %arg15[%swap3A_563], %or3A_562 masked %and3A_558 {strides = array<i32>} : memref<38144xi32, #tpu.memory_space<vmem>>, vector<16xi32>, vector<16xi1>
          %convert_element_type3A_565 = arith.extui %and3A_558 : vector<16xi1> to vector<16xi32>
          %reduce_sum3A_566 = arith.constant true
          %reduce_sum3A_567 = vector.broadcast %reduce_sum3A_566 : i1 to vector<16xi1>
          %reduce_sum3A_568 = tpu.scan <sum>, %convert_element_type3A_565 masked %reduce_sum3A_567 : vector<16xi32>, vector<16xi1> -> vector<16xi32>
          %reduce_sum3A_569 = vector.extract %reduce_sum3A_568[15] : i32 from vector<16xi32>
          %add3A_570 = arith.addi %add3A_539, %reduce_sum3A_569 : i32
          %mul3A_571 = arith.constant 16 : i32
          %mul3A_572 = arith.muli %scan3A_328, %mul3A_571 : i32
          %add3A_573 = arith.constant 8 : i32
          %add3A_574 = arith.addi %mul3A_572, %add3A_573 : i32
          %mul3A_575 = arith.constant 16 : i32
          %mul3A_576 = arith.muli %add3A_574, %mul3A_575 : i32
          %get3A_577 = arith.index_cast %mul3A_576 : i32 to index
          %get3A_578 = tpu.vector_load %arg10[%get3A_577] {strides = array<i32>} : memref<1024xi32, #tpu.memory_space<vmem>>, vector<16xi32>,
          %get3A_579 = arith.index_cast %mul3A_576 : i32 to index
          %get3A_580 = tpu.vector_load %arg9[%get3A_579] {strides = array<i32>} : memref<1024xi32, #tpu.memory_space<vmem>>, vector<16xi32>,
          %sub3A_581 = vector.broadcast %mul3A_8 : i32 to vector<16xi32>
          %sub3A_582 = arith.subi %get3A_578, %sub3A_581 : vector<16xi32>
          %ge3A_583 = arith.constant 0 : i32
          %ge3A_584 = vector.broadcast %ge3A_583 : i32 to vector<16xi32>
          %ge3A_585 = arith.cmpi sge, %sub3A_582, %ge3A_584 : vector<16xi32>
          %lt3A_586 = arith.constant 10112 : i32
          %lt3A_587 = vector.broadcast %lt3A_586 : i32 to vector<16xi32>
          %lt3A_588 = arith.cmpi slt, %sub3A_582, %lt3A_587 : vector<16xi32>
          %and3A_589 = arith.andi %ge3A_585, %lt3A_588 : vector<16xi1>
          %shift_left3A_590 = arith.constant 14 : i32
          %shift_left3A_591 = vector.broadcast %shift_left3A_590 : i32 to vector<16xi32>
          %shift_left3A_592 = arith.shli %sub3A_582, %shift_left3A_591 : vector<16xi32>
          %or3A_593 = arith.ori %shift_left3A_592, %get3A_580 : vector<16xi32>
          %swap3A_594 = arith.index_cast %add3A_570 : i32 to index
          %swap3A_595 = tpu.vector_load %arg15[%swap3A_594] masked %and3A_589 {strides = array<i32>} : memref<38144xi32, #tpu.memory_space<vmem>>, vector<16xi32>, vector<16xi1>
          tpu.vector_store %arg15[%swap3A_594], %or3A_593 masked %and3A_589 {strides = array<i32>} : memref<38144xi32, #tpu.memory_space<vmem>>, vector<16xi32>, vector<16xi1>
          %convert_element_type3A_596 = arith.extui %and3A_589 : vector<16xi1> to vector<16xi32>
          %reduce_sum3A_597 = arith.constant true
          %reduce_sum3A_598 = vector.broadcast %reduce_sum3A_597 : i1 to vector<16xi1>
          %reduce_sum3A_599 = tpu.scan <sum>, %convert_element_type3A_596 masked %reduce_sum3A_598 : vector<16xi32>, vector<16xi1> -> vector<16xi32>
          %reduce_sum3A_600 = vector.extract %reduce_sum3A_599[15] : i32 from vector<16xi32>
          %add3A_601 = arith.addi %add3A_570, %reduce_sum3A_600 : i32
          %mul3A_602 = arith.constant 16 : i32
          %mul3A_603 = arith.muli %scan3A_328, %mul3A_602 : i32
          %add3A_604 = arith.constant 9 : i32
          %add3A_605 = arith.addi %mul3A_603, %add3A_604 : i32
          %mul3A_606 = arith.constant 16 : i32
          %mul3A_607 = arith.muli %add3A_605, %mul3A_606 : i32
          %get3A_608 = arith.index_cast %mul3A_607 : i32 to index
          %get3A_609 = tpu.vector_load %arg10[%get3A_608] {strides = array<i32>} : memref<1024xi32, #tpu.memory_space<vmem>>, vector<16xi32>,
          %get3A_610 = arith.index_cast %mul3A_607 : i32 to index
          %get3A_611 = tpu.vector_load %arg9[%get3A_610] {strides = array<i32>} : memref<1024xi32, #tpu.memory_space<vmem>>, vector<16xi32>,
          %sub3A_612 = vector.broadcast %mul3A_8 : i32 to vector<16xi32>
          %sub3A_613 = arith.subi %get3A_609, %sub3A_612 : vector<16xi32>
          %ge3A_614 = arith.constant 0 : i32
          %ge3A_615 = vector.broadcast %ge3A_614 : i32 to vector<16xi32>
          %ge3A_616 = arith.cmpi sge, %sub3A_613, %ge3A_615 : vector<16xi32>
          %lt3A_617 = arith.constant 10112 : i32
          %lt3A_618 = vector.broadcast %lt3A_617 : i32 to vector<16xi32>
          %lt3A_619 = arith.cmpi slt, %sub3A_613, %lt3A_618 : vector<16xi32>
          %and3A_620 = arith.andi %ge3A_616, %lt3A_619 : vector<16xi1>
          %shift_left3A_621 = arith.constant 14 : i32
          %shift_left3A_622 = vector.broadcast %shift_left3A_621 : i32 to vector<16xi32>
          %shift_left3A_623 = arith.shli %sub3A_613, %shift_left3A_622 : vector<16xi32>
          %or3A_624 = arith.ori %shift_left3A_623, %get3A_611 : vector<16xi32>
          %swap3A_625 = arith.index_cast %add3A_601 : i32 to index
          %swap3A_626 = tpu.vector_load %arg15[%swap3A_625] masked %and3A_620 {strides = array<i32>} : memref<38144xi32, #tpu.memory_space<vmem>>, vector<16xi32>, vector<16xi1>
          tpu.vector_store %arg15[%swap3A_625], %or3A_624 masked %and3A_620 {strides = array<i32>} : memref<38144xi32, #tpu.memory_space<vmem>>, vector<16xi32>, vector<16xi1>
          %convert_element_type3A_627 = arith.extui %and3A_620 : vector<16xi1> to vector<16xi32>
          %reduce_sum3A_628 = arith.constant true
          %reduce_sum3A_629 = vector.broadcast %reduce_sum3A_628 : i1 to vector<16xi1>
          %reduce_sum3A_630 = tpu.scan <sum>, %convert_element_type3A_627 masked %reduce_sum3A_629 : vector<16xi32>, vector<16xi1> -> vector<16xi32>
          %reduce_sum3A_631 = vector.extract %reduce_sum3A_630[15] : i32 from vector<16xi32>
          %add3A_632 = arith.addi %add3A_601, %reduce_sum3A_631 : i32
          %mul3A_633 = arith.constant 16 : i32
          %mul3A_634 = arith.muli %scan3A_328, %mul3A_633 : i32
          %add3A_635 = arith.constant 10 : i32
          %add3A_636 = arith.addi %mul3A_634, %add3A_635 : i32
          %mul3A_637 = arith.constant 16 : i32
          %mul3A_638 = arith.muli %add3A_636, %mul3A_637 : i32
          %get3A_639 = arith.index_cast %mul3A_638 : i32 to index
          %get3A_640 = tpu.vector_load %arg10[%get3A_639] {strides = array<i32>} : memref<1024xi32, #tpu.memory_space<vmem>>, vector<16xi32>,
          %get3A_641 = arith.index_cast %mul3A_638 : i32 to index
          %get3A_642 = tpu.vector_load %arg9[%get3A_641] {strides = array<i32>} : memref<1024xi32, #tpu.memory_space<vmem>>, vector<16xi32>,
          %sub3A_643 = vector.broadcast %mul3A_8 : i32 to vector<16xi32>
          %sub3A_644 = arith.subi %get3A_640, %sub3A_643 : vector<16xi32>
          %ge3A_645 = arith.constant 0 : i32
          %ge3A_646 = vector.broadcast %ge3A_645 : i32 to vector<16xi32>
          %ge3A_647 = arith.cmpi sge, %sub3A_644, %ge3A_646 : vector<16xi32>
          %lt3A_648 = arith.constant 10112 : i32
          %lt3A_649 = vector.broadcast %lt3A_648 : i32 to vector<16xi32>
          %lt3A_650 = arith.cmpi slt, %sub3A_644, %lt3A_649 : vector<16xi32>
          %and3A_651 = arith.andi %ge3A_647, %lt3A_650 : vector<16xi1>
          %shift_left3A_652 = arith.constant 14 : i32
          %shift_left3A_653 = vector.broadcast %shift_left3A_652 : i32 to vector<16xi32>
          %shift_left3A_654 = arith.shli %sub3A_644, %shift_left3A_653 : vector<16xi32>
          %or3A_655 = arith.ori %shift_left3A_654, %get3A_642 : vector<16xi32>
          %swap3A_656 = arith.index_cast %add3A_632 : i32 to index
          %swap3A_657 = tpu.vector_load %arg15[%swap3A_656] masked %and3A_651 {strides = array<i32>} : memref<38144xi32, #tpu.memory_space<vmem>>, vector<16xi32>, vector<16xi1>
          tpu.vector_store %arg15[%swap3A_656], %or3A_655 masked %and3A_651 {strides = array<i32>} : memref<38144xi32, #tpu.memory_space<vmem>>, vector<16xi32>, vector<16xi1>
          %convert_element_type3A_658 = arith.extui %and3A_651 : vector<16xi1> to vector<16xi32>
          %reduce_sum3A_659 = arith.constant true
          %reduce_sum3A_660 = vector.broadcast %reduce_sum3A_659 : i1 to vector<16xi1>
          %reduce_sum3A_661 = tpu.scan <sum>, %convert_element_type3A_658 masked %reduce_sum3A_660 : vector<16xi32>, vector<16xi1> -> vector<16xi32>
          %reduce_sum3A_662 = vector.extract %reduce_sum3A_661[15] : i32 from vector<16xi32>
          %add3A_663 = arith.addi %add3A_632, %reduce_sum3A_662 : i32
          %mul3A_664 = arith.constant 16 : i32
          %mul3A_665 = arith.muli %scan3A_328, %mul3A_664 : i32
          %add3A_666 = arith.constant 11 : i32
          %add3A_667 = arith.addi %mul3A_665, %add3A_666 : i32
          %mul3A_668 = arith.constant 16 : i32
          %mul3A_669 = arith.muli %add3A_667, %mul3A_668 : i32
          %get3A_670 = arith.index_cast %mul3A_669 : i32 to index
          %get3A_671 = tpu.vector_load %arg10[%get3A_670] {strides = array<i32>} : memref<1024xi32, #tpu.memory_space<vmem>>, vector<16xi32>,
          %get3A_672 = arith.index_cast %mul3A_669 : i32 to index
          %get3A_673 = tpu.vector_load %arg9[%get3A_672] {strides = array<i32>} : memref<1024xi32, #tpu.memory_space<vmem>>, vector<16xi32>,
          %sub3A_674 = vector.broadcast %mul3A_8 : i32 to vector<16xi32>
          %sub3A_675 = arith.subi %get3A_671, %sub3A_674 : vector<16xi32>
          %ge3A_676 = arith.constant 0 : i32
          %ge3A_677 = vector.broadcast %ge3A_676 : i32 to vector<16xi32>
          %ge3A_678 = arith.cmpi sge, %sub3A_675, %ge3A_677 : vector<16xi32>
          %lt3A_679 = arith.constant 10112 : i32
          %lt3A_680 = vector.broadcast %lt3A_679 : i32 to vector<16xi32>
          %lt3A_681 = arith.cmpi slt, %sub3A_675, %lt3A_680 : vector<16xi32>
          %and3A_682 = arith.andi %ge3A_678, %lt3A_681 : vector<16xi1>
          %shift_left3A_683 = arith.constant 14 : i32
          %shift_left3A_684 = vector.broadcast %shift_left3A_683 : i32 to vector<16xi32>
          %shift_left3A_685 = arith.shli %sub3A_675, %shift_left3A_684 : vector<16xi32>
          %or3A_686 = arith.ori %shift_left3A_685, %get3A_673 : vector<16xi32>
          %swap3A_687 = arith.index_cast %add3A_663 : i32 to index
          %swap3A_688 = tpu.vector_load %arg15[%swap3A_687] masked %and3A_682 {strides = array<i32>} : memref<38144xi32, #tpu.memory_space<vmem>>, vector<16xi32>, vector<16xi1>
          tpu.vector_store %arg15[%swap3A_687], %or3A_686 masked %and3A_682 {strides = array<i32>} : memref<38144xi32, #tpu.memory_space<vmem>>, vector<16xi32>, vector<16xi1>
          %convert_element_type3A_689 = arith.extui %and3A_682 : vector<16xi1> to vector<16xi32>
          %reduce_sum3A_690 = arith.constant true
          %reduce_sum3A_691 = vector.broadcast %reduce_sum3A_690 : i1 to vector<16xi1>
          %reduce_sum3A_692 = tpu.scan <sum>, %convert_element_type3A_689 masked %reduce_sum3A_691 : vector<16xi32>, vector<16xi1> -> vector<16xi32>
          %reduce_sum3A_693 = vector.extract %reduce_sum3A_692[15] : i32 from vector<16xi32>
          %add3A_694 = arith.addi %add3A_663, %reduce_sum3A_693 : i32
          %mul3A_695 = arith.constant 16 : i32
          %mul3A_696 = arith.muli %scan3A_328, %mul3A_695 : i32
          %add3A_697 = arith.constant 12 : i32
          %add3A_698 = arith.addi %mul3A_696, %add3A_697 : i32
          %mul3A_699 = arith.constant 16 : i32
          %mul3A_700 = arith.muli %add3A_698, %mul3A_699 : i32
          %get3A_701 = arith.index_cast %mul3A_700 : i32 to index
          %get3A_702 = tpu.vector_load %arg10[%get3A_701] {strides = array<i32>} : memref<1024xi32, #tpu.memory_space<vmem>>, vector<16xi32>,
          %get3A_703 = arith.index_cast %mul3A_700 : i32 to index
          %get3A_704 = tpu.vector_load %arg9[%get3A_703] {strides = array<i32>} : memref<1024xi32, #tpu.memory_space<vmem>>, vector<16xi32>,
          %sub3A_705 = vector.broadcast %mul3A_8 : i32 to vector<16xi32>
          %sub3A_706 = arith.subi %get3A_702, %sub3A_705 : vector<16xi32>
          %ge3A_707 = arith.constant 0 : i32
          %ge3A_708 = vector.broadcast %ge3A_707 : i32 to vector<16xi32>
          %ge3A_709 = arith.cmpi sge, %sub3A_706, %ge3A_708 : vector<16xi32>
          %lt3A_710 = arith.constant 10112 : i32
          %lt3A_711 = vector.broadcast %lt3A_710 : i32 to vector<16xi32>
          %lt3A_712 = arith.cmpi slt, %sub3A_706, %lt3A_711 : vector<16xi32>
          %and3A_713 = arith.andi %ge3A_709, %lt3A_712 : vector<16xi1>
          %shift_left3A_714 = arith.constant 14 : i32
          %shift_left3A_715 = vector.broadcast %shift_left3A_714 : i32 to vector<16xi32>
          %shift_left3A_716 = arith.shli %sub3A_706, %shift_left3A_715 : vector<16xi32>
          %or3A_717 = arith.ori %shift_left3A_716, %get3A_704 : vector<16xi32>
          %swap3A_718 = arith.index_cast %add3A_694 : i32 to index
          %swap3A_719 = tpu.vector_load %arg15[%swap3A_718] masked %and3A_713 {strides = array<i32>} : memref<38144xi32, #tpu.memory_space<vmem>>, vector<16xi32>, vector<16xi1>
          tpu.vector_store %arg15[%swap3A_718], %or3A_717 masked %and3A_713 {strides = array<i32>} : memref<38144xi32, #tpu.memory_space<vmem>>, vector<16xi32>, vector<16xi1>
          %convert_element_type3A_720 = arith.extui %and3A_713 : vector<16xi1> to vector<16xi32>
          %reduce_sum3A_721 = arith.constant true
          %reduce_sum3A_722 = vector.broadcast %reduce_sum3A_721 : i1 to vector<16xi1>
          %reduce_sum3A_723 = tpu.scan <sum>, %convert_element_type3A_720 masked %reduce_sum3A_722 : vector<16xi32>, vector<16xi1> -> vector<16xi32>
          %reduce_sum3A_724 = vector.extract %reduce_sum3A_723[15] : i32 from vector<16xi32>
          %add3A_725 = arith.addi %add3A_694, %reduce_sum3A_724 : i32
          %mul3A_726 = arith.constant 16 : i32
          %mul3A_727 = arith.muli %scan3A_328, %mul3A_726 : i32
          %add3A_728 = arith.constant 13 : i32
          %add3A_729 = arith.addi %mul3A_727, %add3A_728 : i32
          %mul3A_730 = arith.constant 16 : i32
          %mul3A_731 = arith.muli %add3A_729, %mul3A_730 : i32
          %get3A_732 = arith.index_cast %mul3A_731 : i32 to index
          %get3A_733 = tpu.vector_load %arg10[%get3A_732] {strides = array<i32>} : memref<1024xi32, #tpu.memory_space<vmem>>, vector<16xi32>,
          %get3A_734 = arith.index_cast %mul3A_731 : i32 to index
          %get3A_735 = tpu.vector_load %arg9[%get3A_734] {strides = array<i32>} : memref<1024xi32, #tpu.memory_space<vmem>>, vector<16xi32>,
          %sub3A_736 = vector.broadcast %mul3A_8 : i32 to vector<16xi32>
          %sub3A_737 = arith.subi %get3A_733, %sub3A_736 : vector<16xi32>
          %ge3A_738 = arith.constant 0 : i32
          %ge3A_739 = vector.broadcast %ge3A_738 : i32 to vector<16xi32>
          %ge3A_740 = arith.cmpi sge, %sub3A_737, %ge3A_739 : vector<16xi32>
          %lt3A_741 = arith.constant 10112 : i32
          %lt3A_742 = vector.broadcast %lt3A_741 : i32 to vector<16xi32>
          %lt3A_743 = arith.cmpi slt, %sub3A_737, %lt3A_742 : vector<16xi32>
          %and3A_744 = arith.andi %ge3A_740, %lt3A_743 : vector<16xi1>
          %shift_left3A_745 = arith.constant 14 : i32
          %shift_left3A_746 = vector.broadcast %shift_left3A_745 : i32 to vector<16xi32>
          %shift_left3A_747 = arith.shli %sub3A_737, %shift_left3A_746 : vector<16xi32>
          %or3A_748 = arith.ori %shift_left3A_747, %get3A_735 : vector<16xi32>
          %swap3A_749 = arith.index_cast %add3A_725 : i32 to index
          %swap3A_750 = tpu.vector_load %arg15[%swap3A_749] masked %and3A_744 {strides = array<i32>} : memref<38144xi32, #tpu.memory_space<vmem>>, vector<16xi32>, vector<16xi1>
          tpu.vector_store %arg15[%swap3A_749], %or3A_748 masked %and3A_744 {strides = array<i32>} : memref<38144xi32, #tpu.memory_space<vmem>>, vector<16xi32>, vector<16xi1>
          %convert_element_type3A_751 = arith.extui %and3A_744 : vector<16xi1> to vector<16xi32>
          %reduce_sum3A_752 = arith.constant true
          %reduce_sum3A_753 = vector.broadcast %reduce_sum3A_752 : i1 to vector<16xi1>
          %reduce_sum3A_754 = tpu.scan <sum>, %convert_element_type3A_751 masked %reduce_sum3A_753 : vector<16xi32>, vector<16xi1> -> vector<16xi32>
          %reduce_sum3A_755 = vector.extract %reduce_sum3A_754[15] : i32 from vector<16xi32>
          %add3A_756 = arith.addi %add3A_725, %reduce_sum3A_755 : i32
          %mul3A_757 = arith.constant 16 : i32
          %mul3A_758 = arith.muli %scan3A_328, %mul3A_757 : i32
          %add3A_759 = arith.constant 14 : i32
          %add3A_760 = arith.addi %mul3A_758, %add3A_759 : i32
          %mul3A_761 = arith.constant 16 : i32
          %mul3A_762 = arith.muli %add3A_760, %mul3A_761 : i32
          %get3A_763 = arith.index_cast %mul3A_762 : i32 to index
          %get3A_764 = tpu.vector_load %arg10[%get3A_763] {strides = array<i32>} : memref<1024xi32, #tpu.memory_space<vmem>>, vector<16xi32>,
          %get3A_765 = arith.index_cast %mul3A_762 : i32 to index
          %get3A_766 = tpu.vector_load %arg9[%get3A_765] {strides = array<i32>} : memref<1024xi32, #tpu.memory_space<vmem>>, vector<16xi32>,
          %sub3A_767 = vector.broadcast %mul3A_8 : i32 to vector<16xi32>
          %sub3A_768 = arith.subi %get3A_764, %sub3A_767 : vector<16xi32>
          %ge3A_769 = arith.constant 0 : i32
          %ge3A_770 = vector.broadcast %ge3A_769 : i32 to vector<16xi32>
          %ge3A_771 = arith.cmpi sge, %sub3A_768, %ge3A_770 : vector<16xi32>
          %lt3A_772 = arith.constant 10112 : i32
          %lt3A_773 = vector.broadcast %lt3A_772 : i32 to vector<16xi32>
          %lt3A_774 = arith.cmpi slt, %sub3A_768, %lt3A_773 : vector<16xi32>
          %and3A_775 = arith.andi %ge3A_771, %lt3A_774 : vector<16xi1>
          %shift_left3A_776 = arith.constant 14 : i32
          %shift_left3A_777 = vector.broadcast %shift_left3A_776 : i32 to vector<16xi32>
          %shift_left3A_778 = arith.shli %sub3A_768, %shift_left3A_777 : vector<16xi32>
          %or3A_779 = arith.ori %shift_left3A_778, %get3A_766 : vector<16xi32>
          %swap3A_780 = arith.index_cast %add3A_756 : i32 to index
          %swap3A_781 = tpu.vector_load %arg15[%swap3A_780] masked %and3A_775 {strides = array<i32>} : memref<38144xi32, #tpu.memory_space<vmem>>, vector<16xi32>, vector<16xi1>
          tpu.vector_store %arg15[%swap3A_780], %or3A_779 masked %and3A_775 {strides = array<i32>} : memref<38144xi32, #tpu.memory_space<vmem>>, vector<16xi32>, vector<16xi1>
          %convert_element_type3A_782 = arith.extui %and3A_775 : vector<16xi1> to vector<16xi32>
          %reduce_sum3A_783 = arith.constant true
          %reduce_sum3A_784 = vector.broadcast %reduce_sum3A_783 : i1 to vector<16xi1>
          %reduce_sum3A_785 = tpu.scan <sum>, %convert_element_type3A_782 masked %reduce_sum3A_784 : vector<16xi32>, vector<16xi1> -> vector<16xi32>
          %reduce_sum3A_786 = vector.extract %reduce_sum3A_785[15] : i32 from vector<16xi32>
          %add3A_787 = arith.addi %add3A_756, %reduce_sum3A_786 : i32
          %mul3A_788 = arith.constant 16 : i32
          %mul3A_789 = arith.muli %scan3A_328, %mul3A_788 : i32
          %add3A_790 = arith.constant 15 : i32
          %add3A_791 = arith.addi %mul3A_789, %add3A_790 : i32
          %mul3A_792 = arith.constant 16 : i32
          %mul3A_793 = arith.muli %add3A_791, %mul3A_792 : i32
          %get3A_794 = arith.index_cast %mul3A_793 : i32 to index
          %get3A_795 = tpu.vector_load %arg10[%get3A_794] {strides = array<i32>} : memref<1024xi32, #tpu.memory_space<vmem>>, vector<16xi32>,
          %get3A_796 = arith.index_cast %mul3A_793 : i32 to index
          %get3A_797 = tpu.vector_load %arg9[%get3A_796] {strides = array<i32>} : memref<1024xi32, #tpu.memory_space<vmem>>, vector<16xi32>,
          %sub3A_798 = vector.broadcast %mul3A_8 : i32 to vector<16xi32>
          %sub3A_799 = arith.subi %get3A_795, %sub3A_798 : vector<16xi32>
          %ge3A_800 = arith.constant 0 : i32
          %ge3A_801 = vector.broadcast %ge3A_800 : i32 to vector<16xi32>
          %ge3A_802 = arith.cmpi sge, %sub3A_799, %ge3A_801 : vector<16xi32>
          %lt3A_803 = arith.constant 10112 : i32
          %lt3A_804 = vector.broadcast %lt3A_803 : i32 to vector<16xi32>
          %lt3A_805 = arith.cmpi slt, %sub3A_799, %lt3A_804 : vector<16xi32>
          %and3A_806 = arith.andi %ge3A_802, %lt3A_805 : vector<16xi1>
          %shift_left3A_807 = arith.constant 14 : i32
          %shift_left3A_808 = vector.broadcast %shift_left3A_807 : i32 to vector<16xi32>
          %shift_left3A_809 = arith.shli %sub3A_799, %shift_left3A_808 : vector<16xi32>
          %or3A_810 = arith.ori %shift_left3A_809, %get3A_797 : vector<16xi32>
          %swap3A_811 = arith.index_cast %add3A_787 : i32 to index
          %swap3A_812 = tpu.vector_load %arg15[%swap3A_811] masked %and3A_806 {strides = array<i32>} : memref<38144xi32, #tpu.memory_space<vmem>>, vector<16xi32>, vector<16xi1>
          tpu.vector_store %arg15[%swap3A_811], %or3A_810 masked %and3A_806 {strides = array<i32>} : memref<38144xi32, #tpu.memory_space<vmem>>, vector<16xi32>, vector<16xi1>
          %convert_element_type3A_813 = arith.extui %and3A_806 : vector<16xi1> to vector<16xi32>
          %reduce_sum3A_814 = arith.constant true
          %reduce_sum3A_815 = vector.broadcast %reduce_sum3A_814 : i1 to vector<16xi1>
          %reduce_sum3A_816 = tpu.scan <sum>, %convert_element_type3A_813 masked %reduce_sum3A_815 : vector<16xi32>, vector<16xi1> -> vector<16xi32>
          %reduce_sum3A_817 = vector.extract %reduce_sum3A_816[15] : i32 from vector<16xi32>
          %add3A_818 = arith.addi %add3A_787, %reduce_sum3A_817 : i32
          scf.yield %add3A_818 : i32
        }
        %scan3A_327 = arith.constant 4 : i32
        scf.yield %scan3A_326 : i32
      }
      %scan3A_34 = arith.constant 37 : i32
      %add3A_35 = arith.constant 255 : i32
      %add3A_36 = arith.addi %scan3A_33, %add3A_35 : i32
      %jit3A = arith.constant 256 : i32
      %div3A = arith.divsi %add3A_36, %jit3A : i32
      %sign3A = arith.constant 0 : i32
      %sign3A_37 = arith.cmpi sgt, %add3A_36, %sign3A : i32
      %sign3A_38 = arith.extui %sign3A_37 : i1 to i32
      %sign3A_39 = arith.constant 0 : i32
      %sign3A_40 = arith.cmpi slt, %add3A_36, %sign3A_39 : i32
      %sign3A_41 = arith.extui %sign3A_40 : i1 to i32
      %sign3A_42 = arith.subi %sign3A_38, %sign3A_41 : i32
      %sign3A_43 = arith.constant 0 : i32
      %sign3A_44 = arith.cmpi sgt, %jit3A, %sign3A_43 : i32
      %sign3A_45 = arith.extui %sign3A_44 : i1 to i32
      %sign3A_46 = arith.constant 0 : i32
      %sign3A_47 = arith.cmpi slt, %jit3A, %sign3A_46 : i32
      %sign3A_48 = arith.extui %sign3A_47 : i1 to i32
      %sign3A_49 = arith.subi %sign3A_45, %sign3A_48 : i32
      %ne3A = arith.cmpi ne, %sign3A_42, %sign3A_49 : i32
      %rem3A = arith.remsi %add3A_36, %jit3A : i32
      %ne3A_50 = arith.constant 0 : i32
      %ne3A_51 = arith.cmpi ne, %rem3A, %ne3A_50 : i32
      %and3A = arith.andi %ne3A, %ne3A_51 : i1
      %sub3A = arith.constant 1 : i32
      %sub3A_52 = arith.subi %div3A, %sub3A : i32
      %select_n3A = arith.select %and3A, %sub3A_52, %div3A : i32
      %gt3A = arith.constant 0 : i32
      %gt3A_53 = arith.cmpi sgt, %scan3A_33, %gt3A : i32
      %convert_element_type3A = arith.extui %gt3A_53 : i1 to i32
      %cond3A = arith.constant 0 : i32
      %cond3A_54 = arith.cmpi ne, %convert_element_type3A, %cond3A : i32
      scf.if %cond3A_54 {
        %sub3A_309 = arith.constant 1 : i32
        %sub3A_310 = arith.subi %select_n3A, %sub3A_309 : i32
        %mul3A_311 = arith.constant 256 : i32
        %mul3A_312 = arith.muli %sub3A_310, %mul3A_311 : i32
        %iota3A = tpu.iota {dimensions = array<i32: 0>} : vector<16xi32>
        %add3A_313 = arith.constant 0 : i32
        %add3A_314 = arith.addi %mul3A_312, %add3A_313 : i32
        %add3A_315 = vector.broadcast %add3A_314 : i32 to vector<16xi32>
        %add3A_316 = arith.addi %add3A_315, %iota3A : vector<16xi32>
        %lt3A = vector.broadcast %scan3A_33 : i32 to vector<16xi32>
        %lt3A_317 = arith.cmpi slt, %add3A_316, %lt3A : vector<16xi32>
        %get3A = arith.index_cast %add3A_314 : i32 to index
        %get3A_318 = tpu.vector_load %arg15[%get3A] {strides = array<i32>} : memref<38144xi32, #tpu.memory_space<vmem>>, vector<16xi32>,
        %jit3A_319 = arith.constant 165675008 : i32
        %broadcast_in_dim3A = vector.broadcast %jit3A_319 : i32 to vector<16xi32>
        %select_n3A_320 = arith.select %lt3A_317, %get3A_318, %broadcast_in_dim3A : vector<16xi1>, vector<16xi32>
        %swap3A = arith.index_cast %add3A_314 : i32 to index
        %swap3A_321 = tpu.vector_load %arg15[%swap3A] {strides = array<i32>} : memref<38144xi32, #tpu.memory_space<vmem>>, vector<16xi32>,
        tpu.vector_store %arg15[%swap3A], %select_n3A_320 {strides = array<i32>} : memref<38144xi32, #tpu.memory_space<vmem>>, vector<16xi32>,
        %add3A_322 = arith.constant 16 : i32
        %add3A_323 = arith.addi %mul3A_312, %add3A_322 : i32
        %add3A_324 = vector.broadcast %add3A_323 : i32 to vector<16xi32>
        %add3A_325 = arith.addi %add3A_324, %iota3A : vector<16xi32>
        %lt3A_326 = vector.broadcast %scan3A_33 : i32 to vector<16xi32>
        %lt3A_327 = arith.cmpi slt, %add3A_325, %lt3A_326 : vector<16xi32>
        %get3A_328 = arith.index_cast %add3A_323 : i32 to index
        %get3A_329 = tpu.vector_load %arg15[%get3A_328] {strides = array<i32>} : memref<38144xi32, #tpu.memory_space<vmem>>, vector<16xi32>,
        %jit3A_330 = arith.constant 165675008 : i32
        %broadcast_in_dim3A_331 = vector.broadcast %jit3A_330 : i32 to vector<16xi32>
        %select_n3A_332 = arith.select %lt3A_327, %get3A_329, %broadcast_in_dim3A_331 : vector<16xi1>, vector<16xi32>
        %swap3A_333 = arith.index_cast %add3A_323 : i32 to index
        %swap3A_334 = tpu.vector_load %arg15[%swap3A_333] {strides = array<i32>} : memref<38144xi32, #tpu.memory_space<vmem>>, vector<16xi32>,
        tpu.vector_store %arg15[%swap3A_333], %select_n3A_332 {strides = array<i32>} : memref<38144xi32, #tpu.memory_space<vmem>>, vector<16xi32>,
        %add3A_335 = arith.constant 32 : i32
        %add3A_336 = arith.addi %mul3A_312, %add3A_335 : i32
        %add3A_337 = vector.broadcast %add3A_336 : i32 to vector<16xi32>
        %add3A_338 = arith.addi %add3A_337, %iota3A : vector<16xi32>
        %lt3A_339 = vector.broadcast %scan3A_33 : i32 to vector<16xi32>
        %lt3A_340 = arith.cmpi slt, %add3A_338, %lt3A_339 : vector<16xi32>
        %get3A_341 = arith.index_cast %add3A_336 : i32 to index
        %get3A_342 = tpu.vector_load %arg15[%get3A_341] {strides = array<i32>} : memref<38144xi32, #tpu.memory_space<vmem>>, vector<16xi32>,
        %jit3A_343 = arith.constant 165675008 : i32
        %broadcast_in_dim3A_344 = vector.broadcast %jit3A_343 : i32 to vector<16xi32>
        %select_n3A_345 = arith.select %lt3A_340, %get3A_342, %broadcast_in_dim3A_344 : vector<16xi1>, vector<16xi32>
        %swap3A_346 = arith.index_cast %add3A_336 : i32 to index
        %swap3A_347 = tpu.vector_load %arg15[%swap3A_346] {strides = array<i32>} : memref<38144xi32, #tpu.memory_space<vmem>>, vector<16xi32>,
        tpu.vector_store %arg15[%swap3A_346], %select_n3A_345 {strides = array<i32>} : memref<38144xi32, #tpu.memory_space<vmem>>, vector<16xi32>,
        %add3A_348 = arith.constant 48 : i32
        %add3A_349 = arith.addi %mul3A_312, %add3A_348 : i32
        %add3A_350 = vector.broadcast %add3A_349 : i32 to vector<16xi32>
        %add3A_351 = arith.addi %add3A_350, %iota3A : vector<16xi32>
        %lt3A_352 = vector.broadcast %scan3A_33 : i32 to vector<16xi32>
        %lt3A_353 = arith.cmpi slt, %add3A_351, %lt3A_352 : vector<16xi32>
        %get3A_354 = arith.index_cast %add3A_349 : i32 to index
        %get3A_355 = tpu.vector_load %arg15[%get3A_354] {strides = array<i32>} : memref<38144xi32, #tpu.memory_space<vmem>>, vector<16xi32>,
        %jit3A_356 = arith.constant 165675008 : i32
        %broadcast_in_dim3A_357 = vector.broadcast %jit3A_356 : i32 to vector<16xi32>
        %select_n3A_358 = arith.select %lt3A_353, %get3A_355, %broadcast_in_dim3A_357 : vector<16xi1>, vector<16xi32>
        %swap3A_359 = arith.index_cast %add3A_349 : i32 to index
        %swap3A_360 = tpu.vector_load %arg15[%swap3A_359] {strides = array<i32>} : memref<38144xi32, #tpu.memory_space<vmem>>, vector<16xi32>,
        tpu.vector_store %arg15[%swap3A_359], %select_n3A_358 {strides = array<i32>} : memref<38144xi32, #tpu.memory_space<vmem>>, vector<16xi32>,
        %add3A_361 = arith.constant 64 : i32
        %add3A_362 = arith.addi %mul3A_312, %add3A_361 : i32
        %add3A_363 = vector.broadcast %add3A_362 : i32 to vector<16xi32>
        %add3A_364 = arith.addi %add3A_363, %iota3A : vector<16xi32>
        %lt3A_365 = vector.broadcast %scan3A_33 : i32 to vector<16xi32>
        %lt3A_366 = arith.cmpi slt, %add3A_364, %lt3A_365 : vector<16xi32>
        %get3A_367 = arith.index_cast %add3A_362 : i32 to index
        %get3A_368 = tpu.vector_load %arg15[%get3A_367] {strides = array<i32>} : memref<38144xi32, #tpu.memory_space<vmem>>, vector<16xi32>,
        %jit3A_369 = arith.constant 165675008 : i32
        %broadcast_in_dim3A_370 = vector.broadcast %jit3A_369 : i32 to vector<16xi32>
        %select_n3A_371 = arith.select %lt3A_366, %get3A_368, %broadcast_in_dim3A_370 : vector<16xi1>, vector<16xi32>
        %swap3A_372 = arith.index_cast %add3A_362 : i32 to index
        %swap3A_373 = tpu.vector_load %arg15[%swap3A_372] {strides = array<i32>} : memref<38144xi32, #tpu.memory_space<vmem>>, vector<16xi32>,
        tpu.vector_store %arg15[%swap3A_372], %select_n3A_371 {strides = array<i32>} : memref<38144xi32, #tpu.memory_space<vmem>>, vector<16xi32>,
        %add3A_374 = arith.constant 80 : i32
        %add3A_375 = arith.addi %mul3A_312, %add3A_374 : i32
        %add3A_376 = vector.broadcast %add3A_375 : i32 to vector<16xi32>
        %add3A_377 = arith.addi %add3A_376, %iota3A : vector<16xi32>
        %lt3A_378 = vector.broadcast %scan3A_33 : i32 to vector<16xi32>
        %lt3A_379 = arith.cmpi slt, %add3A_377, %lt3A_378 : vector<16xi32>
        %get3A_380 = arith.index_cast %add3A_375 : i32 to index
        %get3A_381 = tpu.vector_load %arg15[%get3A_380] {strides = array<i32>} : memref<38144xi32, #tpu.memory_space<vmem>>, vector<16xi32>,
        %jit3A_382 = arith.constant 165675008 : i32
        %broadcast_in_dim3A_383 = vector.broadcast %jit3A_382 : i32 to vector<16xi32>
        %select_n3A_384 = arith.select %lt3A_379, %get3A_381, %broadcast_in_dim3A_383 : vector<16xi1>, vector<16xi32>
        %swap3A_385 = arith.index_cast %add3A_375 : i32 to index
        %swap3A_386 = tpu.vector_load %arg15[%swap3A_385] {strides = array<i32>} : memref<38144xi32, #tpu.memory_space<vmem>>, vector<16xi32>,
        tpu.vector_store %arg15[%swap3A_385], %select_n3A_384 {strides = array<i32>} : memref<38144xi32, #tpu.memory_space<vmem>>, vector<16xi32>,
        %add3A_387 = arith.constant 96 : i32
        %add3A_388 = arith.addi %mul3A_312, %add3A_387 : i32
        %add3A_389 = vector.broadcast %add3A_388 : i32 to vector<16xi32>
        %add3A_390 = arith.addi %add3A_389, %iota3A : vector<16xi32>
        %lt3A_391 = vector.broadcast %scan3A_33 : i32 to vector<16xi32>
        %lt3A_392 = arith.cmpi slt, %add3A_390, %lt3A_391 : vector<16xi32>
        %get3A_393 = arith.index_cast %add3A_388 : i32 to index
        %get3A_394 = tpu.vector_load %arg15[%get3A_393] {strides = array<i32>} : memref<38144xi32, #tpu.memory_space<vmem>>, vector<16xi32>,
        %jit3A_395 = arith.constant 165675008 : i32
        %broadcast_in_dim3A_396 = vector.broadcast %jit3A_395 : i32 to vector<16xi32>
        %select_n3A_397 = arith.select %lt3A_392, %get3A_394, %broadcast_in_dim3A_396 : vector<16xi1>, vector<16xi32>
        %swap3A_398 = arith.index_cast %add3A_388 : i32 to index
        %swap3A_399 = tpu.vector_load %arg15[%swap3A_398] {strides = array<i32>} : memref<38144xi32, #tpu.memory_space<vmem>>, vector<16xi32>,
        tpu.vector_store %arg15[%swap3A_398], %select_n3A_397 {strides = array<i32>} : memref<38144xi32, #tpu.memory_space<vmem>>, vector<16xi32>,
        %add3A_400 = arith.constant 112 : i32
        %add3A_401 = arith.addi %mul3A_312, %add3A_400 : i32
        %add3A_402 = vector.broadcast %add3A_401 : i32 to vector<16xi32>
        %add3A_403 = arith.addi %add3A_402, %iota3A : vector<16xi32>
        %lt3A_404 = vector.broadcast %scan3A_33 : i32 to vector<16xi32>
        %lt3A_405 = arith.cmpi slt, %add3A_403, %lt3A_404 : vector<16xi32>
        %get3A_406 = arith.index_cast %add3A_401 : i32 to index
        %get3A_407 = tpu.vector_load %arg15[%get3A_406] {strides = array<i32>} : memref<38144xi32, #tpu.memory_space<vmem>>, vector<16xi32>,
        %jit3A_408 = arith.constant 165675008 : i32
        %broadcast_in_dim3A_409 = vector.broadcast %jit3A_408 : i32 to vector<16xi32>
        %select_n3A_410 = arith.select %lt3A_405, %get3A_407, %broadcast_in_dim3A_409 : vector<16xi1>, vector<16xi32>
        %swap3A_411 = arith.index_cast %add3A_401 : i32 to index
        %swap3A_412 = tpu.vector_load %arg15[%swap3A_411] {strides = array<i32>} : memref<38144xi32, #tpu.memory_space<vmem>>, vector<16xi32>,
        tpu.vector_store %arg15[%swap3A_411], %select_n3A_410 {strides = array<i32>} : memref<38144xi32, #tpu.memory_space<vmem>>, vector<16xi32>,
        %add3A_413 = arith.constant 128 : i32
        %add3A_414 = arith.addi %mul3A_312, %add3A_413 : i32
        %add3A_415 = vector.broadcast %add3A_414 : i32 to vector<16xi32>
        %add3A_416 = arith.addi %add3A_415, %iota3A : vector<16xi32>
        %lt3A_417 = vector.broadcast %scan3A_33 : i32 to vector<16xi32>
        %lt3A_418 = arith.cmpi slt, %add3A_416, %lt3A_417 : vector<16xi32>
        %get3A_419 = arith.index_cast %add3A_414 : i32 to index
        %get3A_420 = tpu.vector_load %arg15[%get3A_419] {strides = array<i32>} : memref<38144xi32, #tpu.memory_space<vmem>>, vector<16xi32>,
        %jit3A_421 = arith.constant 165675008 : i32
        %broadcast_in_dim3A_422 = vector.broadcast %jit3A_421 : i32 to vector<16xi32>
        %select_n3A_423 = arith.select %lt3A_418, %get3A_420, %broadcast_in_dim3A_422 : vector<16xi1>, vector<16xi32>
        %swap3A_424 = arith.index_cast %add3A_414 : i32 to index
        %swap3A_425 = tpu.vector_load %arg15[%swap3A_424] {strides = array<i32>} : memref<38144xi32, #tpu.memory_space<vmem>>, vector<16xi32>,
        tpu.vector_store %arg15[%swap3A_424], %select_n3A_423 {strides = array<i32>} : memref<38144xi32, #tpu.memory_space<vmem>>, vector<16xi32>,
        %add3A_426 = arith.constant 144 : i32
        %add3A_427 = arith.addi %mul3A_312, %add3A_426 : i32
        %add3A_428 = vector.broadcast %add3A_427 : i32 to vector<16xi32>
        %add3A_429 = arith.addi %add3A_428, %iota3A : vector<16xi32>
        %lt3A_430 = vector.broadcast %scan3A_33 : i32 to vector<16xi32>
        %lt3A_431 = arith.cmpi slt, %add3A_429, %lt3A_430 : vector<16xi32>
        %get3A_432 = arith.index_cast %add3A_427 : i32 to index
        %get3A_433 = tpu.vector_load %arg15[%get3A_432] {strides = array<i32>} : memref<38144xi32, #tpu.memory_space<vmem>>, vector<16xi32>,
        %jit3A_434 = arith.constant 165675008 : i32
        %broadcast_in_dim3A_435 = vector.broadcast %jit3A_434 : i32 to vector<16xi32>
        %select_n3A_436 = arith.select %lt3A_431, %get3A_433, %broadcast_in_dim3A_435 : vector<16xi1>, vector<16xi32>
        %swap3A_437 = arith.index_cast %add3A_427 : i32 to index
        %swap3A_438 = tpu.vector_load %arg15[%swap3A_437] {strides = array<i32>} : memref<38144xi32, #tpu.memory_space<vmem>>, vector<16xi32>,
        tpu.vector_store %arg15[%swap3A_437], %select_n3A_436 {strides = array<i32>} : memref<38144xi32, #tpu.memory_space<vmem>>, vector<16xi32>,
        %add3A_439 = arith.constant 160 : i32
        %add3A_440 = arith.addi %mul3A_312, %add3A_439 : i32
        %add3A_441 = vector.broadcast %add3A_440 : i32 to vector<16xi32>
        %add3A_442 = arith.addi %add3A_441, %iota3A : vector<16xi32>
        %lt3A_443 = vector.broadcast %scan3A_33 : i32 to vector<16xi32>
        %lt3A_444 = arith.cmpi slt, %add3A_442, %lt3A_443 : vector<16xi32>
        %get3A_445 = arith.index_cast %add3A_440 : i32 to index
        %get3A_446 = tpu.vector_load %arg15[%get3A_445] {strides = array<i32>} : memref<38144xi32, #tpu.memory_space<vmem>>, vector<16xi32>,
        %jit3A_447 = arith.constant 165675008 : i32
        %broadcast_in_dim3A_448 = vector.broadcast %jit3A_447 : i32 to vector<16xi32>
        %select_n3A_449 = arith.select %lt3A_444, %get3A_446, %broadcast_in_dim3A_448 : vector<16xi1>, vector<16xi32>
        %swap3A_450 = arith.index_cast %add3A_440 : i32 to index
        %swap3A_451 = tpu.vector_load %arg15[%swap3A_450] {strides = array<i32>} : memref<38144xi32, #tpu.memory_space<vmem>>, vector<16xi32>,
        tpu.vector_store %arg15[%swap3A_450], %select_n3A_449 {strides = array<i32>} : memref<38144xi32, #tpu.memory_space<vmem>>, vector<16xi32>,
        %add3A_452 = arith.constant 176 : i32
        %add3A_453 = arith.addi %mul3A_312, %add3A_452 : i32
        %add3A_454 = vector.broadcast %add3A_453 : i32 to vector<16xi32>
        %add3A_455 = arith.addi %add3A_454, %iota3A : vector<16xi32>
        %lt3A_456 = vector.broadcast %scan3A_33 : i32 to vector<16xi32>
        %lt3A_457 = arith.cmpi slt, %add3A_455, %lt3A_456 : vector<16xi32>
        %get3A_458 = arith.index_cast %add3A_453 : i32 to index
        %get3A_459 = tpu.vector_load %arg15[%get3A_458] {strides = array<i32>} : memref<38144xi32, #tpu.memory_space<vmem>>, vector<16xi32>,
        %jit3A_460 = arith.constant 165675008 : i32
        %broadcast_in_dim3A_461 = vector.broadcast %jit3A_460 : i32 to vector<16xi32>
        %select_n3A_462 = arith.select %lt3A_457, %get3A_459, %broadcast_in_dim3A_461 : vector<16xi1>, vector<16xi32>
        %swap3A_463 = arith.index_cast %add3A_453 : i32 to index
        %swap3A_464 = tpu.vector_load %arg15[%swap3A_463] {strides = array<i32>} : memref<38144xi32, #tpu.memory_space<vmem>>, vector<16xi32>,
        tpu.vector_store %arg15[%swap3A_463], %select_n3A_462 {strides = array<i32>} : memref<38144xi32, #tpu.memory_space<vmem>>, vector<16xi32>,
        %add3A_465 = arith.constant 192 : i32
        %add3A_466 = arith.addi %mul3A_312, %add3A_465 : i32
        %add3A_467 = vector.broadcast %add3A_466 : i32 to vector<16xi32>
        %add3A_468 = arith.addi %add3A_467, %iota3A : vector<16xi32>
        %lt3A_469 = vector.broadcast %scan3A_33 : i32 to vector<16xi32>
        %lt3A_470 = arith.cmpi slt, %add3A_468, %lt3A_469 : vector<16xi32>
        %get3A_471 = arith.index_cast %add3A_466 : i32 to index
        %get3A_472 = tpu.vector_load %arg15[%get3A_471] {strides = array<i32>} : memref<38144xi32, #tpu.memory_space<vmem>>, vector<16xi32>,
        %jit3A_473 = arith.constant 165675008 : i32
        %broadcast_in_dim3A_474 = vector.broadcast %jit3A_473 : i32 to vector<16xi32>
        %select_n3A_475 = arith.select %lt3A_470, %get3A_472, %broadcast_in_dim3A_474 : vector<16xi1>, vector<16xi32>
        %swap3A_476 = arith.index_cast %add3A_466 : i32 to index
        %swap3A_477 = tpu.vector_load %arg15[%swap3A_476] {strides = array<i32>} : memref<38144xi32, #tpu.memory_space<vmem>>, vector<16xi32>,
        tpu.vector_store %arg15[%swap3A_476], %select_n3A_475 {strides = array<i32>} : memref<38144xi32, #tpu.memory_space<vmem>>, vector<16xi32>,
        %add3A_478 = arith.constant 208 : i32
        %add3A_479 = arith.addi %mul3A_312, %add3A_478 : i32
        %add3A_480 = vector.broadcast %add3A_479 : i32 to vector<16xi32>
        %add3A_481 = arith.addi %add3A_480, %iota3A : vector<16xi32>
        %lt3A_482 = vector.broadcast %scan3A_33 : i32 to vector<16xi32>
        %lt3A_483 = arith.cmpi slt, %add3A_481, %lt3A_482 : vector<16xi32>
        %get3A_484 = arith.index_cast %add3A_479 : i32 to index
        %get3A_485 = tpu.vector_load %arg15[%get3A_484] {strides = array<i32>} : memref<38144xi32, #tpu.memory_space<vmem>>, vector<16xi32>,
        %jit3A_486 = arith.constant 165675008 : i32
        %broadcast_in_dim3A_487 = vector.broadcast %jit3A_486 : i32 to vector<16xi32>
        %select_n3A_488 = arith.select %lt3A_483, %get3A_485, %broadcast_in_dim3A_487 : vector<16xi1>, vector<16xi32>
        %swap3A_489 = arith.index_cast %add3A_479 : i32 to index
        %swap3A_490 = tpu.vector_load %arg15[%swap3A_489] {strides = array<i32>} : memref<38144xi32, #tpu.memory_space<vmem>>, vector<16xi32>,
        tpu.vector_store %arg15[%swap3A_489], %select_n3A_488 {strides = array<i32>} : memref<38144xi32, #tpu.memory_space<vmem>>, vector<16xi32>,
        %add3A_491 = arith.constant 224 : i32
        %add3A_492 = arith.addi %mul3A_312, %add3A_491 : i32
        %add3A_493 = vector.broadcast %add3A_492 : i32 to vector<16xi32>
        %add3A_494 = arith.addi %add3A_493, %iota3A : vector<16xi32>
        %lt3A_495 = vector.broadcast %scan3A_33 : i32 to vector<16xi32>
        %lt3A_496 = arith.cmpi slt, %add3A_494, %lt3A_495 : vector<16xi32>
        %get3A_497 = arith.index_cast %add3A_492 : i32 to index
        %get3A_498 = tpu.vector_load %arg15[%get3A_497] {strides = array<i32>} : memref<38144xi32, #tpu.memory_space<vmem>>, vector<16xi32>,
        %jit3A_499 = arith.constant 165675008 : i32
        %broadcast_in_dim3A_500 = vector.broadcast %jit3A_499 : i32 to vector<16xi32>
        %select_n3A_501 = arith.select %lt3A_496, %get3A_498, %broadcast_in_dim3A_500 : vector<16xi1>, vector<16xi32>
        %swap3A_502 = arith.index_cast %add3A_492 : i32 to index
        %swap3A_503 = tpu.vector_load %arg15[%swap3A_502] {strides = array<i32>} : memref<38144xi32, #tpu.memory_space<vmem>>, vector<16xi32>,
        tpu.vector_store %arg15[%swap3A_502], %select_n3A_501 {strides = array<i32>} : memref<38144xi32, #tpu.memory_space<vmem>>, vector<16xi32>,
        %add3A_504 = arith.constant 240 : i32
        %add3A_505 = arith.addi %mul3A_312, %add3A_504 : i32
        %add3A_506 = vector.broadcast %add3A_505 : i32 to vector<16xi32>
        %add3A_507 = arith.addi %add3A_506, %iota3A : vector<16xi32>
        %lt3A_508 = vector.broadcast %scan3A_33 : i32 to vector<16xi32>
        %lt3A_509 = arith.cmpi slt, %add3A_507, %lt3A_508 : vector<16xi32>
        %get3A_510 = arith.index_cast %add3A_505 : i32 to index
        %get3A_511 = tpu.vector_load %arg15[%get3A_510] {strides = array<i32>} : memref<38144xi32, #tpu.memory_space<vmem>>, vector<16xi32>,
        %jit3A_512 = arith.constant 165675008 : i32
        %broadcast_in_dim3A_513 = vector.broadcast %jit3A_512 : i32 to vector<16xi32>
        %select_n3A_514 = arith.select %lt3A_509, %get3A_511, %broadcast_in_dim3A_513 : vector<16xi1>, vector<16xi32>
        %swap3A_515 = arith.index_cast %add3A_505 : i32 to index
        %swap3A_516 = tpu.vector_load %arg15[%swap3A_515] {strides = array<i32>} : memref<38144xi32, #tpu.memory_space<vmem>>, vector<16xi32>,
        tpu.vector_store %arg15[%swap3A_515], %select_n3A_514 {strides = array<i32>} : memref<38144xi32, #tpu.memory_space<vmem>>, vector<16xi32>,
      } else {
      }
      %while3A = arith.constant 0 : i32
      %while3A_55 = arith.constant 0 : i32
      %while3A_56 = arith.subi %select_n3A, %while3A_55 : i32
      %while3A_57 = arith.addi %while3A_55, %while3A_56 : i32
      %while3A_58 = arith.constant 1 : i32
      %while3A_59 = arith.divsi %while3A_56, %while3A_58 : i32
      %while3A_60 = arith.muli %while3A_59, %while3A_58 : i32
      %while3A_61 = arith.addi %while3A_55, %while3A_60 : i32
      %while3A_62 = arith.constant 1 : i32
      scf.for %while3A_309 = %while3A_55 to %while3A_61 step %while3A_62  : i32 {
        %mul3A_310 = arith.constant 256 : i32
        %mul3A_311 = arith.muli %while3A_309, %mul3A_310 : i32
        %add3A_312 = arith.constant 0 : i32
        %add3A_313 = arith.addi %mul3A_311, %add3A_312 : i32
        %add3A_314 = arith.constant 0 : i32
        %add3A_315 = arith.addi %add3A_313, %add3A_314 : i32
        %get3A = arith.index_cast %add3A_315 : i32 to index
        %get3A_316 = tpu.vector_load %arg15[%get3A] {strides = array<i32>} : memref<38144xi32, #tpu.memory_space<vmem>>, vector<16xi32>,
        %and3A_317 = arith.constant 16383 : i32
        %and3A_318 = vector.broadcast %and3A_317 : i32 to vector<16xi32>
        %and3A_319 = arith.andi %get3A_316, %and3A_318 : vector<16xi32>
        %swap3A = arith.constant 0 : index
        %swap3A_320 = tpu.vector_load %arg11[%swap3A] {strides = array<i32>} : memref<128xi32, #tpu.memory_space<vmem>>, vector<16xi32>,
        tpu.vector_store %arg11[%swap3A], %and3A_319 {strides = array<i32>} : memref<128xi32, #tpu.memory_space<vmem>>, vector<16xi32>,
        %shift_right_arithmetic3A = arith.constant 14 : i32
        %shift_right_arithmetic3A_321 = vector.broadcast %shift_right_arithmetic3A : i32 to vector<16xi32>
        %shift_right_arithmetic3A_322 = arith.shrsi %get3A_316, %shift_right_arithmetic3A_321 : vector<16xi32>
        %swap3A_323 = arith.constant 0 : index
        %swap3A_324 = tpu.vector_load %arg13[%swap3A_323] {strides = array<i32>} : memref<128xi32, #tpu.memory_space<vmem>>, vector<16xi32>,
        tpu.vector_store %arg13[%swap3A_323], %shift_right_arithmetic3A_322 {strides = array<i32>} : memref<128xi32, #tpu.memory_space<vmem>>, vector<16xi32>,
        %add3A_325 = arith.constant 0 : i32
        %add3A_326 = arith.addi %mul3A_311, %add3A_325 : i32
        %add3A_327 = arith.constant 16 : i32
        %add3A_328 = arith.addi %add3A_326, %add3A_327 : i32
        %get3A_329 = arith.index_cast %add3A_328 : i32 to index
        %get3A_330 = tpu.vector_load %arg15[%get3A_329] {strides = array<i32>} : memref<38144xi32, #tpu.memory_space<vmem>>, vector<16xi32>,
        %and3A_331 = arith.constant 16383 : i32
        %and3A_332 = vector.broadcast %and3A_331 : i32 to vector<16xi32>
        %and3A_333 = arith.andi %get3A_330, %and3A_332 : vector<16xi32>
        %swap3A_334 = arith.constant 16 : index
        %swap3A_335 = tpu.vector_load %arg11[%swap3A_334] {strides = array<i32>} : memref<128xi32, #tpu.memory_space<vmem>>, vector<16xi32>,
        tpu.vector_store %arg11[%swap3A_334], %and3A_333 {strides = array<i32>} : memref<128xi32, #tpu.memory_space<vmem>>, vector<16xi32>,
        %shift_right_arithmetic3A_336 = arith.constant 14 : i32
        %shift_right_arithmetic3A_337 = vector.broadcast %shift_right_arithmetic3A_336 : i32 to vector<16xi32>
        %shift_right_arithmetic3A_338 = arith.shrsi %get3A_330, %shift_right_arithmetic3A_337 : vector<16xi32>
        %swap3A_339 = arith.constant 16 : index
        %swap3A_340 = tpu.vector_load %arg13[%swap3A_339] {strides = array<i32>} : memref<128xi32, #tpu.memory_space<vmem>>, vector<16xi32>,
        tpu.vector_store %arg13[%swap3A_339], %shift_right_arithmetic3A_338 {strides = array<i32>} : memref<128xi32, #tpu.memory_space<vmem>>, vector<16xi32>,
        %add3A_341 = arith.constant 0 : i32
        %add3A_342 = arith.addi %mul3A_311, %add3A_341 : i32
        %add3A_343 = arith.constant 32 : i32
        %add3A_344 = arith.addi %add3A_342, %add3A_343 : i32
        %get3A_345 = arith.index_cast %add3A_344 : i32 to index
        %get3A_346 = tpu.vector_load %arg15[%get3A_345] {strides = array<i32>} : memref<38144xi32, #tpu.memory_space<vmem>>, vector<16xi32>,
        %and3A_347 = arith.constant 16383 : i32
        %and3A_348 = vector.broadcast %and3A_347 : i32 to vector<16xi32>
        %and3A_349 = arith.andi %get3A_346, %and3A_348 : vector<16xi32>
        %swap3A_350 = arith.constant 32 : index
        %swap3A_351 = tpu.vector_load %arg11[%swap3A_350] {strides = array<i32>} : memref<128xi32, #tpu.memory_space<vmem>>, vector<16xi32>,
        tpu.vector_store %arg11[%swap3A_350], %and3A_349 {strides = array<i32>} : memref<128xi32, #tpu.memory_space<vmem>>, vector<16xi32>,
        %shift_right_arithmetic3A_352 = arith.constant 14 : i32
        %shift_right_arithmetic3A_353 = vector.broadcast %shift_right_arithmetic3A_352 : i32 to vector<16xi32>
        %shift_right_arithmetic3A_354 = arith.shrsi %get3A_346, %shift_right_arithmetic3A_353 : vector<16xi32>
        %swap3A_355 = arith.constant 32 : index
        %swap3A_356 = tpu.vector_load %arg13[%swap3A_355] {strides = array<i32>} : memref<128xi32, #tpu.memory_space<vmem>>, vector<16xi32>,
        tpu.vector_store %arg13[%swap3A_355], %shift_right_arithmetic3A_354 {strides = array<i32>} : memref<128xi32, #tpu.memory_space<vmem>>, vector<16xi32>,
        %add3A_357 = arith.constant 0 : i32
        %add3A_358 = arith.addi %mul3A_311, %add3A_357 : i32
        %add3A_359 = arith.constant 48 : i32
        %add3A_360 = arith.addi %add3A_358, %add3A_359 : i32
        %get3A_361 = arith.index_cast %add3A_360 : i32 to index
        %get3A_362 = tpu.vector_load %arg15[%get3A_361] {strides = array<i32>} : memref<38144xi32, #tpu.memory_space<vmem>>, vector<16xi32>,
        %and3A_363 = arith.constant 16383 : i32
        %and3A_364 = vector.broadcast %and3A_363 : i32 to vector<16xi32>
        %and3A_365 = arith.andi %get3A_362, %and3A_364 : vector<16xi32>
        %swap3A_366 = arith.constant 48 : index
        %swap3A_367 = tpu.vector_load %arg11[%swap3A_366] {strides = array<i32>} : memref<128xi32, #tpu.memory_space<vmem>>, vector<16xi32>,
        tpu.vector_store %arg11[%swap3A_366], %and3A_365 {strides = array<i32>} : memref<128xi32, #tpu.memory_space<vmem>>, vector<16xi32>,
        %shift_right_arithmetic3A_368 = arith.constant 14 : i32
        %shift_right_arithmetic3A_369 = vector.broadcast %shift_right_arithmetic3A_368 : i32 to vector<16xi32>
        %shift_right_arithmetic3A_370 = arith.shrsi %get3A_362, %shift_right_arithmetic3A_369 : vector<16xi32>
        %swap3A_371 = arith.constant 48 : index
        %swap3A_372 = tpu.vector_load %arg13[%swap3A_371] {strides = array<i32>} : memref<128xi32, #tpu.memory_space<vmem>>, vector<16xi32>,
        tpu.vector_store %arg13[%swap3A_371], %shift_right_arithmetic3A_370 {strides = array<i32>} : memref<128xi32, #tpu.memory_space<vmem>>, vector<16xi32>,
        %add3A_373 = arith.constant 0 : i32
        %add3A_374 = arith.addi %mul3A_311, %add3A_373 : i32
        %add3A_375 = arith.constant 64 : i32
        %add3A_376 = arith.addi %add3A_374, %add3A_375 : i32
        %get3A_377 = arith.index_cast %add3A_376 : i32 to index
        %get3A_378 = tpu.vector_load %arg15[%get3A_377] {strides = array<i32>} : memref<38144xi32, #tpu.memory_space<vmem>>, vector<16xi32>,
        %and3A_379 = arith.constant 16383 : i32
        %and3A_380 = vector.broadcast %and3A_379 : i32 to vector<16xi32>
        %and3A_381 = arith.andi %get3A_378, %and3A_380 : vector<16xi32>
        %swap3A_382 = arith.constant 64 : index
        %swap3A_383 = tpu.vector_load %arg11[%swap3A_382] {strides = array<i32>} : memref<128xi32, #tpu.memory_space<vmem>>, vector<16xi32>,
        tpu.vector_store %arg11[%swap3A_382], %and3A_381 {strides = array<i32>} : memref<128xi32, #tpu.memory_space<vmem>>, vector<16xi32>,
        %shift_right_arithmetic3A_384 = arith.constant 14 : i32
        %shift_right_arithmetic3A_385 = vector.broadcast %shift_right_arithmetic3A_384 : i32 to vector<16xi32>
        %shift_right_arithmetic3A_386 = arith.shrsi %get3A_378, %shift_right_arithmetic3A_385 : vector<16xi32>
        %swap3A_387 = arith.constant 64 : index
        %swap3A_388 = tpu.vector_load %arg13[%swap3A_387] {strides = array<i32>} : memref<128xi32, #tpu.memory_space<vmem>>, vector<16xi32>,
        tpu.vector_store %arg13[%swap3A_387], %shift_right_arithmetic3A_386 {strides = array<i32>} : memref<128xi32, #tpu.memory_space<vmem>>, vector<16xi32>,
        %add3A_389 = arith.constant 0 : i32
        %add3A_390 = arith.addi %mul3A_311, %add3A_389 : i32
        %add3A_391 = arith.constant 80 : i32
        %add3A_392 = arith.addi %add3A_390, %add3A_391 : i32
        %get3A_393 = arith.index_cast %add3A_392 : i32 to index
        %get3A_394 = tpu.vector_load %arg15[%get3A_393] {strides = array<i32>} : memref<38144xi32, #tpu.memory_space<vmem>>, vector<16xi32>,
        %and3A_395 = arith.constant 16383 : i32
        %and3A_396 = vector.broadcast %and3A_395 : i32 to vector<16xi32>
        %and3A_397 = arith.andi %get3A_394, %and3A_396 : vector<16xi32>
        %swap3A_398 = arith.constant 80 : index
        %swap3A_399 = tpu.vector_load %arg11[%swap3A_398] {strides = array<i32>} : memref<128xi32, #tpu.memory_space<vmem>>, vector<16xi32>,
        tpu.vector_store %arg11[%swap3A_398], %and3A_397 {strides = array<i32>} : memref<128xi32, #tpu.memory_space<vmem>>, vector<16xi32>,
        %shift_right_arithmetic3A_400 = arith.constant 14 : i32
        %shift_right_arithmetic3A_401 = vector.broadcast %shift_right_arithmetic3A_400 : i32 to vector<16xi32>
        %shift_right_arithmetic3A_402 = arith.shrsi %get3A_394, %shift_right_arithmetic3A_401 : vector<16xi32>
        %swap3A_403 = arith.constant 80 : index
        %swap3A_404 = tpu.vector_load %arg13[%swap3A_403] {strides = array<i32>} : memref<128xi32, #tpu.memory_space<vmem>>, vector<16xi32>,
        tpu.vector_store %arg13[%swap3A_403], %shift_right_arithmetic3A_402 {strides = array<i32>} : memref<128xi32, #tpu.memory_space<vmem>>, vector<16xi32>,
        %add3A_405 = arith.constant 0 : i32
        %add3A_406 = arith.addi %mul3A_311, %add3A_405 : i32
        %add3A_407 = arith.constant 96 : i32
        %add3A_408 = arith.addi %add3A_406, %add3A_407 : i32
        %get3A_409 = arith.index_cast %add3A_408 : i32 to index
        %get3A_410 = tpu.vector_load %arg15[%get3A_409] {strides = array<i32>} : memref<38144xi32, #tpu.memory_space<vmem>>, vector<16xi32>,
        %and3A_411 = arith.constant 16383 : i32
        %and3A_412 = vector.broadcast %and3A_411 : i32 to vector<16xi32>
        %and3A_413 = arith.andi %get3A_410, %and3A_412 : vector<16xi32>
        %swap3A_414 = arith.constant 96 : index
        %swap3A_415 = tpu.vector_load %arg11[%swap3A_414] {strides = array<i32>} : memref<128xi32, #tpu.memory_space<vmem>>, vector<16xi32>,
        tpu.vector_store %arg11[%swap3A_414], %and3A_413 {strides = array<i32>} : memref<128xi32, #tpu.memory_space<vmem>>, vector<16xi32>,
        %shift_right_arithmetic3A_416 = arith.constant 14 : i32
        %shift_right_arithmetic3A_417 = vector.broadcast %shift_right_arithmetic3A_416 : i32 to vector<16xi32>
        %shift_right_arithmetic3A_418 = arith.shrsi %get3A_410, %shift_right_arithmetic3A_417 : vector<16xi32>
        %swap3A_419 = arith.constant 96 : index
        %swap3A_420 = tpu.vector_load %arg13[%swap3A_419] {strides = array<i32>} : memref<128xi32, #tpu.memory_space<vmem>>, vector<16xi32>,
        tpu.vector_store %arg13[%swap3A_419], %shift_right_arithmetic3A_418 {strides = array<i32>} : memref<128xi32, #tpu.memory_space<vmem>>, vector<16xi32>,
        %add3A_421 = arith.constant 0 : i32
        %add3A_422 = arith.addi %mul3A_311, %add3A_421 : i32
        %add3A_423 = arith.constant 112 : i32
        %add3A_424 = arith.addi %add3A_422, %add3A_423 : i32
        %get3A_425 = arith.index_cast %add3A_424 : i32 to index
        %get3A_426 = tpu.vector_load %arg15[%get3A_425] {strides = array<i32>} : memref<38144xi32, #tpu.memory_space<vmem>>, vector<16xi32>,
        %and3A_427 = arith.constant 16383 : i32
        %and3A_428 = vector.broadcast %and3A_427 : i32 to vector<16xi32>
        %and3A_429 = arith.andi %get3A_426, %and3A_428 : vector<16xi32>
        %swap3A_430 = arith.constant 112 : index
        %swap3A_431 = tpu.vector_load %arg11[%swap3A_430] {strides = array<i32>} : memref<128xi32, #tpu.memory_space<vmem>>, vector<16xi32>,
        tpu.vector_store %arg11[%swap3A_430], %and3A_429 {strides = array<i32>} : memref<128xi32, #tpu.memory_space<vmem>>, vector<16xi32>,
        %shift_right_arithmetic3A_432 = arith.constant 14 : i32
        %shift_right_arithmetic3A_433 = vector.broadcast %shift_right_arithmetic3A_432 : i32 to vector<16xi32>
        %shift_right_arithmetic3A_434 = arith.shrsi %get3A_426, %shift_right_arithmetic3A_433 : vector<16xi32>
        %swap3A_435 = arith.constant 112 : index
        %swap3A_436 = tpu.vector_load %arg13[%swap3A_435] {strides = array<i32>} : memref<128xi32, #tpu.memory_space<vmem>>, vector<16xi32>,
        tpu.vector_store %arg13[%swap3A_435], %shift_right_arithmetic3A_434 {strides = array<i32>} : memref<128xi32, #tpu.memory_space<vmem>>, vector<16xi32>,
        %add3A_437 = arith.constant 128 : i32
        %add3A_438 = arith.addi %mul3A_311, %add3A_437 : i32
        %add3A_439 = arith.constant 0 : i32
        %add3A_440 = arith.addi %add3A_438, %add3A_439 : i32
        %get3A_441 = arith.index_cast %add3A_440 : i32 to index
        %get3A_442 = tpu.vector_load %arg15[%get3A_441] {strides = array<i32>} : memref<38144xi32, #tpu.memory_space<vmem>>, vector<16xi32>,
        %and3A_443 = arith.constant 16383 : i32
        %and3A_444 = vector.broadcast %and3A_443 : i32 to vector<16xi32>
        %and3A_445 = arith.andi %get3A_442, %and3A_444 : vector<16xi32>
        %swap3A_446 = arith.constant 0 : index
        %swap3A_447 = tpu.vector_load %arg12[%swap3A_446] {strides = array<i32>} : memref<128xi32, #tpu.memory_space<vmem>>, vector<16xi32>,
        tpu.vector_store %arg12[%swap3A_446], %and3A_445 {strides = array<i32>} : memref<128xi32, #tpu.memory_space<vmem>>, vector<16xi32>,
        %shift_right_arithmetic3A_448 = arith.constant 14 : i32
        %shift_right_arithmetic3A_449 = vector.broadcast %shift_right_arithmetic3A_448 : i32 to vector<16xi32>
        %shift_right_arithmetic3A_450 = arith.shrsi %get3A_442, %shift_right_arithmetic3A_449 : vector<16xi32>
        %swap3A_451 = arith.constant 0 : index
        %swap3A_452 = tpu.vector_load %arg14[%swap3A_451] {strides = array<i32>} : memref<128xi32, #tpu.memory_space<vmem>>, vector<16xi32>,
        tpu.vector_store %arg14[%swap3A_451], %shift_right_arithmetic3A_450 {strides = array<i32>} : memref<128xi32, #tpu.memory_space<vmem>>, vector<16xi32>,
        %add3A_453 = arith.constant 128 : i32
        %add3A_454 = arith.addi %mul3A_311, %add3A_453 : i32
        %add3A_455 = arith.constant 16 : i32
        %add3A_456 = arith.addi %add3A_454, %add3A_455 : i32
        %get3A_457 = arith.index_cast %add3A_456 : i32 to index
        %get3A_458 = tpu.vector_load %arg15[%get3A_457] {strides = array<i32>} : memref<38144xi32, #tpu.memory_space<vmem>>, vector<16xi32>,
        %and3A_459 = arith.constant 16383 : i32
        %and3A_460 = vector.broadcast %and3A_459 : i32 to vector<16xi32>
        %and3A_461 = arith.andi %get3A_458, %and3A_460 : vector<16xi32>
        %swap3A_462 = arith.constant 16 : index
        %swap3A_463 = tpu.vector_load %arg12[%swap3A_462] {strides = array<i32>} : memref<128xi32, #tpu.memory_space<vmem>>, vector<16xi32>,
        tpu.vector_store %arg12[%swap3A_462], %and3A_461 {strides = array<i32>} : memref<128xi32, #tpu.memory_space<vmem>>, vector<16xi32>,
        %shift_right_arithmetic3A_464 = arith.constant 14 : i32
        %shift_right_arithmetic3A_465 = vector.broadcast %shift_right_arithmetic3A_464 : i32 to vector<16xi32>
        %shift_right_arithmetic3A_466 = arith.shrsi %get3A_458, %shift_right_arithmetic3A_465 : vector<16xi32>
        %swap3A_467 = arith.constant 16 : index
        %swap3A_468 = tpu.vector_load %arg14[%swap3A_467] {strides = array<i32>} : memref<128xi32, #tpu.memory_space<vmem>>, vector<16xi32>,
        tpu.vector_store %arg14[%swap3A_467], %shift_right_arithmetic3A_466 {strides = array<i32>} : memref<128xi32, #tpu.memory_space<vmem>>, vector<16xi32>,
        %add3A_469 = arith.constant 128 : i32
        %add3A_470 = arith.addi %mul3A_311, %add3A_469 : i32
        %add3A_471 = arith.constant 32 : i32
        %add3A_472 = arith.addi %add3A_470, %add3A_471 : i32
        %get3A_473 = arith.index_cast %add3A_472 : i32 to index
        %get3A_474 = tpu.vector_load %arg15[%get3A_473] {strides = array<i32>} : memref<38144xi32, #tpu.memory_space<vmem>>, vector<16xi32>,
        %and3A_475 = arith.constant 16383 : i32
        %and3A_476 = vector.broadcast %and3A_475 : i32 to vector<16xi32>
        %and3A_477 = arith.andi %get3A_474, %and3A_476 : vector<16xi32>
        %swap3A_478 = arith.constant 32 : index
        %swap3A_479 = tpu.vector_load %arg12[%swap3A_478] {strides = array<i32>} : memref<128xi32, #tpu.memory_space<vmem>>, vector<16xi32>,
        tpu.vector_store %arg12[%swap3A_478], %and3A_477 {strides = array<i32>} : memref<128xi32, #tpu.memory_space<vmem>>, vector<16xi32>,
        %shift_right_arithmetic3A_480 = arith.constant 14 : i32
        %shift_right_arithmetic3A_481 = vector.broadcast %shift_right_arithmetic3A_480 : i32 to vector<16xi32>
        %shift_right_arithmetic3A_482 = arith.shrsi %get3A_474, %shift_right_arithmetic3A_481 : vector<16xi32>
        %swap3A_483 = arith.constant 32 : index
        %swap3A_484 = tpu.vector_load %arg14[%swap3A_483] {strides = array<i32>} : memref<128xi32, #tpu.memory_space<vmem>>, vector<16xi32>,
        tpu.vector_store %arg14[%swap3A_483], %shift_right_arithmetic3A_482 {strides = array<i32>} : memref<128xi32, #tpu.memory_space<vmem>>, vector<16xi32>,
        %add3A_485 = arith.constant 128 : i32
        %add3A_486 = arith.addi %mul3A_311, %add3A_485 : i32
        %add3A_487 = arith.constant 48 : i32
        %add3A_488 = arith.addi %add3A_486, %add3A_487 : i32
        %get3A_489 = arith.index_cast %add3A_488 : i32 to index
        %get3A_490 = tpu.vector_load %arg15[%get3A_489] {strides = array<i32>} : memref<38144xi32, #tpu.memory_space<vmem>>, vector<16xi32>,
        %and3A_491 = arith.constant 16383 : i32
        %and3A_492 = vector.broadcast %and3A_491 : i32 to vector<16xi32>
        %and3A_493 = arith.andi %get3A_490, %and3A_492 : vector<16xi32>
        %swap3A_494 = arith.constant 48 : index
        %swap3A_495 = tpu.vector_load %arg12[%swap3A_494] {strides = array<i32>} : memref<128xi32, #tpu.memory_space<vmem>>, vector<16xi32>,
        tpu.vector_store %arg12[%swap3A_494], %and3A_493 {strides = array<i32>} : memref<128xi32, #tpu.memory_space<vmem>>, vector<16xi32>,
        %shift_right_arithmetic3A_496 = arith.constant 14 : i32
        %shift_right_arithmetic3A_497 = vector.broadcast %shift_right_arithmetic3A_496 : i32 to vector<16xi32>
        %shift_right_arithmetic3A_498 = arith.shrsi %get3A_490, %shift_right_arithmetic3A_497 : vector<16xi32>
        %swap3A_499 = arith.constant 48 : index
        %swap3A_500 = tpu.vector_load %arg14[%swap3A_499] {strides = array<i32>} : memref<128xi32, #tpu.memory_space<vmem>>, vector<16xi32>,
        tpu.vector_store %arg14[%swap3A_499], %shift_right_arithmetic3A_498 {strides = array<i32>} : memref<128xi32, #tpu.memory_space<vmem>>, vector<16xi32>,
        %add3A_501 = arith.constant 128 : i32
        %add3A_502 = arith.addi %mul3A_311, %add3A_501 : i32
        %add3A_503 = arith.constant 64 : i32
        %add3A_504 = arith.addi %add3A_502, %add3A_503 : i32
        %get3A_505 = arith.index_cast %add3A_504 : i32 to index
        %get3A_506 = tpu.vector_load %arg15[%get3A_505] {strides = array<i32>} : memref<38144xi32, #tpu.memory_space<vmem>>, vector<16xi32>,
        %and3A_507 = arith.constant 16383 : i32
        %and3A_508 = vector.broadcast %and3A_507 : i32 to vector<16xi32>
        %and3A_509 = arith.andi %get3A_506, %and3A_508 : vector<16xi32>
        %swap3A_510 = arith.constant 64 : index
        %swap3A_511 = tpu.vector_load %arg12[%swap3A_510] {strides = array<i32>} : memref<128xi32, #tpu.memory_space<vmem>>, vector<16xi32>,
        tpu.vector_store %arg12[%swap3A_510], %and3A_509 {strides = array<i32>} : memref<128xi32, #tpu.memory_space<vmem>>, vector<16xi32>,
        %shift_right_arithmetic3A_512 = arith.constant 14 : i32
        %shift_right_arithmetic3A_513 = vector.broadcast %shift_right_arithmetic3A_512 : i32 to vector<16xi32>
        %shift_right_arithmetic3A_514 = arith.shrsi %get3A_506, %shift_right_arithmetic3A_513 : vector<16xi32>
        %swap3A_515 = arith.constant 64 : index
        %swap3A_516 = tpu.vector_load %arg14[%swap3A_515] {strides = array<i32>} : memref<128xi32, #tpu.memory_space<vmem>>, vector<16xi32>,
        tpu.vector_store %arg14[%swap3A_515], %shift_right_arithmetic3A_514 {strides = array<i32>} : memref<128xi32, #tpu.memory_space<vmem>>, vector<16xi32>,
        %add3A_517 = arith.constant 128 : i32
        %add3A_518 = arith.addi %mul3A_311, %add3A_517 : i32
        %add3A_519 = arith.constant 80 : i32
        %add3A_520 = arith.addi %add3A_518, %add3A_519 : i32
        %get3A_521 = arith.index_cast %add3A_520 : i32 to index
        %get3A_522 = tpu.vector_load %arg15[%get3A_521] {strides = array<i32>} : memref<38144xi32, #tpu.memory_space<vmem>>, vector<16xi32>,
        %and3A_523 = arith.constant 16383 : i32
        %and3A_524 = vector.broadcast %and3A_523 : i32 to vector<16xi32>
        %and3A_525 = arith.andi %get3A_522, %and3A_524 : vector<16xi32>
        %swap3A_526 = arith.constant 80 : index
        %swap3A_527 = tpu.vector_load %arg12[%swap3A_526] {strides = array<i32>} : memref<128xi32, #tpu.memory_space<vmem>>, vector<16xi32>,
        tpu.vector_store %arg12[%swap3A_526], %and3A_525 {strides = array<i32>} : memref<128xi32, #tpu.memory_space<vmem>>, vector<16xi32>,
        %shift_right_arithmetic3A_528 = arith.constant 14 : i32
        %shift_right_arithmetic3A_529 = vector.broadcast %shift_right_arithmetic3A_528 : i32 to vector<16xi32>
        %shift_right_arithmetic3A_530 = arith.shrsi %get3A_522, %shift_right_arithmetic3A_529 : vector<16xi32>
        %swap3A_531 = arith.constant 80 : index
        %swap3A_532 = tpu.vector_load %arg14[%swap3A_531] {strides = array<i32>} : memref<128xi32, #tpu.memory_space<vmem>>, vector<16xi32>,
        tpu.vector_store %arg14[%swap3A_531], %shift_right_arithmetic3A_530 {strides = array<i32>} : memref<128xi32, #tpu.memory_space<vmem>>, vector<16xi32>,
        %add3A_533 = arith.constant 128 : i32
        %add3A_534 = arith.addi %mul3A_311, %add3A_533 : i32
        %add3A_535 = arith.constant 96 : i32
        %add3A_536 = arith.addi %add3A_534, %add3A_535 : i32
        %get3A_537 = arith.index_cast %add3A_536 : i32 to index
        %get3A_538 = tpu.vector_load %arg15[%get3A_537] {strides = array<i32>} : memref<38144xi32, #tpu.memory_space<vmem>>, vector<16xi32>,
        %and3A_539 = arith.constant 16383 : i32
        %and3A_540 = vector.broadcast %and3A_539 : i32 to vector<16xi32>
        %and3A_541 = arith.andi %get3A_538, %and3A_540 : vector<16xi32>
        %swap3A_542 = arith.constant 96 : index
        %swap3A_543 = tpu.vector_load %arg12[%swap3A_542] {strides = array<i32>} : memref<128xi32, #tpu.memory_space<vmem>>, vector<16xi32>,
        tpu.vector_store %arg12[%swap3A_542], %and3A_541 {strides = array<i32>} : memref<128xi32, #tpu.memory_space<vmem>>, vector<16xi32>,
        %shift_right_arithmetic3A_544 = arith.constant 14 : i32
        %shift_right_arithmetic3A_545 = vector.broadcast %shift_right_arithmetic3A_544 : i32 to vector<16xi32>
        %shift_right_arithmetic3A_546 = arith.shrsi %get3A_538, %shift_right_arithmetic3A_545 : vector<16xi32>
        %swap3A_547 = arith.constant 96 : index
        %swap3A_548 = tpu.vector_load %arg14[%swap3A_547] {strides = array<i32>} : memref<128xi32, #tpu.memory_space<vmem>>, vector<16xi32>,
        tpu.vector_store %arg14[%swap3A_547], %shift_right_arithmetic3A_546 {strides = array<i32>} : memref<128xi32, #tpu.memory_space<vmem>>, vector<16xi32>,
        %add3A_549 = arith.constant 128 : i32
        %add3A_550 = arith.addi %mul3A_311, %add3A_549 : i32
        %add3A_551 = arith.constant 112 : i32
        %add3A_552 = arith.addi %add3A_550, %add3A_551 : i32
        %get3A_553 = arith.index_cast %add3A_552 : i32 to index
        %get3A_554 = tpu.vector_load %arg15[%get3A_553] {strides = array<i32>} : memref<38144xi32, #tpu.memory_space<vmem>>, vector<16xi32>,
        %and3A_555 = arith.constant 16383 : i32
        %and3A_556 = vector.broadcast %and3A_555 : i32 to vector<16xi32>
        %and3A_557 = arith.andi %get3A_554, %and3A_556 : vector<16xi32>
        %swap3A_558 = arith.constant 112 : index
        %swap3A_559 = tpu.vector_load %arg12[%swap3A_558] {strides = array<i32>} : memref<128xi32, #tpu.memory_space<vmem>>, vector<16xi32>,
        tpu.vector_store %arg12[%swap3A_558], %and3A_557 {strides = array<i32>} : memref<128xi32, #tpu.memory_space<vmem>>, vector<16xi32>,
        %shift_right_arithmetic3A_560 = arith.constant 14 : i32
        %shift_right_arithmetic3A_561 = vector.broadcast %shift_right_arithmetic3A_560 : i32 to vector<16xi32>
        %shift_right_arithmetic3A_562 = arith.shrsi %get3A_554, %shift_right_arithmetic3A_561 : vector<16xi32>
        %swap3A_563 = arith.constant 112 : index
        %swap3A_564 = tpu.vector_load %arg14[%swap3A_563] {strides = array<i32>} : memref<128xi32, #tpu.memory_space<vmem>>, vector<16xi32>,
        tpu.vector_store %arg14[%swap3A_563], %shift_right_arithmetic3A_562 {strides = array<i32>} : memref<128xi32, #tpu.memory_space<vmem>>, vector<16xi32>,
        %dma_start3A_565 = arith.constant 0 : i32
        %dma_start3A_566 = arith.constant 0 : i32
        %dma_start3A_567 = tpu.memref_slice %arg2[%arg0, %dma_start3A_565, %dma_start3A_566] : memref<2x10000x64xf32, #tpu.memory_space<hbm>> -> memref<1x10000x64xf32, #tpu.memory_space<hbm>>
        %dma_start3A_568 = tpu.memref_squeeze %dma_start3A_567 : memref<1x10000x64xf32, #tpu.memory_space<hbm>> -> memref<10000x64xf32, #tpu.memory_space<hbm>>
        %dma_start3A_569 = arith.constant 0 : i32
        %dma_start3A_570 = arith.constant 0 : i32
        %dma_start3A_571 = tpu.memref_slice %dma_start3A_568[%dma_start3A_569, %dma_start3A_570] : memref<10000x64xf32, #tpu.memory_space<hbm>> -> memref<10000x64xf32, #tpu.memory_space<hbm>>
        tpu.enqueue_indirect_dma source(%dma_start3A_571 : memref<10000x64xf32, #tpu.memory_space<hbm>>) target(%arg16 : memref<128x64xf32, #tpu.memory_space<vmem>>) offsets(%arg11 : memref<128xi32, #tpu.memory_space<vmem>>) semaphore(%arg19 : memref<!tpu.dma_semaphore, #tpu.memory_space<semaphore_mem>>)
        %dma_start3A_572 = arith.constant 0 : i32
        %dma_start3A_573 = arith.constant 0 : i32
        %dma_start3A_574 = tpu.memref_slice %arg2[%arg0, %dma_start3A_572, %dma_start3A_573] : memref<2x10000x64xf32, #tpu.memory_space<hbm>> -> memref<1x10000x64xf32, #tpu.memory_space<hbm>>
        %dma_start3A_575 = tpu.memref_squeeze %dma_start3A_574 : memref<1x10000x64xf32, #tpu.memory_space<hbm>> -> memref<10000x64xf32, #tpu.memory_space<hbm>>
        %dma_start3A_576 = arith.constant 0 : i32
        %dma_start3A_577 = arith.constant 0 : i32
        %dma_start3A_578 = tpu.memref_slice %dma_start3A_575[%dma_start3A_576, %dma_start3A_577] : memref<10000x64xf32, #tpu.memory_space<hbm>> -> memref<10000x64xf32, #tpu.memory_space<hbm>>
        tpu.enqueue_indirect_dma source(%dma_start3A_578 : memref<10000x64xf32, #tpu.memory_space<hbm>>) target(%arg17 : memref<128x64xf32, #tpu.memory_space<vmem>>) offsets(%arg12 : memref<128xi32, #tpu.memory_space<vmem>>) semaphore(%arg19 : memref<!tpu.dma_semaphore, #tpu.memory_space<semaphore_mem>>)
        %dma_wait3A_579 = arith.constant 0 : i32
        %dma_wait3A_580 = arith.constant 0 : i32
        %dma_wait3A_581 = tpu.memref_slice %arg2[%arg0, %dma_wait3A_579, %dma_wait3A_580] : memref<2x10000x64xf32, #tpu.memory_space<hbm>> -> memref<1x10000x64xf32, #tpu.memory_space<hbm>>
        %dma_wait3A_582 = tpu.memref_squeeze %dma_wait3A_581 : memref<1x10000x64xf32, #tpu.memory_space<hbm>> -> memref<10000x64xf32, #tpu.memory_space<hbm>>
        %dma_wait3A_583 = arith.constant 0 : i32
        %dma_wait3A_584 = arith.constant 0 : i32
        %dma_wait3A_585 = tpu.memref_slice %dma_wait3A_582[%dma_wait3A_583, %dma_wait3A_584] : memref<10000x64xf32, #tpu.memory_space<hbm>> -> memref<10000x64xf32, #tpu.memory_space<hbm>>
        tpu.wait_indirect_dma semaphore(%arg19 : memref<!tpu.dma_semaphore, #tpu.memory_space<semaphore_mem>>) src(%dma_wait3A_585 : memref<10000x64xf32, #tpu.memory_space<hbm>>) dst(%arg16 : memref<128x64xf32, #tpu.memory_space<vmem>>)
        %dma_wait3A_586 = arith.constant 0 : i32
        %dma_wait3A_587 = arith.constant 0 : i32
        %dma_wait3A_588 = tpu.memref_slice %arg2[%arg0, %dma_wait3A_586, %dma_wait3A_587] : memref<2x10000x64xf32, #tpu.memory_space<hbm>> -> memref<1x10000x64xf32, #tpu.memory_space<hbm>>
        %dma_wait3A_589 = tpu.memref_squeeze %dma_wait3A_588 : memref<1x10000x64xf32, #tpu.memory_space<hbm>> -> memref<10000x64xf32, #tpu.memory_space<hbm>>
        %dma_wait3A_590 = arith.constant 0 : i32
        %dma_wait3A_591 = arith.constant 0 : i32
        %dma_wait3A_592 = tpu.memref_slice %dma_wait3A_589[%dma_wait3A_590, %dma_wait3A_591] : memref<10000x64xf32, #tpu.memory_space<hbm>> -> memref<10000x64xf32, #tpu.memory_space<hbm>>
        tpu.wait_indirect_dma semaphore(%arg19 : memref<!tpu.dma_semaphore, #tpu.memory_space<semaphore_mem>>) src(%dma_wait3A_592 : memref<10000x64xf32, #tpu.memory_space<hbm>>) dst(%arg17 : memref<128x64xf32, #tpu.memory_space<vmem>>)
        %dma_start3A_593 = arith.constant 0 : i32
        %dma_start3A_594 = arith.constant 0 : i32
        %dma_start3A_595 = tpu.memref_slice %arg7[%dma_start3A_593, %dma_start3A_594] : memref<10240x64xf32, #tpu.memory_space<vmem_shared>> -> memref<10240x64xf32, #tpu.memory_space<vmem_shared>>
        tpu.enqueue_indirect_dma source(%arg16 : memref<128x64xf32, #tpu.memory_space<vmem>>) target(%dma_start3A_595 : memref<10240x64xf32, #tpu.memory_space<vmem_shared>>) offsets(%arg13 : memref<128xi32, #tpu.memory_space<vmem>>) semaphore(%arg20 : memref<!tpu.dma_semaphore, #tpu.memory_space<semaphore_mem>>) {add = true}
        %dma_start3A_596 = arith.constant 0 : i32
        %dma_start3A_597 = arith.constant 0 : i32
        %dma_start3A_598 = tpu.memref_slice %arg7[%dma_start3A_596, %dma_start3A_597] : memref<10240x64xf32, #tpu.memory_space<vmem_shared>> -> memref<10240x64xf32, #tpu.memory_space<vmem_shared>>
        tpu.enqueue_indirect_dma source(%arg17 : memref<128x64xf32, #tpu.memory_space<vmem>>) target(%dma_start3A_598 : memref<10240x64xf32, #tpu.memory_space<vmem_shared>>) offsets(%arg14 : memref<128xi32, #tpu.memory_space<vmem>>) semaphore(%arg20 : memref<!tpu.dma_semaphore, #tpu.memory_space<semaphore_mem>>) {add = true}
        %dma_wait3A_599 = arith.constant 0 : i32
        %dma_wait3A_600 = arith.constant 0 : i32
        %dma_wait3A_601 = tpu.memref_slice %arg7[%dma_wait3A_599, %dma_wait3A_600] : memref<10240x64xf32, #tpu.memory_space<vmem_shared>> -> memref<10240x64xf32, #tpu.memory_space<vmem_shared>>
        tpu.wait_indirect_dma semaphore(%arg20 : memref<!tpu.dma_semaphore, #tpu.memory_space<semaphore_mem>>) src(%arg16 : memref<128x64xf32, #tpu.memory_space<vmem>>) dst(%dma_wait3A_601 : memref<10240x64xf32, #tpu.memory_space<vmem_shared>>)
        %dma_wait3A_602 = arith.constant 0 : i32
        %dma_wait3A_603 = arith.constant 0 : i32
        %dma_wait3A_604 = tpu.memref_slice %arg7[%dma_wait3A_602, %dma_wait3A_603] : memref<10240x64xf32, #tpu.memory_space<vmem_shared>> -> memref<10240x64xf32, #tpu.memory_space<vmem_shared>>
        tpu.wait_indirect_dma semaphore(%arg20 : memref<!tpu.dma_semaphore, #tpu.memory_space<semaphore_mem>>) src(%arg17 : memref<128x64xf32, #tpu.memory_space<vmem>>) dst(%dma_wait3A_604 : memref<10240x64xf32, #tpu.memory_space<vmem_shared>>)
      }
      %while3A_63 = arith.constant 1 : i32
      scf.for %while3A_309 = %while3A_61 to %while3A_57 step %while3A_63  : i32 {
        %mul3A_310 = arith.constant 256 : i32
        %mul3A_311 = arith.muli %while3A_309, %mul3A_310 : i32
        %add3A_312 = arith.constant 0 : i32
        %add3A_313 = arith.addi %mul3A_311, %add3A_312 : i32
        %add3A_314 = arith.constant 0 : i32
        %add3A_315 = arith.addi %add3A_313, %add3A_314 : i32
        %get3A = arith.index_cast %add3A_315 : i32 to index
        %get3A_316 = tpu.vector_load %arg15[%get3A] {strides = array<i32>} : memref<38144xi32, #tpu.memory_space<vmem>>, vector<16xi32>,
        %and3A_317 = arith.constant 16383 : i32
        %and3A_318 = vector.broadcast %and3A_317 : i32 to vector<16xi32>
        %and3A_319 = arith.andi %get3A_316, %and3A_318 : vector<16xi32>
        %swap3A = arith.constant 0 : index
        %swap3A_320 = tpu.vector_load %arg11[%swap3A] {strides = array<i32>} : memref<128xi32, #tpu.memory_space<vmem>>, vector<16xi32>,
        tpu.vector_store %arg11[%swap3A], %and3A_319 {strides = array<i32>} : memref<128xi32, #tpu.memory_space<vmem>>, vector<16xi32>,
        %shift_right_arithmetic3A = arith.constant 14 : i32
        %shift_right_arithmetic3A_321 = vector.broadcast %shift_right_arithmetic3A : i32 to vector<16xi32>
        %shift_right_arithmetic3A_322 = arith.shrsi %get3A_316, %shift_right_arithmetic3A_321 : vector<16xi32>
        %swap3A_323 = arith.constant 0 : index
        %swap3A_324 = tpu.vector_load %arg13[%swap3A_323] {strides = array<i32>} : memref<128xi32, #tpu.memory_space<vmem>>, vector<16xi32>,
        tpu.vector_store %arg13[%swap3A_323], %shift_right_arithmetic3A_322 {strides = array<i32>} : memref<128xi32, #tpu.memory_space<vmem>>, vector<16xi32>,
        %add3A_325 = arith.constant 0 : i32
        %add3A_326 = arith.addi %mul3A_311, %add3A_325 : i32
        %add3A_327 = arith.constant 16 : i32
        %add3A_328 = arith.addi %add3A_326, %add3A_327 : i32
        %get3A_329 = arith.index_cast %add3A_328 : i32 to index
        %get3A_330 = tpu.vector_load %arg15[%get3A_329] {strides = array<i32>} : memref<38144xi32, #tpu.memory_space<vmem>>, vector<16xi32>,
        %and3A_331 = arith.constant 16383 : i32
        %and3A_332 = vector.broadcast %and3A_331 : i32 to vector<16xi32>
        %and3A_333 = arith.andi %get3A_330, %and3A_332 : vector<16xi32>
        %swap3A_334 = arith.constant 16 : index
        %swap3A_335 = tpu.vector_load %arg11[%swap3A_334] {strides = array<i32>} : memref<128xi32, #tpu.memory_space<vmem>>, vector<16xi32>,
        tpu.vector_store %arg11[%swap3A_334], %and3A_333 {strides = array<i32>} : memref<128xi32, #tpu.memory_space<vmem>>, vector<16xi32>,
        %shift_right_arithmetic3A_336 = arith.constant 14 : i32
        %shift_right_arithmetic3A_337 = vector.broadcast %shift_right_arithmetic3A_336 : i32 to vector<16xi32>
        %shift_right_arithmetic3A_338 = arith.shrsi %get3A_330, %shift_right_arithmetic3A_337 : vector<16xi32>
        %swap3A_339 = arith.constant 16 : index
        %swap3A_340 = tpu.vector_load %arg13[%swap3A_339] {strides = array<i32>} : memref<128xi32, #tpu.memory_space<vmem>>, vector<16xi32>,
        tpu.vector_store %arg13[%swap3A_339], %shift_right_arithmetic3A_338 {strides = array<i32>} : memref<128xi32, #tpu.memory_space<vmem>>, vector<16xi32>,
        %add3A_341 = arith.constant 0 : i32
        %add3A_342 = arith.addi %mul3A_311, %add3A_341 : i32
        %add3A_343 = arith.constant 32 : i32
        %add3A_344 = arith.addi %add3A_342, %add3A_343 : i32
        %get3A_345 = arith.index_cast %add3A_344 : i32 to index
        %get3A_346 = tpu.vector_load %arg15[%get3A_345] {strides = array<i32>} : memref<38144xi32, #tpu.memory_space<vmem>>, vector<16xi32>,
        %and3A_347 = arith.constant 16383 : i32
        %and3A_348 = vector.broadcast %and3A_347 : i32 to vector<16xi32>
        %and3A_349 = arith.andi %get3A_346, %and3A_348 : vector<16xi32>
        %swap3A_350 = arith.constant 32 : index
        %swap3A_351 = tpu.vector_load %arg11[%swap3A_350] {strides = array<i32>} : memref<128xi32, #tpu.memory_space<vmem>>, vector<16xi32>,
        tpu.vector_store %arg11[%swap3A_350], %and3A_349 {strides = array<i32>} : memref<128xi32, #tpu.memory_space<vmem>>, vector<16xi32>,
        %shift_right_arithmetic3A_352 = arith.constant 14 : i32
        %shift_right_arithmetic3A_353 = vector.broadcast %shift_right_arithmetic3A_352 : i32 to vector<16xi32>
        %shift_right_arithmetic3A_354 = arith.shrsi %get3A_346, %shift_right_arithmetic3A_353 : vector<16xi32>
        %swap3A_355 = arith.constant 32 : index
        %swap3A_356 = tpu.vector_load %arg13[%swap3A_355] {strides = array<i32>} : memref<128xi32, #tpu.memory_space<vmem>>, vector<16xi32>,
        tpu.vector_store %arg13[%swap3A_355], %shift_right_arithmetic3A_354 {strides = array<i32>} : memref<128xi32, #tpu.memory_space<vmem>>, vector<16xi32>,
        %add3A_357 = arith.constant 0 : i32
        %add3A_358 = arith.addi %mul3A_311, %add3A_357 : i32
        %add3A_359 = arith.constant 48 : i32
        %add3A_360 = arith.addi %add3A_358, %add3A_359 : i32
        %get3A_361 = arith.index_cast %add3A_360 : i32 to index
        %get3A_362 = tpu.vector_load %arg15[%get3A_361] {strides = array<i32>} : memref<38144xi32, #tpu.memory_space<vmem>>, vector<16xi32>,
        %and3A_363 = arith.constant 16383 : i32
        %and3A_364 = vector.broadcast %and3A_363 : i32 to vector<16xi32>
        %and3A_365 = arith.andi %get3A_362, %and3A_364 : vector<16xi32>
        %swap3A_366 = arith.constant 48 : index
        %swap3A_367 = tpu.vector_load %arg11[%swap3A_366] {strides = array<i32>} : memref<128xi32, #tpu.memory_space<vmem>>, vector<16xi32>,
        tpu.vector_store %arg11[%swap3A_366], %and3A_365 {strides = array<i32>} : memref<128xi32, #tpu.memory_space<vmem>>, vector<16xi32>,
        %shift_right_arithmetic3A_368 = arith.constant 14 : i32
        %shift_right_arithmetic3A_369 = vector.broadcast %shift_right_arithmetic3A_368 : i32 to vector<16xi32>
        %shift_right_arithmetic3A_370 = arith.shrsi %get3A_362, %shift_right_arithmetic3A_369 : vector<16xi32>
        %swap3A_371 = arith.constant 48 : index
        %swap3A_372 = tpu.vector_load %arg13[%swap3A_371] {strides = array<i32>} : memref<128xi32, #tpu.memory_space<vmem>>, vector<16xi32>,
        tpu.vector_store %arg13[%swap3A_371], %shift_right_arithmetic3A_370 {strides = array<i32>} : memref<128xi32, #tpu.memory_space<vmem>>, vector<16xi32>,
        %add3A_373 = arith.constant 0 : i32
        %add3A_374 = arith.addi %mul3A_311, %add3A_373 : i32
        %add3A_375 = arith.constant 64 : i32
        %add3A_376 = arith.addi %add3A_374, %add3A_375 : i32
        %get3A_377 = arith.index_cast %add3A_376 : i32 to index
        %get3A_378 = tpu.vector_load %arg15[%get3A_377] {strides = array<i32>} : memref<38144xi32, #tpu.memory_space<vmem>>, vector<16xi32>,
        %and3A_379 = arith.constant 16383 : i32
        %and3A_380 = vector.broadcast %and3A_379 : i32 to vector<16xi32>
        %and3A_381 = arith.andi %get3A_378, %and3A_380 : vector<16xi32>
        %swap3A_382 = arith.constant 64 : index
        %swap3A_383 = tpu.vector_load %arg11[%swap3A_382] {strides = array<i32>} : memref<128xi32, #tpu.memory_space<vmem>>, vector<16xi32>,
        tpu.vector_store %arg11[%swap3A_382], %and3A_381 {strides = array<i32>} : memref<128xi32, #tpu.memory_space<vmem>>, vector<16xi32>,
        %shift_right_arithmetic3A_384 = arith.constant 14 : i32
        %shift_right_arithmetic3A_385 = vector.broadcast %shift_right_arithmetic3A_384 : i32 to vector<16xi32>
        %shift_right_arithmetic3A_386 = arith.shrsi %get3A_378, %shift_right_arithmetic3A_385 : vector<16xi32>
        %swap3A_387 = arith.constant 64 : index
        %swap3A_388 = tpu.vector_load %arg13[%swap3A_387] {strides = array<i32>} : memref<128xi32, #tpu.memory_space<vmem>>, vector<16xi32>,
        tpu.vector_store %arg13[%swap3A_387], %shift_right_arithmetic3A_386 {strides = array<i32>} : memref<128xi32, #tpu.memory_space<vmem>>, vector<16xi32>,
        %add3A_389 = arith.constant 0 : i32
        %add3A_390 = arith.addi %mul3A_311, %add3A_389 : i32
        %add3A_391 = arith.constant 80 : i32
        %add3A_392 = arith.addi %add3A_390, %add3A_391 : i32
        %get3A_393 = arith.index_cast %add3A_392 : i32 to index
        %get3A_394 = tpu.vector_load %arg15[%get3A_393] {strides = array<i32>} : memref<38144xi32, #tpu.memory_space<vmem>>, vector<16xi32>,
        %and3A_395 = arith.constant 16383 : i32
        %and3A_396 = vector.broadcast %and3A_395 : i32 to vector<16xi32>
        %and3A_397 = arith.andi %get3A_394, %and3A_396 : vector<16xi32>
        %swap3A_398 = arith.constant 80 : index
        %swap3A_399 = tpu.vector_load %arg11[%swap3A_398] {strides = array<i32>} : memref<128xi32, #tpu.memory_space<vmem>>, vector<16xi32>,
        tpu.vector_store %arg11[%swap3A_398], %and3A_397 {strides = array<i32>} : memref<128xi32, #tpu.memory_space<vmem>>, vector<16xi32>,
        %shift_right_arithmetic3A_400 = arith.constant 14 : i32
        %shift_right_arithmetic3A_401 = vector.broadcast %shift_right_arithmetic3A_400 : i32 to vector<16xi32>
        %shift_right_arithmetic3A_402 = arith.shrsi %get3A_394, %shift_right_arithmetic3A_401 : vector<16xi32>
        %swap3A_403 = arith.constant 80 : index
        %swap3A_404 = tpu.vector_load %arg13[%swap3A_403] {strides = array<i32>} : memref<128xi32, #tpu.memory_space<vmem>>, vector<16xi32>,
        tpu.vector_store %arg13[%swap3A_403], %shift_right_arithmetic3A_402 {strides = array<i32>} : memref<128xi32, #tpu.memory_space<vmem>>, vector<16xi32>,
        %add3A_405 = arith.constant 0 : i32
        %add3A_406 = arith.addi %mul3A_311, %add3A_405 : i32
        %add3A_407 = arith.constant 96 : i32
        %add3A_408 = arith.addi %add3A_406, %add3A_407 : i32
        %get3A_409 = arith.index_cast %add3A_408 : i32 to index
        %get3A_410 = tpu.vector_load %arg15[%get3A_409] {strides = array<i32>} : memref<38144xi32, #tpu.memory_space<vmem>>, vector<16xi32>,
        %and3A_411 = arith.constant 16383 : i32
        %and3A_412 = vector.broadcast %and3A_411 : i32 to vector<16xi32>
        %and3A_413 = arith.andi %get3A_410, %and3A_412 : vector<16xi32>
        %swap3A_414 = arith.constant 96 : index
        %swap3A_415 = tpu.vector_load %arg11[%swap3A_414] {strides = array<i32>} : memref<128xi32, #tpu.memory_space<vmem>>, vector<16xi32>,
        tpu.vector_store %arg11[%swap3A_414], %and3A_413 {strides = array<i32>} : memref<128xi32, #tpu.memory_space<vmem>>, vector<16xi32>,
        %shift_right_arithmetic3A_416 = arith.constant 14 : i32
        %shift_right_arithmetic3A_417 = vector.broadcast %shift_right_arithmetic3A_416 : i32 to vector<16xi32>
        %shift_right_arithmetic3A_418 = arith.shrsi %get3A_410, %shift_right_arithmetic3A_417 : vector<16xi32>
        %swap3A_419 = arith.constant 96 : index
        %swap3A_420 = tpu.vector_load %arg13[%swap3A_419] {strides = array<i32>} : memref<128xi32, #tpu.memory_space<vmem>>, vector<16xi32>,
        tpu.vector_store %arg13[%swap3A_419], %shift_right_arithmetic3A_418 {strides = array<i32>} : memref<128xi32, #tpu.memory_space<vmem>>, vector<16xi32>,
        %add3A_421 = arith.constant 0 : i32
        %add3A_422 = arith.addi %mul3A_311, %add3A_421 : i32
        %add3A_423 = arith.constant 112 : i32
        %add3A_424 = arith.addi %add3A_422, %add3A_423 : i32
        %get3A_425 = arith.index_cast %add3A_424 : i32 to index
        %get3A_426 = tpu.vector_load %arg15[%get3A_425] {strides = array<i32>} : memref<38144xi32, #tpu.memory_space<vmem>>, vector<16xi32>,
        %and3A_427 = arith.constant 16383 : i32
        %and3A_428 = vector.broadcast %and3A_427 : i32 to vector<16xi32>
        %and3A_429 = arith.andi %get3A_426, %and3A_428 : vector<16xi32>
        %swap3A_430 = arith.constant 112 : index
        %swap3A_431 = tpu.vector_load %arg11[%swap3A_430] {strides = array<i32>} : memref<128xi32, #tpu.memory_space<vmem>>, vector<16xi32>,
        tpu.vector_store %arg11[%swap3A_430], %and3A_429 {strides = array<i32>} : memref<128xi32, #tpu.memory_space<vmem>>, vector<16xi32>,
        %shift_right_arithmetic3A_432 = arith.constant 14 : i32
        %shift_right_arithmetic3A_433 = vector.broadcast %shift_right_arithmetic3A_432 : i32 to vector<16xi32>
        %shift_right_arithmetic3A_434 = arith.shrsi %get3A_426, %shift_right_arithmetic3A_433 : vector<16xi32>
        %swap3A_435 = arith.constant 112 : index
        %swap3A_436 = tpu.vector_load %arg13[%swap3A_435] {strides = array<i32>} : memref<128xi32, #tpu.memory_space<vmem>>, vector<16xi32>,
        tpu.vector_store %arg13[%swap3A_435], %shift_right_arithmetic3A_434 {strides = array<i32>} : memref<128xi32, #tpu.memory_space<vmem>>, vector<16xi32>,
        %add3A_437 = arith.constant 128 : i32
        %add3A_438 = arith.addi %mul3A_311, %add3A_437 : i32
        %add3A_439 = arith.constant 0 : i32
        %add3A_440 = arith.addi %add3A_438, %add3A_439 : i32
        %get3A_441 = arith.index_cast %add3A_440 : i32 to index
        %get3A_442 = tpu.vector_load %arg15[%get3A_441] {strides = array<i32>} : memref<38144xi32, #tpu.memory_space<vmem>>, vector<16xi32>,
        %and3A_443 = arith.constant 16383 : i32
        %and3A_444 = vector.broadcast %and3A_443 : i32 to vector<16xi32>
        %and3A_445 = arith.andi %get3A_442, %and3A_444 : vector<16xi32>
        %swap3A_446 = arith.constant 0 : index
        %swap3A_447 = tpu.vector_load %arg12[%swap3A_446] {strides = array<i32>} : memref<128xi32, #tpu.memory_space<vmem>>, vector<16xi32>,
        tpu.vector_store %arg12[%swap3A_446], %and3A_445 {strides = array<i32>} : memref<128xi32, #tpu.memory_space<vmem>>, vector<16xi32>,
        %shift_right_arithmetic3A_448 = arith.constant 14 : i32
        %shift_right_arithmetic3A_449 = vector.broadcast %shift_right_arithmetic3A_448 : i32 to vector<16xi32>
        %shift_right_arithmetic3A_450 = arith.shrsi %get3A_442, %shift_right_arithmetic3A_449 : vector<16xi32>
        %swap3A_451 = arith.constant 0 : index
        %swap3A_452 = tpu.vector_load %arg14[%swap3A_451] {strides = array<i32>} : memref<128xi32, #tpu.memory_space<vmem>>, vector<16xi32>,
        tpu.vector_store %arg14[%swap3A_451], %shift_right_arithmetic3A_450 {strides = array<i32>} : memref<128xi32, #tpu.memory_space<vmem>>, vector<16xi32>,
        %add3A_453 = arith.constant 128 : i32
        %add3A_454 = arith.addi %mul3A_311, %add3A_453 : i32
        %add3A_455 = arith.constant 16 : i32
        %add3A_456 = arith.addi %add3A_454, %add3A_455 : i32
        %get3A_457 = arith.index_cast %add3A_456 : i32 to index
        %get3A_458 = tpu.vector_load %arg15[%get3A_457] {strides = array<i32>} : memref<38144xi32, #tpu.memory_space<vmem>>, vector<16xi32>,
        %and3A_459 = arith.constant 16383 : i32
        %and3A_460 = vector.broadcast %and3A_459 : i32 to vector<16xi32>
        %and3A_461 = arith.andi %get3A_458, %and3A_460 : vector<16xi32>
        %swap3A_462 = arith.constant 16 : index
        %swap3A_463 = tpu.vector_load %arg12[%swap3A_462] {strides = array<i32>} : memref<128xi32, #tpu.memory_space<vmem>>, vector<16xi32>,
        tpu.vector_store %arg12[%swap3A_462], %and3A_461 {strides = array<i32>} : memref<128xi32, #tpu.memory_space<vmem>>, vector<16xi32>,
        %shift_right_arithmetic3A_464 = arith.constant 14 : i32
        %shift_right_arithmetic3A_465 = vector.broadcast %shift_right_arithmetic3A_464 : i32 to vector<16xi32>
        %shift_right_arithmetic3A_466 = arith.shrsi %get3A_458, %shift_right_arithmetic3A_465 : vector<16xi32>
        %swap3A_467 = arith.constant 16 : index
        %swap3A_468 = tpu.vector_load %arg14[%swap3A_467] {strides = array<i32>} : memref<128xi32, #tpu.memory_space<vmem>>, vector<16xi32>,
        tpu.vector_store %arg14[%swap3A_467], %shift_right_arithmetic3A_466 {strides = array<i32>} : memref<128xi32, #tpu.memory_space<vmem>>, vector<16xi32>,
        %add3A_469 = arith.constant 128 : i32
        %add3A_470 = arith.addi %mul3A_311, %add3A_469 : i32
        %add3A_471 = arith.constant 32 : i32
        %add3A_472 = arith.addi %add3A_470, %add3A_471 : i32
        %get3A_473 = arith.index_cast %add3A_472 : i32 to index
        %get3A_474 = tpu.vector_load %arg15[%get3A_473] {strides = array<i32>} : memref<38144xi32, #tpu.memory_space<vmem>>, vector<16xi32>,
        %and3A_475 = arith.constant 16383 : i32
        %and3A_476 = vector.broadcast %and3A_475 : i32 to vector<16xi32>
        %and3A_477 = arith.andi %get3A_474, %and3A_476 : vector<16xi32>
        %swap3A_478 = arith.constant 32 : index
        %swap3A_479 = tpu.vector_load %arg12[%swap3A_478] {strides = array<i32>} : memref<128xi32, #tpu.memory_space<vmem>>, vector<16xi32>,
        tpu.vector_store %arg12[%swap3A_478], %and3A_477 {strides = array<i32>} : memref<128xi32, #tpu.memory_space<vmem>>, vector<16xi32>,
        %shift_right_arithmetic3A_480 = arith.constant 14 : i32
        %shift_right_arithmetic3A_481 = vector.broadcast %shift_right_arithmetic3A_480 : i32 to vector<16xi32>
        %shift_right_arithmetic3A_482 = arith.shrsi %get3A_474, %shift_right_arithmetic3A_481 : vector<16xi32>
        %swap3A_483 = arith.constant 32 : index
        %swap3A_484 = tpu.vector_load %arg14[%swap3A_483] {strides = array<i32>} : memref<128xi32, #tpu.memory_space<vmem>>, vector<16xi32>,
        tpu.vector_store %arg14[%swap3A_483], %shift_right_arithmetic3A_482 {strides = array<i32>} : memref<128xi32, #tpu.memory_space<vmem>>, vector<16xi32>,
        %add3A_485 = arith.constant 128 : i32
        %add3A_486 = arith.addi %mul3A_311, %add3A_485 : i32
        %add3A_487 = arith.constant 48 : i32
        %add3A_488 = arith.addi %add3A_486, %add3A_487 : i32
        %get3A_489 = arith.index_cast %add3A_488 : i32 to index
        %get3A_490 = tpu.vector_load %arg15[%get3A_489] {strides = array<i32>} : memref<38144xi32, #tpu.memory_space<vmem>>, vector<16xi32>,
        %and3A_491 = arith.constant 16383 : i32
        %and3A_492 = vector.broadcast %and3A_491 : i32 to vector<16xi32>
        %and3A_493 = arith.andi %get3A_490, %and3A_492 : vector<16xi32>
        %swap3A_494 = arith.constant 48 : index
        %swap3A_495 = tpu.vector_load %arg12[%swap3A_494] {strides = array<i32>} : memref<128xi32, #tpu.memory_space<vmem>>, vector<16xi32>,
        tpu.vector_store %arg12[%swap3A_494], %and3A_493 {strides = array<i32>} : memref<128xi32, #tpu.memory_space<vmem>>, vector<16xi32>,
        %shift_right_arithmetic3A_496 = arith.constant 14 : i32
        %shift_right_arithmetic3A_497 = vector.broadcast %shift_right_arithmetic3A_496 : i32 to vector<16xi32>
        %shift_right_arithmetic3A_498 = arith.shrsi %get3A_490, %shift_right_arithmetic3A_497 : vector<16xi32>
        %swap3A_499 = arith.constant 48 : index
        %swap3A_500 = tpu.vector_load %arg14[%swap3A_499] {strides = array<i32>} : memref<128xi32, #tpu.memory_space<vmem>>, vector<16xi32>,
        tpu.vector_store %arg14[%swap3A_499], %shift_right_arithmetic3A_498 {strides = array<i32>} : memref<128xi32, #tpu.memory_space<vmem>>, vector<16xi32>,
        %add3A_501 = arith.constant 128 : i32
        %add3A_502 = arith.addi %mul3A_311, %add3A_501 : i32
        %add3A_503 = arith.constant 64 : i32
        %add3A_504 = arith.addi %add3A_502, %add3A_503 : i32
        %get3A_505 = arith.index_cast %add3A_504 : i32 to index
        %get3A_506 = tpu.vector_load %arg15[%get3A_505] {strides = array<i32>} : memref<38144xi32, #tpu.memory_space<vmem>>, vector<16xi32>,
        %and3A_507 = arith.constant 16383 : i32
        %and3A_508 = vector.broadcast %and3A_507 : i32 to vector<16xi32>
        %and3A_509 = arith.andi %get3A_506, %and3A_508 : vector<16xi32>
        %swap3A_510 = arith.constant 64 : index
        %swap3A_511 = tpu.vector_load %arg12[%swap3A_510] {strides = array<i32>} : memref<128xi32, #tpu.memory_space<vmem>>, vector<16xi32>,
        tpu.vector_store %arg12[%swap3A_510], %and3A_509 {strides = array<i32>} : memref<128xi32, #tpu.memory_space<vmem>>, vector<16xi32>,
        %shift_right_arithmetic3A_512 = arith.constant 14 : i32
        %shift_right_arithmetic3A_513 = vector.broadcast %shift_right_arithmetic3A_512 : i32 to vector<16xi32>
        %shift_right_arithmetic3A_514 = arith.shrsi %get3A_506, %shift_right_arithmetic3A_513 : vector<16xi32>
        %swap3A_515 = arith.constant 64 : index
        %swap3A_516 = tpu.vector_load %arg14[%swap3A_515] {strides = array<i32>} : memref<128xi32, #tpu.memory_space<vmem>>, vector<16xi32>,
        tpu.vector_store %arg14[%swap3A_515], %shift_right_arithmetic3A_514 {strides = array<i32>} : memref<128xi32, #tpu.memory_space<vmem>>, vector<16xi32>,
        %add3A_517 = arith.constant 128 : i32
        %add3A_518 = arith.addi %mul3A_311, %add3A_517 : i32
        %add3A_519 = arith.constant 80 : i32
        %add3A_520 = arith.addi %add3A_518, %add3A_519 : i32
        %get3A_521 = arith.index_cast %add3A_520 : i32 to index
        %get3A_522 = tpu.vector_load %arg15[%get3A_521] {strides = array<i32>} : memref<38144xi32, #tpu.memory_space<vmem>>, vector<16xi32>,
        %and3A_523 = arith.constant 16383 : i32
        %and3A_524 = vector.broadcast %and3A_523 : i32 to vector<16xi32>
        %and3A_525 = arith.andi %get3A_522, %and3A_524 : vector<16xi32>
        %swap3A_526 = arith.constant 80 : index
        %swap3A_527 = tpu.vector_load %arg12[%swap3A_526] {strides = array<i32>} : memref<128xi32, #tpu.memory_space<vmem>>, vector<16xi32>,
        tpu.vector_store %arg12[%swap3A_526], %and3A_525 {strides = array<i32>} : memref<128xi32, #tpu.memory_space<vmem>>, vector<16xi32>,
        %shift_right_arithmetic3A_528 = arith.constant 14 : i32
        %shift_right_arithmetic3A_529 = vector.broadcast %shift_right_arithmetic3A_528 : i32 to vector<16xi32>
        %shift_right_arithmetic3A_530 = arith.shrsi %get3A_522, %shift_right_arithmetic3A_529 : vector<16xi32>
        %swap3A_531 = arith.constant 80 : index
        %swap3A_532 = tpu.vector_load %arg14[%swap3A_531] {strides = array<i32>} : memref<128xi32, #tpu.memory_space<vmem>>, vector<16xi32>,
        tpu.vector_store %arg14[%swap3A_531], %shift_right_arithmetic3A_530 {strides = array<i32>} : memref<128xi32, #tpu.memory_space<vmem>>, vector<16xi32>,
        %add3A_533 = arith.constant 128 : i32
        %add3A_534 = arith.addi %mul3A_311, %add3A_533 : i32
        %add3A_535 = arith.constant 96 : i32
        %add3A_536 = arith.addi %add3A_534, %add3A_535 : i32
        %get3A_537 = arith.index_cast %add3A_536 : i32 to index
        %get3A_538 = tpu.vector_load %arg15[%get3A_537] {strides = array<i32>} : memref<38144xi32, #tpu.memory_space<vmem>>, vector<16xi32>,
        %and3A_539 = arith.constant 16383 : i32
        %and3A_540 = vector.broadcast %and3A_539 : i32 to vector<16xi32>
        %and3A_541 = arith.andi %get3A_538, %and3A_540 : vector<16xi32>
        %swap3A_542 = arith.constant 96 : index
        %swap3A_543 = tpu.vector_load %arg12[%swap3A_542] {strides = array<i32>} : memref<128xi32, #tpu.memory_space<vmem>>, vector<16xi32>,
        tpu.vector_store %arg12[%swap3A_542], %and3A_541 {strides = array<i32>} : memref<128xi32, #tpu.memory_space<vmem>>, vector<16xi32>,
        %shift_right_arithmetic3A_544 = arith.constant 14 : i32
        %shift_right_arithmetic3A_545 = vector.broadcast %shift_right_arithmetic3A_544 : i32 to vector<16xi32>
        %shift_right_arithmetic3A_546 = arith.shrsi %get3A_538, %shift_right_arithmetic3A_545 : vector<16xi32>
        %swap3A_547 = arith.constant 96 : index
        %swap3A_548 = tpu.vector_load %arg14[%swap3A_547] {strides = array<i32>} : memref<128xi32, #tpu.memory_space<vmem>>, vector<16xi32>,
        tpu.vector_store %arg14[%swap3A_547], %shift_right_arithmetic3A_546 {strides = array<i32>} : memref<128xi32, #tpu.memory_space<vmem>>, vector<16xi32>,
        %add3A_549 = arith.constant 128 : i32
        %add3A_550 = arith.addi %mul3A_311, %add3A_549 : i32
        %add3A_551 = arith.constant 112 : i32
        %add3A_552 = arith.addi %add3A_550, %add3A_551 : i32
        %get3A_553 = arith.index_cast %add3A_552 : i32 to index
        %get3A_554 = tpu.vector_load %arg15[%get3A_553] {strides = array<i32>} : memref<38144xi32, #tpu.memory_space<vmem>>, vector<16xi32>,
        %and3A_555 = arith.constant 16383 : i32
        %and3A_556 = vector.broadcast %and3A_555 : i32 to vector<16xi32>
        %and3A_557 = arith.andi %get3A_554, %and3A_556 : vector<16xi32>
        %swap3A_558 = arith.constant 112 : index
        %swap3A_559 = tpu.vector_load %arg12[%swap3A_558] {strides = array<i32>} : memref<128xi32, #tpu.memory_space<vmem>>, vector<16xi32>,
        tpu.vector_store %arg12[%swap3A_558], %and3A_557 {strides = array<i32>} : memref<128xi32, #tpu.memory_space<vmem>>, vector<16xi32>,
        %shift_right_arithmetic3A_560 = arith.constant 14 : i32
        %shift_right_arithmetic3A_561 = vector.broadcast %shift_right_arithmetic3A_560 : i32 to vector<16xi32>
        %shift_right_arithmetic3A_562 = arith.shrsi %get3A_554, %shift_right_arithmetic3A_561 : vector<16xi32>
        %swap3A_563 = arith.constant 112 : index
        %swap3A_564 = tpu.vector_load %arg14[%swap3A_563] {strides = array<i32>} : memref<128xi32, #tpu.memory_space<vmem>>, vector<16xi32>,
        tpu.vector_store %arg14[%swap3A_563], %shift_right_arithmetic3A_562 {strides = array<i32>} : memref<128xi32, #tpu.memory_space<vmem>>, vector<16xi32>,
        %dma_start3A_565 = arith.constant 0 : i32
        %dma_start3A_566 = arith.constant 0 : i32
        %dma_start3A_567 = tpu.memref_slice %arg2[%arg0, %dma_start3A_565, %dma_start3A_566] : memref<2x10000x64xf32, #tpu.memory_space<hbm>> -> memref<1x10000x64xf32, #tpu.memory_space<hbm>>
        %dma_start3A_568 = tpu.memref_squeeze %dma_start3A_567 : memref<1x10000x64xf32, #tpu.memory_space<hbm>> -> memref<10000x64xf32, #tpu.memory_space<hbm>>
        %dma_start3A_569 = arith.constant 0 : i32
        %dma_start3A_570 = arith.constant 0 : i32
        %dma_start3A_571 = tpu.memref_slice %dma_start3A_568[%dma_start3A_569, %dma_start3A_570] : memref<10000x64xf32, #tpu.memory_space<hbm>> -> memref<10000x64xf32, #tpu.memory_space<hbm>>
        tpu.enqueue_indirect_dma source(%dma_start3A_571 : memref<10000x64xf32, #tpu.memory_space<hbm>>) target(%arg16 : memref<128x64xf32, #tpu.memory_space<vmem>>) offsets(%arg11 : memref<128xi32, #tpu.memory_space<vmem>>) semaphore(%arg19 : memref<!tpu.dma_semaphore, #tpu.memory_space<semaphore_mem>>)
        %dma_start3A_572 = arith.constant 0 : i32
        %dma_start3A_573 = arith.constant 0 : i32
        %dma_start3A_574 = tpu.memref_slice %arg2[%arg0, %dma_start3A_572, %dma_start3A_573] : memref<2x10000x64xf32, #tpu.memory_space<hbm>> -> memref<1x10000x64xf32, #tpu.memory_space<hbm>>
        %dma_start3A_575 = tpu.memref_squeeze %dma_start3A_574 : memref<1x10000x64xf32, #tpu.memory_space<hbm>> -> memref<10000x64xf32, #tpu.memory_space<hbm>>
        %dma_start3A_576 = arith.constant 0 : i32
        %dma_start3A_577 = arith.constant 0 : i32
        %dma_start3A_578 = tpu.memref_slice %dma_start3A_575[%dma_start3A_576, %dma_start3A_577] : memref<10000x64xf32, #tpu.memory_space<hbm>> -> memref<10000x64xf32, #tpu.memory_space<hbm>>
        tpu.enqueue_indirect_dma source(%dma_start3A_578 : memref<10000x64xf32, #tpu.memory_space<hbm>>) target(%arg17 : memref<128x64xf32, #tpu.memory_space<vmem>>) offsets(%arg12 : memref<128xi32, #tpu.memory_space<vmem>>) semaphore(%arg19 : memref<!tpu.dma_semaphore, #tpu.memory_space<semaphore_mem>>)
        %dma_wait3A_579 = arith.constant 0 : i32
        %dma_wait3A_580 = arith.constant 0 : i32
        %dma_wait3A_581 = tpu.memref_slice %arg2[%arg0, %dma_wait3A_579, %dma_wait3A_580] : memref<2x10000x64xf32, #tpu.memory_space<hbm>> -> memref<1x10000x64xf32, #tpu.memory_space<hbm>>
        %dma_wait3A_582 = tpu.memref_squeeze %dma_wait3A_581 : memref<1x10000x64xf32, #tpu.memory_space<hbm>> -> memref<10000x64xf32, #tpu.memory_space<hbm>>
        %dma_wait3A_583 = arith.constant 0 : i32
        %dma_wait3A_584 = arith.constant 0 : i32
        %dma_wait3A_585 = tpu.memref_slice %dma_wait3A_582[%dma_wait3A_583, %dma_wait3A_584] : memref<10000x64xf32, #tpu.memory_space<hbm>> -> memref<10000x64xf32, #tpu.memory_space<hbm>>
        tpu.wait_indirect_dma semaphore(%arg19 : memref<!tpu.dma_semaphore, #tpu.memory_space<semaphore_mem>>) src(%dma_wait3A_585 : memref<10000x64xf32, #tpu.memory_space<hbm>>) dst(%arg16 : memref<128x64xf32, #tpu.memory_space<vmem>>)
        %dma_wait3A_586 = arith.constant 0 : i32
        %dma_wait3A_587 = arith.constant 0 : i32
        %dma_wait3A_588 = tpu.memref_slice %arg2[%arg0, %dma_wait3A_586, %dma_wait3A_587] : memref<2x10000x64xf32, #tpu.memory_space<hbm>> -> memref<1x10000x64xf32, #tpu.memory_space<hbm>>
        %dma_wait3A_589 = tpu.memref_squeeze %dma_wait3A_588 : memref<1x10000x64xf32, #tpu.memory_space<hbm>> -> memref<10000x64xf32, #tpu.memory_space<hbm>>
        %dma_wait3A_590 = arith.constant 0 : i32
        %dma_wait3A_591 = arith.constant 0 : i32
        %dma_wait3A_592 = tpu.memref_slice %dma_wait3A_589[%dma_wait3A_590, %dma_wait3A_591] : memref<10000x64xf32, #tpu.memory_space<hbm>> -> memref<10000x64xf32, #tpu.memory_space<hbm>>
        tpu.wait_indirect_dma semaphore(%arg19 : memref<!tpu.dma_semaphore, #tpu.memory_space<semaphore_mem>>) src(%dma_wait3A_592 : memref<10000x64xf32, #tpu.memory_space<hbm>>) dst(%arg17 : memref<128x64xf32, #tpu.memory_space<vmem>>)
        %dma_start3A_593 = arith.constant 0 : i32
        %dma_start3A_594 = arith.constant 0 : i32
        %dma_start3A_595 = tpu.memref_slice %arg7[%dma_start3A_593, %dma_start3A_594] : memref<10240x64xf32, #tpu.memory_space<vmem_shared>> -> memref<10240x64xf32, #tpu.memory_space<vmem_shared>>
        tpu.enqueue_indirect_dma source(%arg16 : memref<128x64xf32, #tpu.memory_space<vmem>>) target(%dma_start3A_595 : memref<10240x64xf32, #tpu.memory_space<vmem_shared>>) offsets(%arg13 : memref<128xi32, #tpu.memory_space<vmem>>) semaphore(%arg20 : memref<!tpu.dma_semaphore, #tpu.memory_space<semaphore_mem>>) {add = true}
        %dma_start3A_596 = arith.constant 0 : i32
        %dma_start3A_597 = arith.constant 0 : i32
        %dma_start3A_598 = tpu.memref_slice %arg7[%dma_start3A_596, %dma_start3A_597] : memref<10240x64xf32, #tpu.memory_space<vmem_shared>> -> memref<10240x64xf32, #tpu.memory_space<vmem_shared>>
        tpu.enqueue_indirect_dma source(%arg17 : memref<128x64xf32, #tpu.memory_space<vmem>>) target(%dma_start3A_598 : memref<10240x64xf32, #tpu.memory_space<vmem_shared>>) offsets(%arg14 : memref<128xi32, #tpu.memory_space<vmem>>) semaphore(%arg20 : memref<!tpu.dma_semaphore, #tpu.memory_space<semaphore_mem>>) {add = true}
        %dma_wait3A_599 = arith.constant 0 : i32
        %dma_wait3A_600 = arith.constant 0 : i32
        %dma_wait3A_601 = tpu.memref_slice %arg7[%dma_wait3A_599, %dma_wait3A_600] : memref<10240x64xf32, #tpu.memory_space<vmem_shared>> -> memref<10240x64xf32, #tpu.memory_space<vmem_shared>>
        tpu.wait_indirect_dma semaphore(%arg20 : memref<!tpu.dma_semaphore, #tpu.memory_space<semaphore_mem>>) src(%arg16 : memref<128x64xf32, #tpu.memory_space<vmem>>) dst(%dma_wait3A_601 : memref<10240x64xf32, #tpu.memory_space<vmem_shared>>)
        %dma_wait3A_602 = arith.constant 0 : i32
        %dma_wait3A_603 = arith.constant 0 : i32
        %dma_wait3A_604 = tpu.memref_slice %arg7[%dma_wait3A_602, %dma_wait3A_603] : memref<10240x64xf32, #tpu.memory_space<vmem_shared>> -> memref<10240x64xf32, #tpu.memory_space<vmem_shared>>
        tpu.wait_indirect_dma semaphore(%arg20 : memref<!tpu.dma_semaphore, #tpu.memory_space<semaphore_mem>>) src(%arg17 : memref<128x64xf32, #tpu.memory_space<vmem>>) dst(%dma_wait3A_604 : memref<10240x64xf32, #tpu.memory_space<vmem_shared>>)
      }
      %barrier3A_64 = arith.constant 0 : index
      tpu.barrier barrier_id(%barrier3A_64)
      %mul3A_65 = arith.constant 632 : i32
      %mul3A_66 = arith.muli %arg1, %mul3A_65 : i32
      %mul3A_67 = arith.constant 632 : i32
      %mul3A_68 = arith.muli %arg1, %mul3A_67 : i32
      %add3A_69 = arith.addi %mul3A_8, %mul3A_68 : i32
      %add3A_70 = arith.constant 0 : i32
      %add3A_71 = arith.addi %mul3A_66, %add3A_70 : i32
      %dma_start3A = arith.constant 0 : i32
      %dma_start3A_72 = arith.constant 0 : i32
      %dma_start3A_73 = tpu.memref_slice %arg16[%dma_start3A, %dma_start3A_72] : memref<128x64xf32, #tpu.memory_space<vmem>> -> memref<128x64xf32, #tpu.memory_space<vmem>>
      %dma_start3A_74 = arith.constant 0 : i32
      %dma_start3A_75 = tpu.memref_slice %arg7[%add3A_71, %dma_start3A_74] : memref<10240x64xf32, #tpu.memory_space<vmem_shared>> -> memref<128x64xf32, #tpu.memory_space<vmem_shared>>
      %dma_start3A_76 = arith.constant 0 : i32
      %dma_start3A_77 = arith.constant 0 : i32
      %dma_start3A_78 = tpu.memref_slice %arg16[%dma_start3A_76, %dma_start3A_77] : memref<128x64xf32, #tpu.memory_space<vmem>> -> memref<128x64xf32, #tpu.memory_space<vmem>>
      %dma_start3A_79 = arith.constant 0 : i32
      %dma_start3A_80 = tpu.memref_slice %arg7[%add3A_71, %dma_start3A_79] : memref<10240x64xf32, #tpu.memory_space<vmem_shared>> -> memref<128x64xf32, #tpu.memory_space<vmem_shared>>
      tpu.enqueue_dma source(%dma_start3A_80 : memref<128x64xf32, #tpu.memory_space<vmem_shared>>) target(%dma_start3A_78 : memref<128x64xf32, #tpu.memory_space<vmem>>) target_semaphore(%arg19 : memref<!tpu.dma_semaphore, #tpu.memory_space<semaphore_mem>>)
      %add3A_81 = arith.constant 128 : i32
      %add3A_82 = arith.addi %mul3A_66, %add3A_81 : i32
      %dma_start3A_83 = arith.constant 0 : i32
      %dma_start3A_84 = arith.constant 0 : i32
      %dma_start3A_85 = tpu.memref_slice %arg17[%dma_start3A_83, %dma_start3A_84] : memref<128x64xf32, #tpu.memory_space<vmem>> -> memref<128x64xf32, #tpu.memory_space<vmem>>
      %dma_start3A_86 = arith.constant 0 : i32
      %dma_start3A_87 = tpu.memref_slice %arg7[%add3A_82, %dma_start3A_86] : memref<10240x64xf32, #tpu.memory_space<vmem_shared>> -> memref<128x64xf32, #tpu.memory_space<vmem_shared>>
      %dma_start3A_88 = arith.constant 0 : i32
      %dma_start3A_89 = arith.constant 0 : i32
      %dma_start3A_90 = tpu.memref_slice %arg17[%dma_start3A_88, %dma_start3A_89] : memref<128x64xf32, #tpu.memory_space<vmem>> -> memref<128x64xf32, #tpu.memory_space<vmem>>
      %dma_start3A_91 = arith.constant 0 : i32
      %dma_start3A_92 = tpu.memref_slice %arg7[%add3A_82, %dma_start3A_91] : memref<10240x64xf32, #tpu.memory_space<vmem_shared>> -> memref<128x64xf32, #tpu.memory_space<vmem_shared>>
      tpu.enqueue_dma source(%dma_start3A_92 : memref<128x64xf32, #tpu.memory_space<vmem_shared>>) target(%dma_start3A_90 : memref<128x64xf32, #tpu.memory_space<vmem>>) target_semaphore(%arg19 : memref<!tpu.dma_semaphore, #tpu.memory_space<semaphore_mem>>)
      %dma_wait3A = arith.constant 0 : i32
      %dma_wait3A_93 = arith.constant 0 : i32
      %dma_wait3A_94 = tpu.memref_slice %arg16[%dma_wait3A, %dma_wait3A_93] : memref<128x64xf32, #tpu.memory_space<vmem>> -> memref<128x64xf32, #tpu.memory_space<vmem>>
      %dma_wait3A_95 = arith.constant 0 : i32
      %dma_wait3A_96 = tpu.memref_slice %arg7[%add3A_71, %dma_wait3A_95] : memref<10240x64xf32, #tpu.memory_space<vmem_shared>> -> memref<128x64xf32, #tpu.memory_space<vmem_shared>>
      %dma_wait3A_97 = arith.constant 0 : i32
      %dma_wait3A_98 = arith.constant 0 : i32
      %dma_wait3A_99 = tpu.memref_slice %arg16[%dma_wait3A_97, %dma_wait3A_98] : memref<128x64xf32, #tpu.memory_space<vmem>> -> memref<128x64xf32, #tpu.memory_space<vmem>>
      %dma_wait3A_100 = arith.constant 0 : i32
      %dma_wait3A_101 = tpu.memref_slice %arg7[%add3A_71, %dma_wait3A_100] : memref<10240x64xf32, #tpu.memory_space<vmem_shared>> -> memref<128x64xf32, #tpu.memory_space<vmem_shared>>
      tpu.wait_dma2 semaphore(%arg19 : memref<!tpu.dma_semaphore, #tpu.memory_space<semaphore_mem>>) src(%dma_wait3A_101 : memref<128x64xf32, #tpu.memory_space<vmem_shared>>) dst(%dma_wait3A_99 : memref<128x64xf32, #tpu.memory_space<vmem>>)
      %dma_wait3A_102 = arith.constant 0 : i32
      %dma_wait3A_103 = arith.constant 0 : i32
      %dma_wait3A_104 = tpu.memref_slice %arg17[%dma_wait3A_102, %dma_wait3A_103] : memref<128x64xf32, #tpu.memory_space<vmem>> -> memref<128x64xf32, #tpu.memory_space<vmem>>
      %dma_wait3A_105 = arith.constant 0 : i32
      %dma_wait3A_106 = tpu.memref_slice %arg7[%add3A_82, %dma_wait3A_105] : memref<10240x64xf32, #tpu.memory_space<vmem_shared>> -> memref<128x64xf32, #tpu.memory_space<vmem_shared>>
      %dma_wait3A_107 = arith.constant 0 : i32
      %dma_wait3A_108 = arith.constant 0 : i32
      %dma_wait3A_109 = tpu.memref_slice %arg17[%dma_wait3A_107, %dma_wait3A_108] : memref<128x64xf32, #tpu.memory_space<vmem>> -> memref<128x64xf32, #tpu.memory_space<vmem>>
      %dma_wait3A_110 = arith.constant 0 : i32
      %dma_wait3A_111 = tpu.memref_slice %arg7[%add3A_82, %dma_wait3A_110] : memref<10240x64xf32, #tpu.memory_space<vmem_shared>> -> memref<128x64xf32, #tpu.memory_space<vmem_shared>>
      tpu.wait_dma2 semaphore(%arg19 : memref<!tpu.dma_semaphore, #tpu.memory_space<semaphore_mem>>) src(%dma_wait3A_111 : memref<128x64xf32, #tpu.memory_space<vmem_shared>>) dst(%dma_wait3A_109 : memref<128x64xf32, #tpu.memory_space<vmem>>)
      %add3A_112 = arith.constant 0 : i32
      %add3A_113 = arith.addi %add3A_69, %add3A_112 : i32
      %dma_start3A_114 = arith.constant 0 : i32
      %dma_start3A_115 = arith.constant 0 : i32
      %dma_start3A_116 = tpu.memref_slice %arg16[%dma_start3A_114, %dma_start3A_115] : memref<128x64xf32, #tpu.memory_space<vmem>> -> memref<128x64xf32, #tpu.memory_space<vmem>>
      %dma_start3A_117 = arith.constant 0 : i32
      %dma_start3A_118 = tpu.memref_slice %arg6[%arg0, %add3A_113, %dma_start3A_117] : memref<2x50560x64xf32, #tpu.memory_space<hbm>> -> memref<1x128x64xf32, #tpu.memory_space<hbm>>
      %dma_start3A_119 = tpu.memref_squeeze %dma_start3A_118 : memref<1x128x64xf32, #tpu.memory_space<hbm>> -> memref<128x64xf32, #tpu.memory_space<hbm>>
      %dma_start3A_120 = arith.constant 0 : i32
      %dma_start3A_121 = tpu.memref_slice %arg6[%arg0, %add3A_113, %dma_start3A_120] : memref<2x50560x64xf32, #tpu.memory_space<hbm>> -> memref<1x128x64xf32, #tpu.memory_space<hbm>>
      %dma_start3A_122 = tpu.memref_squeeze %dma_start3A_121 : memref<1x128x64xf32, #tpu.memory_space<hbm>> -> memref<128x64xf32, #tpu.memory_space<hbm>>
      %dma_start3A_123 = arith.constant 0 : i32
      %dma_start3A_124 = arith.constant 0 : i32
      %dma_start3A_125 = tpu.memref_slice %arg16[%dma_start3A_123, %dma_start3A_124] : memref<128x64xf32, #tpu.memory_space<vmem>> -> memref<128x64xf32, #tpu.memory_space<vmem>>
      tpu.enqueue_dma source(%dma_start3A_125 : memref<128x64xf32, #tpu.memory_space<vmem>>) target(%dma_start3A_122 : memref<128x64xf32, #tpu.memory_space<hbm>>) target_semaphore(%arg20 : memref<!tpu.dma_semaphore, #tpu.memory_space<semaphore_mem>>)
      %add3A_126 = arith.constant 128 : i32
      %add3A_127 = arith.addi %add3A_69, %add3A_126 : i32
      %dma_start3A_128 = arith.constant 0 : i32
      %dma_start3A_129 = arith.constant 0 : i32
      %dma_start3A_130 = tpu.memref_slice %arg17[%dma_start3A_128, %dma_start3A_129] : memref<128x64xf32, #tpu.memory_space<vmem>> -> memref<128x64xf32, #tpu.memory_space<vmem>>
      %dma_start3A_131 = arith.constant 0 : i32
      %dma_start3A_132 = tpu.memref_slice %arg6[%arg0, %add3A_127, %dma_start3A_131] : memref<2x50560x64xf32, #tpu.memory_space<hbm>> -> memref<1x128x64xf32, #tpu.memory_space<hbm>>
      %dma_start3A_133 = tpu.memref_squeeze %dma_start3A_132 : memref<1x128x64xf32, #tpu.memory_space<hbm>> -> memref<128x64xf32, #tpu.memory_space<hbm>>
      %dma_start3A_134 = arith.constant 0 : i32
      %dma_start3A_135 = tpu.memref_slice %arg6[%arg0, %add3A_127, %dma_start3A_134] : memref<2x50560x64xf32, #tpu.memory_space<hbm>> -> memref<1x128x64xf32, #tpu.memory_space<hbm>>
      %dma_start3A_136 = tpu.memref_squeeze %dma_start3A_135 : memref<1x128x64xf32, #tpu.memory_space<hbm>> -> memref<128x64xf32, #tpu.memory_space<hbm>>
      %dma_start3A_137 = arith.constant 0 : i32
      %dma_start3A_138 = arith.constant 0 : i32
      %dma_start3A_139 = tpu.memref_slice %arg17[%dma_start3A_137, %dma_start3A_138] : memref<128x64xf32, #tpu.memory_space<vmem>> -> memref<128x64xf32, #tpu.memory_space<vmem>>
      tpu.enqueue_dma source(%dma_start3A_139 : memref<128x64xf32, #tpu.memory_space<vmem>>) target(%dma_start3A_136 : memref<128x64xf32, #tpu.memory_space<hbm>>) target_semaphore(%arg20 : memref<!tpu.dma_semaphore, #tpu.memory_space<semaphore_mem>>)
      %dma_wait3A_140 = arith.constant 0 : i32
      %dma_wait3A_141 = arith.constant 0 : i32
      %dma_wait3A_142 = tpu.memref_slice %arg16[%dma_wait3A_140, %dma_wait3A_141] : memref<128x64xf32, #tpu.memory_space<vmem>> -> memref<128x64xf32, #tpu.memory_space<vmem>>
      %dma_wait3A_143 = arith.constant 0 : i32
      %dma_wait3A_144 = tpu.memref_slice %arg6[%arg0, %add3A_113, %dma_wait3A_143] : memref<2x50560x64xf32, #tpu.memory_space<hbm>> -> memref<1x128x64xf32, #tpu.memory_space<hbm>>
      %dma_wait3A_145 = tpu.memref_squeeze %dma_wait3A_144 : memref<1x128x64xf32, #tpu.memory_space<hbm>> -> memref<128x64xf32, #tpu.memory_space<hbm>>
      %dma_wait3A_146 = arith.constant 0 : i32
      %dma_wait3A_147 = tpu.memref_slice %arg6[%arg0, %add3A_113, %dma_wait3A_146] : memref<2x50560x64xf32, #tpu.memory_space<hbm>> -> memref<1x128x64xf32, #tpu.memory_space<hbm>>
      %dma_wait3A_148 = tpu.memref_squeeze %dma_wait3A_147 : memref<1x128x64xf32, #tpu.memory_space<hbm>> -> memref<128x64xf32, #tpu.memory_space<hbm>>
      %dma_wait3A_149 = arith.constant 0 : i32
      %dma_wait3A_150 = arith.constant 0 : i32
      %dma_wait3A_151 = tpu.memref_slice %arg16[%dma_wait3A_149, %dma_wait3A_150] : memref<128x64xf32, #tpu.memory_space<vmem>> -> memref<128x64xf32, #tpu.memory_space<vmem>>
      tpu.wait_dma2 semaphore(%arg20 : memref<!tpu.dma_semaphore, #tpu.memory_space<semaphore_mem>>) src(%dma_wait3A_151 : memref<128x64xf32, #tpu.memory_space<vmem>>) dst(%dma_wait3A_148 : memref<128x64xf32, #tpu.memory_space<hbm>>)
      %dma_wait3A_152 = arith.constant 0 : i32
      %dma_wait3A_153 = arith.constant 0 : i32
      %dma_wait3A_154 = tpu.memref_slice %arg17[%dma_wait3A_152, %dma_wait3A_153] : memref<128x64xf32, #tpu.memory_space<vmem>> -> memref<128x64xf32, #tpu.memory_space<vmem>>
      %dma_wait3A_155 = arith.constant 0 : i32
      %dma_wait3A_156 = tpu.memref_slice %arg6[%arg0, %add3A_127, %dma_wait3A_155] : memref<2x50560x64xf32, #tpu.memory_space<hbm>> -> memref<1x128x64xf32, #tpu.memory_space<hbm>>
      %dma_wait3A_157 = tpu.memref_squeeze %dma_wait3A_156 : memref<1x128x64xf32, #tpu.memory_space<hbm>> -> memref<128x64xf32, #tpu.memory_space<hbm>>
      %dma_wait3A_158 = arith.constant 0 : i32
      %dma_wait3A_159 = tpu.memref_slice %arg6[%arg0, %add3A_127, %dma_wait3A_158] : memref<2x50560x64xf32, #tpu.memory_space<hbm>> -> memref<1x128x64xf32, #tpu.memory_space<hbm>>
      %dma_wait3A_160 = tpu.memref_squeeze %dma_wait3A_159 : memref<1x128x64xf32, #tpu.memory_space<hbm>> -> memref<128x64xf32, #tpu.memory_space<hbm>>
      %dma_wait3A_161 = arith.constant 0 : i32
      %dma_wait3A_162 = arith.constant 0 : i32
      %dma_wait3A_163 = tpu.memref_slice %arg17[%dma_wait3A_161, %dma_wait3A_162] : memref<128x64xf32, #tpu.memory_space<vmem>> -> memref<128x64xf32, #tpu.memory_space<vmem>>
      tpu.wait_dma2 semaphore(%arg20 : memref<!tpu.dma_semaphore, #tpu.memory_space<semaphore_mem>>) src(%dma_wait3A_163 : memref<128x64xf32, #tpu.memory_space<vmem>>) dst(%dma_wait3A_160 : memref<128x64xf32, #tpu.memory_space<hbm>>)
      %add3A_164 = arith.constant 256 : i32
      %add3A_165 = arith.addi %mul3A_66, %add3A_164 : i32
      %dma_start3A_166 = arith.constant 0 : i32
      %dma_start3A_167 = arith.constant 0 : i32
      %dma_start3A_168 = tpu.memref_slice %arg16[%dma_start3A_166, %dma_start3A_167] : memref<128x64xf32, #tpu.memory_space<vmem>> -> memref<128x64xf32, #tpu.memory_space<vmem>>
      %dma_start3A_169 = arith.constant 0 : i32
      %dma_start3A_170 = tpu.memref_slice %arg7[%add3A_165, %dma_start3A_169] : memref<10240x64xf32, #tpu.memory_space<vmem_shared>> -> memref<128x64xf32, #tpu.memory_space<vmem_shared>>
      %dma_start3A_171 = arith.constant 0 : i32
      %dma_start3A_172 = arith.constant 0 : i32
      %dma_start3A_173 = tpu.memref_slice %arg16[%dma_start3A_171, %dma_start3A_172] : memref<128x64xf32, #tpu.memory_space<vmem>> -> memref<128x64xf32, #tpu.memory_space<vmem>>
      %dma_start3A_174 = arith.constant 0 : i32
      %dma_start3A_175 = tpu.memref_slice %arg7[%add3A_165, %dma_start3A_174] : memref<10240x64xf32, #tpu.memory_space<vmem_shared>> -> memref<128x64xf32, #tpu.memory_space<vmem_shared>>
      tpu.enqueue_dma source(%dma_start3A_175 : memref<128x64xf32, #tpu.memory_space<vmem_shared>>) target(%dma_start3A_173 : memref<128x64xf32, #tpu.memory_space<vmem>>) target_semaphore(%arg19 : memref<!tpu.dma_semaphore, #tpu.memory_space<semaphore_mem>>)
      %add3A_176 = arith.constant 384 : i32
      %add3A_177 = arith.addi %mul3A_66, %add3A_176 : i32
      %dma_start3A_178 = arith.constant 0 : i32
      %dma_start3A_179 = arith.constant 0 : i32
      %dma_start3A_180 = tpu.memref_slice %arg17[%dma_start3A_178, %dma_start3A_179] : memref<128x64xf32, #tpu.memory_space<vmem>> -> memref<128x64xf32, #tpu.memory_space<vmem>>
      %dma_start3A_181 = arith.constant 0 : i32
      %dma_start3A_182 = tpu.memref_slice %arg7[%add3A_177, %dma_start3A_181] : memref<10240x64xf32, #tpu.memory_space<vmem_shared>> -> memref<128x64xf32, #tpu.memory_space<vmem_shared>>
      %dma_start3A_183 = arith.constant 0 : i32
      %dma_start3A_184 = arith.constant 0 : i32
      %dma_start3A_185 = tpu.memref_slice %arg17[%dma_start3A_183, %dma_start3A_184] : memref<128x64xf32, #tpu.memory_space<vmem>> -> memref<128x64xf32, #tpu.memory_space<vmem>>
      %dma_start3A_186 = arith.constant 0 : i32
      %dma_start3A_187 = tpu.memref_slice %arg7[%add3A_177, %dma_start3A_186] : memref<10240x64xf32, #tpu.memory_space<vmem_shared>> -> memref<128x64xf32, #tpu.memory_space<vmem_shared>>
      tpu.enqueue_dma source(%dma_start3A_187 : memref<128x64xf32, #tpu.memory_space<vmem_shared>>) target(%dma_start3A_185 : memref<128x64xf32, #tpu.memory_space<vmem>>) target_semaphore(%arg19 : memref<!tpu.dma_semaphore, #tpu.memory_space<semaphore_mem>>)
      %dma_wait3A_188 = arith.constant 0 : i32
      %dma_wait3A_189 = arith.constant 0 : i32
      %dma_wait3A_190 = tpu.memref_slice %arg16[%dma_wait3A_188, %dma_wait3A_189] : memref<128x64xf32, #tpu.memory_space<vmem>> -> memref<128x64xf32, #tpu.memory_space<vmem>>
      %dma_wait3A_191 = arith.constant 0 : i32
      %dma_wait3A_192 = tpu.memref_slice %arg7[%add3A_165, %dma_wait3A_191] : memref<10240x64xf32, #tpu.memory_space<vmem_shared>> -> memref<128x64xf32, #tpu.memory_space<vmem_shared>>
      %dma_wait3A_193 = arith.constant 0 : i32
      %dma_wait3A_194 = arith.constant 0 : i32
      %dma_wait3A_195 = tpu.memref_slice %arg16[%dma_wait3A_193, %dma_wait3A_194] : memref<128x64xf32, #tpu.memory_space<vmem>> -> memref<128x64xf32, #tpu.memory_space<vmem>>
      %dma_wait3A_196 = arith.constant 0 : i32
      %dma_wait3A_197 = tpu.memref_slice %arg7[%add3A_165, %dma_wait3A_196] : memref<10240x64xf32, #tpu.memory_space<vmem_shared>> -> memref<128x64xf32, #tpu.memory_space<vmem_shared>>
      tpu.wait_dma2 semaphore(%arg19 : memref<!tpu.dma_semaphore, #tpu.memory_space<semaphore_mem>>) src(%dma_wait3A_197 : memref<128x64xf32, #tpu.memory_space<vmem_shared>>) dst(%dma_wait3A_195 : memref<128x64xf32, #tpu.memory_space<vmem>>)
      %dma_wait3A_198 = arith.constant 0 : i32
      %dma_wait3A_199 = arith.constant 0 : i32
      %dma_wait3A_200 = tpu.memref_slice %arg17[%dma_wait3A_198, %dma_wait3A_199] : memref<128x64xf32, #tpu.memory_space<vmem>> -> memref<128x64xf32, #tpu.memory_space<vmem>>
      %dma_wait3A_201 = arith.constant 0 : i32
      %dma_wait3A_202 = tpu.memref_slice %arg7[%add3A_177, %dma_wait3A_201] : memref<10240x64xf32, #tpu.memory_space<vmem_shared>> -> memref<128x64xf32, #tpu.memory_space<vmem_shared>>
      %dma_wait3A_203 = arith.constant 0 : i32
      %dma_wait3A_204 = arith.constant 0 : i32
      %dma_wait3A_205 = tpu.memref_slice %arg17[%dma_wait3A_203, %dma_wait3A_204] : memref<128x64xf32, #tpu.memory_space<vmem>> -> memref<128x64xf32, #tpu.memory_space<vmem>>
      %dma_wait3A_206 = arith.constant 0 : i32
      %dma_wait3A_207 = tpu.memref_slice %arg7[%add3A_177, %dma_wait3A_206] : memref<10240x64xf32, #tpu.memory_space<vmem_shared>> -> memref<128x64xf32, #tpu.memory_space<vmem_shared>>
      tpu.wait_dma2 semaphore(%arg19 : memref<!tpu.dma_semaphore, #tpu.memory_space<semaphore_mem>>) src(%dma_wait3A_207 : memref<128x64xf32, #tpu.memory_space<vmem_shared>>) dst(%dma_wait3A_205 : memref<128x64xf32, #tpu.memory_space<vmem>>)
      %add3A_208 = arith.constant 256 : i32
      %add3A_209 = arith.addi %add3A_69, %add3A_208 : i32
      %dma_start3A_210 = arith.constant 0 : i32
      %dma_start3A_211 = arith.constant 0 : i32
      %dma_start3A_212 = tpu.memref_slice %arg16[%dma_start3A_210, %dma_start3A_211] : memref<128x64xf32, #tpu.memory_space<vmem>> -> memref<128x64xf32, #tpu.memory_space<vmem>>
      %dma_start3A_213 = arith.constant 0 : i32
      %dma_start3A_214 = tpu.memref_slice %arg6[%arg0, %add3A_209, %dma_start3A_213] : memref<2x50560x64xf32, #tpu.memory_space<hbm>> -> memref<1x128x64xf32, #tpu.memory_space<hbm>>
      %dma_start3A_215 = tpu.memref_squeeze %dma_start3A_214 : memref<1x128x64xf32, #tpu.memory_space<hbm>> -> memref<128x64xf32, #tpu.memory_space<hbm>>
      %dma_start3A_216 = arith.constant 0 : i32
      %dma_start3A_217 = tpu.memref_slice %arg6[%arg0, %add3A_209, %dma_start3A_216] : memref<2x50560x64xf32, #tpu.memory_space<hbm>> -> memref<1x128x64xf32, #tpu.memory_space<hbm>>
      %dma_start3A_218 = tpu.memref_squeeze %dma_start3A_217 : memref<1x128x64xf32, #tpu.memory_space<hbm>> -> memref<128x64xf32, #tpu.memory_space<hbm>>
      %dma_start3A_219 = arith.constant 0 : i32
      %dma_start3A_220 = arith.constant 0 : i32
      %dma_start3A_221 = tpu.memref_slice %arg16[%dma_start3A_219, %dma_start3A_220] : memref<128x64xf32, #tpu.memory_space<vmem>> -> memref<128x64xf32, #tpu.memory_space<vmem>>
      tpu.enqueue_dma source(%dma_start3A_221 : memref<128x64xf32, #tpu.memory_space<vmem>>) target(%dma_start3A_218 : memref<128x64xf32, #tpu.memory_space<hbm>>) target_semaphore(%arg20 : memref<!tpu.dma_semaphore, #tpu.memory_space<semaphore_mem>>)
      %add3A_222 = arith.constant 384 : i32
      %add3A_223 = arith.addi %add3A_69, %add3A_222 : i32
      %dma_start3A_224 = arith.constant 0 : i32
      %dma_start3A_225 = arith.constant 0 : i32
      %dma_start3A_226 = tpu.memref_slice %arg17[%dma_start3A_224, %dma_start3A_225] : memref<128x64xf32, #tpu.memory_space<vmem>> -> memref<128x64xf32, #tpu.memory_space<vmem>>
      %dma_start3A_227 = arith.constant 0 : i32
      %dma_start3A_228 = tpu.memref_slice %arg6[%arg0, %add3A_223, %dma_start3A_227] : memref<2x50560x64xf32, #tpu.memory_space<hbm>> -> memref<1x128x64xf32, #tpu.memory_space<hbm>>
      %dma_start3A_229 = tpu.memref_squeeze %dma_start3A_228 : memref<1x128x64xf32, #tpu.memory_space<hbm>> -> memref<128x64xf32, #tpu.memory_space<hbm>>
      %dma_start3A_230 = arith.constant 0 : i32
      %dma_start3A_231 = tpu.memref_slice %arg6[%arg0, %add3A_223, %dma_start3A_230] : memref<2x50560x64xf32, #tpu.memory_space<hbm>> -> memref<1x128x64xf32, #tpu.memory_space<hbm>>
      %dma_start3A_232 = tpu.memref_squeeze %dma_start3A_231 : memref<1x128x64xf32, #tpu.memory_space<hbm>> -> memref<128x64xf32, #tpu.memory_space<hbm>>
      %dma_start3A_233 = arith.constant 0 : i32
      %dma_start3A_234 = arith.constant 0 : i32
      %dma_start3A_235 = tpu.memref_slice %arg17[%dma_start3A_233, %dma_start3A_234] : memref<128x64xf32, #tpu.memory_space<vmem>> -> memref<128x64xf32, #tpu.memory_space<vmem>>
      tpu.enqueue_dma source(%dma_start3A_235 : memref<128x64xf32, #tpu.memory_space<vmem>>) target(%dma_start3A_232 : memref<128x64xf32, #tpu.memory_space<hbm>>) target_semaphore(%arg20 : memref<!tpu.dma_semaphore, #tpu.memory_space<semaphore_mem>>)
      %dma_wait3A_236 = arith.constant 0 : i32
      %dma_wait3A_237 = arith.constant 0 : i32
      %dma_wait3A_238 = tpu.memref_slice %arg16[%dma_wait3A_236, %dma_wait3A_237] : memref<128x64xf32, #tpu.memory_space<vmem>> -> memref<128x64xf32, #tpu.memory_space<vmem>>
      %dma_wait3A_239 = arith.constant 0 : i32
      %dma_wait3A_240 = tpu.memref_slice %arg6[%arg0, %add3A_209, %dma_wait3A_239] : memref<2x50560x64xf32, #tpu.memory_space<hbm>> -> memref<1x128x64xf32, #tpu.memory_space<hbm>>
      %dma_wait3A_241 = tpu.memref_squeeze %dma_wait3A_240 : memref<1x128x64xf32, #tpu.memory_space<hbm>> -> memref<128x64xf32, #tpu.memory_space<hbm>>
      %dma_wait3A_242 = arith.constant 0 : i32
      %dma_wait3A_243 = tpu.memref_slice %arg6[%arg0, %add3A_209, %dma_wait3A_242] : memref<2x50560x64xf32, #tpu.memory_space<hbm>> -> memref<1x128x64xf32, #tpu.memory_space<hbm>>
      %dma_wait3A_244 = tpu.memref_squeeze %dma_wait3A_243 : memref<1x128x64xf32, #tpu.memory_space<hbm>> -> memref<128x64xf32, #tpu.memory_space<hbm>>
      %dma_wait3A_245 = arith.constant 0 : i32
      %dma_wait3A_246 = arith.constant 0 : i32
      %dma_wait3A_247 = tpu.memref_slice %arg16[%dma_wait3A_245, %dma_wait3A_246] : memref<128x64xf32, #tpu.memory_space<vmem>> -> memref<128x64xf32, #tpu.memory_space<vmem>>
      tpu.wait_dma2 semaphore(%arg20 : memref<!tpu.dma_semaphore, #tpu.memory_space<semaphore_mem>>) src(%dma_wait3A_247 : memref<128x64xf32, #tpu.memory_space<vmem>>) dst(%dma_wait3A_244 : memref<128x64xf32, #tpu.memory_space<hbm>>)
      %dma_wait3A_248 = arith.constant 0 : i32
      %dma_wait3A_249 = arith.constant 0 : i32
      %dma_wait3A_250 = tpu.memref_slice %arg17[%dma_wait3A_248, %dma_wait3A_249] : memref<128x64xf32, #tpu.memory_space<vmem>> -> memref<128x64xf32, #tpu.memory_space<vmem>>
      %dma_wait3A_251 = arith.constant 0 : i32
      %dma_wait3A_252 = tpu.memref_slice %arg6[%arg0, %add3A_223, %dma_wait3A_251] : memref<2x50560x64xf32, #tpu.memory_space<hbm>> -> memref<1x128x64xf32, #tpu.memory_space<hbm>>
      %dma_wait3A_253 = tpu.memref_squeeze %dma_wait3A_252 : memref<1x128x64xf32, #tpu.memory_space<hbm>> -> memref<128x64xf32, #tpu.memory_space<hbm>>
      %dma_wait3A_254 = arith.constant 0 : i32
      %dma_wait3A_255 = tpu.memref_slice %arg6[%arg0, %add3A_223, %dma_wait3A_254] : memref<2x50560x64xf32, #tpu.memory_space<hbm>> -> memref<1x128x64xf32, #tpu.memory_space<hbm>>
      %dma_wait3A_256 = tpu.memref_squeeze %dma_wait3A_255 : memref<1x128x64xf32, #tpu.memory_space<hbm>> -> memref<128x64xf32, #tpu.memory_space<hbm>>
      %dma_wait3A_257 = arith.constant 0 : i32
      %dma_wait3A_258 = arith.constant 0 : i32
      %dma_wait3A_259 = tpu.memref_slice %arg17[%dma_wait3A_257, %dma_wait3A_258] : memref<128x64xf32, #tpu.memory_space<vmem>> -> memref<128x64xf32, #tpu.memory_space<vmem>>
      tpu.wait_dma2 semaphore(%arg20 : memref<!tpu.dma_semaphore, #tpu.memory_space<semaphore_mem>>) src(%dma_wait3A_259 : memref<128x64xf32, #tpu.memory_space<vmem>>) dst(%dma_wait3A_256 : memref<128x64xf32, #tpu.memory_space<hbm>>)
      %add3A_260 = arith.constant 512 : i32
      %add3A_261 = arith.addi %mul3A_66, %add3A_260 : i32
      %dma_start3A_262 = arith.constant 0 : i32
      %dma_start3A_263 = arith.constant 0 : i32
      %dma_start3A_264 = tpu.memref_slice %arg8[%dma_start3A_262, %dma_start3A_263] : memref<128x64xf32, #tpu.memory_space<vmem>> -> memref<120x64xf32, #tpu.memory_space<vmem>>
      %dma_start3A_265 = arith.constant 0 : i32
      %dma_start3A_266 = tpu.memref_slice %arg7[%add3A_261, %dma_start3A_265] : memref<10240x64xf32, #tpu.memory_space<vmem_shared>> -> memref<120x64xf32, #tpu.memory_space<vmem_shared>>
      %dma_start3A_267 = arith.constant 0 : i32
      %dma_start3A_268 = arith.constant 0 : i32
      %dma_start3A_269 = tpu.memref_slice %arg8[%dma_start3A_267, %dma_start3A_268] : memref<128x64xf32, #tpu.memory_space<vmem>> -> memref<120x64xf32, #tpu.memory_space<vmem>>
      %dma_start3A_270 = arith.constant 0 : i32
      %dma_start3A_271 = tpu.memref_slice %arg7[%add3A_261, %dma_start3A_270] : memref<10240x64xf32, #tpu.memory_space<vmem_shared>> -> memref<120x64xf32, #tpu.memory_space<vmem_shared>>
      tpu.enqueue_dma source(%dma_start3A_271 : memref<120x64xf32, #tpu.memory_space<vmem_shared>>) target(%dma_start3A_269 : memref<120x64xf32, #tpu.memory_space<vmem>>) target_semaphore(%arg19 : memref<!tpu.dma_semaphore, #tpu.memory_space<semaphore_mem>>)
      %dma_wait3A_272 = arith.constant 0 : i32
      %dma_wait3A_273 = arith.constant 0 : i32
      %dma_wait3A_274 = tpu.memref_slice %arg8[%dma_wait3A_272, %dma_wait3A_273] : memref<128x64xf32, #tpu.memory_space<vmem>> -> memref<120x64xf32, #tpu.memory_space<vmem>>
      %dma_wait3A_275 = arith.constant 0 : i32
      %dma_wait3A_276 = tpu.memref_slice %arg7[%add3A_261, %dma_wait3A_275] : memref<10240x64xf32, #tpu.memory_space<vmem_shared>> -> memref<120x64xf32, #tpu.memory_space<vmem_shared>>
      %dma_wait3A_277 = arith.constant 0 : i32
      %dma_wait3A_278 = arith.constant 0 : i32
      %dma_wait3A_279 = tpu.memref_slice %arg8[%dma_wait3A_277, %dma_wait3A_278] : memref<128x64xf32, #tpu.memory_space<vmem>> -> memref<120x64xf32, #tpu.memory_space<vmem>>
      %dma_wait3A_280 = arith.constant 0 : i32
      %dma_wait3A_281 = tpu.memref_slice %arg7[%add3A_261, %dma_wait3A_280] : memref<10240x64xf32, #tpu.memory_space<vmem_shared>> -> memref<120x64xf32, #tpu.memory_space<vmem_shared>>
      tpu.wait_dma2 semaphore(%arg19 : memref<!tpu.dma_semaphore, #tpu.memory_space<semaphore_mem>>) src(%dma_wait3A_281 : memref<120x64xf32, #tpu.memory_space<vmem_shared>>) dst(%dma_wait3A_279 : memref<120x64xf32, #tpu.memory_space<vmem>>)
      %add3A_282 = arith.constant 512 : i32
      %add3A_283 = arith.addi %add3A_69, %add3A_282 : i32
      %dma_start3A_284 = arith.constant 0 : i32
      %dma_start3A_285 = arith.constant 0 : i32
      %dma_start3A_286 = tpu.memref_slice %arg8[%dma_start3A_284, %dma_start3A_285] : memref<128x64xf32, #tpu.memory_space<vmem>> -> memref<120x64xf32, #tpu.memory_space<vmem>>
      %dma_start3A_287 = arith.constant 0 : i32
      %dma_start3A_288 = tpu.memref_slice %arg6[%arg0, %add3A_283, %dma_start3A_287] : memref<2x50560x64xf32, #tpu.memory_space<hbm>> -> memref<1x120x64xf32, #tpu.memory_space<hbm>>
      %dma_start3A_289 = tpu.memref_squeeze %dma_start3A_288 : memref<1x120x64xf32, #tpu.memory_space<hbm>> -> memref<120x64xf32, #tpu.memory_space<hbm>>
      %dma_start3A_290 = arith.constant 0 : i32
      %dma_start3A_291 = tpu.memref_slice %arg6[%arg0, %add3A_283, %dma_start3A_290] : memref<2x50560x64xf32, #tpu.memory_space<hbm>> -> memref<1x120x64xf32, #tpu.memory_space<hbm>>
      %dma_start3A_292 = tpu.memref_squeeze %dma_start3A_291 : memref<1x120x64xf32, #tpu.memory_space<hbm>> -> memref<120x64xf32, #tpu.memory_space<hbm>>
      %dma_start3A_293 = arith.constant 0 : i32
      %dma_start3A_294 = arith.constant 0 : i32
      %dma_start3A_295 = tpu.memref_slice %arg8[%dma_start3A_293, %dma_start3A_294] : memref<128x64xf32, #tpu.memory_space<vmem>> -> memref<120x64xf32, #tpu.memory_space<vmem>>
      tpu.enqueue_dma source(%dma_start3A_295 : memref<120x64xf32, #tpu.memory_space<vmem>>) target(%dma_start3A_292 : memref<120x64xf32, #tpu.memory_space<hbm>>) target_semaphore(%arg20 : memref<!tpu.dma_semaphore, #tpu.memory_space<semaphore_mem>>)
      %dma_wait3A_296 = arith.constant 0 : i32
      %dma_wait3A_297 = arith.constant 0 : i32
      %dma_wait3A_298 = tpu.memref_slice %arg8[%dma_wait3A_296, %dma_wait3A_297] : memref<128x64xf32, #tpu.memory_space<vmem>> -> memref<120x64xf32, #tpu.memory_space<vmem>>
      %dma_wait3A_299 = arith.constant 0 : i32
      %dma_wait3A_300 = tpu.memref_slice %arg6[%arg0, %add3A_283, %dma_wait3A_299] : memref<2x50560x64xf32, #tpu.memory_space<hbm>> -> memref<1x120x64xf32, #tpu.memory_space<hbm>>
      %dma_wait3A_301 = tpu.memref_squeeze %dma_wait3A_300 : memref<1x120x64xf32, #tpu.memory_space<hbm>> -> memref<120x64xf32, #tpu.memory_space<hbm>>
      %dma_wait3A_302 = arith.constant 0 : i32
      %dma_wait3A_303 = tpu.memref_slice %arg6[%arg0, %add3A_283, %dma_wait3A_302] : memref<2x50560x64xf32, #tpu.memory_space<hbm>> -> memref<1x120x64xf32, #tpu.memory_space<hbm>>
      %dma_wait3A_304 = tpu.memref_squeeze %dma_wait3A_303 : memref<1x120x64xf32, #tpu.memory_space<hbm>> -> memref<120x64xf32, #tpu.memory_space<hbm>>
      %dma_wait3A_305 = arith.constant 0 : i32
      %dma_wait3A_306 = arith.constant 0 : i32
      %dma_wait3A_307 = tpu.memref_slice %arg8[%dma_wait3A_305, %dma_wait3A_306] : memref<128x64xf32, #tpu.memory_space<vmem>> -> memref<120x64xf32, #tpu.memory_space<vmem>>
      tpu.wait_dma2 semaphore(%arg20 : memref<!tpu.dma_semaphore, #tpu.memory_space<semaphore_mem>>) src(%dma_wait3A_307 : memref<120x64xf32, #tpu.memory_space<vmem>>) dst(%dma_wait3A_304 : memref<120x64xf32, #tpu.memory_space<hbm>>)
      %barrier3A_308 = arith.constant 0 : index
      tpu.barrier barrier_id(%barrier3A_308)
    }
    %scan3A_5 = arith.constant 5 : i32
    return
  }
}

#map = affine_map<(d0, d1) -> (0, 0, 0)>
#map1 = affine_map<(d0, d1) -> (0)>
#map2 = affine_map<(d0, d1) -> (0, 0)>
module attributes {stable_mosaic.version = 14 : i64} {
  func.func @body(%arg0: i32, %arg1: i32, %arg2: memref<2x10000x64xf32, #tpu.memory_space<hbm>>, %arg3: memref<327680xi32, #tpu.memory_space<hbm>>, %arg4: memref<327680xi32, #tpu.memory_space<hbm>>, %arg5: memref<128x64xf32, #tpu.memory_space<hbm>>, %arg6: memref<2x10112x64xf32, #tpu.memory_space<hbm>>, %arg7: memref<10112x64xf32, #tpu.memory_space<vmem_shared>>, %arg8: memref<128x64xf32, #tpu.memory_space<vmem>>, %arg9: memref<1024xi32, #tpu.memory_space<vmem>>, %arg10: memref<1024xi32, #tpu.memory_space<vmem>>, %arg11: memref<128x64xf32, #tpu.memory_space<vmem>>, %arg12: memref<128x64xf32, #tpu.memory_space<vmem>>, %arg13: memref<128x64xf32, #tpu.memory_space<vmem>>, %arg14: memref<128x64xf32, #tpu.memory_space<vmem>>, %arg15: memref<128x64xf32, #tpu.memory_space<vmem>>, %arg16: memref<128x64xf32, #tpu.memory_space<vmem>>, %arg17: memref<128x64xf32, #tpu.memory_space<vmem>>, %arg18: memref<128x64xf32, #tpu.memory_space<vmem>>, %arg19: memref<!tpu.dma_semaphore, #tpu.memory_space<semaphore_mem>>, %arg20: memref<!tpu.dma_semaphore, #tpu.memory_space<semaphore_mem>>, %arg21: memref<!tpu.dma_semaphore, #tpu.memory_space<semaphore_mem>>) attributes {dimension_semantics = [#tpu.dimension_semantics<core_parallel>, #tpu.dimension_semantics<subcore_parallel>], iteration_bounds = array<i64: 2, 16>, scalar_prefetch = 0 : i64, scratch_operands = 15 : i64, tpu.core_type = #tpu.core_type<sc_vector_subcore>, window_params = [{transform_indices = #map}, {transform_indices = #map1}, {transform_indices = #map1}, {transform_indices = #map2}, {transform_indices = #map}]} {
    "tpu.region"() ({
      %run_scoped3A = tpu.sem_alloc : memref<!tpu.dma_semaphore, #tpu.memory_space<semaphore_mem>>
      tpu.enqueue_dma source(%arg5 : memref<128x64xf32, #tpu.memory_space<hbm>>) target(%arg8 : memref<128x64xf32, #tpu.memory_space<vmem>>) target_semaphore(%run_scoped3A : memref<!tpu.dma_semaphore, #tpu.memory_space<semaphore_mem>>)
      tpu.wait_dma2 semaphore(%run_scoped3A : memref<!tpu.dma_semaphore, #tpu.memory_space<semaphore_mem>>) src(%arg5 : memref<128x64xf32, #tpu.memory_space<hbm>>) dst(%arg8 : memref<128x64xf32, #tpu.memory_space<vmem>>)
      tpu.yield
    }) : () -> ()
    %mul3A = arith.constant 632 : i32
    %mul3A_0 = arith.muli %arg1, %mul3A : i32
    %add3A = arith.constant 0 : i32
    %add3A_1 = arith.addi %mul3A_0, %add3A : i32
    "tpu.region"() ({
      %run_scoped3A = tpu.sem_alloc : memref<!tpu.dma_semaphore, #tpu.memory_space<semaphore_mem>>
      %dma_start3A_266 = arith.constant 0 : i32
      %dma_start3A_267 = arith.constant 0 : i32
      %dma_start3A_268 = tpu.memref_slice %arg8[%dma_start3A_266, %dma_start3A_267] : memref<128x64xf32, #tpu.memory_space<vmem>> -> memref<128x64xf32, #tpu.memory_space<vmem>>
      %dma_start3A_269 = arith.constant 0 : i32
      %dma_start3A_270 = tpu.memref_slice %arg7[%add3A_1, %dma_start3A_269] : memref<10112x64xf32, #tpu.memory_space<vmem_shared>> -> memref<128x64xf32, #tpu.memory_space<vmem_shared>>
      %dma_start3A_271 = arith.constant 0 : i32
      %dma_start3A_272 = tpu.memref_slice %arg7[%add3A_1, %dma_start3A_271] : memref<10112x64xf32, #tpu.memory_space<vmem_shared>> -> memref<128x64xf32, #tpu.memory_space<vmem_shared>>
      %dma_start3A_273 = arith.constant 0 : i32
      %dma_start3A_274 = arith.constant 0 : i32
      %dma_start3A_275 = tpu.memref_slice %arg8[%dma_start3A_273, %dma_start3A_274] : memref<128x64xf32, #tpu.memory_space<vmem>> -> memref<128x64xf32, #tpu.memory_space<vmem>>
      tpu.enqueue_dma source(%dma_start3A_275 : memref<128x64xf32, #tpu.memory_space<vmem>>) target(%dma_start3A_272 : memref<128x64xf32, #tpu.memory_space<vmem_shared>>) target_semaphore(%run_scoped3A : memref<!tpu.dma_semaphore, #tpu.memory_space<semaphore_mem>>)
      %dma_wait3A_276 = arith.constant 0 : i32
      %dma_wait3A_277 = arith.constant 0 : i32
      %dma_wait3A_278 = tpu.memref_slice %arg8[%dma_wait3A_276, %dma_wait3A_277] : memref<128x64xf32, #tpu.memory_space<vmem>> -> memref<128x64xf32, #tpu.memory_space<vmem>>
      %dma_wait3A_279 = arith.constant 0 : i32
      %dma_wait3A_280 = tpu.memref_slice %arg7[%add3A_1, %dma_wait3A_279] : memref<10112x64xf32, #tpu.memory_space<vmem_shared>> -> memref<128x64xf32, #tpu.memory_space<vmem_shared>>
      %dma_wait3A_281 = arith.constant 0 : i32
      %dma_wait3A_282 = tpu.memref_slice %arg7[%add3A_1, %dma_wait3A_281] : memref<10112x64xf32, #tpu.memory_space<vmem_shared>> -> memref<128x64xf32, #tpu.memory_space<vmem_shared>>
      %dma_wait3A_283 = arith.constant 0 : i32
      %dma_wait3A_284 = arith.constant 0 : i32
      %dma_wait3A_285 = tpu.memref_slice %arg8[%dma_wait3A_283, %dma_wait3A_284] : memref<128x64xf32, #tpu.memory_space<vmem>> -> memref<128x64xf32, #tpu.memory_space<vmem>>
      tpu.wait_dma2 semaphore(%run_scoped3A : memref<!tpu.dma_semaphore, #tpu.memory_space<semaphore_mem>>) src(%dma_wait3A_285 : memref<128x64xf32, #tpu.memory_space<vmem>>) dst(%dma_wait3A_282 : memref<128x64xf32, #tpu.memory_space<vmem_shared>>)
      tpu.yield
    }) : () -> ()
    %mul3A_2 = arith.constant 632 : i32
    %mul3A_3 = arith.muli %arg1, %mul3A_2 : i32
    %add3A_4 = arith.constant 128 : i32
    %add3A_5 = arith.addi %mul3A_3, %add3A_4 : i32
    "tpu.region"() ({
      %run_scoped3A = tpu.sem_alloc : memref<!tpu.dma_semaphore, #tpu.memory_space<semaphore_mem>>
      %dma_start3A_266 = arith.constant 0 : i32
      %dma_start3A_267 = arith.constant 0 : i32
      %dma_start3A_268 = tpu.memref_slice %arg8[%dma_start3A_266, %dma_start3A_267] : memref<128x64xf32, #tpu.memory_space<vmem>> -> memref<128x64xf32, #tpu.memory_space<vmem>>
      %dma_start3A_269 = arith.constant 0 : i32
      %dma_start3A_270 = tpu.memref_slice %arg7[%add3A_5, %dma_start3A_269] : memref<10112x64xf32, #tpu.memory_space<vmem_shared>> -> memref<128x64xf32, #tpu.memory_space<vmem_shared>>
      %dma_start3A_271 = arith.constant 0 : i32
      %dma_start3A_272 = tpu.memref_slice %arg7[%add3A_5, %dma_start3A_271] : memref<10112x64xf32, #tpu.memory_space<vmem_shared>> -> memref<128x64xf32, #tpu.memory_space<vmem_shared>>
      %dma_start3A_273 = arith.constant 0 : i32
      %dma_start3A_274 = arith.constant 0 : i32
      %dma_start3A_275 = tpu.memref_slice %arg8[%dma_start3A_273, %dma_start3A_274] : memref<128x64xf32, #tpu.memory_space<vmem>> -> memref<128x64xf32, #tpu.memory_space<vmem>>
      tpu.enqueue_dma source(%dma_start3A_275 : memref<128x64xf32, #tpu.memory_space<vmem>>) target(%dma_start3A_272 : memref<128x64xf32, #tpu.memory_space<vmem_shared>>) target_semaphore(%run_scoped3A : memref<!tpu.dma_semaphore, #tpu.memory_space<semaphore_mem>>)
      %dma_wait3A_276 = arith.constant 0 : i32
      %dma_wait3A_277 = arith.constant 0 : i32
      %dma_wait3A_278 = tpu.memref_slice %arg8[%dma_wait3A_276, %dma_wait3A_277] : memref<128x64xf32, #tpu.memory_space<vmem>> -> memref<128x64xf32, #tpu.memory_space<vmem>>
      %dma_wait3A_279 = arith.constant 0 : i32
      %dma_wait3A_280 = tpu.memref_slice %arg7[%add3A_5, %dma_wait3A_279] : memref<10112x64xf32, #tpu.memory_space<vmem_shared>> -> memref<128x64xf32, #tpu.memory_space<vmem_shared>>
      %dma_wait3A_281 = arith.constant 0 : i32
      %dma_wait3A_282 = tpu.memref_slice %arg7[%add3A_5, %dma_wait3A_281] : memref<10112x64xf32, #tpu.memory_space<vmem_shared>> -> memref<128x64xf32, #tpu.memory_space<vmem_shared>>
      %dma_wait3A_283 = arith.constant 0 : i32
      %dma_wait3A_284 = arith.constant 0 : i32
      %dma_wait3A_285 = tpu.memref_slice %arg8[%dma_wait3A_283, %dma_wait3A_284] : memref<128x64xf32, #tpu.memory_space<vmem>> -> memref<128x64xf32, #tpu.memory_space<vmem>>
      tpu.wait_dma2 semaphore(%run_scoped3A : memref<!tpu.dma_semaphore, #tpu.memory_space<semaphore_mem>>) src(%dma_wait3A_285 : memref<128x64xf32, #tpu.memory_space<vmem>>) dst(%dma_wait3A_282 : memref<128x64xf32, #tpu.memory_space<vmem_shared>>)
      tpu.yield
    }) : () -> ()
    %mul3A_6 = arith.constant 632 : i32
    %mul3A_7 = arith.muli %arg1, %mul3A_6 : i32
    %add3A_8 = arith.constant 256 : i32
    %add3A_9 = arith.addi %mul3A_7, %add3A_8 : i32
    "tpu.region"() ({
      %run_scoped3A = tpu.sem_alloc : memref<!tpu.dma_semaphore, #tpu.memory_space<semaphore_mem>>
      %dma_start3A_266 = arith.constant 0 : i32
      %dma_start3A_267 = arith.constant 0 : i32
      %dma_start3A_268 = tpu.memref_slice %arg8[%dma_start3A_266, %dma_start3A_267] : memref<128x64xf32, #tpu.memory_space<vmem>> -> memref<128x64xf32, #tpu.memory_space<vmem>>
      %dma_start3A_269 = arith.constant 0 : i32
      %dma_start3A_270 = tpu.memref_slice %arg7[%add3A_9, %dma_start3A_269] : memref<10112x64xf32, #tpu.memory_space<vmem_shared>> -> memref<128x64xf32, #tpu.memory_space<vmem_shared>>
      %dma_start3A_271 = arith.constant 0 : i32
      %dma_start3A_272 = tpu.memref_slice %arg7[%add3A_9, %dma_start3A_271] : memref<10112x64xf32, #tpu.memory_space<vmem_shared>> -> memref<128x64xf32, #tpu.memory_space<vmem_shared>>
      %dma_start3A_273 = arith.constant 0 : i32
      %dma_start3A_274 = arith.constant 0 : i32
      %dma_start3A_275 = tpu.memref_slice %arg8[%dma_start3A_273, %dma_start3A_274] : memref<128x64xf32, #tpu.memory_space<vmem>> -> memref<128x64xf32, #tpu.memory_space<vmem>>
      tpu.enqueue_dma source(%dma_start3A_275 : memref<128x64xf32, #tpu.memory_space<vmem>>) target(%dma_start3A_272 : memref<128x64xf32, #tpu.memory_space<vmem_shared>>) target_semaphore(%run_scoped3A : memref<!tpu.dma_semaphore, #tpu.memory_space<semaphore_mem>>)
      %dma_wait3A_276 = arith.constant 0 : i32
      %dma_wait3A_277 = arith.constant 0 : i32
      %dma_wait3A_278 = tpu.memref_slice %arg8[%dma_wait3A_276, %dma_wait3A_277] : memref<128x64xf32, #tpu.memory_space<vmem>> -> memref<128x64xf32, #tpu.memory_space<vmem>>
      %dma_wait3A_279 = arith.constant 0 : i32
      %dma_wait3A_280 = tpu.memref_slice %arg7[%add3A_9, %dma_wait3A_279] : memref<10112x64xf32, #tpu.memory_space<vmem_shared>> -> memref<128x64xf32, #tpu.memory_space<vmem_shared>>
      %dma_wait3A_281 = arith.constant 0 : i32
      %dma_wait3A_282 = tpu.memref_slice %arg7[%add3A_9, %dma_wait3A_281] : memref<10112x64xf32, #tpu.memory_space<vmem_shared>> -> memref<128x64xf32, #tpu.memory_space<vmem_shared>>
      %dma_wait3A_283 = arith.constant 0 : i32
      %dma_wait3A_284 = arith.constant 0 : i32
      %dma_wait3A_285 = tpu.memref_slice %arg8[%dma_wait3A_283, %dma_wait3A_284] : memref<128x64xf32, #tpu.memory_space<vmem>> -> memref<128x64xf32, #tpu.memory_space<vmem>>
      tpu.wait_dma2 semaphore(%run_scoped3A : memref<!tpu.dma_semaphore, #tpu.memory_space<semaphore_mem>>) src(%dma_wait3A_285 : memref<128x64xf32, #tpu.memory_space<vmem>>) dst(%dma_wait3A_282 : memref<128x64xf32, #tpu.memory_space<vmem_shared>>)
      tpu.yield
    }) : () -> ()
    %mul3A_10 = arith.constant 632 : i32
    %mul3A_11 = arith.muli %arg1, %mul3A_10 : i32
    %add3A_12 = arith.constant 384 : i32
    %add3A_13 = arith.addi %mul3A_11, %add3A_12 : i32
    "tpu.region"() ({
      %run_scoped3A = tpu.sem_alloc : memref<!tpu.dma_semaphore, #tpu.memory_space<semaphore_mem>>
      %dma_start3A_266 = arith.constant 0 : i32
      %dma_start3A_267 = arith.constant 0 : i32
      %dma_start3A_268 = tpu.memref_slice %arg8[%dma_start3A_266, %dma_start3A_267] : memref<128x64xf32, #tpu.memory_space<vmem>> -> memref<128x64xf32, #tpu.memory_space<vmem>>
      %dma_start3A_269 = arith.constant 0 : i32
      %dma_start3A_270 = tpu.memref_slice %arg7[%add3A_13, %dma_start3A_269] : memref<10112x64xf32, #tpu.memory_space<vmem_shared>> -> memref<128x64xf32, #tpu.memory_space<vmem_shared>>
      %dma_start3A_271 = arith.constant 0 : i32
      %dma_start3A_272 = tpu.memref_slice %arg7[%add3A_13, %dma_start3A_271] : memref<10112x64xf32, #tpu.memory_space<vmem_shared>> -> memref<128x64xf32, #tpu.memory_space<vmem_shared>>
      %dma_start3A_273 = arith.constant 0 : i32
      %dma_start3A_274 = arith.constant 0 : i32
      %dma_start3A_275 = tpu.memref_slice %arg8[%dma_start3A_273, %dma_start3A_274] : memref<128x64xf32, #tpu.memory_space<vmem>> -> memref<128x64xf32, #tpu.memory_space<vmem>>
      tpu.enqueue_dma source(%dma_start3A_275 : memref<128x64xf32, #tpu.memory_space<vmem>>) target(%dma_start3A_272 : memref<128x64xf32, #tpu.memory_space<vmem_shared>>) target_semaphore(%run_scoped3A : memref<!tpu.dma_semaphore, #tpu.memory_space<semaphore_mem>>)
      %dma_wait3A_276 = arith.constant 0 : i32
      %dma_wait3A_277 = arith.constant 0 : i32
      %dma_wait3A_278 = tpu.memref_slice %arg8[%dma_wait3A_276, %dma_wait3A_277] : memref<128x64xf32, #tpu.memory_space<vmem>> -> memref<128x64xf32, #tpu.memory_space<vmem>>
      %dma_wait3A_279 = arith.constant 0 : i32
      %dma_wait3A_280 = tpu.memref_slice %arg7[%add3A_13, %dma_wait3A_279] : memref<10112x64xf32, #tpu.memory_space<vmem_shared>> -> memref<128x64xf32, #tpu.memory_space<vmem_shared>>
      %dma_wait3A_281 = arith.constant 0 : i32
      %dma_wait3A_282 = tpu.memref_slice %arg7[%add3A_13, %dma_wait3A_281] : memref<10112x64xf32, #tpu.memory_space<vmem_shared>> -> memref<128x64xf32, #tpu.memory_space<vmem_shared>>
      %dma_wait3A_283 = arith.constant 0 : i32
      %dma_wait3A_284 = arith.constant 0 : i32
      %dma_wait3A_285 = tpu.memref_slice %arg8[%dma_wait3A_283, %dma_wait3A_284] : memref<128x64xf32, #tpu.memory_space<vmem>> -> memref<128x64xf32, #tpu.memory_space<vmem>>
      tpu.wait_dma2 semaphore(%run_scoped3A : memref<!tpu.dma_semaphore, #tpu.memory_space<semaphore_mem>>) src(%dma_wait3A_285 : memref<128x64xf32, #tpu.memory_space<vmem>>) dst(%dma_wait3A_282 : memref<128x64xf32, #tpu.memory_space<vmem_shared>>)
      tpu.yield
    }) : () -> ()
    %mul3A_14 = arith.constant 632 : i32
    %mul3A_15 = arith.muli %arg1, %mul3A_14 : i32
    %add3A_16 = arith.constant 512 : i32
    %add3A_17 = arith.addi %mul3A_15, %add3A_16 : i32
    "tpu.region"() ({
      %run_scoped3A = tpu.sem_alloc : memref<!tpu.dma_semaphore, #tpu.memory_space<semaphore_mem>>
      %dma_start3A_266 = arith.constant 0 : i32
      %dma_start3A_267 = arith.constant 0 : i32
      %dma_start3A_268 = tpu.memref_slice %arg8[%dma_start3A_266, %dma_start3A_267] : memref<128x64xf32, #tpu.memory_space<vmem>> -> memref<120x64xf32, #tpu.memory_space<vmem>>
      %dma_start3A_269 = arith.constant 0 : i32
      %dma_start3A_270 = tpu.memref_slice %arg7[%add3A_17, %dma_start3A_269] : memref<10112x64xf32, #tpu.memory_space<vmem_shared>> -> memref<120x64xf32, #tpu.memory_space<vmem_shared>>
      %dma_start3A_271 = arith.constant 0 : i32
      %dma_start3A_272 = tpu.memref_slice %arg7[%add3A_17, %dma_start3A_271] : memref<10112x64xf32, #tpu.memory_space<vmem_shared>> -> memref<120x64xf32, #tpu.memory_space<vmem_shared>>
      %dma_start3A_273 = arith.constant 0 : i32
      %dma_start3A_274 = arith.constant 0 : i32
      %dma_start3A_275 = tpu.memref_slice %arg8[%dma_start3A_273, %dma_start3A_274] : memref<128x64xf32, #tpu.memory_space<vmem>> -> memref<120x64xf32, #tpu.memory_space<vmem>>
      tpu.enqueue_dma source(%dma_start3A_275 : memref<120x64xf32, #tpu.memory_space<vmem>>) target(%dma_start3A_272 : memref<120x64xf32, #tpu.memory_space<vmem_shared>>) target_semaphore(%run_scoped3A : memref<!tpu.dma_semaphore, #tpu.memory_space<semaphore_mem>>)
      %dma_wait3A_276 = arith.constant 0 : i32
      %dma_wait3A_277 = arith.constant 0 : i32
      %dma_wait3A_278 = tpu.memref_slice %arg8[%dma_wait3A_276, %dma_wait3A_277] : memref<128x64xf32, #tpu.memory_space<vmem>> -> memref<120x64xf32, #tpu.memory_space<vmem>>
      %dma_wait3A_279 = arith.constant 0 : i32
      %dma_wait3A_280 = tpu.memref_slice %arg7[%add3A_17, %dma_wait3A_279] : memref<10112x64xf32, #tpu.memory_space<vmem_shared>> -> memref<120x64xf32, #tpu.memory_space<vmem_shared>>
      %dma_wait3A_281 = arith.constant 0 : i32
      %dma_wait3A_282 = tpu.memref_slice %arg7[%add3A_17, %dma_wait3A_281] : memref<10112x64xf32, #tpu.memory_space<vmem_shared>> -> memref<120x64xf32, #tpu.memory_space<vmem_shared>>
      %dma_wait3A_283 = arith.constant 0 : i32
      %dma_wait3A_284 = arith.constant 0 : i32
      %dma_wait3A_285 = tpu.memref_slice %arg8[%dma_wait3A_283, %dma_wait3A_284] : memref<128x64xf32, #tpu.memory_space<vmem>> -> memref<120x64xf32, #tpu.memory_space<vmem>>
      tpu.wait_dma2 semaphore(%run_scoped3A : memref<!tpu.dma_semaphore, #tpu.memory_space<semaphore_mem>>) src(%dma_wait3A_285 : memref<120x64xf32, #tpu.memory_space<vmem>>) dst(%dma_wait3A_282 : memref<120x64xf32, #tpu.memory_space<vmem_shared>>)
      tpu.yield
    }) : () -> ()
    %barrier3A = arith.constant 0 : index
    tpu.barrier barrier_id(%barrier3A)
    %mul3A_18 = arith.constant 20480 : i32
    %mul3A_19 = arith.muli %arg1, %mul3A_18 : i32
    %scan3A = arith.constant 0 : i32
    %scan3A_20 = arith.constant 0 : i32
    %scan3A_21 = arith.constant 20 : i32
    %scan3A_22 = arith.addi %scan3A_20, %scan3A_21 : i32
    %scan3A_23 = arith.constant 1 : i32
    scf.for %scan3A_266 = %scan3A_20 to %scan3A_22 step %scan3A_23  : i32 {
      %mul3A_267 = arith.constant 1024 : i32
      %mul3A_268 = arith.muli %scan3A_266, %mul3A_267 : i32
      %add3A_269 = arith.addi %mul3A_19, %mul3A_268 : i32
      %dma_start3A_270 = tpu.memref_slice %arg3[%add3A_269] : memref<327680xi32, #tpu.memory_space<hbm>> -> memref<1024xi32, #tpu.memory_space<hbm>>
      %dma_start3A_271 = tpu.memref_slice %arg3[%add3A_269] : memref<327680xi32, #tpu.memory_space<hbm>> -> memref<1024xi32, #tpu.memory_space<hbm>>
      tpu.enqueue_dma source(%dma_start3A_271 : memref<1024xi32, #tpu.memory_space<hbm>>) target(%arg9 : memref<1024xi32, #tpu.memory_space<vmem>>) target_semaphore(%arg19 : memref<!tpu.dma_semaphore, #tpu.memory_space<semaphore_mem>>)
      %dma_start3A_272 = tpu.memref_slice %arg4[%add3A_269] : memref<327680xi32, #tpu.memory_space<hbm>> -> memref<1024xi32, #tpu.memory_space<hbm>>
      %dma_start3A_273 = tpu.memref_slice %arg4[%add3A_269] : memref<327680xi32, #tpu.memory_space<hbm>> -> memref<1024xi32, #tpu.memory_space<hbm>>
      tpu.enqueue_dma source(%dma_start3A_273 : memref<1024xi32, #tpu.memory_space<hbm>>) target(%arg10 : memref<1024xi32, #tpu.memory_space<vmem>>) target_semaphore(%arg19 : memref<!tpu.dma_semaphore, #tpu.memory_space<semaphore_mem>>)
      %dma_wait3A_274 = tpu.memref_slice %arg3[%add3A_269] : memref<327680xi32, #tpu.memory_space<hbm>> -> memref<1024xi32, #tpu.memory_space<hbm>>
      %dma_wait3A_275 = tpu.memref_slice %arg3[%add3A_269] : memref<327680xi32, #tpu.memory_space<hbm>> -> memref<1024xi32, #tpu.memory_space<hbm>>
      tpu.wait_dma2 semaphore(%arg19 : memref<!tpu.dma_semaphore, #tpu.memory_space<semaphore_mem>>) src(%dma_wait3A_275 : memref<1024xi32, #tpu.memory_space<hbm>>) dst(%arg9 : memref<1024xi32, #tpu.memory_space<vmem>>)
      %dma_wait3A_276 = tpu.memref_slice %arg4[%add3A_269] : memref<327680xi32, #tpu.memory_space<hbm>> -> memref<1024xi32, #tpu.memory_space<hbm>>
      %dma_wait3A_277 = tpu.memref_slice %arg4[%add3A_269] : memref<327680xi32, #tpu.memory_space<hbm>> -> memref<1024xi32, #tpu.memory_space<hbm>>
      tpu.wait_dma2 semaphore(%arg19 : memref<!tpu.dma_semaphore, #tpu.memory_space<semaphore_mem>>) src(%dma_wait3A_277 : memref<1024xi32, #tpu.memory_space<hbm>>) dst(%arg10 : memref<1024xi32, #tpu.memory_space<vmem>>)
      %dma_start3A_278 = arith.constant 0 : i32
      %dma_start3A_279 = tpu.memref_slice %arg9[%dma_start3A_278] : memref<1024xi32, #tpu.memory_space<vmem>> -> memref<128xi32, #tpu.memory_space<vmem>>
      %dma_start3A_280 = arith.constant 0 : i32
      %dma_start3A_281 = arith.constant 0 : i32
      %dma_start3A_282 = tpu.memref_slice %arg2[%arg0, %dma_start3A_280, %dma_start3A_281] : memref<2x10000x64xf32, #tpu.memory_space<hbm>> -> memref<1x10000x64xf32, #tpu.memory_space<hbm>>
      %dma_start3A_283 = tpu.memref_squeeze %dma_start3A_282 : memref<1x10000x64xf32, #tpu.memory_space<hbm>> -> memref<10000x64xf32, #tpu.memory_space<hbm>>
      %dma_start3A_284 = arith.constant 0 : i32
      %dma_start3A_285 = arith.constant 0 : i32
      %dma_start3A_286 = tpu.memref_slice %dma_start3A_283[%dma_start3A_284, %dma_start3A_285] : memref<10000x64xf32, #tpu.memory_space<hbm>> -> memref<10000x64xf32, #tpu.memory_space<hbm>>
      tpu.enqueue_indirect_dma source(%dma_start3A_286 : memref<10000x64xf32, #tpu.memory_space<hbm>>) target(%arg11 : memref<128x64xf32, #tpu.memory_space<vmem>>) offsets(%dma_start3A_279 : memref<128xi32, #tpu.memory_space<vmem>>) semaphore(%arg20 : memref<!tpu.dma_semaphore, #tpu.memory_space<semaphore_mem>>)
      %dma_start3A_287 = arith.constant 128 : i32
      %dma_start3A_288 = tpu.memref_slice %arg9[%dma_start3A_287] : memref<1024xi32, #tpu.memory_space<vmem>> -> memref<128xi32, #tpu.memory_space<vmem>>
      %dma_start3A_289 = arith.constant 0 : i32
      %dma_start3A_290 = arith.constant 0 : i32
      %dma_start3A_291 = tpu.memref_slice %arg2[%arg0, %dma_start3A_289, %dma_start3A_290] : memref<2x10000x64xf32, #tpu.memory_space<hbm>> -> memref<1x10000x64xf32, #tpu.memory_space<hbm>>
      %dma_start3A_292 = tpu.memref_squeeze %dma_start3A_291 : memref<1x10000x64xf32, #tpu.memory_space<hbm>> -> memref<10000x64xf32, #tpu.memory_space<hbm>>
      %dma_start3A_293 = arith.constant 0 : i32
      %dma_start3A_294 = arith.constant 0 : i32
      %dma_start3A_295 = tpu.memref_slice %dma_start3A_292[%dma_start3A_293, %dma_start3A_294] : memref<10000x64xf32, #tpu.memory_space<hbm>> -> memref<10000x64xf32, #tpu.memory_space<hbm>>
      tpu.enqueue_indirect_dma source(%dma_start3A_295 : memref<10000x64xf32, #tpu.memory_space<hbm>>) target(%arg12 : memref<128x64xf32, #tpu.memory_space<vmem>>) offsets(%dma_start3A_288 : memref<128xi32, #tpu.memory_space<vmem>>) semaphore(%arg20 : memref<!tpu.dma_semaphore, #tpu.memory_space<semaphore_mem>>)
      %dma_start3A_296 = arith.constant 256 : i32
      %dma_start3A_297 = tpu.memref_slice %arg9[%dma_start3A_296] : memref<1024xi32, #tpu.memory_space<vmem>> -> memref<128xi32, #tpu.memory_space<vmem>>
      %dma_start3A_298 = arith.constant 0 : i32
      %dma_start3A_299 = arith.constant 0 : i32
      %dma_start3A_300 = tpu.memref_slice %arg2[%arg0, %dma_start3A_298, %dma_start3A_299] : memref<2x10000x64xf32, #tpu.memory_space<hbm>> -> memref<1x10000x64xf32, #tpu.memory_space<hbm>>
      %dma_start3A_301 = tpu.memref_squeeze %dma_start3A_300 : memref<1x10000x64xf32, #tpu.memory_space<hbm>> -> memref<10000x64xf32, #tpu.memory_space<hbm>>
      %dma_start3A_302 = arith.constant 0 : i32
      %dma_start3A_303 = arith.constant 0 : i32
      %dma_start3A_304 = tpu.memref_slice %dma_start3A_301[%dma_start3A_302, %dma_start3A_303] : memref<10000x64xf32, #tpu.memory_space<hbm>> -> memref<10000x64xf32, #tpu.memory_space<hbm>>
      tpu.enqueue_indirect_dma source(%dma_start3A_304 : memref<10000x64xf32, #tpu.memory_space<hbm>>) target(%arg13 : memref<128x64xf32, #tpu.memory_space<vmem>>) offsets(%dma_start3A_297 : memref<128xi32, #tpu.memory_space<vmem>>) semaphore(%arg20 : memref<!tpu.dma_semaphore, #tpu.memory_space<semaphore_mem>>)
      %dma_start3A_305 = arith.constant 384 : i32
      %dma_start3A_306 = tpu.memref_slice %arg9[%dma_start3A_305] : memref<1024xi32, #tpu.memory_space<vmem>> -> memref<128xi32, #tpu.memory_space<vmem>>
      %dma_start3A_307 = arith.constant 0 : i32
      %dma_start3A_308 = arith.constant 0 : i32
      %dma_start3A_309 = tpu.memref_slice %arg2[%arg0, %dma_start3A_307, %dma_start3A_308] : memref<2x10000x64xf32, #tpu.memory_space<hbm>> -> memref<1x10000x64xf32, #tpu.memory_space<hbm>>
      %dma_start3A_310 = tpu.memref_squeeze %dma_start3A_309 : memref<1x10000x64xf32, #tpu.memory_space<hbm>> -> memref<10000x64xf32, #tpu.memory_space<hbm>>
      %dma_start3A_311 = arith.constant 0 : i32
      %dma_start3A_312 = arith.constant 0 : i32
      %dma_start3A_313 = tpu.memref_slice %dma_start3A_310[%dma_start3A_311, %dma_start3A_312] : memref<10000x64xf32, #tpu.memory_space<hbm>> -> memref<10000x64xf32, #tpu.memory_space<hbm>>
      tpu.enqueue_indirect_dma source(%dma_start3A_313 : memref<10000x64xf32, #tpu.memory_space<hbm>>) target(%arg14 : memref<128x64xf32, #tpu.memory_space<vmem>>) offsets(%dma_start3A_306 : memref<128xi32, #tpu.memory_space<vmem>>) semaphore(%arg20 : memref<!tpu.dma_semaphore, #tpu.memory_space<semaphore_mem>>)
      %dma_wait3A_314 = arith.constant 0 : i32
      %dma_wait3A_315 = tpu.memref_slice %arg9[%dma_wait3A_314] : memref<1024xi32, #tpu.memory_space<vmem>> -> memref<128xi32, #tpu.memory_space<vmem>>
      %dma_wait3A_316 = arith.constant 0 : i32
      %dma_wait3A_317 = arith.constant 0 : i32
      %dma_wait3A_318 = tpu.memref_slice %arg2[%arg0, %dma_wait3A_316, %dma_wait3A_317] : memref<2x10000x64xf32, #tpu.memory_space<hbm>> -> memref<1x10000x64xf32, #tpu.memory_space<hbm>>
      %dma_wait3A_319 = tpu.memref_squeeze %dma_wait3A_318 : memref<1x10000x64xf32, #tpu.memory_space<hbm>> -> memref<10000x64xf32, #tpu.memory_space<hbm>>
      %dma_wait3A_320 = arith.constant 0 : i32
      %dma_wait3A_321 = arith.constant 0 : i32
      %dma_wait3A_322 = tpu.memref_slice %dma_wait3A_319[%dma_wait3A_320, %dma_wait3A_321] : memref<10000x64xf32, #tpu.memory_space<hbm>> -> memref<10000x64xf32, #tpu.memory_space<hbm>>
      tpu.wait_indirect_dma semaphore(%arg20 : memref<!tpu.dma_semaphore, #tpu.memory_space<semaphore_mem>>) src(%dma_wait3A_322 : memref<10000x64xf32, #tpu.memory_space<hbm>>) dst(%arg11 : memref<128x64xf32, #tpu.memory_space<vmem>>)
      %dma_wait3A_323 = arith.constant 128 : i32
      %dma_wait3A_324 = tpu.memref_slice %arg9[%dma_wait3A_323] : memref<1024xi32, #tpu.memory_space<vmem>> -> memref<128xi32, #tpu.memory_space<vmem>>
      %dma_wait3A_325 = arith.constant 0 : i32
      %dma_wait3A_326 = arith.constant 0 : i32
      %dma_wait3A_327 = tpu.memref_slice %arg2[%arg0, %dma_wait3A_325, %dma_wait3A_326] : memref<2x10000x64xf32, #tpu.memory_space<hbm>> -> memref<1x10000x64xf32, #tpu.memory_space<hbm>>
      %dma_wait3A_328 = tpu.memref_squeeze %dma_wait3A_327 : memref<1x10000x64xf32, #tpu.memory_space<hbm>> -> memref<10000x64xf32, #tpu.memory_space<hbm>>
      %dma_wait3A_329 = arith.constant 0 : i32
      %dma_wait3A_330 = arith.constant 0 : i32
      %dma_wait3A_331 = tpu.memref_slice %dma_wait3A_328[%dma_wait3A_329, %dma_wait3A_330] : memref<10000x64xf32, #tpu.memory_space<hbm>> -> memref<10000x64xf32, #tpu.memory_space<hbm>>
      tpu.wait_indirect_dma semaphore(%arg20 : memref<!tpu.dma_semaphore, #tpu.memory_space<semaphore_mem>>) src(%dma_wait3A_331 : memref<10000x64xf32, #tpu.memory_space<hbm>>) dst(%arg12 : memref<128x64xf32, #tpu.memory_space<vmem>>)
      %dma_wait3A_332 = arith.constant 256 : i32
      %dma_wait3A_333 = tpu.memref_slice %arg9[%dma_wait3A_332] : memref<1024xi32, #tpu.memory_space<vmem>> -> memref<128xi32, #tpu.memory_space<vmem>>
      %dma_wait3A_334 = arith.constant 0 : i32
      %dma_wait3A_335 = arith.constant 0 : i32
      %dma_wait3A_336 = tpu.memref_slice %arg2[%arg0, %dma_wait3A_334, %dma_wait3A_335] : memref<2x10000x64xf32, #tpu.memory_space<hbm>> -> memref<1x10000x64xf32, #tpu.memory_space<hbm>>
      %dma_wait3A_337 = tpu.memref_squeeze %dma_wait3A_336 : memref<1x10000x64xf32, #tpu.memory_space<hbm>> -> memref<10000x64xf32, #tpu.memory_space<hbm>>
      %dma_wait3A_338 = arith.constant 0 : i32
      %dma_wait3A_339 = arith.constant 0 : i32
      %dma_wait3A_340 = tpu.memref_slice %dma_wait3A_337[%dma_wait3A_338, %dma_wait3A_339] : memref<10000x64xf32, #tpu.memory_space<hbm>> -> memref<10000x64xf32, #tpu.memory_space<hbm>>
      tpu.wait_indirect_dma semaphore(%arg20 : memref<!tpu.dma_semaphore, #tpu.memory_space<semaphore_mem>>) src(%dma_wait3A_340 : memref<10000x64xf32, #tpu.memory_space<hbm>>) dst(%arg13 : memref<128x64xf32, #tpu.memory_space<vmem>>)
      %dma_wait3A_341 = arith.constant 384 : i32
      %dma_wait3A_342 = tpu.memref_slice %arg9[%dma_wait3A_341] : memref<1024xi32, #tpu.memory_space<vmem>> -> memref<128xi32, #tpu.memory_space<vmem>>
      %dma_wait3A_343 = arith.constant 0 : i32
      %dma_wait3A_344 = arith.constant 0 : i32
      %dma_wait3A_345 = tpu.memref_slice %arg2[%arg0, %dma_wait3A_343, %dma_wait3A_344] : memref<2x10000x64xf32, #tpu.memory_space<hbm>> -> memref<1x10000x64xf32, #tpu.memory_space<hbm>>
      %dma_wait3A_346 = tpu.memref_squeeze %dma_wait3A_345 : memref<1x10000x64xf32, #tpu.memory_space<hbm>> -> memref<10000x64xf32, #tpu.memory_space<hbm>>
      %dma_wait3A_347 = arith.constant 0 : i32
      %dma_wait3A_348 = arith.constant 0 : i32
      %dma_wait3A_349 = tpu.memref_slice %dma_wait3A_346[%dma_wait3A_347, %dma_wait3A_348] : memref<10000x64xf32, #tpu.memory_space<hbm>> -> memref<10000x64xf32, #tpu.memory_space<hbm>>
      tpu.wait_indirect_dma semaphore(%arg20 : memref<!tpu.dma_semaphore, #tpu.memory_space<semaphore_mem>>) src(%dma_wait3A_349 : memref<10000x64xf32, #tpu.memory_space<hbm>>) dst(%arg14 : memref<128x64xf32, #tpu.memory_space<vmem>>)
      %dma_start3A_350 = arith.constant 0 : i32
      %dma_start3A_351 = tpu.memref_slice %arg10[%dma_start3A_350] : memref<1024xi32, #tpu.memory_space<vmem>> -> memref<128xi32, #tpu.memory_space<vmem>>
      %dma_start3A_352 = arith.constant 0 : i32
      %dma_start3A_353 = arith.constant 0 : i32
      %dma_start3A_354 = tpu.memref_slice %arg7[%dma_start3A_352, %dma_start3A_353] : memref<10112x64xf32, #tpu.memory_space<vmem_shared>> -> memref<10112x64xf32, #tpu.memory_space<vmem_shared>>
      tpu.enqueue_indirect_dma source(%arg11 : memref<128x64xf32, #tpu.memory_space<vmem>>) target(%dma_start3A_354 : memref<10112x64xf32, #tpu.memory_space<vmem_shared>>) offsets(%dma_start3A_351 : memref<128xi32, #tpu.memory_space<vmem>>) semaphore(%arg21 : memref<!tpu.dma_semaphore, #tpu.memory_space<semaphore_mem>>) {add = true}
      %dma_start3A_355 = arith.constant 128 : i32
      %dma_start3A_356 = tpu.memref_slice %arg10[%dma_start3A_355] : memref<1024xi32, #tpu.memory_space<vmem>> -> memref<128xi32, #tpu.memory_space<vmem>>
      %dma_start3A_357 = arith.constant 0 : i32
      %dma_start3A_358 = arith.constant 0 : i32
      %dma_start3A_359 = tpu.memref_slice %arg7[%dma_start3A_357, %dma_start3A_358] : memref<10112x64xf32, #tpu.memory_space<vmem_shared>> -> memref<10112x64xf32, #tpu.memory_space<vmem_shared>>
      tpu.enqueue_indirect_dma source(%arg12 : memref<128x64xf32, #tpu.memory_space<vmem>>) target(%dma_start3A_359 : memref<10112x64xf32, #tpu.memory_space<vmem_shared>>) offsets(%dma_start3A_356 : memref<128xi32, #tpu.memory_space<vmem>>) semaphore(%arg21 : memref<!tpu.dma_semaphore, #tpu.memory_space<semaphore_mem>>) {add = true}
      %dma_start3A_360 = arith.constant 256 : i32
      %dma_start3A_361 = tpu.memref_slice %arg10[%dma_start3A_360] : memref<1024xi32, #tpu.memory_space<vmem>> -> memref<128xi32, #tpu.memory_space<vmem>>
      %dma_start3A_362 = arith.constant 0 : i32
      %dma_start3A_363 = arith.constant 0 : i32
      %dma_start3A_364 = tpu.memref_slice %arg7[%dma_start3A_362, %dma_start3A_363] : memref<10112x64xf32, #tpu.memory_space<vmem_shared>> -> memref<10112x64xf32, #tpu.memory_space<vmem_shared>>
      tpu.enqueue_indirect_dma source(%arg13 : memref<128x64xf32, #tpu.memory_space<vmem>>) target(%dma_start3A_364 : memref<10112x64xf32, #tpu.memory_space<vmem_shared>>) offsets(%dma_start3A_361 : memref<128xi32, #tpu.memory_space<vmem>>) semaphore(%arg21 : memref<!tpu.dma_semaphore, #tpu.memory_space<semaphore_mem>>) {add = true}
      %dma_start3A_365 = arith.constant 384 : i32
      %dma_start3A_366 = tpu.memref_slice %arg10[%dma_start3A_365] : memref<1024xi32, #tpu.memory_space<vmem>> -> memref<128xi32, #tpu.memory_space<vmem>>
      %dma_start3A_367 = arith.constant 0 : i32
      %dma_start3A_368 = arith.constant 0 : i32
      %dma_start3A_369 = tpu.memref_slice %arg7[%dma_start3A_367, %dma_start3A_368] : memref<10112x64xf32, #tpu.memory_space<vmem_shared>> -> memref<10112x64xf32, #tpu.memory_space<vmem_shared>>
      tpu.enqueue_indirect_dma source(%arg14 : memref<128x64xf32, #tpu.memory_space<vmem>>) target(%dma_start3A_369 : memref<10112x64xf32, #tpu.memory_space<vmem_shared>>) offsets(%dma_start3A_366 : memref<128xi32, #tpu.memory_space<vmem>>) semaphore(%arg21 : memref<!tpu.dma_semaphore, #tpu.memory_space<semaphore_mem>>) {add = true}
      %dma_start3A_370 = arith.constant 512 : i32
      %dma_start3A_371 = tpu.memref_slice %arg9[%dma_start3A_370] : memref<1024xi32, #tpu.memory_space<vmem>> -> memref<128xi32, #tpu.memory_space<vmem>>
      %dma_start3A_372 = arith.constant 0 : i32
      %dma_start3A_373 = arith.constant 0 : i32
      %dma_start3A_374 = tpu.memref_slice %arg2[%arg0, %dma_start3A_372, %dma_start3A_373] : memref<2x10000x64xf32, #tpu.memory_space<hbm>> -> memref<1x10000x64xf32, #tpu.memory_space<hbm>>
      %dma_start3A_375 = tpu.memref_squeeze %dma_start3A_374 : memref<1x10000x64xf32, #tpu.memory_space<hbm>> -> memref<10000x64xf32, #tpu.memory_space<hbm>>
      %dma_start3A_376 = arith.constant 0 : i32
      %dma_start3A_377 = arith.constant 0 : i32
      %dma_start3A_378 = tpu.memref_slice %dma_start3A_375[%dma_start3A_376, %dma_start3A_377] : memref<10000x64xf32, #tpu.memory_space<hbm>> -> memref<10000x64xf32, #tpu.memory_space<hbm>>
      tpu.enqueue_indirect_dma source(%dma_start3A_378 : memref<10000x64xf32, #tpu.memory_space<hbm>>) target(%arg15 : memref<128x64xf32, #tpu.memory_space<vmem>>) offsets(%dma_start3A_371 : memref<128xi32, #tpu.memory_space<vmem>>) semaphore(%arg20 : memref<!tpu.dma_semaphore, #tpu.memory_space<semaphore_mem>>)
      %dma_start3A_379 = arith.constant 640 : i32
      %dma_start3A_380 = tpu.memref_slice %arg9[%dma_start3A_379] : memref<1024xi32, #tpu.memory_space<vmem>> -> memref<128xi32, #tpu.memory_space<vmem>>
      %dma_start3A_381 = arith.constant 0 : i32
      %dma_start3A_382 = arith.constant 0 : i32
      %dma_start3A_383 = tpu.memref_slice %arg2[%arg0, %dma_start3A_381, %dma_start3A_382] : memref<2x10000x64xf32, #tpu.memory_space<hbm>> -> memref<1x10000x64xf32, #tpu.memory_space<hbm>>
      %dma_start3A_384 = tpu.memref_squeeze %dma_start3A_383 : memref<1x10000x64xf32, #tpu.memory_space<hbm>> -> memref<10000x64xf32, #tpu.memory_space<hbm>>
      %dma_start3A_385 = arith.constant 0 : i32
      %dma_start3A_386 = arith.constant 0 : i32
      %dma_start3A_387 = tpu.memref_slice %dma_start3A_384[%dma_start3A_385, %dma_start3A_386] : memref<10000x64xf32, #tpu.memory_space<hbm>> -> memref<10000x64xf32, #tpu.memory_space<hbm>>
      tpu.enqueue_indirect_dma source(%dma_start3A_387 : memref<10000x64xf32, #tpu.memory_space<hbm>>) target(%arg16 : memref<128x64xf32, #tpu.memory_space<vmem>>) offsets(%dma_start3A_380 : memref<128xi32, #tpu.memory_space<vmem>>) semaphore(%arg20 : memref<!tpu.dma_semaphore, #tpu.memory_space<semaphore_mem>>)
      %dma_start3A_388 = arith.constant 768 : i32
      %dma_start3A_389 = tpu.memref_slice %arg9[%dma_start3A_388] : memref<1024xi32, #tpu.memory_space<vmem>> -> memref<128xi32, #tpu.memory_space<vmem>>
      %dma_start3A_390 = arith.constant 0 : i32
      %dma_start3A_391 = arith.constant 0 : i32
      %dma_start3A_392 = tpu.memref_slice %arg2[%arg0, %dma_start3A_390, %dma_start3A_391] : memref<2x10000x64xf32, #tpu.memory_space<hbm>> -> memref<1x10000x64xf32, #tpu.memory_space<hbm>>
      %dma_start3A_393 = tpu.memref_squeeze %dma_start3A_392 : memref<1x10000x64xf32, #tpu.memory_space<hbm>> -> memref<10000x64xf32, #tpu.memory_space<hbm>>
      %dma_start3A_394 = arith.constant 0 : i32
      %dma_start3A_395 = arith.constant 0 : i32
      %dma_start3A_396 = tpu.memref_slice %dma_start3A_393[%dma_start3A_394, %dma_start3A_395] : memref<10000x64xf32, #tpu.memory_space<hbm>> -> memref<10000x64xf32, #tpu.memory_space<hbm>>
      tpu.enqueue_indirect_dma source(%dma_start3A_396 : memref<10000x64xf32, #tpu.memory_space<hbm>>) target(%arg17 : memref<128x64xf32, #tpu.memory_space<vmem>>) offsets(%dma_start3A_389 : memref<128xi32, #tpu.memory_space<vmem>>) semaphore(%arg20 : memref<!tpu.dma_semaphore, #tpu.memory_space<semaphore_mem>>)
      %dma_start3A_397 = arith.constant 896 : i32
      %dma_start3A_398 = tpu.memref_slice %arg9[%dma_start3A_397] : memref<1024xi32, #tpu.memory_space<vmem>> -> memref<128xi32, #tpu.memory_space<vmem>>
      %dma_start3A_399 = arith.constant 0 : i32
      %dma_start3A_400 = arith.constant 0 : i32
      %dma_start3A_401 = tpu.memref_slice %arg2[%arg0, %dma_start3A_399, %dma_start3A_400] : memref<2x10000x64xf32, #tpu.memory_space<hbm>> -> memref<1x10000x64xf32, #tpu.memory_space<hbm>>
      %dma_start3A_402 = tpu.memref_squeeze %dma_start3A_401 : memref<1x10000x64xf32, #tpu.memory_space<hbm>> -> memref<10000x64xf32, #tpu.memory_space<hbm>>
      %dma_start3A_403 = arith.constant 0 : i32
      %dma_start3A_404 = arith.constant 0 : i32
      %dma_start3A_405 = tpu.memref_slice %dma_start3A_402[%dma_start3A_403, %dma_start3A_404] : memref<10000x64xf32, #tpu.memory_space<hbm>> -> memref<10000x64xf32, #tpu.memory_space<hbm>>
      tpu.enqueue_indirect_dma source(%dma_start3A_405 : memref<10000x64xf32, #tpu.memory_space<hbm>>) target(%arg18 : memref<128x64xf32, #tpu.memory_space<vmem>>) offsets(%dma_start3A_398 : memref<128xi32, #tpu.memory_space<vmem>>) semaphore(%arg20 : memref<!tpu.dma_semaphore, #tpu.memory_space<semaphore_mem>>)
      %dma_wait3A_406 = arith.constant 512 : i32
      %dma_wait3A_407 = tpu.memref_slice %arg9[%dma_wait3A_406] : memref<1024xi32, #tpu.memory_space<vmem>> -> memref<128xi32, #tpu.memory_space<vmem>>
      %dma_wait3A_408 = arith.constant 0 : i32
      %dma_wait3A_409 = arith.constant 0 : i32
      %dma_wait3A_410 = tpu.memref_slice %arg2[%arg0, %dma_wait3A_408, %dma_wait3A_409] : memref<2x10000x64xf32, #tpu.memory_space<hbm>> -> memref<1x10000x64xf32, #tpu.memory_space<hbm>>
      %dma_wait3A_411 = tpu.memref_squeeze %dma_wait3A_410 : memref<1x10000x64xf32, #tpu.memory_space<hbm>> -> memref<10000x64xf32, #tpu.memory_space<hbm>>
      %dma_wait3A_412 = arith.constant 0 : i32
      %dma_wait3A_413 = arith.constant 0 : i32
      %dma_wait3A_414 = tpu.memref_slice %dma_wait3A_411[%dma_wait3A_412, %dma_wait3A_413] : memref<10000x64xf32, #tpu.memory_space<hbm>> -> memref<10000x64xf32, #tpu.memory_space<hbm>>
      tpu.wait_indirect_dma semaphore(%arg20 : memref<!tpu.dma_semaphore, #tpu.memory_space<semaphore_mem>>) src(%dma_wait3A_414 : memref<10000x64xf32, #tpu.memory_space<hbm>>) dst(%arg15 : memref<128x64xf32, #tpu.memory_space<vmem>>)
      %dma_wait3A_415 = arith.constant 640 : i32
      %dma_wait3A_416 = tpu.memref_slice %arg9[%dma_wait3A_415] : memref<1024xi32, #tpu.memory_space<vmem>> -> memref<128xi32, #tpu.memory_space<vmem>>
      %dma_wait3A_417 = arith.constant 0 : i32
      %dma_wait3A_418 = arith.constant 0 : i32
      %dma_wait3A_419 = tpu.memref_slice %arg2[%arg0, %dma_wait3A_417, %dma_wait3A_418] : memref<2x10000x64xf32, #tpu.memory_space<hbm>> -> memref<1x10000x64xf32, #tpu.memory_space<hbm>>
      %dma_wait3A_420 = tpu.memref_squeeze %dma_wait3A_419 : memref<1x10000x64xf32, #tpu.memory_space<hbm>> -> memref<10000x64xf32, #tpu.memory_space<hbm>>
      %dma_wait3A_421 = arith.constant 0 : i32
      %dma_wait3A_422 = arith.constant 0 : i32
      %dma_wait3A_423 = tpu.memref_slice %dma_wait3A_420[%dma_wait3A_421, %dma_wait3A_422] : memref<10000x64xf32, #tpu.memory_space<hbm>> -> memref<10000x64xf32, #tpu.memory_space<hbm>>
      tpu.wait_indirect_dma semaphore(%arg20 : memref<!tpu.dma_semaphore, #tpu.memory_space<semaphore_mem>>) src(%dma_wait3A_423 : memref<10000x64xf32, #tpu.memory_space<hbm>>) dst(%arg16 : memref<128x64xf32, #tpu.memory_space<vmem>>)
      %dma_wait3A_424 = arith.constant 768 : i32
      %dma_wait3A_425 = tpu.memref_slice %arg9[%dma_wait3A_424] : memref<1024xi32, #tpu.memory_space<vmem>> -> memref<128xi32, #tpu.memory_space<vmem>>
      %dma_wait3A_426 = arith.constant 0 : i32
      %dma_wait3A_427 = arith.constant 0 : i32
      %dma_wait3A_428 = tpu.memref_slice %arg2[%arg0, %dma_wait3A_426, %dma_wait3A_427] : memref<2x10000x64xf32, #tpu.memory_space<hbm>> -> memref<1x10000x64xf32, #tpu.memory_space<hbm>>
      %dma_wait3A_429 = tpu.memref_squeeze %dma_wait3A_428 : memref<1x10000x64xf32, #tpu.memory_space<hbm>> -> memref<10000x64xf32, #tpu.memory_space<hbm>>
      %dma_wait3A_430 = arith.constant 0 : i32
      %dma_wait3A_431 = arith.constant 0 : i32
      %dma_wait3A_432 = tpu.memref_slice %dma_wait3A_429[%dma_wait3A_430, %dma_wait3A_431] : memref<10000x64xf32, #tpu.memory_space<hbm>> -> memref<10000x64xf32, #tpu.memory_space<hbm>>
      tpu.wait_indirect_dma semaphore(%arg20 : memref<!tpu.dma_semaphore, #tpu.memory_space<semaphore_mem>>) src(%dma_wait3A_432 : memref<10000x64xf32, #tpu.memory_space<hbm>>) dst(%arg17 : memref<128x64xf32, #tpu.memory_space<vmem>>)
      %dma_wait3A_433 = arith.constant 896 : i32
      %dma_wait3A_434 = tpu.memref_slice %arg9[%dma_wait3A_433] : memref<1024xi32, #tpu.memory_space<vmem>> -> memref<128xi32, #tpu.memory_space<vmem>>
      %dma_wait3A_435 = arith.constant 0 : i32
      %dma_wait3A_436 = arith.constant 0 : i32
      %dma_wait3A_437 = tpu.memref_slice %arg2[%arg0, %dma_wait3A_435, %dma_wait3A_436] : memref<2x10000x64xf32, #tpu.memory_space<hbm>> -> memref<1x10000x64xf32, #tpu.memory_space<hbm>>
      %dma_wait3A_438 = tpu.memref_squeeze %dma_wait3A_437 : memref<1x10000x64xf32, #tpu.memory_space<hbm>> -> memref<10000x64xf32, #tpu.memory_space<hbm>>
      %dma_wait3A_439 = arith.constant 0 : i32
      %dma_wait3A_440 = arith.constant 0 : i32
      %dma_wait3A_441 = tpu.memref_slice %dma_wait3A_438[%dma_wait3A_439, %dma_wait3A_440] : memref<10000x64xf32, #tpu.memory_space<hbm>> -> memref<10000x64xf32, #tpu.memory_space<hbm>>
      tpu.wait_indirect_dma semaphore(%arg20 : memref<!tpu.dma_semaphore, #tpu.memory_space<semaphore_mem>>) src(%dma_wait3A_441 : memref<10000x64xf32, #tpu.memory_space<hbm>>) dst(%arg18 : memref<128x64xf32, #tpu.memory_space<vmem>>)
      %dma_start3A_442 = arith.constant 512 : i32
      %dma_start3A_443 = tpu.memref_slice %arg10[%dma_start3A_442] : memref<1024xi32, #tpu.memory_space<vmem>> -> memref<128xi32, #tpu.memory_space<vmem>>
      %dma_start3A_444 = arith.constant 0 : i32
      %dma_start3A_445 = arith.constant 0 : i32
      %dma_start3A_446 = tpu.memref_slice %arg7[%dma_start3A_444, %dma_start3A_445] : memref<10112x64xf32, #tpu.memory_space<vmem_shared>> -> memref<10112x64xf32, #tpu.memory_space<vmem_shared>>
      tpu.enqueue_indirect_dma source(%arg15 : memref<128x64xf32, #tpu.memory_space<vmem>>) target(%dma_start3A_446 : memref<10112x64xf32, #tpu.memory_space<vmem_shared>>) offsets(%dma_start3A_443 : memref<128xi32, #tpu.memory_space<vmem>>) semaphore(%arg21 : memref<!tpu.dma_semaphore, #tpu.memory_space<semaphore_mem>>) {add = true}
      %dma_start3A_447 = arith.constant 640 : i32
      %dma_start3A_448 = tpu.memref_slice %arg10[%dma_start3A_447] : memref<1024xi32, #tpu.memory_space<vmem>> -> memref<128xi32, #tpu.memory_space<vmem>>
      %dma_start3A_449 = arith.constant 0 : i32
      %dma_start3A_450 = arith.constant 0 : i32
      %dma_start3A_451 = tpu.memref_slice %arg7[%dma_start3A_449, %dma_start3A_450] : memref<10112x64xf32, #tpu.memory_space<vmem_shared>> -> memref<10112x64xf32, #tpu.memory_space<vmem_shared>>
      tpu.enqueue_indirect_dma source(%arg16 : memref<128x64xf32, #tpu.memory_space<vmem>>) target(%dma_start3A_451 : memref<10112x64xf32, #tpu.memory_space<vmem_shared>>) offsets(%dma_start3A_448 : memref<128xi32, #tpu.memory_space<vmem>>) semaphore(%arg21 : memref<!tpu.dma_semaphore, #tpu.memory_space<semaphore_mem>>) {add = true}
      %dma_start3A_452 = arith.constant 768 : i32
      %dma_start3A_453 = tpu.memref_slice %arg10[%dma_start3A_452] : memref<1024xi32, #tpu.memory_space<vmem>> -> memref<128xi32, #tpu.memory_space<vmem>>
      %dma_start3A_454 = arith.constant 0 : i32
      %dma_start3A_455 = arith.constant 0 : i32
      %dma_start3A_456 = tpu.memref_slice %arg7[%dma_start3A_454, %dma_start3A_455] : memref<10112x64xf32, #tpu.memory_space<vmem_shared>> -> memref<10112x64xf32, #tpu.memory_space<vmem_shared>>
      tpu.enqueue_indirect_dma source(%arg17 : memref<128x64xf32, #tpu.memory_space<vmem>>) target(%dma_start3A_456 : memref<10112x64xf32, #tpu.memory_space<vmem_shared>>) offsets(%dma_start3A_453 : memref<128xi32, #tpu.memory_space<vmem>>) semaphore(%arg21 : memref<!tpu.dma_semaphore, #tpu.memory_space<semaphore_mem>>) {add = true}
      %dma_start3A_457 = arith.constant 896 : i32
      %dma_start3A_458 = tpu.memref_slice %arg10[%dma_start3A_457] : memref<1024xi32, #tpu.memory_space<vmem>> -> memref<128xi32, #tpu.memory_space<vmem>>
      %dma_start3A_459 = arith.constant 0 : i32
      %dma_start3A_460 = arith.constant 0 : i32
      %dma_start3A_461 = tpu.memref_slice %arg7[%dma_start3A_459, %dma_start3A_460] : memref<10112x64xf32, #tpu.memory_space<vmem_shared>> -> memref<10112x64xf32, #tpu.memory_space<vmem_shared>>
      tpu.enqueue_indirect_dma source(%arg18 : memref<128x64xf32, #tpu.memory_space<vmem>>) target(%dma_start3A_461 : memref<10112x64xf32, #tpu.memory_space<vmem_shared>>) offsets(%dma_start3A_458 : memref<128xi32, #tpu.memory_space<vmem>>) semaphore(%arg21 : memref<!tpu.dma_semaphore, #tpu.memory_space<semaphore_mem>>) {add = true}
      %dma_wait3A_462 = arith.constant 0 : i32
      %dma_wait3A_463 = tpu.memref_slice %arg10[%dma_wait3A_462] : memref<1024xi32, #tpu.memory_space<vmem>> -> memref<128xi32, #tpu.memory_space<vmem>>
      %dma_wait3A_464 = arith.constant 0 : i32
      %dma_wait3A_465 = arith.constant 0 : i32
      %dma_wait3A_466 = tpu.memref_slice %arg7[%dma_wait3A_464, %dma_wait3A_465] : memref<10112x64xf32, #tpu.memory_space<vmem_shared>> -> memref<10112x64xf32, #tpu.memory_space<vmem_shared>>
      tpu.wait_indirect_dma semaphore(%arg21 : memref<!tpu.dma_semaphore, #tpu.memory_space<semaphore_mem>>) src(%arg11 : memref<128x64xf32, #tpu.memory_space<vmem>>) dst(%dma_wait3A_466 : memref<10112x64xf32, #tpu.memory_space<vmem_shared>>)
      %dma_wait3A_467 = arith.constant 128 : i32
      %dma_wait3A_468 = tpu.memref_slice %arg10[%dma_wait3A_467] : memref<1024xi32, #tpu.memory_space<vmem>> -> memref<128xi32, #tpu.memory_space<vmem>>
      %dma_wait3A_469 = arith.constant 0 : i32
      %dma_wait3A_470 = arith.constant 0 : i32
      %dma_wait3A_471 = tpu.memref_slice %arg7[%dma_wait3A_469, %dma_wait3A_470] : memref<10112x64xf32, #tpu.memory_space<vmem_shared>> -> memref<10112x64xf32, #tpu.memory_space<vmem_shared>>
      tpu.wait_indirect_dma semaphore(%arg21 : memref<!tpu.dma_semaphore, #tpu.memory_space<semaphore_mem>>) src(%arg12 : memref<128x64xf32, #tpu.memory_space<vmem>>) dst(%dma_wait3A_471 : memref<10112x64xf32, #tpu.memory_space<vmem_shared>>)
      %dma_wait3A_472 = arith.constant 256 : i32
      %dma_wait3A_473 = tpu.memref_slice %arg10[%dma_wait3A_472] : memref<1024xi32, #tpu.memory_space<vmem>> -> memref<128xi32, #tpu.memory_space<vmem>>
      %dma_wait3A_474 = arith.constant 0 : i32
      %dma_wait3A_475 = arith.constant 0 : i32
      %dma_wait3A_476 = tpu.memref_slice %arg7[%dma_wait3A_474, %dma_wait3A_475] : memref<10112x64xf32, #tpu.memory_space<vmem_shared>> -> memref<10112x64xf32, #tpu.memory_space<vmem_shared>>
      tpu.wait_indirect_dma semaphore(%arg21 : memref<!tpu.dma_semaphore, #tpu.memory_space<semaphore_mem>>) src(%arg13 : memref<128x64xf32, #tpu.memory_space<vmem>>) dst(%dma_wait3A_476 : memref<10112x64xf32, #tpu.memory_space<vmem_shared>>)
      %dma_wait3A_477 = arith.constant 384 : i32
      %dma_wait3A_478 = tpu.memref_slice %arg10[%dma_wait3A_477] : memref<1024xi32, #tpu.memory_space<vmem>> -> memref<128xi32, #tpu.memory_space<vmem>>
      %dma_wait3A_479 = arith.constant 0 : i32
      %dma_wait3A_480 = arith.constant 0 : i32
      %dma_wait3A_481 = tpu.memref_slice %arg7[%dma_wait3A_479, %dma_wait3A_480] : memref<10112x64xf32, #tpu.memory_space<vmem_shared>> -> memref<10112x64xf32, #tpu.memory_space<vmem_shared>>
      tpu.wait_indirect_dma semaphore(%arg21 : memref<!tpu.dma_semaphore, #tpu.memory_space<semaphore_mem>>) src(%arg14 : memref<128x64xf32, #tpu.memory_space<vmem>>) dst(%dma_wait3A_481 : memref<10112x64xf32, #tpu.memory_space<vmem_shared>>)
      %dma_wait3A_482 = arith.constant 512 : i32
      %dma_wait3A_483 = tpu.memref_slice %arg10[%dma_wait3A_482] : memref<1024xi32, #tpu.memory_space<vmem>> -> memref<128xi32, #tpu.memory_space<vmem>>
      %dma_wait3A_484 = arith.constant 0 : i32
      %dma_wait3A_485 = arith.constant 0 : i32
      %dma_wait3A_486 = tpu.memref_slice %arg7[%dma_wait3A_484, %dma_wait3A_485] : memref<10112x64xf32, #tpu.memory_space<vmem_shared>> -> memref<10112x64xf32, #tpu.memory_space<vmem_shared>>
      tpu.wait_indirect_dma semaphore(%arg21 : memref<!tpu.dma_semaphore, #tpu.memory_space<semaphore_mem>>) src(%arg15 : memref<128x64xf32, #tpu.memory_space<vmem>>) dst(%dma_wait3A_486 : memref<10112x64xf32, #tpu.memory_space<vmem_shared>>)
      %dma_wait3A_487 = arith.constant 640 : i32
      %dma_wait3A_488 = tpu.memref_slice %arg10[%dma_wait3A_487] : memref<1024xi32, #tpu.memory_space<vmem>> -> memref<128xi32, #tpu.memory_space<vmem>>
      %dma_wait3A_489 = arith.constant 0 : i32
      %dma_wait3A_490 = arith.constant 0 : i32
      %dma_wait3A_491 = tpu.memref_slice %arg7[%dma_wait3A_489, %dma_wait3A_490] : memref<10112x64xf32, #tpu.memory_space<vmem_shared>> -> memref<10112x64xf32, #tpu.memory_space<vmem_shared>>
      tpu.wait_indirect_dma semaphore(%arg21 : memref<!tpu.dma_semaphore, #tpu.memory_space<semaphore_mem>>) src(%arg16 : memref<128x64xf32, #tpu.memory_space<vmem>>) dst(%dma_wait3A_491 : memref<10112x64xf32, #tpu.memory_space<vmem_shared>>)
      %dma_wait3A_492 = arith.constant 768 : i32
      %dma_wait3A_493 = tpu.memref_slice %arg10[%dma_wait3A_492] : memref<1024xi32, #tpu.memory_space<vmem>> -> memref<128xi32, #tpu.memory_space<vmem>>
      %dma_wait3A_494 = arith.constant 0 : i32
      %dma_wait3A_495 = arith.constant 0 : i32
      %dma_wait3A_496 = tpu.memref_slice %arg7[%dma_wait3A_494, %dma_wait3A_495] : memref<10112x64xf32, #tpu.memory_space<vmem_shared>> -> memref<10112x64xf32, #tpu.memory_space<vmem_shared>>
      tpu.wait_indirect_dma semaphore(%arg21 : memref<!tpu.dma_semaphore, #tpu.memory_space<semaphore_mem>>) src(%arg17 : memref<128x64xf32, #tpu.memory_space<vmem>>) dst(%dma_wait3A_496 : memref<10112x64xf32, #tpu.memory_space<vmem_shared>>)
      %dma_wait3A_497 = arith.constant 896 : i32
      %dma_wait3A_498 = tpu.memref_slice %arg10[%dma_wait3A_497] : memref<1024xi32, #tpu.memory_space<vmem>> -> memref<128xi32, #tpu.memory_space<vmem>>
      %dma_wait3A_499 = arith.constant 0 : i32
      %dma_wait3A_500 = arith.constant 0 : i32
      %dma_wait3A_501 = tpu.memref_slice %arg7[%dma_wait3A_499, %dma_wait3A_500] : memref<10112x64xf32, #tpu.memory_space<vmem_shared>> -> memref<10112x64xf32, #tpu.memory_space<vmem_shared>>
      tpu.wait_indirect_dma semaphore(%arg21 : memref<!tpu.dma_semaphore, #tpu.memory_space<semaphore_mem>>) src(%arg18 : memref<128x64xf32, #tpu.memory_space<vmem>>) dst(%dma_wait3A_501 : memref<10112x64xf32, #tpu.memory_space<vmem_shared>>)
    }
    %scan3A_24 = arith.constant 20 : i32
    %barrier3A_25 = arith.constant 0 : index
    tpu.barrier barrier_id(%barrier3A_25)
    %mul3A_26 = arith.constant 632 : i32
    %mul3A_27 = arith.muli %arg1, %mul3A_26 : i32
    %add3A_28 = arith.constant 0 : i32
    %add3A_29 = arith.addi %mul3A_27, %add3A_28 : i32
    %dma_start3A = arith.constant 0 : i32
    %dma_start3A_30 = arith.constant 0 : i32
    %dma_start3A_31 = tpu.memref_slice %arg11[%dma_start3A, %dma_start3A_30] : memref<128x64xf32, #tpu.memory_space<vmem>> -> memref<128x64xf32, #tpu.memory_space<vmem>>
    %dma_start3A_32 = arith.constant 0 : i32
    %dma_start3A_33 = tpu.memref_slice %arg7[%add3A_29, %dma_start3A_32] : memref<10112x64xf32, #tpu.memory_space<vmem_shared>> -> memref<128x64xf32, #tpu.memory_space<vmem_shared>>
    %dma_start3A_34 = arith.constant 0 : i32
    %dma_start3A_35 = arith.constant 0 : i32
    %dma_start3A_36 = tpu.memref_slice %arg11[%dma_start3A_34, %dma_start3A_35] : memref<128x64xf32, #tpu.memory_space<vmem>> -> memref<128x64xf32, #tpu.memory_space<vmem>>
    %dma_start3A_37 = arith.constant 0 : i32
    %dma_start3A_38 = tpu.memref_slice %arg7[%add3A_29, %dma_start3A_37] : memref<10112x64xf32, #tpu.memory_space<vmem_shared>> -> memref<128x64xf32, #tpu.memory_space<vmem_shared>>
    tpu.enqueue_dma source(%dma_start3A_38 : memref<128x64xf32, #tpu.memory_space<vmem_shared>>) target(%dma_start3A_36 : memref<128x64xf32, #tpu.memory_space<vmem>>) target_semaphore(%arg20 : memref<!tpu.dma_semaphore, #tpu.memory_space<semaphore_mem>>)
    %add3A_39 = arith.constant 128 : i32
    %add3A_40 = arith.addi %mul3A_27, %add3A_39 : i32
    %dma_start3A_41 = arith.constant 0 : i32
    %dma_start3A_42 = arith.constant 0 : i32
    %dma_start3A_43 = tpu.memref_slice %arg12[%dma_start3A_41, %dma_start3A_42] : memref<128x64xf32, #tpu.memory_space<vmem>> -> memref<128x64xf32, #tpu.memory_space<vmem>>
    %dma_start3A_44 = arith.constant 0 : i32
    %dma_start3A_45 = tpu.memref_slice %arg7[%add3A_40, %dma_start3A_44] : memref<10112x64xf32, #tpu.memory_space<vmem_shared>> -> memref<128x64xf32, #tpu.memory_space<vmem_shared>>
    %dma_start3A_46 = arith.constant 0 : i32
    %dma_start3A_47 = arith.constant 0 : i32
    %dma_start3A_48 = tpu.memref_slice %arg12[%dma_start3A_46, %dma_start3A_47] : memref<128x64xf32, #tpu.memory_space<vmem>> -> memref<128x64xf32, #tpu.memory_space<vmem>>
    %dma_start3A_49 = arith.constant 0 : i32
    %dma_start3A_50 = tpu.memref_slice %arg7[%add3A_40, %dma_start3A_49] : memref<10112x64xf32, #tpu.memory_space<vmem_shared>> -> memref<128x64xf32, #tpu.memory_space<vmem_shared>>
    tpu.enqueue_dma source(%dma_start3A_50 : memref<128x64xf32, #tpu.memory_space<vmem_shared>>) target(%dma_start3A_48 : memref<128x64xf32, #tpu.memory_space<vmem>>) target_semaphore(%arg20 : memref<!tpu.dma_semaphore, #tpu.memory_space<semaphore_mem>>)
    %add3A_51 = arith.constant 256 : i32
    %add3A_52 = arith.addi %mul3A_27, %add3A_51 : i32
    %dma_start3A_53 = arith.constant 0 : i32
    %dma_start3A_54 = arith.constant 0 : i32
    %dma_start3A_55 = tpu.memref_slice %arg13[%dma_start3A_53, %dma_start3A_54] : memref<128x64xf32, #tpu.memory_space<vmem>> -> memref<128x64xf32, #tpu.memory_space<vmem>>
    %dma_start3A_56 = arith.constant 0 : i32
    %dma_start3A_57 = tpu.memref_slice %arg7[%add3A_52, %dma_start3A_56] : memref<10112x64xf32, #tpu.memory_space<vmem_shared>> -> memref<128x64xf32, #tpu.memory_space<vmem_shared>>
    %dma_start3A_58 = arith.constant 0 : i32
    %dma_start3A_59 = arith.constant 0 : i32
    %dma_start3A_60 = tpu.memref_slice %arg13[%dma_start3A_58, %dma_start3A_59] : memref<128x64xf32, #tpu.memory_space<vmem>> -> memref<128x64xf32, #tpu.memory_space<vmem>>
    %dma_start3A_61 = arith.constant 0 : i32
    %dma_start3A_62 = tpu.memref_slice %arg7[%add3A_52, %dma_start3A_61] : memref<10112x64xf32, #tpu.memory_space<vmem_shared>> -> memref<128x64xf32, #tpu.memory_space<vmem_shared>>
    tpu.enqueue_dma source(%dma_start3A_62 : memref<128x64xf32, #tpu.memory_space<vmem_shared>>) target(%dma_start3A_60 : memref<128x64xf32, #tpu.memory_space<vmem>>) target_semaphore(%arg20 : memref<!tpu.dma_semaphore, #tpu.memory_space<semaphore_mem>>)
    %add3A_63 = arith.constant 384 : i32
    %add3A_64 = arith.addi %mul3A_27, %add3A_63 : i32
    %dma_start3A_65 = arith.constant 0 : i32
    %dma_start3A_66 = arith.constant 0 : i32
    %dma_start3A_67 = tpu.memref_slice %arg14[%dma_start3A_65, %dma_start3A_66] : memref<128x64xf32, #tpu.memory_space<vmem>> -> memref<128x64xf32, #tpu.memory_space<vmem>>
    %dma_start3A_68 = arith.constant 0 : i32
    %dma_start3A_69 = tpu.memref_slice %arg7[%add3A_64, %dma_start3A_68] : memref<10112x64xf32, #tpu.memory_space<vmem_shared>> -> memref<128x64xf32, #tpu.memory_space<vmem_shared>>
    %dma_start3A_70 = arith.constant 0 : i32
    %dma_start3A_71 = arith.constant 0 : i32
    %dma_start3A_72 = tpu.memref_slice %arg14[%dma_start3A_70, %dma_start3A_71] : memref<128x64xf32, #tpu.memory_space<vmem>> -> memref<128x64xf32, #tpu.memory_space<vmem>>
    %dma_start3A_73 = arith.constant 0 : i32
    %dma_start3A_74 = tpu.memref_slice %arg7[%add3A_64, %dma_start3A_73] : memref<10112x64xf32, #tpu.memory_space<vmem_shared>> -> memref<128x64xf32, #tpu.memory_space<vmem_shared>>
    tpu.enqueue_dma source(%dma_start3A_74 : memref<128x64xf32, #tpu.memory_space<vmem_shared>>) target(%dma_start3A_72 : memref<128x64xf32, #tpu.memory_space<vmem>>) target_semaphore(%arg20 : memref<!tpu.dma_semaphore, #tpu.memory_space<semaphore_mem>>)
    %add3A_75 = arith.constant 512 : i32
    %add3A_76 = arith.addi %mul3A_27, %add3A_75 : i32
    %dma_start3A_77 = arith.constant 0 : i32
    %dma_start3A_78 = arith.constant 0 : i32
    %dma_start3A_79 = tpu.memref_slice %arg8[%dma_start3A_77, %dma_start3A_78] : memref<128x64xf32, #tpu.memory_space<vmem>> -> memref<120x64xf32, #tpu.memory_space<vmem>>
    %dma_start3A_80 = arith.constant 0 : i32
    %dma_start3A_81 = tpu.memref_slice %arg7[%add3A_76, %dma_start3A_80] : memref<10112x64xf32, #tpu.memory_space<vmem_shared>> -> memref<120x64xf32, #tpu.memory_space<vmem_shared>>
    %dma_start3A_82 = arith.constant 0 : i32
    %dma_start3A_83 = arith.constant 0 : i32
    %dma_start3A_84 = tpu.memref_slice %arg8[%dma_start3A_82, %dma_start3A_83] : memref<128x64xf32, #tpu.memory_space<vmem>> -> memref<120x64xf32, #tpu.memory_space<vmem>>
    %dma_start3A_85 = arith.constant 0 : i32
    %dma_start3A_86 = tpu.memref_slice %arg7[%add3A_76, %dma_start3A_85] : memref<10112x64xf32, #tpu.memory_space<vmem_shared>> -> memref<120x64xf32, #tpu.memory_space<vmem_shared>>
    tpu.enqueue_dma source(%dma_start3A_86 : memref<120x64xf32, #tpu.memory_space<vmem_shared>>) target(%dma_start3A_84 : memref<120x64xf32, #tpu.memory_space<vmem>>) target_semaphore(%arg20 : memref<!tpu.dma_semaphore, #tpu.memory_space<semaphore_mem>>)
    %dma_wait3A = arith.constant 0 : i32
    %dma_wait3A_87 = arith.constant 0 : i32
    %dma_wait3A_88 = tpu.memref_slice %arg11[%dma_wait3A, %dma_wait3A_87] : memref<128x64xf32, #tpu.memory_space<vmem>> -> memref<128x64xf32, #tpu.memory_space<vmem>>
    %dma_wait3A_89 = arith.constant 0 : i32
    %dma_wait3A_90 = tpu.memref_slice %arg7[%add3A_29, %dma_wait3A_89] : memref<10112x64xf32, #tpu.memory_space<vmem_shared>> -> memref<128x64xf32, #tpu.memory_space<vmem_shared>>
    %dma_wait3A_91 = arith.constant 0 : i32
    %dma_wait3A_92 = arith.constant 0 : i32
    %dma_wait3A_93 = tpu.memref_slice %arg11[%dma_wait3A_91, %dma_wait3A_92] : memref<128x64xf32, #tpu.memory_space<vmem>> -> memref<128x64xf32, #tpu.memory_space<vmem>>
    %dma_wait3A_94 = arith.constant 0 : i32
    %dma_wait3A_95 = tpu.memref_slice %arg7[%add3A_29, %dma_wait3A_94] : memref<10112x64xf32, #tpu.memory_space<vmem_shared>> -> memref<128x64xf32, #tpu.memory_space<vmem_shared>>
    tpu.wait_dma2 semaphore(%arg20 : memref<!tpu.dma_semaphore, #tpu.memory_space<semaphore_mem>>) src(%dma_wait3A_95 : memref<128x64xf32, #tpu.memory_space<vmem_shared>>) dst(%dma_wait3A_93 : memref<128x64xf32, #tpu.memory_space<vmem>>)
    %dma_wait3A_96 = arith.constant 0 : i32
    %dma_wait3A_97 = arith.constant 0 : i32
    %dma_wait3A_98 = tpu.memref_slice %arg12[%dma_wait3A_96, %dma_wait3A_97] : memref<128x64xf32, #tpu.memory_space<vmem>> -> memref<128x64xf32, #tpu.memory_space<vmem>>
    %dma_wait3A_99 = arith.constant 0 : i32
    %dma_wait3A_100 = tpu.memref_slice %arg7[%add3A_40, %dma_wait3A_99] : memref<10112x64xf32, #tpu.memory_space<vmem_shared>> -> memref<128x64xf32, #tpu.memory_space<vmem_shared>>
    %dma_wait3A_101 = arith.constant 0 : i32
    %dma_wait3A_102 = arith.constant 0 : i32
    %dma_wait3A_103 = tpu.memref_slice %arg12[%dma_wait3A_101, %dma_wait3A_102] : memref<128x64xf32, #tpu.memory_space<vmem>> -> memref<128x64xf32, #tpu.memory_space<vmem>>
    %dma_wait3A_104 = arith.constant 0 : i32
    %dma_wait3A_105 = tpu.memref_slice %arg7[%add3A_40, %dma_wait3A_104] : memref<10112x64xf32, #tpu.memory_space<vmem_shared>> -> memref<128x64xf32, #tpu.memory_space<vmem_shared>>
    tpu.wait_dma2 semaphore(%arg20 : memref<!tpu.dma_semaphore, #tpu.memory_space<semaphore_mem>>) src(%dma_wait3A_105 : memref<128x64xf32, #tpu.memory_space<vmem_shared>>) dst(%dma_wait3A_103 : memref<128x64xf32, #tpu.memory_space<vmem>>)
    %dma_wait3A_106 = arith.constant 0 : i32
    %dma_wait3A_107 = arith.constant 0 : i32
    %dma_wait3A_108 = tpu.memref_slice %arg13[%dma_wait3A_106, %dma_wait3A_107] : memref<128x64xf32, #tpu.memory_space<vmem>> -> memref<128x64xf32, #tpu.memory_space<vmem>>
    %dma_wait3A_109 = arith.constant 0 : i32
    %dma_wait3A_110 = tpu.memref_slice %arg7[%add3A_52, %dma_wait3A_109] : memref<10112x64xf32, #tpu.memory_space<vmem_shared>> -> memref<128x64xf32, #tpu.memory_space<vmem_shared>>
    %dma_wait3A_111 = arith.constant 0 : i32
    %dma_wait3A_112 = arith.constant 0 : i32
    %dma_wait3A_113 = tpu.memref_slice %arg13[%dma_wait3A_111, %dma_wait3A_112] : memref<128x64xf32, #tpu.memory_space<vmem>> -> memref<128x64xf32, #tpu.memory_space<vmem>>
    %dma_wait3A_114 = arith.constant 0 : i32
    %dma_wait3A_115 = tpu.memref_slice %arg7[%add3A_52, %dma_wait3A_114] : memref<10112x64xf32, #tpu.memory_space<vmem_shared>> -> memref<128x64xf32, #tpu.memory_space<vmem_shared>>
    tpu.wait_dma2 semaphore(%arg20 : memref<!tpu.dma_semaphore, #tpu.memory_space<semaphore_mem>>) src(%dma_wait3A_115 : memref<128x64xf32, #tpu.memory_space<vmem_shared>>) dst(%dma_wait3A_113 : memref<128x64xf32, #tpu.memory_space<vmem>>)
    %dma_wait3A_116 = arith.constant 0 : i32
    %dma_wait3A_117 = arith.constant 0 : i32
    %dma_wait3A_118 = tpu.memref_slice %arg14[%dma_wait3A_116, %dma_wait3A_117] : memref<128x64xf32, #tpu.memory_space<vmem>> -> memref<128x64xf32, #tpu.memory_space<vmem>>
    %dma_wait3A_119 = arith.constant 0 : i32
    %dma_wait3A_120 = tpu.memref_slice %arg7[%add3A_64, %dma_wait3A_119] : memref<10112x64xf32, #tpu.memory_space<vmem_shared>> -> memref<128x64xf32, #tpu.memory_space<vmem_shared>>
    %dma_wait3A_121 = arith.constant 0 : i32
    %dma_wait3A_122 = arith.constant 0 : i32
    %dma_wait3A_123 = tpu.memref_slice %arg14[%dma_wait3A_121, %dma_wait3A_122] : memref<128x64xf32, #tpu.memory_space<vmem>> -> memref<128x64xf32, #tpu.memory_space<vmem>>
    %dma_wait3A_124 = arith.constant 0 : i32
    %dma_wait3A_125 = tpu.memref_slice %arg7[%add3A_64, %dma_wait3A_124] : memref<10112x64xf32, #tpu.memory_space<vmem_shared>> -> memref<128x64xf32, #tpu.memory_space<vmem_shared>>
    tpu.wait_dma2 semaphore(%arg20 : memref<!tpu.dma_semaphore, #tpu.memory_space<semaphore_mem>>) src(%dma_wait3A_125 : memref<128x64xf32, #tpu.memory_space<vmem_shared>>) dst(%dma_wait3A_123 : memref<128x64xf32, #tpu.memory_space<vmem>>)
    %dma_wait3A_126 = arith.constant 0 : i32
    %dma_wait3A_127 = arith.constant 0 : i32
    %dma_wait3A_128 = tpu.memref_slice %arg8[%dma_wait3A_126, %dma_wait3A_127] : memref<128x64xf32, #tpu.memory_space<vmem>> -> memref<120x64xf32, #tpu.memory_space<vmem>>
    %dma_wait3A_129 = arith.constant 0 : i32
    %dma_wait3A_130 = tpu.memref_slice %arg7[%add3A_76, %dma_wait3A_129] : memref<10112x64xf32, #tpu.memory_space<vmem_shared>> -> memref<120x64xf32, #tpu.memory_space<vmem_shared>>
    %dma_wait3A_131 = arith.constant 0 : i32
    %dma_wait3A_132 = arith.constant 0 : i32
    %dma_wait3A_133 = tpu.memref_slice %arg8[%dma_wait3A_131, %dma_wait3A_132] : memref<128x64xf32, #tpu.memory_space<vmem>> -> memref<120x64xf32, #tpu.memory_space<vmem>>
    %dma_wait3A_134 = arith.constant 0 : i32
    %dma_wait3A_135 = tpu.memref_slice %arg7[%add3A_76, %dma_wait3A_134] : memref<10112x64xf32, #tpu.memory_space<vmem_shared>> -> memref<120x64xf32, #tpu.memory_space<vmem_shared>>
    tpu.wait_dma2 semaphore(%arg20 : memref<!tpu.dma_semaphore, #tpu.memory_space<semaphore_mem>>) src(%dma_wait3A_135 : memref<120x64xf32, #tpu.memory_space<vmem_shared>>) dst(%dma_wait3A_133 : memref<120x64xf32, #tpu.memory_space<vmem>>)
    %add3A_136 = arith.constant 0 : i32
    %add3A_137 = arith.addi %mul3A_27, %add3A_136 : i32
    %dma_start3A_138 = arith.constant 0 : i32
    %dma_start3A_139 = arith.constant 0 : i32
    %dma_start3A_140 = tpu.memref_slice %arg11[%dma_start3A_138, %dma_start3A_139] : memref<128x64xf32, #tpu.memory_space<vmem>> -> memref<128x64xf32, #tpu.memory_space<vmem>>
    %dma_start3A_141 = arith.constant 0 : i32
    %dma_start3A_142 = tpu.memref_slice %arg6[%arg0, %add3A_137, %dma_start3A_141] : memref<2x10112x64xf32, #tpu.memory_space<hbm>> -> memref<1x128x64xf32, #tpu.memory_space<hbm>>
    %dma_start3A_143 = tpu.memref_squeeze %dma_start3A_142 : memref<1x128x64xf32, #tpu.memory_space<hbm>> -> memref<128x64xf32, #tpu.memory_space<hbm>>
    %dma_start3A_144 = arith.constant 0 : i32
    %dma_start3A_145 = tpu.memref_slice %arg6[%arg0, %add3A_137, %dma_start3A_144] : memref<2x10112x64xf32, #tpu.memory_space<hbm>> -> memref<1x128x64xf32, #tpu.memory_space<hbm>>
    %dma_start3A_146 = tpu.memref_squeeze %dma_start3A_145 : memref<1x128x64xf32, #tpu.memory_space<hbm>> -> memref<128x64xf32, #tpu.memory_space<hbm>>
    %dma_start3A_147 = arith.constant 0 : i32
    %dma_start3A_148 = arith.constant 0 : i32
    %dma_start3A_149 = tpu.memref_slice %arg11[%dma_start3A_147, %dma_start3A_148] : memref<128x64xf32, #tpu.memory_space<vmem>> -> memref<128x64xf32, #tpu.memory_space<vmem>>
    tpu.enqueue_dma source(%dma_start3A_149 : memref<128x64xf32, #tpu.memory_space<vmem>>) target(%dma_start3A_146 : memref<128x64xf32, #tpu.memory_space<hbm>>) target_semaphore(%arg21 : memref<!tpu.dma_semaphore, #tpu.memory_space<semaphore_mem>>)
    %add3A_150 = arith.constant 128 : i32
    %add3A_151 = arith.addi %mul3A_27, %add3A_150 : i32
    %dma_start3A_152 = arith.constant 0 : i32
    %dma_start3A_153 = arith.constant 0 : i32
    %dma_start3A_154 = tpu.memref_slice %arg12[%dma_start3A_152, %dma_start3A_153] : memref<128x64xf32, #tpu.memory_space<vmem>> -> memref<128x64xf32, #tpu.memory_space<vmem>>
    %dma_start3A_155 = arith.constant 0 : i32
    %dma_start3A_156 = tpu.memref_slice %arg6[%arg0, %add3A_151, %dma_start3A_155] : memref<2x10112x64xf32, #tpu.memory_space<hbm>> -> memref<1x128x64xf32, #tpu.memory_space<hbm>>
    %dma_start3A_157 = tpu.memref_squeeze %dma_start3A_156 : memref<1x128x64xf32, #tpu.memory_space<hbm>> -> memref<128x64xf32, #tpu.memory_space<hbm>>
    %dma_start3A_158 = arith.constant 0 : i32
    %dma_start3A_159 = tpu.memref_slice %arg6[%arg0, %add3A_151, %dma_start3A_158] : memref<2x10112x64xf32, #tpu.memory_space<hbm>> -> memref<1x128x64xf32, #tpu.memory_space<hbm>>
    %dma_start3A_160 = tpu.memref_squeeze %dma_start3A_159 : memref<1x128x64xf32, #tpu.memory_space<hbm>> -> memref<128x64xf32, #tpu.memory_space<hbm>>
    %dma_start3A_161 = arith.constant 0 : i32
    %dma_start3A_162 = arith.constant 0 : i32
    %dma_start3A_163 = tpu.memref_slice %arg12[%dma_start3A_161, %dma_start3A_162] : memref<128x64xf32, #tpu.memory_space<vmem>> -> memref<128x64xf32, #tpu.memory_space<vmem>>
    tpu.enqueue_dma source(%dma_start3A_163 : memref<128x64xf32, #tpu.memory_space<vmem>>) target(%dma_start3A_160 : memref<128x64xf32, #tpu.memory_space<hbm>>) target_semaphore(%arg21 : memref<!tpu.dma_semaphore, #tpu.memory_space<semaphore_mem>>)
    %add3A_164 = arith.constant 256 : i32
    %add3A_165 = arith.addi %mul3A_27, %add3A_164 : i32
    %dma_start3A_166 = arith.constant 0 : i32
    %dma_start3A_167 = arith.constant 0 : i32
    %dma_start3A_168 = tpu.memref_slice %arg13[%dma_start3A_166, %dma_start3A_167] : memref<128x64xf32, #tpu.memory_space<vmem>> -> memref<128x64xf32, #tpu.memory_space<vmem>>
    %dma_start3A_169 = arith.constant 0 : i32
    %dma_start3A_170 = tpu.memref_slice %arg6[%arg0, %add3A_165, %dma_start3A_169] : memref<2x10112x64xf32, #tpu.memory_space<hbm>> -> memref<1x128x64xf32, #tpu.memory_space<hbm>>
    %dma_start3A_171 = tpu.memref_squeeze %dma_start3A_170 : memref<1x128x64xf32, #tpu.memory_space<hbm>> -> memref<128x64xf32, #tpu.memory_space<hbm>>
    %dma_start3A_172 = arith.constant 0 : i32
    %dma_start3A_173 = tpu.memref_slice %arg6[%arg0, %add3A_165, %dma_start3A_172] : memref<2x10112x64xf32, #tpu.memory_space<hbm>> -> memref<1x128x64xf32, #tpu.memory_space<hbm>>
    %dma_start3A_174 = tpu.memref_squeeze %dma_start3A_173 : memref<1x128x64xf32, #tpu.memory_space<hbm>> -> memref<128x64xf32, #tpu.memory_space<hbm>>
    %dma_start3A_175 = arith.constant 0 : i32
    %dma_start3A_176 = arith.constant 0 : i32
    %dma_start3A_177 = tpu.memref_slice %arg13[%dma_start3A_175, %dma_start3A_176] : memref<128x64xf32, #tpu.memory_space<vmem>> -> memref<128x64xf32, #tpu.memory_space<vmem>>
    tpu.enqueue_dma source(%dma_start3A_177 : memref<128x64xf32, #tpu.memory_space<vmem>>) target(%dma_start3A_174 : memref<128x64xf32, #tpu.memory_space<hbm>>) target_semaphore(%arg21 : memref<!tpu.dma_semaphore, #tpu.memory_space<semaphore_mem>>)
    %add3A_178 = arith.constant 384 : i32
    %add3A_179 = arith.addi %mul3A_27, %add3A_178 : i32
    %dma_start3A_180 = arith.constant 0 : i32
    %dma_start3A_181 = arith.constant 0 : i32
    %dma_start3A_182 = tpu.memref_slice %arg14[%dma_start3A_180, %dma_start3A_181] : memref<128x64xf32, #tpu.memory_space<vmem>> -> memref<128x64xf32, #tpu.memory_space<vmem>>
    %dma_start3A_183 = arith.constant 0 : i32
    %dma_start3A_184 = tpu.memref_slice %arg6[%arg0, %add3A_179, %dma_start3A_183] : memref<2x10112x64xf32, #tpu.memory_space<hbm>> -> memref<1x128x64xf32, #tpu.memory_space<hbm>>
    %dma_start3A_185 = tpu.memref_squeeze %dma_start3A_184 : memref<1x128x64xf32, #tpu.memory_space<hbm>> -> memref<128x64xf32, #tpu.memory_space<hbm>>
    %dma_start3A_186 = arith.constant 0 : i32
    %dma_start3A_187 = tpu.memref_slice %arg6[%arg0, %add3A_179, %dma_start3A_186] : memref<2x10112x64xf32, #tpu.memory_space<hbm>> -> memref<1x128x64xf32, #tpu.memory_space<hbm>>
    %dma_start3A_188 = tpu.memref_squeeze %dma_start3A_187 : memref<1x128x64xf32, #tpu.memory_space<hbm>> -> memref<128x64xf32, #tpu.memory_space<hbm>>
    %dma_start3A_189 = arith.constant 0 : i32
    %dma_start3A_190 = arith.constant 0 : i32
    %dma_start3A_191 = tpu.memref_slice %arg14[%dma_start3A_189, %dma_start3A_190] : memref<128x64xf32, #tpu.memory_space<vmem>> -> memref<128x64xf32, #tpu.memory_space<vmem>>
    tpu.enqueue_dma source(%dma_start3A_191 : memref<128x64xf32, #tpu.memory_space<vmem>>) target(%dma_start3A_188 : memref<128x64xf32, #tpu.memory_space<hbm>>) target_semaphore(%arg21 : memref<!tpu.dma_semaphore, #tpu.memory_space<semaphore_mem>>)
    %add3A_192 = arith.constant 512 : i32
    %add3A_193 = arith.addi %mul3A_27, %add3A_192 : i32
    %dma_start3A_194 = arith.constant 0 : i32
    %dma_start3A_195 = arith.constant 0 : i32
    %dma_start3A_196 = tpu.memref_slice %arg8[%dma_start3A_194, %dma_start3A_195] : memref<128x64xf32, #tpu.memory_space<vmem>> -> memref<120x64xf32, #tpu.memory_space<vmem>>
    %dma_start3A_197 = arith.constant 0 : i32
    %dma_start3A_198 = tpu.memref_slice %arg6[%arg0, %add3A_193, %dma_start3A_197] : memref<2x10112x64xf32, #tpu.memory_space<hbm>> -> memref<1x120x64xf32, #tpu.memory_space<hbm>>
    %dma_start3A_199 = tpu.memref_squeeze %dma_start3A_198 : memref<1x120x64xf32, #tpu.memory_space<hbm>> -> memref<120x64xf32, #tpu.memory_space<hbm>>
    %dma_start3A_200 = arith.constant 0 : i32
    %dma_start3A_201 = tpu.memref_slice %arg6[%arg0, %add3A_193, %dma_start3A_200] : memref<2x10112x64xf32, #tpu.memory_space<hbm>> -> memref<1x120x64xf32, #tpu.memory_space<hbm>>
    %dma_start3A_202 = tpu.memref_squeeze %dma_start3A_201 : memref<1x120x64xf32, #tpu.memory_space<hbm>> -> memref<120x64xf32, #tpu.memory_space<hbm>>
    %dma_start3A_203 = arith.constant 0 : i32
    %dma_start3A_204 = arith.constant 0 : i32
    %dma_start3A_205 = tpu.memref_slice %arg8[%dma_start3A_203, %dma_start3A_204] : memref<128x64xf32, #tpu.memory_space<vmem>> -> memref<120x64xf32, #tpu.memory_space<vmem>>
    tpu.enqueue_dma source(%dma_start3A_205 : memref<120x64xf32, #tpu.memory_space<vmem>>) target(%dma_start3A_202 : memref<120x64xf32, #tpu.memory_space<hbm>>) target_semaphore(%arg21 : memref<!tpu.dma_semaphore, #tpu.memory_space<semaphore_mem>>)
    %dma_wait3A_206 = arith.constant 0 : i32
    %dma_wait3A_207 = arith.constant 0 : i32
    %dma_wait3A_208 = tpu.memref_slice %arg11[%dma_wait3A_206, %dma_wait3A_207] : memref<128x64xf32, #tpu.memory_space<vmem>> -> memref<128x64xf32, #tpu.memory_space<vmem>>
    %dma_wait3A_209 = arith.constant 0 : i32
    %dma_wait3A_210 = tpu.memref_slice %arg6[%arg0, %add3A_137, %dma_wait3A_209] : memref<2x10112x64xf32, #tpu.memory_space<hbm>> -> memref<1x128x64xf32, #tpu.memory_space<hbm>>
    %dma_wait3A_211 = tpu.memref_squeeze %dma_wait3A_210 : memref<1x128x64xf32, #tpu.memory_space<hbm>> -> memref<128x64xf32, #tpu.memory_space<hbm>>
    %dma_wait3A_212 = arith.constant 0 : i32
    %dma_wait3A_213 = tpu.memref_slice %arg6[%arg0, %add3A_137, %dma_wait3A_212] : memref<2x10112x64xf32, #tpu.memory_space<hbm>> -> memref<1x128x64xf32, #tpu.memory_space<hbm>>
    %dma_wait3A_214 = tpu.memref_squeeze %dma_wait3A_213 : memref<1x128x64xf32, #tpu.memory_space<hbm>> -> memref<128x64xf32, #tpu.memory_space<hbm>>
    %dma_wait3A_215 = arith.constant 0 : i32
    %dma_wait3A_216 = arith.constant 0 : i32
    %dma_wait3A_217 = tpu.memref_slice %arg11[%dma_wait3A_215, %dma_wait3A_216] : memref<128x64xf32, #tpu.memory_space<vmem>> -> memref<128x64xf32, #tpu.memory_space<vmem>>
    tpu.wait_dma2 semaphore(%arg21 : memref<!tpu.dma_semaphore, #tpu.memory_space<semaphore_mem>>) src(%dma_wait3A_217 : memref<128x64xf32, #tpu.memory_space<vmem>>) dst(%dma_wait3A_214 : memref<128x64xf32, #tpu.memory_space<hbm>>)
    %dma_wait3A_218 = arith.constant 0 : i32
    %dma_wait3A_219 = arith.constant 0 : i32
    %dma_wait3A_220 = tpu.memref_slice %arg12[%dma_wait3A_218, %dma_wait3A_219] : memref<128x64xf32, #tpu.memory_space<vmem>> -> memref<128x64xf32, #tpu.memory_space<vmem>>
    %dma_wait3A_221 = arith.constant 0 : i32
    %dma_wait3A_222 = tpu.memref_slice %arg6[%arg0, %add3A_151, %dma_wait3A_221] : memref<2x10112x64xf32, #tpu.memory_space<hbm>> -> memref<1x128x64xf32, #tpu.memory_space<hbm>>
    %dma_wait3A_223 = tpu.memref_squeeze %dma_wait3A_222 : memref<1x128x64xf32, #tpu.memory_space<hbm>> -> memref<128x64xf32, #tpu.memory_space<hbm>>
    %dma_wait3A_224 = arith.constant 0 : i32
    %dma_wait3A_225 = tpu.memref_slice %arg6[%arg0, %add3A_151, %dma_wait3A_224] : memref<2x10112x64xf32, #tpu.memory_space<hbm>> -> memref<1x128x64xf32, #tpu.memory_space<hbm>>
    %dma_wait3A_226 = tpu.memref_squeeze %dma_wait3A_225 : memref<1x128x64xf32, #tpu.memory_space<hbm>> -> memref<128x64xf32, #tpu.memory_space<hbm>>
    %dma_wait3A_227 = arith.constant 0 : i32
    %dma_wait3A_228 = arith.constant 0 : i32
    %dma_wait3A_229 = tpu.memref_slice %arg12[%dma_wait3A_227, %dma_wait3A_228] : memref<128x64xf32, #tpu.memory_space<vmem>> -> memref<128x64xf32, #tpu.memory_space<vmem>>
    tpu.wait_dma2 semaphore(%arg21 : memref<!tpu.dma_semaphore, #tpu.memory_space<semaphore_mem>>) src(%dma_wait3A_229 : memref<128x64xf32, #tpu.memory_space<vmem>>) dst(%dma_wait3A_226 : memref<128x64xf32, #tpu.memory_space<hbm>>)
    %dma_wait3A_230 = arith.constant 0 : i32
    %dma_wait3A_231 = arith.constant 0 : i32
    %dma_wait3A_232 = tpu.memref_slice %arg13[%dma_wait3A_230, %dma_wait3A_231] : memref<128x64xf32, #tpu.memory_space<vmem>> -> memref<128x64xf32, #tpu.memory_space<vmem>>
    %dma_wait3A_233 = arith.constant 0 : i32
    %dma_wait3A_234 = tpu.memref_slice %arg6[%arg0, %add3A_165, %dma_wait3A_233] : memref<2x10112x64xf32, #tpu.memory_space<hbm>> -> memref<1x128x64xf32, #tpu.memory_space<hbm>>
    %dma_wait3A_235 = tpu.memref_squeeze %dma_wait3A_234 : memref<1x128x64xf32, #tpu.memory_space<hbm>> -> memref<128x64xf32, #tpu.memory_space<hbm>>
    %dma_wait3A_236 = arith.constant 0 : i32
    %dma_wait3A_237 = tpu.memref_slice %arg6[%arg0, %add3A_165, %dma_wait3A_236] : memref<2x10112x64xf32, #tpu.memory_space<hbm>> -> memref<1x128x64xf32, #tpu.memory_space<hbm>>
    %dma_wait3A_238 = tpu.memref_squeeze %dma_wait3A_237 : memref<1x128x64xf32, #tpu.memory_space<hbm>> -> memref<128x64xf32, #tpu.memory_space<hbm>>
    %dma_wait3A_239 = arith.constant 0 : i32
    %dma_wait3A_240 = arith.constant 0 : i32
    %dma_wait3A_241 = tpu.memref_slice %arg13[%dma_wait3A_239, %dma_wait3A_240] : memref<128x64xf32, #tpu.memory_space<vmem>> -> memref<128x64xf32, #tpu.memory_space<vmem>>
    tpu.wait_dma2 semaphore(%arg21 : memref<!tpu.dma_semaphore, #tpu.memory_space<semaphore_mem>>) src(%dma_wait3A_241 : memref<128x64xf32, #tpu.memory_space<vmem>>) dst(%dma_wait3A_238 : memref<128x64xf32, #tpu.memory_space<hbm>>)
    %dma_wait3A_242 = arith.constant 0 : i32
    %dma_wait3A_243 = arith.constant 0 : i32
    %dma_wait3A_244 = tpu.memref_slice %arg14[%dma_wait3A_242, %dma_wait3A_243] : memref<128x64xf32, #tpu.memory_space<vmem>> -> memref<128x64xf32, #tpu.memory_space<vmem>>
    %dma_wait3A_245 = arith.constant 0 : i32
    %dma_wait3A_246 = tpu.memref_slice %arg6[%arg0, %add3A_179, %dma_wait3A_245] : memref<2x10112x64xf32, #tpu.memory_space<hbm>> -> memref<1x128x64xf32, #tpu.memory_space<hbm>>
    %dma_wait3A_247 = tpu.memref_squeeze %dma_wait3A_246 : memref<1x128x64xf32, #tpu.memory_space<hbm>> -> memref<128x64xf32, #tpu.memory_space<hbm>>
    %dma_wait3A_248 = arith.constant 0 : i32
    %dma_wait3A_249 = tpu.memref_slice %arg6[%arg0, %add3A_179, %dma_wait3A_248] : memref<2x10112x64xf32, #tpu.memory_space<hbm>> -> memref<1x128x64xf32, #tpu.memory_space<hbm>>
    %dma_wait3A_250 = tpu.memref_squeeze %dma_wait3A_249 : memref<1x128x64xf32, #tpu.memory_space<hbm>> -> memref<128x64xf32, #tpu.memory_space<hbm>>
    %dma_wait3A_251 = arith.constant 0 : i32
    %dma_wait3A_252 = arith.constant 0 : i32
    %dma_wait3A_253 = tpu.memref_slice %arg14[%dma_wait3A_251, %dma_wait3A_252] : memref<128x64xf32, #tpu.memory_space<vmem>> -> memref<128x64xf32, #tpu.memory_space<vmem>>
    tpu.wait_dma2 semaphore(%arg21 : memref<!tpu.dma_semaphore, #tpu.memory_space<semaphore_mem>>) src(%dma_wait3A_253 : memref<128x64xf32, #tpu.memory_space<vmem>>) dst(%dma_wait3A_250 : memref<128x64xf32, #tpu.memory_space<hbm>>)
    %dma_wait3A_254 = arith.constant 0 : i32
    %dma_wait3A_255 = arith.constant 0 : i32
    %dma_wait3A_256 = tpu.memref_slice %arg8[%dma_wait3A_254, %dma_wait3A_255] : memref<128x64xf32, #tpu.memory_space<vmem>> -> memref<120x64xf32, #tpu.memory_space<vmem>>
    %dma_wait3A_257 = arith.constant 0 : i32
    %dma_wait3A_258 = tpu.memref_slice %arg6[%arg0, %add3A_193, %dma_wait3A_257] : memref<2x10112x64xf32, #tpu.memory_space<hbm>> -> memref<1x120x64xf32, #tpu.memory_space<hbm>>
    %dma_wait3A_259 = tpu.memref_squeeze %dma_wait3A_258 : memref<1x120x64xf32, #tpu.memory_space<hbm>> -> memref<120x64xf32, #tpu.memory_space<hbm>>
    %dma_wait3A_260 = arith.constant 0 : i32
    %dma_wait3A_261 = tpu.memref_slice %arg6[%arg0, %add3A_193, %dma_wait3A_260] : memref<2x10112x64xf32, #tpu.memory_space<hbm>> -> memref<1x120x64xf32, #tpu.memory_space<hbm>>
    %dma_wait3A_262 = tpu.memref_squeeze %dma_wait3A_261 : memref<1x120x64xf32, #tpu.memory_space<hbm>> -> memref<120x64xf32, #tpu.memory_space<hbm>>
    %dma_wait3A_263 = arith.constant 0 : i32
    %dma_wait3A_264 = arith.constant 0 : i32
    %dma_wait3A_265 = tpu.memref_slice %arg8[%dma_wait3A_263, %dma_wait3A_264] : memref<128x64xf32, #tpu.memory_space<vmem>> -> memref<120x64xf32, #tpu.memory_space<vmem>>
    tpu.wait_dma2 semaphore(%arg21 : memref<!tpu.dma_semaphore, #tpu.memory_space<semaphore_mem>>) src(%dma_wait3A_265 : memref<120x64xf32, #tpu.memory_space<vmem>>) dst(%dma_wait3A_262 : memref<120x64xf32, #tpu.memory_space<hbm>>)
    return
  }
}

module attributes {stable_mosaic.version = 14 : i64} {
  func.func @_stage1_body(%arg0: i32, %arg1: memref<2x512x60xf32, #tpu.memory_space<vmem>>, %arg2: memref<512x2xf32, #tpu.memory_space<vmem>>, %arg3: memref<512x8xf32, #tpu.memory_space<vmem>>, %arg4: memref<132x128xf32, #tpu.memory_space<vmem>>, %arg5: memref<2x512x64xf32, #tpu.memory_space<vmem>>) attributes {dimension_semantics = [#tpu.dimension_semantics<arbitrary>], iteration_bounds = array<i64: 98>, scalar_prefetch = 0 : i64, scratch_operands = 0 : i64, tpu.core_type = #tpu.core_type<tc>, window_params = [{transform_indices = @transform_0, window_bounds = array<i64: 2, 512, 60>}, {transform_indices = @transform_1, window_bounds = array<i64: 512, 2>}, {transform_indices = @transform_2, window_bounds = array<i64: 512, 8>}, {pipeline_mode = #tpu.pipeline_mode<synchronous>, transform_indices = @transform_3, window_bounds = array<i64: 132, 128>}, {transform_indices = @transform_4, window_bounds = array<i64: 2, 512, 64>}]} {
    %get3A = arith.constant 0 : index
    %get3A_0 = arith.constant 0 : index
    %get3A_1 = vector.load %arg2[%get3A, %get3A_0] : memref<512x2xf32, #tpu.memory_space<vmem>>, vector<512x2xf32>
    %sin3A = math.sin %get3A_1 : vector<512x2xf32>
    %get3A_2 = arith.constant 0 : index
    %get3A_3 = arith.constant 0 : index
    %get3A_4 = vector.load %arg2[%get3A_2, %get3A_3] : memref<512x2xf32, #tpu.memory_space<vmem>>, vector<512x2xf32>
    %cos3A = math.cos %get3A_4 : vector<512x2xf32>
    %get3A_5 = arith.constant 0 : index
    %get3A_6 = arith.constant 0 : index
    %get3A_7 = vector.load %arg3[%get3A_5, %get3A_6] : memref<512x8xf32, #tpu.memory_space<vmem>>, vector<512x8xf32>
    %concatenate3A = tpu.concatenate %sin3A, %cos3A, %get3A_7 in 1 : vector<512x2xf32>, vector<512x2xf32>, vector<512x8xf32> -> vector<512x12xf32>
    %get3A_8 = arith.constant 0 : index
    %get3A_9 = arith.constant 0 : index
    %get3A_10 = arith.constant 0 : index
    %get3A_11 = vector.load %arg1[%get3A_8, %get3A_9, %get3A_10] : memref<2x512x60xf32, #tpu.memory_space<vmem>>, vector<1x512x60xf32>
    %get3A_12 = vector.shape_cast %get3A_11 : vector<1x512x60xf32> to vector<512x60xf32>
    %get3A_13 = arith.constant 0 : index
    %get3A_14 = arith.constant 0 : index
    %get3A_15 = vector.load %arg4[%get3A_13, %get3A_14] : memref<132x128xf32, #tpu.memory_space<vmem>>, vector<60x128xf32>
    %dot_general3A = arith.constant dense<0.000000e+00> : vector<512x128xf32>
    %dot_general3A_16 = tpu.matmul %get3A_12, %get3A_15, %dot_general3A {dimension_numbers = #tpu.dot_dimension_numbers<[1], [0], [0], [1], [0, 0, 1, 1], [], []>, transpose_lhs_hint = false} : vector<512x60xf32>, vector<60x128xf32>, vector<512x128xf32> -> vector<512x128xf32>
    %get3A_17 = arith.constant 1 : index
    %get3A_18 = arith.constant 0 : index
    %get3A_19 = arith.constant 0 : index
    %get3A_20 = vector.load %arg1[%get3A_17, %get3A_18, %get3A_19] : memref<2x512x60xf32, #tpu.memory_space<vmem>>, vector<1x512x60xf32>
    %get3A_21 = vector.shape_cast %get3A_20 : vector<1x512x60xf32> to vector<512x60xf32>
    %get3A_22 = arith.constant 60 : index
    %get3A_23 = arith.constant 0 : index
    %get3A_24 = vector.load %arg4[%get3A_22, %get3A_23] : memref<132x128xf32, #tpu.memory_space<vmem>>, vector<60x128xf32>
    %dot_general3A_25 = arith.constant dense<0.000000e+00> : vector<512x128xf32>
    %dot_general3A_26 = tpu.matmul %get3A_21, %get3A_24, %dot_general3A_25 {dimension_numbers = #tpu.dot_dimension_numbers<[1], [0], [0], [1], [0, 0, 1, 1], [], []>, transpose_lhs_hint = false} : vector<512x60xf32>, vector<60x128xf32>, vector<512x128xf32> -> vector<512x128xf32>
    %add3A = arith.addf %dot_general3A_16, %dot_general3A_26 : vector<512x128xf32>
    %get3A_27 = arith.constant 120 : index
    %get3A_28 = arith.constant 0 : index
    %get3A_29 = vector.load %arg4[%get3A_27, %get3A_28] : memref<132x128xf32, #tpu.memory_space<vmem>>, vector<12x128xf32>
    %dot_general3A_30 = arith.constant dense<0.000000e+00> : vector<512x128xf32>
    %dot_general3A_31 = tpu.matmul %concatenate3A, %get3A_29, %dot_general3A_30 {dimension_numbers = #tpu.dot_dimension_numbers<[1], [0], [0], [1], [0, 0, 1, 1], [], []>, transpose_lhs_hint = false} : vector<512x12xf32>, vector<12x128xf32>, vector<512x128xf32> -> vector<512x128xf32>
    %add3A_32 = arith.addf %add3A, %dot_general3A_31 : vector<512x128xf32>
    %slice3A = vector.extract_strided_slice %add3A_32 {offsets = [0, 0], sizes = [512, 64], strides = [1, 1]} : vector<512x128xf32> to vector<512x64xf32>
    %swap3A = arith.constant 0 : index
    %swap3A_33 = arith.constant 0 : index
    %swap3A_34 = arith.constant 0 : index
    %swap3A_35 = vector.load %arg5[%swap3A, %swap3A_33, %swap3A_34] : memref<2x512x64xf32, #tpu.memory_space<vmem>>, vector<1x512x64xf32>
    %swap3A_36 = vector.shape_cast %swap3A_35 : vector<1x512x64xf32> to vector<512x64xf32>
    %swap3A_37 = vector.shape_cast %slice3A : vector<512x64xf32> to vector<1x512x64xf32>
    tpu.vector_store %arg5[%swap3A, %swap3A_33, %swap3A_34], %swap3A_37 {strides = array<i32>} : memref<2x512x64xf32, #tpu.memory_space<vmem>>, vector<1x512x64xf32>,
    %slice3A_38 = vector.extract_strided_slice %add3A_32 {offsets = [0, 64], sizes = [512, 64], strides = [1, 1]} : vector<512x128xf32> to vector<512x64xf32>
    %swap3A_39 = arith.constant 1 : index
    %swap3A_40 = arith.constant 0 : index
    %swap3A_41 = arith.constant 0 : index
    %swap3A_42 = vector.load %arg5[%swap3A_39, %swap3A_40, %swap3A_41] : memref<2x512x64xf32, #tpu.memory_space<vmem>>, vector<1x512x64xf32>
    %swap3A_43 = vector.shape_cast %swap3A_42 : vector<1x512x64xf32> to vector<512x64xf32>
    %swap3A_44 = vector.shape_cast %slice3A_38 : vector<512x64xf32> to vector<1x512x64xf32>
    tpu.vector_store %arg5[%swap3A_39, %swap3A_40, %swap3A_41], %swap3A_44 {strides = array<i32>} : memref<2x512x64xf32, #tpu.memory_space<vmem>>, vector<1x512x64xf32>,
    return
  }
  func.func @transform_0(%arg0: i32) -> (i32, i32, i32) {
    %c0_i32 = arith.constant 0 : i32
    %c0_i32_0 = arith.constant 0 : i32
    %c0_i32_1 = arith.constant 0 : i32
    return %c0_i32, %arg0, %c0_i32_0 : i32, i32, i32
  }
  func.func @transform_1(%arg0: i32) -> (i32, i32) {
    %c0_i32 = arith.constant 0 : i32
    %c0_i32_0 = arith.constant 0 : i32
    return %arg0, %c0_i32 : i32, i32
  }
  func.func @transform_2(%arg0: i32) -> (i32, i32) {
    %c0_i32 = arith.constant 0 : i32
    %c0_i32_0 = arith.constant 0 : i32
    return %arg0, %c0_i32 : i32, i32
  }
  func.func @transform_3(%arg0: i32) -> (i32, i32) {
    %c0_i32 = arith.constant 0 : i32
    %c0_i32_0 = arith.constant 0 : i32
    %c0_i32_1 = arith.constant 0 : i32
    return %c0_i32, %c0_i32_0 : i32, i32
  }
  func.func @transform_4(%arg0: i32) -> (i32, i32, i32) {
    %c0_i32 = arith.constant 0 : i32
    %c0_i32_0 = arith.constant 0 : i32
    %c0_i32_1 = arith.constant 0 : i32
    return %c0_i32, %arg0, %c0_i32_0 : i32, i32, i32
  }
}

module attributes {stable_mosaic.version = 14 : i64} {
  func.func @_stage3_body(%arg0: i32, %arg1: memref<512x12xf32, #tpu.memory_space<vmem>>, %arg2: memref<12x128xf32, #tpu.memory_space<vmem>>, %arg3: memref<2x512x64xf32, #tpu.memory_space<vmem>>, %arg4: memref<128x128xf32, #tpu.memory_space<vmem>>, %arg5: memref<2x512x64xf32, #tpu.memory_space<vmem>>, %arg6: memref<2x512x64xf32, #tpu.memory_space<vmem>>) attributes {dimension_semantics = [#tpu.dimension_semantics<arbitrary>], iteration_bounds = array<i64: 20>, scalar_prefetch = 0 : i64, scratch_operands = 0 : i64, tpu.core_type = #tpu.core_type<tc>, window_params = [{transform_indices = @transform_0, window_bounds = array<i64: 512, 12>}, {pipeline_mode = #tpu.pipeline_mode<synchronous>, transform_indices = @transform_1, window_bounds = array<i64: 12, 128>}, {transform_indices = @transform_2, window_bounds = array<i64: 2, 512, 64>}, {pipeline_mode = #tpu.pipeline_mode<synchronous>, transform_indices = @transform_3, window_bounds = array<i64: 128, 128>}, {transform_indices = @transform_4, window_bounds = array<i64: 2, 512, 64>}, {transform_indices = @transform_5, window_bounds = array<i64: 2, 512, 64>}]} {
    %get3A = arith.constant 0 : index
    %get3A_0 = arith.constant 0 : index
    %get3A_1 = arith.constant 0 : index
    %get3A_2 = vector.load %arg3[%get3A, %get3A_0, %get3A_1] : memref<2x512x64xf32, #tpu.memory_space<vmem>>, vector<1x512x64xf32>
    %get3A_3 = vector.shape_cast %get3A_2 : vector<1x512x64xf32> to vector<512x64xf32>
    %get3A_4 = arith.constant 1 : index
    %get3A_5 = arith.constant 0 : index
    %get3A_6 = arith.constant 0 : index
    %get3A_7 = vector.load %arg3[%get3A_4, %get3A_5, %get3A_6] : memref<2x512x64xf32, #tpu.memory_space<vmem>>, vector<1x512x64xf32>
    %get3A_8 = vector.shape_cast %get3A_7 : vector<1x512x64xf32> to vector<512x64xf32>
    %concatenate3A = tpu.concatenate %get3A_3, %get3A_8 in 1 : vector<512x64xf32>, vector<512x64xf32> -> vector<512x128xf32>
    %get3A_9 = arith.constant 0 : index
    %get3A_10 = arith.constant 0 : index
    %get3A_11 = vector.load %arg1[%get3A_9, %get3A_10] : memref<512x12xf32, #tpu.memory_space<vmem>>, vector<512x12xf32>
    %get3A_12 = arith.constant 0 : index
    %get3A_13 = arith.constant 0 : index
    %get3A_14 = vector.load %arg2[%get3A_12, %get3A_13] : memref<12x128xf32, #tpu.memory_space<vmem>>, vector<12x128xf32>
    %dot_general3A = arith.constant dense<0.000000e+00> : vector<512x128xf32>
    %dot_general3A_15 = tpu.matmul %get3A_11, %get3A_14, %dot_general3A {dimension_numbers = #tpu.dot_dimension_numbers<[1], [0], [0], [1], [0, 0, 1, 1], [], []>, transpose_lhs_hint = false} : vector<512x12xf32>, vector<12x128xf32>, vector<512x128xf32> -> vector<512x128xf32>
    %add3A = arith.addf %dot_general3A_15, %concatenate3A : vector<512x128xf32>
    %max3A = arith.constant 0.000000e+00 : f32
    %max3A_16 = vector.broadcast %max3A : f32 to vector<512x128xf32>
    %max3A_17 = arith.maximumf %add3A, %max3A_16 : vector<512x128xf32>
    %slice3A = vector.extract_strided_slice %max3A_17 {offsets = [0, 0], sizes = [512, 64], strides = [1, 1]} : vector<512x128xf32> to vector<512x64xf32>
    %swap3A = arith.constant 0 : index
    %swap3A_18 = arith.constant 0 : index
    %swap3A_19 = arith.constant 0 : index
    %swap3A_20 = vector.load %arg5[%swap3A, %swap3A_18, %swap3A_19] : memref<2x512x64xf32, #tpu.memory_space<vmem>>, vector<1x512x64xf32>
    %swap3A_21 = vector.shape_cast %swap3A_20 : vector<1x512x64xf32> to vector<512x64xf32>
    %swap3A_22 = vector.shape_cast %slice3A : vector<512x64xf32> to vector<1x512x64xf32>
    tpu.vector_store %arg5[%swap3A, %swap3A_18, %swap3A_19], %swap3A_22 {strides = array<i32>} : memref<2x512x64xf32, #tpu.memory_space<vmem>>, vector<1x512x64xf32>,
    %slice3A_23 = vector.extract_strided_slice %max3A_17 {offsets = [0, 64], sizes = [512, 64], strides = [1, 1]} : vector<512x128xf32> to vector<512x64xf32>
    %swap3A_24 = arith.constant 1 : index
    %swap3A_25 = arith.constant 0 : index
    %swap3A_26 = arith.constant 0 : index
    %swap3A_27 = vector.load %arg5[%swap3A_24, %swap3A_25, %swap3A_26] : memref<2x512x64xf32, #tpu.memory_space<vmem>>, vector<1x512x64xf32>
    %swap3A_28 = vector.shape_cast %swap3A_27 : vector<1x512x64xf32> to vector<512x64xf32>
    %swap3A_29 = vector.shape_cast %slice3A_23 : vector<512x64xf32> to vector<1x512x64xf32>
    tpu.vector_store %arg5[%swap3A_24, %swap3A_25, %swap3A_26], %swap3A_29 {strides = array<i32>} : memref<2x512x64xf32, #tpu.memory_space<vmem>>, vector<1x512x64xf32>,
    %get3A_30 = arith.constant 0 : index
    %get3A_31 = arith.constant 0 : index
    %get3A_32 = vector.load %arg4[%get3A_30, %get3A_31] : memref<128x128xf32, #tpu.memory_space<vmem>>, vector<128x128xf32>
    %dot_general3A_33 = arith.constant dense<0.000000e+00> : vector<512x128xf32>
    %dot_general3A_34 = tpu.matmul %max3A_17, %get3A_32, %dot_general3A_33 {dimension_numbers = #tpu.dot_dimension_numbers<[1], [0], [0], [1], [0, 0, 1, 1], [], []>, transpose_lhs_hint = false} : vector<512x128xf32>, vector<128x128xf32>, vector<512x128xf32> -> vector<512x128xf32>
    %slice3A_35 = vector.extract_strided_slice %dot_general3A_34 {offsets = [0, 0], sizes = [512, 64], strides = [1, 1]} : vector<512x128xf32> to vector<512x64xf32>
    %swap3A_36 = arith.constant 0 : index
    %swap3A_37 = arith.constant 0 : index
    %swap3A_38 = arith.constant 0 : index
    %swap3A_39 = vector.load %arg6[%swap3A_36, %swap3A_37, %swap3A_38] : memref<2x512x64xf32, #tpu.memory_space<vmem>>, vector<1x512x64xf32>
    %swap3A_40 = vector.shape_cast %swap3A_39 : vector<1x512x64xf32> to vector<512x64xf32>
    %swap3A_41 = vector.shape_cast %slice3A_35 : vector<512x64xf32> to vector<1x512x64xf32>
    tpu.vector_store %arg6[%swap3A_36, %swap3A_37, %swap3A_38], %swap3A_41 {strides = array<i32>} : memref<2x512x64xf32, #tpu.memory_space<vmem>>, vector<1x512x64xf32>,
    %slice3A_42 = vector.extract_strided_slice %dot_general3A_34 {offsets = [0, 64], sizes = [512, 64], strides = [1, 1]} : vector<512x128xf32> to vector<512x64xf32>
    %swap3A_43 = arith.constant 1 : index
    %swap3A_44 = arith.constant 0 : index
    %swap3A_45 = arith.constant 0 : index
    %swap3A_46 = vector.load %arg6[%swap3A_43, %swap3A_44, %swap3A_45] : memref<2x512x64xf32, #tpu.memory_space<vmem>>, vector<1x512x64xf32>
    %swap3A_47 = vector.shape_cast %swap3A_46 : vector<1x512x64xf32> to vector<512x64xf32>
    %swap3A_48 = vector.shape_cast %slice3A_42 : vector<512x64xf32> to vector<1x512x64xf32>
    tpu.vector_store %arg6[%swap3A_43, %swap3A_44, %swap3A_45], %swap3A_48 {strides = array<i32>} : memref<2x512x64xf32, #tpu.memory_space<vmem>>, vector<1x512x64xf32>,
    return
  }
  func.func @transform_0(%arg0: i32) -> (i32, i32) {
    %c0_i32 = arith.constant 0 : i32
    %c0_i32_0 = arith.constant 0 : i32
    return %arg0, %c0_i32 : i32, i32
  }
  func.func @transform_1(%arg0: i32) -> (i32, i32) {
    %c0_i32 = arith.constant 0 : i32
    %c0_i32_0 = arith.constant 0 : i32
    %c0_i32_1 = arith.constant 0 : i32
    return %c0_i32, %c0_i32_0 : i32, i32
  }
  func.func @transform_2(%arg0: i32) -> (i32, i32, i32) {
    %c0_i32 = arith.constant 0 : i32
    %c0_i32_0 = arith.constant 0 : i32
    %c0_i32_1 = arith.constant 0 : i32
    return %c0_i32, %arg0, %c0_i32_0 : i32, i32, i32
  }
  func.func @transform_3(%arg0: i32) -> (i32, i32) {
    %c0_i32 = arith.constant 0 : i32
    %c0_i32_0 = arith.constant 0 : i32
    %c0_i32_1 = arith.constant 0 : i32
    return %c0_i32, %c0_i32_0 : i32, i32
  }
  func.func @transform_4(%arg0: i32) -> (i32, i32, i32) {
    %c0_i32 = arith.constant 0 : i32
    %c0_i32_0 = arith.constant 0 : i32
    %c0_i32_1 = arith.constant 0 : i32
    return %c0_i32, %arg0, %c0_i32_0 : i32, i32, i32
  }
  func.func @transform_5(%arg0: i32) -> (i32, i32, i32) {
    %c0_i32 = arith.constant 0 : i32
    %c0_i32_0 = arith.constant 0 : i32
    %c0_i32_1 = arith.constant 0 : i32
    return %c0_i32, %arg0, %c0_i32_0 : i32, i32, i32
  }
}

module attributes {stable_mosaic.version = 14 : i64} {
  func.func @_stage5_body(%arg0: i32, %arg1: memref<2x512x64xf32, #tpu.memory_space<vmem>>, %arg2: memref<2x512x64xf32, #tpu.memory_space<vmem>>, %arg3: memref<128x128xf32, #tpu.memory_space<vmem>>, %arg4: memref<2x512x64xf32, #tpu.memory_space<vmem>>) attributes {dimension_semantics = [#tpu.dimension_semantics<arbitrary>], iteration_bounds = array<i64: 20>, scalar_prefetch = 0 : i64, scratch_operands = 0 : i64, tpu.core_type = #tpu.core_type<tc>, window_params = [{transform_indices = @transform_0, window_bounds = array<i64: 2, 512, 64>}, {transform_indices = @transform_1, window_bounds = array<i64: 2, 512, 64>}, {pipeline_mode = #tpu.pipeline_mode<synchronous>, transform_indices = @transform_2, window_bounds = array<i64: 128, 128>}, {transform_indices = @transform_3, window_bounds = array<i64: 2, 512, 64>}]} {
    %get3A = arith.constant 0 : index
    %get3A_0 = arith.constant 0 : index
    %get3A_1 = arith.constant 0 : index
    %get3A_2 = vector.load %arg1[%get3A, %get3A_0, %get3A_1] : memref<2x512x64xf32, #tpu.memory_space<vmem>>, vector<1x512x64xf32>
    %get3A_3 = vector.shape_cast %get3A_2 : vector<1x512x64xf32> to vector<512x64xf32>
    %get3A_4 = arith.constant 1 : index
    %get3A_5 = arith.constant 0 : index
    %get3A_6 = arith.constant 0 : index
    %get3A_7 = vector.load %arg1[%get3A_4, %get3A_5, %get3A_6] : memref<2x512x64xf32, #tpu.memory_space<vmem>>, vector<1x512x64xf32>
    %get3A_8 = vector.shape_cast %get3A_7 : vector<1x512x64xf32> to vector<512x64xf32>
    %concatenate3A = tpu.concatenate %get3A_3, %get3A_8 in 1 : vector<512x64xf32>, vector<512x64xf32> -> vector<512x128xf32>
    %get3A_9 = arith.constant 0 : index
    %get3A_10 = arith.constant 0 : index
    %get3A_11 = arith.constant 0 : index
    %get3A_12 = vector.load %arg2[%get3A_9, %get3A_10, %get3A_11] : memref<2x512x64xf32, #tpu.memory_space<vmem>>, vector<1x512x64xf32>
    %get3A_13 = vector.shape_cast %get3A_12 : vector<1x512x64xf32> to vector<512x64xf32>
    %get3A_14 = arith.constant 1 : index
    %get3A_15 = arith.constant 0 : index
    %get3A_16 = arith.constant 0 : index
    %get3A_17 = vector.load %arg2[%get3A_14, %get3A_15, %get3A_16] : memref<2x512x64xf32, #tpu.memory_space<vmem>>, vector<1x512x64xf32>
    %get3A_18 = vector.shape_cast %get3A_17 : vector<1x512x64xf32> to vector<512x64xf32>
    %concatenate3A_19 = tpu.concatenate %get3A_13, %get3A_18 in 1 : vector<512x64xf32>, vector<512x64xf32> -> vector<512x128xf32>
    %mul3A = arith.constant 2.000000e+00 : f32
    %mul3A_20 = vector.broadcast %mul3A : f32 to vector<512x128xf32>
    %mul3A_21 = arith.mulf %mul3A_20, %concatenate3A : vector<512x128xf32>
    %max3A = arith.constant 0.000000e+00 : f32
    %max3A_22 = vector.broadcast %max3A : f32 to vector<512x128xf32>
    %max3A_23 = arith.maximumf %concatenate3A_19, %max3A_22 : vector<512x128xf32>
    %add3A = arith.addf %mul3A_21, %max3A_23 : vector<512x128xf32>
    %get3A_24 = arith.constant 0 : index
    %get3A_25 = arith.constant 0 : index
    %get3A_26 = vector.load %arg3[%get3A_24, %get3A_25] : memref<128x128xf32, #tpu.memory_space<vmem>>, vector<128x128xf32>
    %dot_general3A = arith.constant dense<0.000000e+00> : vector<512x128xf32>
    %dot_general3A_27 = tpu.matmul %add3A, %get3A_26, %dot_general3A {dimension_numbers = #tpu.dot_dimension_numbers<[1], [0], [0], [1], [0, 0, 1, 1], [], []>, transpose_lhs_hint = false} : vector<512x128xf32>, vector<128x128xf32>, vector<512x128xf32> -> vector<512x128xf32>
    %slice3A = vector.extract_strided_slice %dot_general3A_27 {offsets = [0, 0], sizes = [512, 64], strides = [1, 1]} : vector<512x128xf32> to vector<512x64xf32>
    %swap3A = arith.constant 0 : index
    %swap3A_28 = arith.constant 0 : index
    %swap3A_29 = arith.constant 0 : index
    %swap3A_30 = vector.load %arg4[%swap3A, %swap3A_28, %swap3A_29] : memref<2x512x64xf32, #tpu.memory_space<vmem>>, vector<1x512x64xf32>
    %swap3A_31 = vector.shape_cast %swap3A_30 : vector<1x512x64xf32> to vector<512x64xf32>
    %swap3A_32 = vector.shape_cast %slice3A : vector<512x64xf32> to vector<1x512x64xf32>
    tpu.vector_store %arg4[%swap3A, %swap3A_28, %swap3A_29], %swap3A_32 {strides = array<i32>} : memref<2x512x64xf32, #tpu.memory_space<vmem>>, vector<1x512x64xf32>,
    %slice3A_33 = vector.extract_strided_slice %dot_general3A_27 {offsets = [0, 64], sizes = [512, 64], strides = [1, 1]} : vector<512x128xf32> to vector<512x64xf32>
    %swap3A_34 = arith.constant 1 : index
    %swap3A_35 = arith.constant 0 : index
    %swap3A_36 = arith.constant 0 : index
    %swap3A_37 = vector.load %arg4[%swap3A_34, %swap3A_35, %swap3A_36] : memref<2x512x64xf32, #tpu.memory_space<vmem>>, vector<1x512x64xf32>
    %swap3A_38 = vector.shape_cast %swap3A_37 : vector<1x512x64xf32> to vector<512x64xf32>
    %swap3A_39 = vector.shape_cast %slice3A_33 : vector<512x64xf32> to vector<1x512x64xf32>
    tpu.vector_store %arg4[%swap3A_34, %swap3A_35, %swap3A_36], %swap3A_39 {strides = array<i32>} : memref<2x512x64xf32, #tpu.memory_space<vmem>>, vector<1x512x64xf32>,
    return
  }
  func.func @transform_0(%arg0: i32) -> (i32, i32, i32) {
    %c0_i32 = arith.constant 0 : i32
    %c0_i32_0 = arith.constant 0 : i32
    %c0_i32_1 = arith.constant 0 : i32
    return %c0_i32, %arg0, %c0_i32_0 : i32, i32, i32
  }
  func.func @transform_1(%arg0: i32) -> (i32, i32, i32) {
    %c0_i32 = arith.constant 0 : i32
    %c0_i32_0 = arith.constant 0 : i32
    %c0_i32_1 = arith.constant 0 : i32
    return %c0_i32, %arg0, %c0_i32_0 : i32, i32, i32
  }
  func.func @transform_2(%arg0: i32) -> (i32, i32) {
    %c0_i32 = arith.constant 0 : i32
    %c0_i32_0 = arith.constant 0 : i32
    %c0_i32_1 = arith.constant 0 : i32
    return %c0_i32, %c0_i32_0 : i32, i32
  }
  func.func @transform_3(%arg0: i32) -> (i32, i32, i32) {
    %c0_i32 = arith.constant 0 : i32
    %c0_i32_0 = arith.constant 0 : i32
    %c0_i32_1 = arith.constant 0 : i32
    return %c0_i32, %arg0, %c0_i32_0 : i32, i32, i32
  }
}

module attributes {stable_mosaic.version = 14 : i64} {
  func.func @_stage7_body(%arg0: i32, %arg1: memref<2x512x64xf32, #tpu.memory_space<vmem>>, %arg2: memref<2x512x64xf32, #tpu.memory_space<vmem>>, %arg3: memref<128x60xf32, #tpu.memory_space<vmem>>, %arg4: memref<512x60xf32, #tpu.memory_space<vmem>>, %arg5: memref<512x60xf32, #tpu.memory_space<vmem>>) attributes {dimension_semantics = [#tpu.dimension_semantics<arbitrary>], iteration_bounds = array<i64: 98>, scalar_prefetch = 0 : i64, scratch_operands = 0 : i64, tpu.core_type = #tpu.core_type<tc>, window_params = [{transform_indices = @transform_0, window_bounds = array<i64: 2, 512, 64>}, {transform_indices = @transform_1, window_bounds = array<i64: 2, 512, 64>}, {pipeline_mode = #tpu.pipeline_mode<synchronous>, transform_indices = @transform_2, window_bounds = array<i64: 128, 60>}, {transform_indices = @transform_3, window_bounds = array<i64: 512, 60>}, {transform_indices = @transform_4, window_bounds = array<i64: 512, 60>}]} {
    %get3A = arith.constant 0 : index
    %get3A_0 = arith.constant 0 : index
    %get3A_1 = arith.constant 0 : index
    %get3A_2 = vector.load %arg1[%get3A, %get3A_0, %get3A_1] : memref<2x512x64xf32, #tpu.memory_space<vmem>>, vector<1x512x64xf32>
    %get3A_3 = vector.shape_cast %get3A_2 : vector<1x512x64xf32> to vector<512x64xf32>
    %get3A_4 = arith.constant 1 : index
    %get3A_5 = arith.constant 0 : index
    %get3A_6 = arith.constant 0 : index
    %get3A_7 = vector.load %arg1[%get3A_4, %get3A_5, %get3A_6] : memref<2x512x64xf32, #tpu.memory_space<vmem>>, vector<1x512x64xf32>
    %get3A_8 = vector.shape_cast %get3A_7 : vector<1x512x64xf32> to vector<512x64xf32>
    %concatenate3A = tpu.concatenate %get3A_3, %get3A_8 in 1 : vector<512x64xf32>, vector<512x64xf32> -> vector<512x128xf32>
    %get3A_9 = arith.constant 0 : index
    %get3A_10 = arith.constant 0 : index
    %get3A_11 = arith.constant 0 : index
    %get3A_12 = vector.load %arg2[%get3A_9, %get3A_10, %get3A_11] : memref<2x512x64xf32, #tpu.memory_space<vmem>>, vector<1x512x64xf32>
    %get3A_13 = vector.shape_cast %get3A_12 : vector<1x512x64xf32> to vector<512x64xf32>
    %get3A_14 = arith.constant 1 : index
    %get3A_15 = arith.constant 0 : index
    %get3A_16 = arith.constant 0 : index
    %get3A_17 = vector.load %arg2[%get3A_14, %get3A_15, %get3A_16] : memref<2x512x64xf32, #tpu.memory_space<vmem>>, vector<1x512x64xf32>
    %get3A_18 = vector.shape_cast %get3A_17 : vector<1x512x64xf32> to vector<512x64xf32>
    %concatenate3A_19 = tpu.concatenate %get3A_13, %get3A_18 in 1 : vector<512x64xf32>, vector<512x64xf32> -> vector<512x128xf32>
    %max3A = arith.constant 0.000000e+00 : f32
    %max3A_20 = vector.broadcast %max3A : f32 to vector<512x128xf32>
    %max3A_21 = arith.maximumf %concatenate3A_19, %max3A_20 : vector<512x128xf32>
    %add3A = arith.addf %concatenate3A, %max3A_21 : vector<512x128xf32>
    %max3A_22 = arith.constant 0.000000e+00 : f32
    %max3A_23 = vector.broadcast %max3A_22 : f32 to vector<512x128xf32>
    %max3A_24 = arith.maximumf %add3A, %max3A_23 : vector<512x128xf32>
    %get3A_25 = arith.constant 0 : index
    %get3A_26 = arith.constant 0 : index
    %get3A_27 = vector.load %arg3[%get3A_25, %get3A_26] : memref<128x60xf32, #tpu.memory_space<vmem>>, vector<128x60xf32>
    %dot_general3A = arith.constant dense<0.000000e+00> : vector<512x60xf32>
    %dot_general3A_28 = tpu.matmul %max3A_24, %get3A_27, %dot_general3A {dimension_numbers = #tpu.dot_dimension_numbers<[1], [0], [0], [1], [0, 0, 1, 1], [], []>, transpose_lhs_hint = false} : vector<512x128xf32>, vector<128x60xf32>, vector<512x60xf32> -> vector<512x60xf32>
    %get3A_29 = arith.constant 0 : index
    %get3A_30 = arith.constant 0 : index
    %get3A_31 = vector.load %arg4[%get3A_29, %get3A_30] : memref<512x60xf32, #tpu.memory_space<vmem>>, vector<512x60xf32>
    %add3A_32 = arith.addf %dot_general3A_28, %get3A_31 : vector<512x60xf32>
    %swap3A = arith.constant 0 : index
    %swap3A_33 = arith.constant 0 : index
    %swap3A_34 = vector.load %arg5[%swap3A, %swap3A_33] : memref<512x60xf32, #tpu.memory_space<vmem>>, vector<512x60xf32>
    tpu.vector_store %arg5[%swap3A, %swap3A_33], %add3A_32 {strides = array<i32>} : memref<512x60xf32, #tpu.memory_space<vmem>>, vector<512x60xf32>,
    return
  }
  func.func @transform_0(%arg0: i32) -> (i32, i32, i32) {
    %c0_i32 = arith.constant 0 : i32
    %c0_i32_0 = arith.constant 0 : i32
    %c0_i32_1 = arith.constant 0 : i32
    return %c0_i32, %arg0, %c0_i32_0 : i32, i32, i32
  }
  func.func @transform_1(%arg0: i32) -> (i32, i32, i32) {
    %c0_i32 = arith.constant 0 : i32
    %c0_i32_0 = arith.constant 0 : i32
    %c0_i32_1 = arith.constant 0 : i32
    return %c0_i32, %arg0, %c0_i32_0 : i32, i32, i32
  }
  func.func @transform_2(%arg0: i32) -> (i32, i32) {
    %c0_i32 = arith.constant 0 : i32
    %c0_i32_0 = arith.constant 0 : i32
    %c0_i32_1 = arith.constant 0 : i32
    return %c0_i32, %c0_i32_0 : i32, i32
  }
  func.func @transform_3(%arg0: i32) -> (i32, i32) {
    %c0_i32 = arith.constant 0 : i32
    %c0_i32_0 = arith.constant 0 : i32
    return %arg0, %c0_i32 : i32, i32
  }
  func.func @transform_4(%arg0: i32) -> (i32, i32) {
    %c0_i32 = arith.constant 0 : i32
    %c0_i32_0 = arith.constant 0 : i32
    return %arg0, %c0_i32 : i32, i32
  }
}

</mosaic_0001>

<sc_bundles>
// kernel: kernel.12.cloned.1.call-start
scs
__scs_entry_jumppad:
0x0: {  	(pc) =	sbr.rel $0x88, $3  }
0x1: {  	(tag) =	ssettag $0x0;
	lr =	simm.s32 $0x1  }
0x2: {  	[smem:$0x3F94] =	sst lr;
	_ =	strace $0xD0000000  }
0x3: {  	_ = 	snop  }
0x4: {  	_ = 	snop  }
0x5: {  	_ = 	snop  }
0x6: {  	_ = 	snop  }
0x7: {  	_ = 	snop  }
__scs_overlays_trampoline_lowered:
0x8: {  	[smem:$0x3FA3] =	sst s0  }
0x9: {  	[smem:$0x3FA4] =	sst s1  }
0xa: {  	[smem:$0x3FA5] =	sst s2  }
0xb: {  	[smem:$0x3FA6] =	sst s3  }
0xc: {  	[smem:$0x3FA7] =	sst s4  }
0xd: {  	[smem:$0x3FA8] =	sst s5  }
0xe: {  	[smem:$0x3FA9] =	sst s6  }
0xf: {  	[smem:$0x3FAA] =	sst s7  }
0x10: {  	[smem:$0x3FAB] =	sst s8  }
0x11: {  	[smem:$0x3FAC] =	sst s9;
	s0 =	simm.s32 @!p0 $0x0  }
0x12: {  	s1 =	sld [smem:$0x3F92];
	s0 =	simm.s32 @p0 $0x1  }
0x13: {  	[smem:$0x3FAD] =	sst s0;
	s0 =	simm.s32 @!p1 $0x0  }
0x14: {  	s2 =	sld [smem:$0x3F91];
	s0 =	simm.s32 @p1 $0x1  }
0x15: {  	[smem:$0x3FAE] =	sst s0;
	s0 =	simm.s32 @!p2 $0x0  }
0x16: {  	s3 =	sld [smem:$0x3FDB];
	s0 =	simm.s32 @p2 $0x1  }
0x17: {  	s4 =	simm.s32 $0x1BF5;
	[smem:$0x3FB0] =	sst s0  }
0x18: {  	s0 =	sld [smem:$0x3F93];
	_ =	swait.ge [sflag:s4], $0x0  }
0x19: {  	s7 =	sld [smem:$0x3F94]  }
0x1a: {  	s8 =	sadd.s32 $0xFFFFE003, lr  }
0x1b: {  	s9 =	sadd.s32 $0xFFFFFEF7, lr;
	s5 =	simm.s32 $0xFFFFFFFF;
	p2 =	slt.u32 s8, $0xFFFFF086  }
0x1c: {  	p1 =	slt.u32 s9, $0xF7A;
	s5 =	simm.s32 @!p2 $0x0  }
0x1d: {  	s5 =	simm.s32 @p1 $0x1;
	p0 =	seq.s32 s7, s2  }
0x1e: {  	s7 =	smul.u32 @!p0 $0xF7A, s2;
	p2 =	seq.s32 @!p0 s5, $0x0  }
0x1f: {  	s9 =	smul.u32 $0xF7A, s1;
	s8 =	simm.s32 @!p0 $0x1BF5;
	p2 =	por !p2, p0  }
0x20: {  	[sflag:s8] =	ssyncset.s32 @!p0 $0xFFFFF086;
	s6 =	sadd.s32 @!p0 s3, s7;
	s7 =	simm.s32 @!p0 $0x108  }
0x21: {  	s3 =	sadd.s32 s3, s9;
	s6 =	sadd.s32 @!p0 $0x88, s6;
	s7 =	simm.s32 @p2 $0x1082  }
0x22: {  	[simem:s7], [sflag:s8] =	dma.local @!p0 [hbm:s6], $0xF7A  }
0x23: {  	s9 =	sor.u32 $0xD0000000, s2;
	s6 =	simm.s32 $0x108;
	_ =	swait.ge @!p0 [sflag:s8], $0x0  }
0x24: {  	s3 =	sadd.s32 $0x88, s3;
	s6 =	simm.s32 @!p1 $0x1082;
	[sflag:s4] =	ssyncset.s32 $0xFFFFF086  }
0x25: {  	[simem:s6], [sflag:s4] =	dma.local [hbm:s3], $0xF7A  }
0x26: {  	[smem:$0x3F94] =	sst s1;
	(tag) =	ssettag s2;
	_ =	strace s9  }
0x27: {  	s1 =	sld [smem:$0x3FA4]  }
0x28: {  	s2 =	sld [smem:$0x3FA5]  }
0x29: {  	s4 =	sld [smem:$0x3FA7]  }
0x2a: {  	p0 =	seq.s32 s5, $0x0;
	s5 =	sld [smem:$0x3FA8]  }
0x2b: {  	s6 =	sld [smem:$0x3FA9]  }
0x2c: {  	s7 =	sld [smem:$0x3FAA]  }
0x2d: {  	s3 =	simm.s32 $0x108;
	s8 =	sld [smem:$0x3FAB]  }
0x2e: {  	s3 =	simm.s32 @!p0 $0x1082;
	s9 =	sld [smem:$0x3FAC]  }
0x2f: {  	lr =	sadd.s32 s0, s3;
	s0 =	sld [smem:$0x3FA3]  }
0x30: {  	s3 =	sld [smem:$0x3FA6]  }
0x31: {  	[smem:$0x3FAF] =	sst s10  }
0x32: {  	s10 =	sld [smem:$0x3FAD];
	_ =	sdelay $0x3  }
0x33: {  	p0 =	seq.s32 s10, $0x1;
	s10 =	sld [smem:$0x3FAF];
	_ =	sdelay $0x3  }
0x34: {  	[smem:$0x3FAF] =	sst s10  }
0x35: {  	s10 =	sld [smem:$0x3FAE];
	_ =	sdelay $0x3  }
0x36: {  	p1 =	seq.s32 s10, $0x1;
	s10 =	sld [smem:$0x3FAF];
	_ =	sdelay $0x3  }
0x37: {  	[smem:$0x3FAF] =	sst s10  }
0x38: {  	s10 =	sld [smem:$0x3FB0]  }
0x39: {  	_ = 	snop;
	(pc) =	sbr.ind lr, $3  }
0x3a: {  	_ = 	snop  }
0x3b: {  	_ = 	snop  }
0x3c: {  	p2 =	seq.s32 s10, $0x1;
	s10 =	sld [smem:$0x3FAF]  }
0x3d: {  	_ =	shalt  }
0x3e: {  	_ =	shalt  }
0x3f: {  	_ =	shalt  }
0x40: {  	_ =	shalt  }
0x41: {  	_ =	shalt  }
0x42: {  	_ =	shalt  }
0x43: {  	_ =	shalt  }
0x44: {  	_ =	shalt  }
0x45: {  	_ =	shalt  }
0x46: {  	_ =	shalt  }
0x47: {  	_ =	shalt  }
0x48: {  	_ =	shalt  }
0x49: {  	_ =	shalt  }
0x4a: {  	_ =	shalt  }
0x4b: {  	_ =	shalt  }
0x4c: {  	_ =	shalt  }
0x4d: {  	_ =	shalt  }
0x4e: {  	_ =	shalt  }
0x4f: {  	_ =	shalt  }
0x50: {  	_ =	shalt  }
0x51: {  	_ =	shalt  }
0x52: {  	_ =	shalt  }
0x53: {  	_ =	shalt  }
0x54: {  	_ =	shalt  }
0x55: {  	_ =	shalt  }
0x56: {  	_ =	shalt  }
0x57: {  	_ =	shalt  }
0x58: {  	_ =	shalt  }
0x59: {  	_ =	shalt  }
0x5a: {  	_ =	shalt  }
0x5b: {  	_ =	shalt  }
0x5c: {  	_ =	shalt  }
0x5d: {  	_ =	shalt  }
0x5e: {  	_ =	shalt  }
0x5f: {  	_ =	shalt  }
0x60: {  	_ =	shalt  }
0x61: {  	_ =	shalt  }
0x62: {  	_ =	shalt  }
0x63: {  	_ =	shalt  }
0x64: {  	_ =	shalt  }
0x65: {  	_ =	shalt  }
0x66: {  	_ =	shalt  }
0x67: {  	_ =	shalt  }
0x68: {  	_ =	shalt  }
0x69: {  	_ =	shalt  }
0x6a: {  	_ =	shalt  }
0x6b: {  	_ =	shalt  }
0x6c: {  	_ =	shalt  }
0x6d: {  	_ =	shalt  }
0x6e: {  	_ =	shalt  }
0x6f: {  	_ =	shalt  }
0x70: {  	_ =	shalt  }
0x71: {  	_ =	shalt  }
0x72: {  	_ =	shalt  }
0x73: {  	_ =	shalt  }
0x74: {  	_ =	shalt  }
0x75: {  	_ =	shalt  }
0x76: {  	_ =	shalt  }
0x77: {  	_ =	shalt  }
0x78: {  	_ =	shalt  }
0x79: {  	_ =	shalt  }
0x7a: {  	_ =	shalt  }
0x7b: {  	_ =	shalt  }
0x7c: {  	_ =	shalt  }
0x7d: {  	_ =	shalt  }
0x7e: {  	_ =	shalt  }
0x7f: {  	_ =	shalt  }
0x80: {  	_ =	shalt  }
0x81: {  	_ =	shalt  }
0x82: {  	_ =	shalt  }
0x83: {  	_ =	shalt  }
0x84: {  	_ =	shalt  }
0x85: {  	_ =	shalt  }
0x86: {  	_ =	shalt  }
0x87: {  	_ =	shalt  }
.Lfunc_end0:
.L_simem_size_0:
called_computation.1_lowered:
.L_overlay_start_0:
0x88: {  	s2 =	sld [smem:$0x3FD9]  }
0x89: {  	s3 =	sld [smem:$0x3FFE];
	_ =	sdelay $0x1  }
0x8a: {  	s1 =	srdreg.scid  }
0x8b: {  	s0 =	sand.u32 $0x1, s1  }
0x8c: {  	s17 =	sshll.u32 s0, $0xA;
	s2 =	sadd.s32 s3, s2  }
0x8d: {  	s2 =	sadd.s32 s2, s17  }
0x8e: {  	[smem:$0x3FBB] =	sst s2  }
0x8f: {  	_ = 	snop  }
0x90: {  	s2 =	sld [smem:$0x3FD0];
	(tm) =	ssettm $0x1  }
0x91: {  	s18 =	sld [smem:$0x3FFB];
	_ =	sdelay $0x3  }
0x92: {  	_ =	strace s18  }
0x93: {  	s3 =	sld [smem:$0x3FFC];
	_ =	sdelay $0x3  }
0x94: {  	_ =	strace s3  }
0x95: {  	s3 =	sld [smem:$0x3FFD];
	_ =	sdelay $0x3  }
0x96: {  	_ =	strace s3  }
0x97: {  	_ =	strace $0x8FFFFFFF  }
0x98: {  	s19 =	sld [smem:$0x3FDB];
	_ =	sdelay $0x1  }
0x99: {  	s4 =	simm.s32 $_scs_section_size  }
0x9a: {  	s5 =	simm.s32 $_size__tile_overlayer_lowered;
	s6 =	simm.s32 $_tile_overlayer_lowered  }
0x9b: {  	s22 =	simm.s32 $0x1BFF;
	s21 =	sshll.u32 s6, $0x1;
	s3 =	sadd.s32 s4, s19  }
0x9c: {  	s7 =	simm.s32 $0x0;
	s20 =	sshll.u32 s5, $0x1;
	s5 =	sadd.s32 s21, s3  }
0x9d: {  	[timem:s7], [sflag:s22] =	dma.local [hbm:s5], s20  }
0x9e: {  	_ =	swait.ge [sflag:s22], s20  }
0x9f: {  	s4 =	ssub.s32 $0x0, s20;
	[sflag:s22] =	ssyncset.done $0x0  }
0xa0: {  	[sflag:s22] =	ssyncadd.s32 s4;
	_ =	sdelay $0x1  }
0xa1: {  	s23 =	simm.s32 $0x1B8B  }
0xa2: {  	_ =	swait.ge [sflag:s23], $0x1  }
0xa3: {  	[sflag:s23] =	ssyncset.done $0x0  }
0xa4: {  	s25 =	simm.s32 $0x1B8E;
	s24 =	sld [smem:$0x3FFE];
	[sflag:s23] =	ssyncadd.s32 $0xFFFFFFFF  }
0xa5: {  	s26 =	simm.s32 $execute0_lowered;
	[smem:$0x3FD2] =	sst s25  }
0xa6: {  	s5 =	sshll.u32 s26, $0x1;
	_ =	strace $0x80000049;
	[dreg:$0x1] =	wrdreg $0xFFFFFFFF  }
0xa7: {  	s28 =	simm.s32 $_size_execute0_lowered;
	s3 =	sadd.s32 s3, s5;
	[dreg:$0x0] =	wrdreg $0x0  }
0xa8: {  	s5 =	sshll.u32 s28, $0x1;
	[dreg:$0x2] =	wrdreg s3  }
0xa9: {  	[dreg:$0x3] =	wrdreg s5  }
0xaa: {  	[dreg:$0x4] =	wrdreg $0xC0  }
0xab: {  	_ =	task [dreg:s7], $0x5FFFF  }
0xac: {  	[dreg:$0x1] =	wrdreg $0xFFFFFFFF  }
0xad: {  	[dreg:$0x0] =	wrdreg $0x60  }
0xae: {  	[dreg:$0x2] =	wrdreg s2  }
0xaf: {  	[dreg:$0x3] =	wrdreg s24  }
0xb0: {  	[dreg:$0x4] =	wrdreg $0x0  }
0xb1: {  	[dreg:$0x5] =	wrdreg $0x9  }
0xb2: {  	_ =	task.clear_ibuf [dreg:s7], $0x6FFFF;
	_ =	strace $0x90000049  }
0xb3: {  	s29 =	simm.s32 $0x9;
	_ =	strace $0x8000004B  }
0xb4: {  	_ =	swait.ge [sflag:s29], $0x1  }
0xb5: {  	[sflag:s29] =	ssyncadd.s32 $0xFFFFFFFF  }
0xb6: {  	_ =	strace $0x9000004B  }
0xb7: {  	_ =	sfence  }
0xb8: {  	s30 =	sld [smem:$0x0];
	_ =	sdelay $0x2  }
0xb9: {  	s31 =	sshll.u32 s1, $0xD;
	s1 =	sshrl.u32 s1, $0x2  }
0xba: {  	s3 =	sand.u32 $0x4000, s31;
	s1 =	sadd.s32 s1, s30  }
0xbb: {  	s0 =	sor.u32 s3, s0;
	s1 =	sshll.u32 s1, $0x11  }
0xbc: {  	s0 =	sor.u32 s1, s0  }
0xbd: {  	s0 =	sadd.s32 $0x8F2B, s0  }
0xbe: {  	[sflag:s0] =	ssyncadd.remote.s32 $0x1  }
0xbf: {  	_ =	sfence.sel $0xFFFF  }
0xc0: {  	[dreg:$0x0] =	wrdreg $0xFFFFFFFF;
	(pc) =	sbr.abs _section_cstart, $3  }
0xc1: {  	[dreg:$0x1] =	wrdreg $0xFFFFFFFF  }
0xc2: {  	_ =	task.clear_ibuf [dreg:s7], $0x2FFFF;
	_ =	strace $0x9FFFFFFF  }
0xc3: {  	(tm) =	ssettm $0x7FFFFFFF  }
tec
execute0_lowered:
.L_overlay_start_1:
0x0: {  	(tag) =	ssettag $0x1  }
0x1: {  	s0 =	rddreg [dreg:$0x0]  }
0x2: {  	s1 =	rddreg [dreg:$0x1]  }
0x3: {  	s2 =	rddreg [dreg:$0x2];
	s3 =	simm.s32 $0x0;
	s7 =	stileid.u32  }
0x4: {  	s4 =	srdreg.scid;
	s29 =	simm.s32 $0x9E00;
	s28 =	simm.s32 $0x2  }
0x5: {  	s30 =	simm.s32 $0xC380;
	s31 =	simm.s32 $0xC000;
	s5 =	smul.u32 $0xA00, s7  }
0x6: {  	[smem:$0x7FF] =	sst s3;
	s4 =	sand.u32 $0x1, s4;
	s7 =	smul.u32 $0x9E00, s7  }
0x7: {  	s8 =	sadd.s32 $0xD9200, s1;
	_ =	strace $0x8000004A;
	s12 =	smul.u32 $0x9E000, s4  }
0x8: {  	s6 =	ssub.s32 $0x2, s4;
	[dreg:$0xa] =	wrdreg s8;
	s4 =	smul.u32 $0x13880, s4  }
0x9: {  	s5 =	sadd.s32 s5, s1;
	s23 =	sshrl.u32 s6, $0x1;
	s1 =	sadd.s32 $0xD9600, s1  }
0xa: {  	s24 =	sadd.s32 $0x2000, s7;
	s9 =	sadd.s32 s7, s2;
	s26 =	sadd.s32 $0x4000, s7  }
0xb: {  	s11 =	sadd.s32 $0x6000, s7;
	s13 =	sadd.s32 $0x8000, s7;
	s6 =	ssub.s32 s6, s23  }
0xc: {  	[dreg:$0xb] =	wrdreg s9;
	s25 =	sadd.s32 s24, s2;
	s18 =	sadd.s32 s26, s2  }
0xd: {  	s10 =	sadd.s32 s11, s2;
	s17 =	sadd.s32 s13, s2;
	s7 =	sadd.s32 s7, s12  }
0xe: {  	s8 =	sadd.s32 s12, s24;
	s19 =	sadd.s32 s12, s26;
	s20 =	sadd.s32 s12, s11  }
0xf: {  	s21 =	sadd.s32 s12, s13;
	s11 =	simm.s32 $0xC100;
	[dreg:$0xc] =	wrdreg s25  }
0x10: {  	s12 =	simm.s32 $0x18600;
	s9 =	simm.s32 $0x0;
	[dreg:$0xe] =	wrdreg s10  }
0x11: {  	s13 =	simm.s32 $0xC180;
	s10 =	sadd.s32 s0, s4;
	[dreg:$0x16] =	wrdreg s9  }
0x12: {  	s14 =	sshrl.u32 s7, $0x3;
	s15 =	sshrl.u32 s8, $0x3;
	[dreg:$0xd] =	wrdreg s18  }
0x13: {  	s22 =	sshrl.u32 s20, $0x3;
	s26 =	smax.u32 s6, $0x1;
	[dreg:$0xf] =	wrdreg s17  }
0x14: {  	s23 =	sshrl.u32 s21, $0x3;
	s25 =	sadd.s32 $0x100E00, s5;
	[dreg:$0x15] =	wrdreg s26  }
0x15: {  	s4 =	sadd.s32 $0x10AE00, s5;
	s20 =	simm.s32 $0xC200;
	[dreg:$0x4] =	wrdreg s25  }
0x16: {  	s5 =	simm.s32 $0xBE80;
	s21 =	simm.s32 $0x1;
	[dreg:$0x5] =	wrdreg s4  }
0x17: {  	s6 =	simm.s32 $0xBF00;
	s7 =	simm.s32 $0xBF80;
	[dreg:$0x6] =	wrdreg s5  }
0x18: {  	s8 =	simm.s32 $0xC280;
	s0 =	sadd.s32 s1, s14;
	[dreg:$0x7] =	wrdreg s6  }
0x19: {  	s16 =	sadd.s32 s1, s15;
	s24 =	sadd.s32 s1, s23;
	[dreg:$0x8] =	wrdreg s7  }
0x1a: {  	s23 =	simm.s32 $0xC600;
	[dreg:$0x9] =	wrdreg s8;
	s25 =	simm.s32 $0x10600  }
0x1b: {  	s26 =	simm.s32 $0x12600;
	s4 =	simm.s32 $0x16600;
	s14 =	simm.s32 $0x1A600  }
0x1c: {  	s15 =	simm.s32 $0xC400;
	s5 =	simm.s32 $0xC500;
	[dreg:$0x10] =	wrdreg s0  }
0x1d: {  	s6 =	simm.s32 $0xC580;
	s7 =	simm.s32 $0x3;
	[dreg:$0x11] =	wrdreg s16  }
0x1e: {  	s0 =	sshrl.u32 s19, $0x3;
	[dreg:$0x14] =	wrdreg s24;
	s19 =	simm.s32 $0xBE00  }
0x1f: {  	s24 =	simm.s32 $0xE600;
	s16 =	simm.s32 $0xC480;
	s0 =	sadd.s32 s1, s0  }
0x20: {  	[dreg:$0x12] =	wrdreg s0;
	s0 =	sadd.s32 s1, s22;
	s22 =	simm.s32 $0x80  }
0x21: {  	s1 =	simm.s32 $0xC080;
	[dreg:$0x13] =	wrdreg s0;
	s0 =	simm.s32 $0x14600  }
.LBB2_1:
0x22: {  	s8 =	rddreg [dreg:$0xa]  }
0x23: {  	[tilespmem:s29], [sflag:$0x4] =	stream.linear.gather [hbm4b:s8+s3], $0x2000, $0x38;
	[tilespmem:$0x1C600] =	vst v63  }
0x24: {  	s8 =	simm.s32 $0x4  }
0x25: {  	_ =	swait.ge [sflag:s8], $0x2000  }
0x26: {  	[sflag:s8] =	ssyncset.done $0x0  }
0x27: {  	s9 =	rddreg [dreg:$0xb];
	[sflag:s8] =	ssyncadd.s32 $0xFFFFE000  }
0x28: {  	[spmem:s9] =	stream.linear.scatter [tilespmem:s29], [sflag:$0x4], $0x2000, $0x38;
	[tilespmem:$0x1C600] =	vst v63  }
0x29: {  	_ =	swait.ge [sflag:s8], $0x2000  }
0x2a: {  	[sflag:s8] =	ssyncset.done $0x0  }
0x2b: {  	s9 =	rddreg [dreg:$0xc];
	[sflag:s8] =	ssyncadd.s32 $0xFFFFE000  }
0x2c: {  	[spmem:s9] =	stream.linear.scatter [tilespmem:s29], [sflag:$0x4], $0x2000, $0x38;
	[tilespmem:$0x1C600] =	vst v63  }
0x2d: {  	_ =	swait.ge [sflag:s8], $0x2000  }
0x2e: {  	[sflag:s8] =	ssyncset.done $0x0  }
0x2f: {  	[sflag:s8] =	ssyncadd.s32 $0xFFFFE000  }
0x30: {  	[spmem:s18] =	stream.linear.scatter [tilespmem:s29], [sflag:$0x4], $0x2000, $0x38;
	[tilespmem:$0x1C600] =	vst v63  }
0x31: {  	_ =	swait.ge [sflag:s8], $0x2000  }
0x32: {  	[sflag:s8] =	ssyncset.done $0x0  }
0x33: {  	s18 =	rddreg [dreg:$0xe];
	[sflag:s8] =	ssyncadd.s32 $0xFFFFE000  }
0x34: {  	[spmem:s18] =	stream.linear.scatter [tilespmem:s29], [sflag:$0x4], $0x2000, $0x38;
	[tilespmem:$0x1C600] =	vst v63  }
0x35: {  	_ =	swait.ge [sflag:s8], $0x2000  }
0x36: {  	[sflag:s8] =	ssyncset.done $0x0  }
0x37: {  	[sflag:s8] =	ssyncadd.s32 $0xFFFFE000  }
0x38: {  	[spmem:s17] =	stream.linear.scatter [tilespmem:s29], [sflag:$0x4], $0x1E00, $0x38;
	[tilespmem:$0x1C600] =	vst v63  }
0x39: {  	_ =	swait.ge [sflag:s8], $0x1E00  }
0x3a: {  	[sflag:s8] =	ssyncset.done $0x0  }
0x3b: {  	[sflag:s8] =	ssyncadd.s32 $0xFFFFE200  }
0x3c: {  	[bflag:$0x0] =	sbarrier.arrive $0xFFFF  }
0x3d: {  	s18 =	rddreg [dreg:$0x5]  }
0x3e: {  	s29 =	rddreg [dreg:$0x4];
	s8 =	sadd.s32 $0x0, s18  }
0x3f: {  	[tilespmem:s19], [sflag:$0x1] =	stream.linear.gather [hbm4b:s8+s3], $0x400, $0x38;
	[tilespmem:$0x1C600] =	vst v63  }
0x40: {  	s17 =	sadd.s32 $0x0, s29  }
0x41: {  	[tilespmem:s20], [sflag:$0x1] =	stream.linear.gather [hbm4b:s17+s3], $0x400, $0x38;
	[tilespmem:$0x1C600] =	vst v63  }
0x42: {  	_ =	swait.ge [sflag:s21], $0x400  }
0x43: {  	[sflag:s21] =	ssyncset.done $0x0  }
0x44: {  	[sflag:s21] =	ssyncadd.s32 $0xFFFFFC00  }
0x45: {  	_ =	swait.ge [sflag:s21], $0x400  }
0x46: {  	[sflag:s21] =	ssyncset.done $0x0  }
0x47: {  	[sflag:s21] =	ssyncadd.s32 $0xFFFFFC00  }
0x48: {  	[tilespmem:s23], [sflag:$0x2] =	stream.indirect.gather [hbm4b:s10+s22], $0x40, s19, s22, $0xb8;
	[tilespmem:$0x1C600] =	vst v63  }
0x49: {  	s18 =	rddreg [dreg:$0x6]  }
0x4a: {  	[tilespmem:s24], [sflag:$0x2] =	stream.indirect.gather [hbm4b:s10+s22], $0x40, s18, s22, $0xb8;
	[tilespmem:$0x1C600] =	vst v63  }
0x4b: {  	s29 =	rddreg [dreg:$0x7]  }
0x4c: {  	[tilespmem:s25], [sflag:$0x2] =	stream.indirect.gather [hbm4b:s10+s22], $0x40, s29, s22, $0xb8;
	[tilespmem:$0x1C600] =	vst v63  }
0x4d: {  	s17 =	rddreg [dreg:$0x8]  }
0x4e: {  	[tilespmem:s26], [sflag:$0x2] =	stream.indirect.gather [hbm4b:s10+s22], $0x40, s17, s22, $0xb8;
	[tilespmem:$0x1C600] =	vst v63  }
0x4f: {  	_ =	swait.ge [sflag:s28], $0x2000  }
0x50: {  	[sflag:s28] =	ssyncset.done $0x0  }
0x51: {  	[sflag:s28] =	ssyncadd.s32 $0xFFFFE000  }
0x52: {  	_ =	swait.ge [sflag:s28], $0x2000  }
0x53: {  	[sflag:s28] =	ssyncset.done $0x0  }
0x54: {  	[sflag:s28] =	ssyncadd.s32 $0xFFFFE000  }
0x55: {  	_ =	swait.ge [sflag:s28], $0x2000  }
0x56: {  	[sflag:s28] =	ssyncset.done $0x0  }
0x57: {  	[sflag:s28] =	ssyncadd.s32 $0xFFFFE000  }
0x58: {  	_ =	swait.ge [sflag:s28], $0x2000  }
0x59: {  	[sflag:s28] =	ssyncset.done $0x0  }
0x5a: {  	[sflag:s28] =	ssyncadd.s32 $0xFFFFE000  }
0x5b: {  	[spmem:s2] =	stream.indirect.scatter.add.f32 [tilespmem:s23], [sflag:$0x3], $0x40, s20, s22, $0xb8;
	[tilespmem:$0x1C600] =	vst v63  }
0x5c: {  	s18 =	rddreg [dreg:$0x9]  }
0x5d: {  	[spmem:s2] =	stream.indirect.scatter.add.f32 [tilespmem:s24], [sflag:$0x3], $0x40, s18, s22, $0xb8;
	[tilespmem:$0x1C600] =	vst v63  }
0x5e: {  	s29 =	simm.s32 $0xC300  }
0x5f: {  	[spmem:s2] =	stream.indirect.scatter.add.f32 [tilespmem:s25], [sflag:$0x3], $0x40, s29, s22, $0xb8;
	[tilespmem:$0x1C600] =	vst v63  }
0x60: {  	_ = 	snop  }
0x61: {  	[spmem:s2] =	stream.indirect.scatter.add.f32 [tilespmem:s26], [sflag:$0x3], $0x40, s30, s22, $0xb8;
	[tilespmem:$0x1C600] =	vst v63  }
0x62: {  	_ = 	snop  }
0x63: {  	[tilespmem:s0], [sflag:$0x2] =	stream.indirect.gather [hbm4b:s10+s22], $0x40, s31, s22, $0xb8;
	[tilespmem:$0x1C600] =	vst v63  }
0x64: {  	_ = 	snop  }
0x65: {  	[tilespmem:s4], [sflag:$0x2] =	stream.indirect.gather [hbm4b:s10+s22], $0x40, s1, s22, $0xb8;
	[tilespmem:$0x1C600] =	vst v63  }
0x66: {  	_ = 	snop  }
0x67: {  	[tilespmem:s12], [sflag:$0x2] =	stream.indirect.gather [hbm4b:s10+s22], $0x40, s11, s22, $0xb8;
	[tilespmem:$0x1C600] =	vst v63  }
0x68: {  	_ = 	snop  }
0x69: {  	[tilespmem:s14], [sflag:$0x2] =	stream.indirect.gather [hbm4b:s10+s22], $0x40, s13, s22, $0xb8;
	[tilespmem:$0x1C600] =	vst v63  }
0x6a: {  	_ =	swait.ge [sflag:s28], $0x2000  }
0x6b: {  	[sflag:s28] =	ssyncset.done $0x0  }
0x6c: {  	[sflag:s28] =	ssyncadd.s32 $0xFFFFE000  }
0x6d: {  	_ =	swait.ge [sflag:s28], $0x2000  }
0x6e: {  	[sflag:s28] =	ssyncset.done $0x0  }
0x6f: {  	[sflag:s28] =	ssyncadd.s32 $0xFFFFE000  }
0x70: {  	_ =	swait.ge [sflag:s28], $0x2000  }
0x71: {  	[sflag:s28] =	ssyncset.done $0x0  }
0x72: {  	[sflag:s28] =	ssyncadd.s32 $0xFFFFE000  }
0x73: {  	_ =	swait.ge [sflag:s28], $0x2000  }
0x74: {  	[sflag:s28] =	ssyncset.done $0x0  }
0x75: {  	[sflag:s28] =	ssyncadd.s32 $0xFFFFE000  }
0x76: {  	[spmem:s2] =	stream.indirect.scatter.add.f32 [tilespmem:s0], [sflag:$0x3], $0x40, s15, s22, $0xb8;
	[tilespmem:$0x1C600] =	vst v63  }
0x77: {  	_ = 	snop  }
0x78: {  	[spmem:s2] =	stream.indirect.scatter.add.f32 [tilespmem:s4], [sflag:$0x3], $0x40, s16, s22, $0xb8;
	[tilespmem:$0x1C600] =	vst v63  }
0x79: {  	_ = 	snop  }
0x7a: {  	[spmem:s2] =	stream.indirect.scatter.add.f32 [tilespmem:s12], [sflag:$0x3], $0x40, s5, s22, $0xb8;
	[tilespmem:$0x1C600] =	vst v63  }
0x7b: {  	_ = 	snop  }
0x7c: {  	[spmem:s2] =	stream.indirect.scatter.add.f32 [tilespmem:s14], [sflag:$0x3], $0x40, s6, s22, $0xb8;
	[tilespmem:$0x1C600] =	vst v63  }
0x7d: {  	_ =	swait.ge [sflag:s7], $0x2000  }
0x7e: {  	[sflag:s7] =	ssyncset.done $0x0  }
0x7f: {  	[sflag:s7] =	ssyncadd.s32 $0xFFFFE000  }
0x80: {  	_ =	swait.ge [sflag:s7], $0x2000  }
0x81: {  	[sflag:s7] =	ssyncset.done $0x0  }
0x82: {  	[sflag:s7] =	ssyncadd.s32 $0xFFFFE000  }
0x83: {  	_ =	swait.ge [sflag:s7], $0x2000  }
0x84: {  	[sflag:s7] =	ssyncset.done $0x0  }
0x85: {  	[sflag:s7] =	ssyncadd.s32 $0xFFFFE000  }
0x86: {  	_ =	swait.ge [sflag:s7], $0x2000  }
0x87: {  	[sflag:s7] =	ssyncset.done $0x0  }
0x88: {  	[sflag:s7] =	ssyncadd.s32 $0xFFFFE000  }
0x89: {  	_ =	swait.ge [sflag:s7], $0x2000  }
0x8a: {  	[sflag:s7] =	ssyncset.done $0x0  }
0x8b: {  	[sflag:s7] =	ssyncadd.s32 $0xFFFFE000  }
0x8c: {  	_ =	swait.ge [sflag:s7], $0x2000  }
0x8d: {  	[sflag:s7] =	ssyncset.done $0x0  }
0x8e: {  	[sflag:s7] =	ssyncadd.s32 $0xFFFFE000  }
0x8f: {  	_ =	swait.ge [sflag:s7], $0x2000  }
0x90: {  	[sflag:s7] =	ssyncset.done $0x0  }
0x91: {  	[sflag:s7] =	ssyncadd.s32 $0xFFFFE000  }
0x92: {  	s9 =	simm.s32 $0x80;
	_ =	swait.ge [sflag:s7], $0x2000  }
0x93: {  	s17 =	simm.s32 $0x100;
	s8 =	rddreg [dreg:$0x5];
	[sflag:s7] =	ssyncset.done $0x0  }
.LBB2_2:
0x94: {  	[sflag:s7] =	ssyncadd.s32 $0xFFFFE000;
	s29 =	rddreg [dreg:$0x4];
	s8 =	sadd.s32 s9, s8  }
0x95: {  	[tilespmem:s19], [sflag:$0x1] =	stream.linear.gather [hbm4b:s8+s3], $0x400, $0x38;
	[tilespmem:$0x1C600] =	vst v63  }
0x96: {  	s29 =	sadd.s32 s9, s29  }
0x97: {  	[tilespmem:s20], [sflag:$0x1] =	stream.linear.gather [hbm4b:s29+s3], $0x400, $0x38;
	[tilespmem:$0x1C600] =	vst v63  }
0x98: {  	_ =	swait.ge [sflag:s21], $0x400  }
0x99: {  	[sflag:s21] =	ssyncset.done $0x0  }
0x9a: {  	[sflag:s21] =	ssyncadd.s32 $0xFFFFFC00  }
0x9b: {  	_ =	swait.ge [sflag:s21], $0x400  }
0x9c: {  	[sflag:s21] =	ssyncset.done $0x0  }
0x9d: {  	[sflag:s21] =	ssyncadd.s32 $0xFFFFFC00  }
0x9e: {  	[tilespmem:s23], [sflag:$0x2] =	stream.indirect.gather [hbm4b:s10+s22], $0x40, s19, s22, $0xb8;
	[tilespmem:$0x1C600] =	vst v63  }
0x9f: {  	s18 =	smov.u32 s17;
	s29 =	rddreg [dreg:$0x6]  }
0xa0: {  	[tilespmem:s24], [sflag:$0x2] =	stream.indirect.gather [hbm4b:s10+s22], $0x40, s29, s22, $0xb8;
	[tilespmem:$0x1C600] =	vst v63  }
0xa1: {  	s9 =	smov.u32 s18;
	s18 =	rddreg [dreg:$0x7]  }
0xa2: {  	[tilespmem:s25], [sflag:$0x2] =	stream.indirect.gather [hbm4b:s10+s22], $0x40, s18, s22, $0xb8;
	[tilespmem:$0x1C600] =	vst v63  }
0xa3: {  	s29 =	rddreg [dreg:$0x8]  }
0xa4: {  	[tilespmem:s26], [sflag:$0x2] =	stream.indirect.gather [hbm4b:s10+s22], $0x40, s29, s22, $0xb8;
	[tilespmem:$0x1C600] =	vst v63  }
0xa5: {  	_ =	swait.ge [sflag:s28], $0x2000  }
0xa6: {  	[sflag:s28] =	ssyncset.done $0x0  }
0xa7: {  	[sflag:s28] =	ssyncadd.s32 $0xFFFFE000  }
0xa8: {  	_ =	swait.ge [sflag:s28], $0x2000  }
0xa9: {  	[sflag:s28] =	ssyncset.done $0x0  }
0xaa: {  	[sflag:s28] =	ssyncadd.s32 $0xFFFFE000  }
0xab: {  	_ =	swait.ge [sflag:s28], $0x2000  }
0xac: {  	[sflag:s28] =	ssyncset.done $0x0  }
0xad: {  	[sflag:s28] =	ssyncadd.s32 $0xFFFFE000  }
0xae: {  	_ =	swait.ge [sflag:s28], $0x2000  }
0xaf: {  	[sflag:s28] =	ssyncset.done $0x0  }
0xb0: {  	[sflag:s28] =	ssyncadd.s32 $0xFFFFE000  }
0xb1: {  	[spmem:s2] =	stream.indirect.scatter.add.f32 [tilespmem:s23], [sflag:$0x3], $0x40, s20, s22, $0xb8;
	[tilespmem:$0x1C600] =	vst v63  }
0xb2: {  	s18 =	rddreg [dreg:$0x9]  }
0xb3: {  	[spmem:s2] =	stream.indirect.scatter.add.f32 [tilespmem:s24], [sflag:$0x3], $0x40, s18, s22, $0xb8;
	[tilespmem:$0x1C600] =	vst v63  }
0xb4: {  	s29 =	simm.s32 $0xC300  }
0xb5: {  	[spmem:s2] =	stream.indirect.scatter.add.f32 [tilespmem:s25], [sflag:$0x3], $0x40, s29, s22, $0xb8;
	[tilespmem:$0x1C600] =	vst v63  }
0xb6: {  	_ = 	snop  }
0xb7: {  	[spmem:s2] =	stream.indirect.scatter.add.f32 [tilespmem:s26], [sflag:$0x3], $0x40, s30, s22, $0xb8;
	[tilespmem:$0x1C600] =	vst v63  }
0xb8: {  	_ = 	snop  }
0xb9: {  	[tilespmem:s0], [sflag:$0x2] =	stream.indirect.gather [hbm4b:s10+s22], $0x40, s31, s22, $0xb8;
	[tilespmem:$0x1C600] =	vst v63  }
0xba: {  	_ = 	snop  }
0xbb: {  	[tilespmem:s4], [sflag:$0x2] =	stream.indirect.gather [hbm4b:s10+s22], $0x40, s1, s22, $0xb8;
	[tilespmem:$0x1C600] =	vst v63  }
0xbc: {  	_ = 	snop  }
0xbd: {  	[tilespmem:s12], [sflag:$0x2] =	stream.indirect.gather [hbm4b:s10+s22], $0x40, s11, s22, $0xb8;
	[tilespmem:$0x1C600] =	vst v63  }
0xbe: {  	_ = 	snop  }
0xbf: {  	[tilespmem:s14], [sflag:$0x2] =	stream.indirect.gather [hbm4b:s10+s22], $0x40, s13, s22, $0xb8;
	[tilespmem:$0x1C600] =	vst v63  }
0xc0: {  	_ =	swait.ge [sflag:s28], $0x2000  }
0xc1: {  	[sflag:s28] =	ssyncset.done $0x0  }
0xc2: {  	[sflag:s28] =	ssyncadd.s32 $0xFFFFE000  }
0xc3: {  	_ =	swait.ge [sflag:s28], $0x2000  }
0xc4: {  	[sflag:s28] =	ssyncset.done $0x0  }
0xc5: {  	[sflag:s28] =	ssyncadd.s32 $0xFFFFE000  }
0xc6: {  	_ =	swait.ge [sflag:s28], $0x2000  }
0xc7: {  	[sflag:s28] =	ssyncset.done $0x0  }
0xc8: {  	[sflag:s28] =	ssyncadd.s32 $0xFFFFE000  }
0xc9: {  	_ =	swait.ge [sflag:s28], $0x2000  }
0xca: {  	[sflag:s28] =	ssyncset.done $0x0  }
0xcb: {  	[sflag:s28] =	ssyncadd.s32 $0xFFFFE000  }
0xcc: {  	[spmem:s2] =	stream.indirect.scatter.add.f32 [tilespmem:s0], [sflag:$0x3], $0x40, s15, s22, $0xb8;
	[tilespmem:$0x1C600] =	vst v63  }
0xcd: {  	_ = 	snop  }
0xce: {  	[spmem:s2] =	stream.indirect.scatter.add.f32 [tilespmem:s4], [sflag:$0x3], $0x40, s16, s22, $0xb8;
	[tilespmem:$0x1C600] =	vst v63  }
0xcf: {  	_ = 	snop  }
0xd0: {  	[spmem:s2] =	stream.indirect.scatter.add.f32 [tilespmem:s12], [sflag:$0x3], $0x40, s5, s22, $0xb8;
	[tilespmem:$0x1C600] =	vst v63  }
0xd1: {  	_ = 	snop  }
0xd2: {  	[spmem:s2] =	stream.indirect.scatter.add.f32 [tilespmem:s14], [sflag:$0x3], $0x40, s6, s22, $0xb8;
	[tilespmem:$0x1C600] =	vst v63  }
0xd3: {  	_ =	swait.ge [sflag:s7], $0x2000  }
0xd4: {  	[sflag:s7] =	ssyncset.done $0x0  }
0xd5: {  	[sflag:s7] =	ssyncadd.s32 $0xFFFFE000  }
0xd6: {  	_ =	swait.ge [sflag:s7], $0x2000  }
0xd7: {  	[sflag:s7] =	ssyncset.done $0x0  }
0xd8: {  	[sflag:s7] =	ssyncadd.s32 $0xFFFFE000  }
0xd9: {  	_ =	swait.ge [sflag:s7], $0x2000  }
0xda: {  	[sflag:s7] =	ssyncset.done $0x0  }
0xdb: {  	[sflag:s7] =	ssyncadd.s32 $0xFFFFE000  }
0xdc: {  	_ =	swait.ge [sflag:s7], $0x2000  }
0xdd: {  	[sflag:s7] =	ssyncset.done $0x0  }
0xde: {  	[sflag:s7] =	ssyncadd.s32 $0xFFFFE000  }
0xdf: {  	_ =	swait.ge [sflag:s7], $0x2000  }
0xe0: {  	[sflag:s7] =	ssyncset.done $0x0  }
0xe1: {  	[sflag:s7] =	ssyncadd.s32 $0xFFFFE000  }
0xe2: {  	_ =	swait.ge [sflag:s7], $0x2000  }
0xe3: {  	[sflag:s7] =	ssyncset.done $0x0  }
0xe4: {  	p0 =	sne.s32 s17, $0x980;
	[sflag:s7] =	ssyncadd.s32 $0xFFFFE000  }
.Ltmp0:
0xe5: {  	_ =	swait.ge [sflag:s7], $0x2000;
	(pc) =	sbr.rel @p0 .LBB2_2-.Ltmp0, $4  }
0xe6: {  	[sflag:s7] =	ssyncset.done $0x0  }
0xe7: {  	[sflag:s7] =	ssyncadd.s32 $0xFFFFE000  }
0xe8: {  	_ =	swait.ge [sflag:s7], $0x2000  }
0xe9: {  	s17 =	sadd.s32 $0x80, s17;
	s8 =	rddreg [dreg:$0x5];
	[sflag:s7] =	ssyncset.done $0x0  }
0xea: {  	s17 =	rddreg [dreg:$0x4];
	[sflag:s7] =	ssyncadd.s32 $0xFFFFE000;
	s8 =	sadd.s32 s9, s8  }
0xeb: {  	[tilespmem:s19], [sflag:$0x1] =	stream.linear.gather [hbm4b:s8+s3], $0x400, $0x38;
	[tilespmem:$0x1C600] =	vst v63  }
0xec: {  	s18 =	sadd.s32 s9, s17  }
0xed: {  	[tilespmem:s20], [sflag:$0x1] =	stream.linear.gather [hbm4b:s18+s3], $0x400, $0x38;
	[tilespmem:$0x1C600] =	vst v63  }
0xee: {  	_ =	swait.ge [sflag:s21], $0x400  }
0xef: {  	[sflag:s21] =	ssyncset.done $0x0  }
0xf0: {  	[sflag:s21] =	ssyncadd.s32 $0xFFFFFC00  }
0xf1: {  	_ =	swait.ge [sflag:s21], $0x400  }
0xf2: {  	[sflag:s21] =	ssyncset.done $0x0  }
0xf3: {  	[sflag:s21] =	ssyncadd.s32 $0xFFFFFC00  }
0xf4: {  	[tilespmem:s23], [sflag:$0x2] =	stream.indirect.gather [hbm4b:s10+s22], $0x40, s19, s22, $0xb8;
	[tilespmem:$0x1C600] =	vst v63  }
0xf5: {  	s9 =	rddreg [dreg:$0x6]  }
0xf6: {  	[tilespmem:s24], [sflag:$0x2] =	stream.indirect.gather [hbm4b:s10+s22], $0x40, s9, s22, $0xb8;
	[tilespmem:$0x1C600] =	vst v63  }
0xf7: {  	s17 =	rddreg [dreg:$0x7]  }
0xf8: {  	[tilespmem:s25], [sflag:$0x2] =	stream.indirect.gather [hbm4b:s10+s22], $0x40, s17, s22, $0xb8;
	[tilespmem:$0x1C600] =	vst v63  }
0xf9: {  	s18 =	rddreg [dreg:$0x8]  }
0xfa: {  	[tilespmem:s26], [sflag:$0x2] =	stream.indirect.gather [hbm4b:s10+s22], $0x40, s18, s22, $0xb8;
	[tilespmem:$0x1C600] =	vst v63  }
0xfb: {  	_ =	swait.ge [sflag:s28], $0x2000  }
0xfc: {  	[sflag:s28] =	ssyncset.done $0x0  }
0xfd: {  	[sflag:s28] =	ssyncadd.s32 $0xFFFFE000  }
0xfe: {  	_ =	swait.ge [sflag:s28], $0x2000  }
0xff: {  	[sflag:s28] =	ssyncset.done $0x0  }
0x100: {  	[sflag:s28] =	ssyncadd.s32 $0xFFFFE000  }
0x101: {  	_ =	swait.ge [sflag:s28], $0x2000  }
0x102: {  	[sflag:s28] =	ssyncset.done $0x0  }
0x103: {  	[sflag:s28] =	ssyncadd.s32 $0xFFFFE000  }
0x104: {  	_ =	swait.ge [sflag:s28], $0x2000  }
0x105: {  	[sflag:s28] =	ssyncset.done $0x0  }
0x106: {  	[sflag:s28] =	ssyncadd.s32 $0xFFFFE000  }
0x107: {  	[spmem:s2] =	stream.indirect.scatter.add.f32 [tilespmem:s23], [sflag:$0x3], $0x40, s20, s22, $0xb8;
	[tilespmem:$0x1C600] =	vst v63  }
0x108: {  	s9 =	rddreg [dreg:$0x9]  }
0x109: {  	[spmem:s2] =	stream.indirect.scatter.add.f32 [tilespmem:s24], [sflag:$0x3], $0x40, s9, s22, $0xb8;
	[tilespmem:$0x1C600] =	vst v63  }
0x10a: {  	s17 =	simm.s32 $0xC300  }
0x10b: {  	[spmem:s2] =	stream.indirect.scatter.add.f32 [tilespmem:s25], [sflag:$0x3], $0x40, s17, s22, $0xb8;
	[tilespmem:$0x1C600] =	vst v63  }
0x10c: {  	_ = 	snop  }
0x10d: {  	[spmem:s2] =	stream.indirect.scatter.add.f32 [tilespmem:s26], [sflag:$0x3], $0x40, s30, s22, $0xb8;
	[tilespmem:$0x1C600] =	vst v63  }
0x10e: {  	_ = 	snop  }
0x10f: {  	[tilespmem:s0], [sflag:$0x2] =	stream.indirect.gather [hbm4b:s10+s22], $0x40, s31, s22, $0xb8;
	[tilespmem:$0x1C600] =	vst v63  }
0x110: {  	_ = 	snop  }
0x111: {  	[tilespmem:s4], [sflag:$0x2] =	stream.indirect.gather [hbm4b:s10+s22], $0x40, s1, s22, $0xb8;
	[tilespmem:$0x1C600] =	vst v63  }
0x112: {  	_ = 	snop  }
0x113: {  	[tilespmem:s12], [sflag:$0x2] =	stream.indirect.gather [hbm4b:s10+s22], $0x40, s11, s22, $0xb8;
	[tilespmem:$0x1C600] =	vst v63  }
0x114: {  	_ = 	snop  }
0x115: {  	[tilespmem:s14], [sflag:$0x2] =	stream.indirect.gather [hbm4b:s10+s22], $0x40, s13, s22, $0xb8;
	[tilespmem:$0x1C600] =	vst v63  }
0x116: {  	_ =	swait.ge [sflag:s28], $0x2000  }
0x117: {  	[sflag:s28] =	ssyncset.done $0x0  }
0x118: {  	[sflag:s28] =	ssyncadd.s32 $0xFFFFE000  }
0x119: {  	_ =	swait.ge [sflag:s28], $0x2000  }
0x11a: {  	[sflag:s28] =	ssyncset.done $0x0  }
0x11b: {  	[sflag:s28] =	ssyncadd.s32 $0xFFFFE000  }
0x11c: {  	_ =	swait.ge [sflag:s28], $0x2000  }
0x11d: {  	[sflag:s28] =	ssyncset.done $0x0  }
0x11e: {  	[sflag:s28] =	ssyncadd.s32 $0xFFFFE000  }
0x11f: {  	_ =	swait.ge [sflag:s28], $0x2000  }
0x120: {  	[sflag:s28] =	ssyncset.done $0x0  }
0x121: {  	[sflag:s28] =	ssyncadd.s32 $0xFFFFE000  }
0x122: {  	[spmem:s2] =	stream.indirect.scatter.add.f32 [tilespmem:s0], [sflag:$0x3], $0x40, s15, s22, $0xb8;
	[tilespmem:$0x1C600] =	vst v63  }
0x123: {  	_ = 	snop  }
0x124: {  	[spmem:s2] =	stream.indirect.scatter.add.f32 [tilespmem:s4], [sflag:$0x3], $0x40, s16, s22, $0xb8;
	[tilespmem:$0x1C600] =	vst v63  }
0x125: {  	_ = 	snop  }
0x126: {  	[spmem:s2] =	stream.indirect.scatter.add.f32 [tilespmem:s12], [sflag:$0x3], $0x40, s5, s22, $0xb8;
	[tilespmem:$0x1C600] =	vst v63  }
0x127: {  	_ = 	snop  }
0x128: {  	[spmem:s2] =	stream.indirect.scatter.add.f32 [tilespmem:s14], [sflag:$0x3], $0x40, s6, s22, $0xb8;
	[tilespmem:$0x1C600] =	vst v63  }
0x129: {  	_ =	swait.ge [sflag:s7], $0x2000  }
0x12a: {  	[sflag:s7] =	ssyncset.done $0x0  }
0x12b: {  	[sflag:s7] =	ssyncadd.s32 $0xFFFFE000  }
0x12c: {  	_ =	swait.ge [sflag:s7], $0x2000  }
0x12d: {  	[sflag:s7] =	ssyncset.done $0x0  }
0x12e: {  	[sflag:s7] =	ssyncadd.s32 $0xFFFFE000  }
0x12f: {  	_ =	swait.ge [sflag:s7], $0x2000  }
0x130: {  	[sflag:s7] =	ssyncset.done $0x0  }
0x131: {  	[sflag:s7] =	ssyncadd.s32 $0xFFFFE000  }
0x132: {  	_ =	swait.ge [sflag:s7], $0x2000  }
0x133: {  	[sflag:s7] =	ssyncset.done $0x0  }
0x134: {  	[sflag:s7] =	ssyncadd.s32 $0xFFFFE000  }
0x135: {  	_ =	swait.ge [sflag:s7], $0x2000  }
0x136: {  	[sflag:s7] =	ssyncset.done $0x0  }
0x137: {  	[sflag:s7] =	ssyncadd.s32 $0xFFFFE000  }
0x138: {  	_ =	swait.ge [sflag:s7], $0x2000  }
0x139: {  	[sflag:s7] =	ssyncset.done $0x0  }
0x13a: {  	[sflag:s7] =	ssyncadd.s32 $0xFFFFE000  }
0x13b: {  	_ =	swait.ge [sflag:s7], $0x2000  }
0x13c: {  	[sflag:s7] =	ssyncset.done $0x0  }
0x13d: {  	[sflag:s7] =	ssyncadd.s32 $0xFFFFE000  }
0x13e: {  	_ =	swait.ge [sflag:s7], $0x2000  }
0x13f: {  	[sflag:s7] =	ssyncset.done $0x0  }
0x140: {  	[sflag:s7] =	ssyncadd.s32 $0xFFFFE000  }
0x141: {  	[bflag:$0x0] =	sbarrier.arrive $0xFFFF  }
0x142: {  	s18 =	rddreg [dreg:$0xb]  }
0x143: {  	[tilespmem:s23], [sflag:$0x2] =	stream.linear.gather [spmem:s18], $0x2000, $0x38;
	[tilespmem:$0x1C600] =	vst v63  }
0x144: {  	s9 =	rddreg [dreg:$0xc]  }
0x145: {  	[tilespmem:s24], [sflag:$0x2] =	stream.linear.gather [spmem:s9], $0x2000, $0x38;
	[tilespmem:$0x1C600] =	vst v63  }
0x146: {  	s9 =	rddreg [dreg:$0xd]  }
0x147: {  	[tilespmem:s25], [sflag:$0x2] =	stream.linear.gather [spmem:s9], $0x2000, $0x38;
	[tilespmem:$0x1C600] =	vst v63  }
0x148: {  	s17 =	rddreg [dreg:$0xe]  }
0x149: {  	[tilespmem:s26], [sflag:$0x2] =	stream.linear.gather [spmem:s17], $0x2000, $0x38;
	[tilespmem:$0x1C600] =	vst v63  }
0x14a: {  	s29 =	simm.s32 $0x9E00;
	s17 =	rddreg [dreg:$0xf]  }
0x14b: {  	[tilespmem:s29], [sflag:$0x2] =	stream.linear.gather [spmem:s17], $0x1E00, $0x38;
	[tilespmem:$0x1C600] =	vst v63  }
0x14c: {  	_ =	swait.ge [sflag:s28], $0x2000  }
0x14d: {  	[sflag:s28] =	ssyncset.done $0x0  }
0x14e: {  	[sflag:s28] =	ssyncadd.s32 $0xFFFFE000  }
0x14f: {  	_ =	swait.ge [sflag:s28], $0x2000  }
0x150: {  	[sflag:s28] =	ssyncset.done $0x0  }
0x151: {  	[sflag:s28] =	ssyncadd.s32 $0xFFFFE000  }
0x152: {  	_ =	swait.ge [sflag:s28], $0x2000  }
0x153: {  	[sflag:s28] =	ssyncset.done $0x0  }
0x154: {  	[sflag:s28] =	ssyncadd.s32 $0xFFFFE000  }
0x155: {  	_ =	swait.ge [sflag:s28], $0x2000  }
0x156: {  	[sflag:s28] =	ssyncset.done $0x0  }
0x157: {  	[sflag:s28] =	ssyncadd.s32 $0xFFFFE000  }
0x158: {  	_ =	swait.ge [sflag:s28], $0x1E00  }
0x159: {  	[sflag:s28] =	ssyncset.done $0x0  }
0x15a: {  	s18 =	rddreg [dreg:$0x10];
	[sflag:s28] =	ssyncadd.s32 $0xFFFFE200  }
0x15b: {  	[hbm4b:s18+s3] =	stream.linear.scatter [tilespmem:s23], [sflag:$0x3], $0x2000, $0x38;
	[tilespmem:$0x1C600] =	vst v63  }
0x15c: {  	s18 =	rddreg [dreg:$0x11]  }
0x15d: {  	[hbm4b:s18+s3] =	stream.linear.scatter [tilespmem:s24], [sflag:$0x3], $0x2000, $0x38;
	[tilespmem:$0x1C600] =	vst v63  }
0x15e: {  	s18 =	rddreg [dreg:$0x12]  }
0x15f: {  	[hbm4b:s18+s3] =	stream.linear.scatter [tilespmem:s25], [sflag:$0x3], $0x2000, $0x38;
	[tilespmem:$0x1C600] =	vst v63  }
0x160: {  	s18 =	rddreg [dreg:$0x13]  }
0x161: {  	[hbm4b:s18+s3] =	stream.linear.scatter [tilespmem:s26], [sflag:$0x3], $0x2000, $0x38;
	[tilespmem:$0x1C600] =	vst v63  }
0x162: {  	s18 =	rddreg [dreg:$0x14]  }
0x163: {  	[hbm4b:s18+s3] =	stream.linear.scatter [tilespmem:s29], [sflag:$0x3], $0x1E00, $0x38;
	[tilespmem:$0x1C600] =	vst v63  }
0x164: {  	_ =	swait.ge [sflag:s7], $0x2000  }
0x165: {  	[sflag:s7] =	ssyncset.done $0x0  }
0x166: {  	[sflag:s7] =	ssyncadd.s32 $0xFFFFE000  }
0x167: {  	_ =	swait.ge [sflag:s7], $0x2000  }
0x168: {  	[sflag:s7] =	ssyncset.done $0x0  }
0x169: {  	[sflag:s7] =	ssyncadd.s32 $0xFFFFE000  }
0x16a: {  	_ =	swait.ge [sflag:s7], $0x2000  }
0x16b: {  	[sflag:s7] =	ssyncset.done $0x0  }
0x16c: {  	[sflag:s7] =	ssyncadd.s32 $0xFFFFE000  }
0x16d: {  	_ =	swait.ge [sflag:s7], $0x2000  }
0x16e: {  	[sflag:s7] =	ssyncset.done $0x0  }
0x16f: {  	[sflag:s7] =	ssyncadd.s32 $0xFFFFE000  }
0x170: {  	_ =	swait.ge [sflag:s7], $0x1E00  }
0x171: {  	s18 =	rddreg [dreg:$0x16]  }
0x172: {  	s8 =	rddreg [dreg:$0x15];
	s18 =	sadd.s32 $0x1, s18  }
0x173: {  	p0 =	sne.s32 s18, s8  }
.Ltmp1:
0x174: {  	_ = 	snop;
	(pc) =	sbr.rel @p0 .LBB2_1-.Ltmp1, $3  }
0x175: {  	_ =	sdelay $0x1  }
0x176: {  	[sflag:s7] =	ssyncset.done $0x0  }
0x177: {  	[sflag:s7] =	ssyncadd.s32 $0xFFFFE200;
	[dreg:$0x16] =	wrdreg s18;
	s18 =	smov.u32 s9  }
0x178: {  	_ =	sfence.sel $0x180000  }
0x179: {  	[bflag:$0x0] =	sbarrier.arrive $0xFFFF  }
0x17a: {  	_ =	strace $0x9000004A  }
0x17b: {  	s0 =	stileid.u32;
	[bflag:$0x2] =	sbarrier.arrive $0xFFFF  }
0x17c: {  	p0 =	sne.s32 s0, $0x0;
	s0 =	rddreg [dreg:$0x3]  }
0x17d: {  	s0 =	sadd.s32 @!p0 $0x100000, s0  }
0x17e: {  	[sflag:s0] =	ssyncadd.tile.s32 @!p0 $0x1;
	_ =	shalt  }
.Lfunc_end2:
_tile_overlayer_lowered:
.L_overlay_start_2:
0x17f: {  	(tag) =	ssettag $0x2  }
0x180: {  	s0 =	rddreg [dreg:$0x0];
	s2 =	stileid.u32  }
0x181: {  	s1 =	rddreg [dreg:$0x1];
	p0 =	sne.s32 s2, $0x0  }
0x182: {  	s3 =	rddreg [dreg:$0x2];
	[bflag:$0x3] =	sbarrier.arrive $0xFFFF;
	s2 =	simm.s32 @!p0 $0x1C04  }
0x183: {  	[timem:s3], [sflag:s2] =	dma.local @!p0 [hbm:s0], s1  }
0x184: {  	s0 =	simm.s32 @!p0 $0x4  }
0x185: {  	_ =	swait.ge @!p0 [sflag:s0], s1  }
0x186: {  	s1 =	ssub.s32 @!p0 $0x0, s1;
	[sflag:s0] =	ssyncset.done @!p0 $0x0  }
0x187: {  	[sflag:s0] =	ssyncadd.s32 @!p0 s1  }
0x188: {  	[bflag:$0x3] =	sbarrier.arrive $0xFFFF  }
0x189: {  	_ =	shalt  }

// kernel: kernel.15.cloned.1.call-start
scs
__scs_entry_jumppad:
0x0: {  	(pc) =	sbr.rel $0x88, $3  }
0x1: {  	(tag) =	ssettag $0x0;
	lr =	simm.s32 $0x1  }
0x2: {  	[smem:$0x3F94] =	sst lr;
	_ =	strace $0xD0000000  }
0x3: {  	_ = 	snop  }
0x4: {  	_ = 	snop  }
0x5: {  	_ = 	snop  }
0x6: {  	_ = 	snop  }
0x7: {  	_ = 	snop  }
__scs_overlays_trampoline_lowered:
0x8: {  	[smem:$0x3FA3] =	sst s0  }
0x9: {  	[smem:$0x3FA4] =	sst s1  }
0xa: {  	[smem:$0x3FA5] =	sst s2  }
0xb: {  	[smem:$0x3FA6] =	sst s3  }
0xc: {  	[smem:$0x3FA7] =	sst s4  }
0xd: {  	[smem:$0x3FA8] =	sst s5  }
0xe: {  	[smem:$0x3FA9] =	sst s6  }
0xf: {  	[smem:$0x3FAA] =	sst s7  }
0x10: {  	[smem:$0x3FAB] =	sst s8  }
0x11: {  	[smem:$0x3FAC] =	sst s9;
	s0 =	simm.s32 @!p0 $0x0  }
0x12: {  	s1 =	sld [smem:$0x3F92];
	s0 =	simm.s32 @p0 $0x1  }
0x13: {  	[smem:$0x3FAD] =	sst s0;
	s0 =	simm.s32 @!p1 $0x0  }
0x14: {  	s2 =	sld [smem:$0x3F91];
	s0 =	simm.s32 @p1 $0x1  }
0x15: {  	[smem:$0x3FAE] =	sst s0;
	s0 =	simm.s32 @!p2 $0x0  }
0x16: {  	s3 =	sld [smem:$0x3FDB];
	s0 =	simm.s32 @p2 $0x1  }
0x17: {  	s4 =	simm.s32 $0x1BF5;
	[smem:$0x3FB0] =	sst s0  }
0x18: {  	s0 =	sld [smem:$0x3F93];
	_ =	swait.ge [sflag:s4], $0x0  }
0x19: {  	s7 =	sld [smem:$0x3F94]  }
0x1a: {  	s8 =	sadd.s32 $0xFFFFE003, lr  }
0x1b: {  	s9 =	sadd.s32 $0xFFFFFEF7, lr;
	s5 =	simm.s32 $0xFFFFFFFF;
	p2 =	slt.u32 s8, $0xFFFFF086  }
0x1c: {  	p1 =	slt.u32 s9, $0xF7A;
	s5 =	simm.s32 @!p2 $0x0  }
0x1d: {  	s5 =	simm.s32 @p1 $0x1;
	p0 =	seq.s32 s7, s2  }
0x1e: {  	s7 =	smul.u32 @!p0 $0xF7A, s2;
	p2 =	seq.s32 @!p0 s5, $0x0  }
0x1f: {  	s9 =	smul.u32 $0xF7A, s1;
	s8 =	simm.s32 @!p0 $0x1BF5;
	p2 =	por !p2, p0  }
0x20: {  	[sflag:s8] =	ssyncset.s32 @!p0 $0xFFFFF086;
	s6 =	sadd.s32 @!p0 s3, s7;
	s7 =	simm.s32 @!p0 $0x108  }
0x21: {  	s3 =	sadd.s32 s3, s9;
	s6 =	sadd.s32 @!p0 $0x88, s6;
	s7 =	simm.s32 @p2 $0x1082  }
0x22: {  	[simem:s7], [sflag:s8] =	dma.local @!p0 [hbm:s6], $0xF7A  }
0x23: {  	s9 =	sor.u32 $0xD0000000, s2;
	s6 =	simm.s32 $0x108;
	_ =	swait.ge @!p0 [sflag:s8], $0x0  }
0x24: {  	s3 =	sadd.s32 $0x88, s3;
	s6 =	simm.s32 @!p1 $0x1082;
	[sflag:s4] =	ssyncset.s32 $0xFFFFF086  }
0x25: {  	[simem:s6], [sflag:s4] =	dma.local [hbm:s3], $0xF7A  }
0x26: {  	[smem:$0x3F94] =	sst s1;
	(tag) =	ssettag s2;
	_ =	strace s9  }
0x27: {  	s1 =	sld [smem:$0x3FA4]  }
0x28: {  	s2 =	sld [smem:$0x3FA5]  }
0x29: {  	s4 =	sld [smem:$0x3FA7]  }
0x2a: {  	p0 =	seq.s32 s5, $0x0;
	s5 =	sld [smem:$0x3FA8]  }
0x2b: {  	s6 =	sld [smem:$0x3FA9]  }
0x2c: {  	s7 =	sld [smem:$0x3FAA]  }
0x2d: {  	s3 =	simm.s32 $0x108;
	s8 =	sld [smem:$0x3FAB]  }
0x2e: {  	s3 =	simm.s32 @!p0 $0x1082;
	s9 =	sld [smem:$0x3FAC]  }
0x2f: {  	lr =	sadd.s32 s0, s3;
	s0 =	sld [smem:$0x3FA3]  }
0x30: {  	s3 =	sld [smem:$0x3FA6]  }
0x31: {  	[smem:$0x3FAF] =	sst s10  }
0x32: {  	s10 =	sld [smem:$0x3FAD];
	_ =	sdelay $0x3  }
0x33: {  	p0 =	seq.s32 s10, $0x1;
	s10 =	sld [smem:$0x3FAF];
	_ =	sdelay $0x3  }
0x34: {  	[smem:$0x3FAF] =	sst s10  }
0x35: {  	s10 =	sld [smem:$0x3FAE];
	_ =	sdelay $0x3  }
0x36: {  	p1 =	seq.s32 s10, $0x1;
	s10 =	sld [smem:$0x3FAF];
	_ =	sdelay $0x3  }
0x37: {  	[smem:$0x3FAF] =	sst s10  }
0x38: {  	s10 =	sld [smem:$0x3FB0]  }
0x39: {  	_ = 	snop;
	(pc) =	sbr.ind lr, $3  }
0x3a: {  	_ = 	snop  }
0x3b: {  	_ = 	snop  }
0x3c: {  	p2 =	seq.s32 s10, $0x1;
	s10 =	sld [smem:$0x3FAF]  }
0x3d: {  	_ =	shalt  }
0x3e: {  	_ =	shalt  }
0x3f: {  	_ =	shalt  }
0x40: {  	_ =	shalt  }
0x41: {  	_ =	shalt  }
0x42: {  	_ =	shalt  }
0x43: {  	_ =	shalt  }
0x44: {  	_ =	shalt  }
0x45: {  	_ =	shalt  }
0x46: {  	_ =	shalt  }
0x47: {  	_ =	shalt  }
0x48: {  	_ =	shalt  }
0x49: {  	_ =	shalt  }
0x4a: {  	_ =	shalt  }
0x4b: {  	_ =	shalt  }
0x4c: {  	_ =	shalt  }
0x4d: {  	_ =	shalt  }
0x4e: {  	_ =	shalt  }
0x4f: {  	_ =	shalt  }
0x50: {  	_ =	shalt  }
0x51: {  	_ =	shalt  }
0x52: {  	_ =	shalt  }
0x53: {  	_ =	shalt  }
0x54: {  	_ =	shalt  }
0x55: {  	_ =	shalt  }
0x56: {  	_ =	shalt  }
0x57: {  	_ =	shalt  }
0x58: {  	_ =	shalt  }
0x59: {  	_ =	shalt  }
0x5a: {  	_ =	shalt  }
0x5b: {  	_ =	shalt  }
0x5c: {  	_ =	shalt  }
0x5d: {  	_ =	shalt  }
0x5e: {  	_ =	shalt  }
0x5f: {  	_ =	shalt  }
0x60: {  	_ =	shalt  }
0x61: {  	_ =	shalt  }
0x62: {  	_ =	shalt  }
0x63: {  	_ =	shalt  }
0x64: {  	_ =	shalt  }
0x65: {  	_ =	shalt  }
0x66: {  	_ =	shalt  }
0x67: {  	_ =	shalt  }
0x68: {  	_ =	shalt  }
0x69: {  	_ =	shalt  }
0x6a: {  	_ =	shalt  }
0x6b: {  	_ =	shalt  }
0x6c: {  	_ =	shalt  }
0x6d: {  	_ =	shalt  }
0x6e: {  	_ =	shalt  }
0x6f: {  	_ =	shalt  }
0x70: {  	_ =	shalt  }
0x71: {  	_ =	shalt  }
0x72: {  	_ =	shalt  }
0x73: {  	_ =	shalt  }
0x74: {  	_ =	shalt  }
0x75: {  	_ =	shalt  }
0x76: {  	_ =	shalt  }
0x77: {  	_ =	shalt  }
0x78: {  	_ =	shalt  }
0x79: {  	_ =	shalt  }
0x7a: {  	_ =	shalt  }
0x7b: {  	_ =	shalt  }
0x7c: {  	_ =	shalt  }
0x7d: {  	_ =	shalt  }
0x7e: {  	_ =	shalt  }
0x7f: {  	_ =	shalt  }
0x80: {  	_ =	shalt  }
0x81: {  	_ =	shalt  }
0x82: {  	_ =	shalt  }
0x83: {  	_ =	shalt  }
0x84: {  	_ =	shalt  }
0x85: {  	_ =	shalt  }
0x86: {  	_ =	shalt  }
0x87: {  	_ =	shalt  }
.Lfunc_end0:
.L_simem_size_0:
called_computation.2_lowered:
.L_overlay_start_0:
0x88: {  	s2 =	sld [smem:$0x3FD9]  }
0x89: {  	s3 =	sld [smem:$0x3FFE];
	_ =	sdelay $0x1  }
0x8a: {  	s1 =	srdreg.scid  }
0x8b: {  	s0 =	sand.u32 $0x1, s1  }
0x8c: {  	s17 =	sshll.u32 s0, $0xA;
	s2 =	sadd.s32 s3, s2  }
0x8d: {  	s2 =	sadd.s32 s2, s17  }
0x8e: {  	[smem:$0x3FBB] =	sst s2  }
0x8f: {  	_ = 	snop  }
0x90: {  	s2 =	sld [smem:$0x3FD0];
	(tm) =	ssettm $0x1  }
0x91: {  	s18 =	sld [smem:$0x3FFB];
	_ =	sdelay $0x3  }
0x92: {  	_ =	strace s18  }
0x93: {  	s3 =	sld [smem:$0x3FFC];
	_ =	sdelay $0x3  }
0x94: {  	_ =	strace s3  }
0x95: {  	s3 =	sld [smem:$0x3FFD];
	_ =	sdelay $0x3  }
0x96: {  	_ =	strace s3  }
0x97: {  	_ =	strace $0x8FFFFFFF  }
0x98: {  	s19 =	sld [smem:$0x3FDB];
	_ =	sdelay $0x1  }
0x99: {  	s4 =	simm.s32 $_scs_section_size  }
0x9a: {  	s5 =	simm.s32 $_size__tile_overlayer_lowered;
	s6 =	simm.s32 $_tile_overlayer_lowered  }
0x9b: {  	s22 =	simm.s32 $0x1BFF;
	s21 =	sshll.u32 s6, $0x1;
	s3 =	sadd.s32 s4, s19  }
0x9c: {  	s7 =	simm.s32 $0x0;
	s20 =	sshll.u32 s5, $0x1;
	s5 =	sadd.s32 s21, s3  }
0x9d: {  	[timem:s7], [sflag:s22] =	dma.local [hbm:s5], s20  }
0x9e: {  	_ =	swait.ge [sflag:s22], s20  }
0x9f: {  	s4 =	ssub.s32 $0x0, s20;
	[sflag:s22] =	ssyncset.done $0x0  }
0xa0: {  	[sflag:s22] =	ssyncadd.s32 s4;
	_ =	sdelay $0x1  }
0xa1: {  	s23 =	simm.s32 $0x1B8B  }
0xa2: {  	_ =	swait.ge [sflag:s23], $0x1  }
0xa3: {  	[sflag:s23] =	ssyncset.done $0x0  }
0xa4: {  	s25 =	simm.s32 $0x1B8E;
	s24 =	sld [smem:$0x3FFE];
	[sflag:s23] =	ssyncadd.s32 $0xFFFFFFFF  }
0xa5: {  	s26 =	simm.s32 $execute0_lowered;
	[smem:$0x3FD2] =	sst s25  }
0xa6: {  	s5 =	sshll.u32 s26, $0x1;
	_ =	strace $0x8000004C;
	[dreg:$0x1] =	wrdreg $0xFFFFFFFF  }
0xa7: {  	s28 =	simm.s32 $_size_execute0_lowered;
	s3 =	sadd.s32 s3, s5;
	[dreg:$0x0] =	wrdreg $0x0  }
0xa8: {  	s5 =	sshll.u32 s28, $0x1;
	[dreg:$0x2] =	wrdreg s3  }
0xa9: {  	[dreg:$0x3] =	wrdreg s5  }
0xaa: {  	[dreg:$0x4] =	wrdreg $0xC0  }
0xab: {  	_ =	task [dreg:s7], $0x5FFFF  }
0xac: {  	[dreg:$0x1] =	wrdreg $0xFFFFFFFF  }
0xad: {  	[dreg:$0x0] =	wrdreg $0x60  }
0xae: {  	[dreg:$0x2] =	wrdreg s2  }
0xaf: {  	[dreg:$0x3] =	wrdreg s24  }
0xb0: {  	[dreg:$0x4] =	wrdreg $0x0  }
0xb1: {  	[dreg:$0x5] =	wrdreg $0x9  }
0xb2: {  	_ =	task.clear_ibuf [dreg:s7], $0x6FFFF;
	_ =	strace $0x9000004C  }
0xb3: {  	s29 =	simm.s32 $0x9;
	_ =	strace $0x8000004E  }
0xb4: {  	_ =	swait.ge [sflag:s29], $0x1  }
0xb5: {  	[sflag:s29] =	ssyncadd.s32 $0xFFFFFFFF  }
0xb6: {  	_ =	strace $0x9000004E  }
0xb7: {  	_ =	sfence  }
0xb8: {  	s30 =	sld [smem:$0x0];
	_ =	sdelay $0x2  }
0xb9: {  	s31 =	sshll.u32 s1, $0xD;
	s1 =	sshrl.u32 s1, $0x2  }
0xba: {  	s3 =	sand.u32 $0x4000, s31;
	s1 =	sadd.s32 s1, s30  }
0xbb: {  	s0 =	sor.u32 s3, s0;
	s1 =	sshll.u32 s1, $0x11  }
0xbc: {  	s0 =	sor.u32 s1, s0  }
0xbd: {  	s0 =	sadd.s32 $0x8F2B, s0  }
0xbe: {  	[sflag:s0] =	ssyncadd.remote.s32 $0x1  }
0xbf: {  	_ =	sfence.sel $0xFFFF  }
0xc0: {  	[dreg:$0x0] =	wrdreg $0xFFFFFFFF;
	(pc) =	sbr.abs _section_cstart, $3  }
0xc1: {  	[dreg:$0x1] =	wrdreg $0xFFFFFFFF  }
0xc2: {  	_ =	task.clear_ibuf [dreg:s7], $0x2FFFF;
	_ =	strace $0x9FFFFFFF  }
0xc3: {  	(tm) =	ssettm $0x7FFFFFFF  }
tec
execute0_lowered:
.L_overlay_start_1:
0x0: {  	(tag) =	ssettag $0x1  }
0x1: {  	s0 =	rddreg [dreg:$0x0]  }
0x2: {  	s2 =	rddreg [dreg:$0x1]  }
0x3: {  	s1 =	rddreg [dreg:$0x2];
	s3 =	simm.s32 $0x0;
	s11 =	stileid.u32  }
0x4: {  	s6 =	srdreg.scid;
	s28 =	simm.s32 $0xA000;
	s29 =	simm.s32 $0x4  }
0x5: {  	s30 =	simm.s32 $0xC000;
	s31 =	simm.s32 $0xC400;
	[smem:$0x7FF] =	sst s3  }
0x6: {  	s4 =	sadd.s32 $0x3400, s2;
	s8 =	smul.u32 $0x28000, s11;
	s5 =	sadd.s32 $0x15C00, s2  }
0x7: {  	s7 =	sadd.s32 $0xD9200, s2;
	s6 =	sand.u32 $0x1, s6;
	s13 =	smul.u32 $0x27800, s11  }
0x8: {  	s17 =	smul.u32 $0x278, s11;
	_ =	strace $0x8000004D;
	[dreg:$0x4] =	wrdreg s7  }
0x9: {  	s7 =	sadd.s32 $0xD9600, s2;
	s26 =	ssub.s32 $0x2, s6;
	s16 =	smul.u32 $0x13880, s6  }
0xa: {  	s6 =	smul.u32 $0x316000, s6;
	s9 =	sshrl.u32 s8, $0x2;
	s10 =	sshrl.u32 s26, $0x1  }
0xb: {  	s8 =	smul.u32 $0x9400, s11;
	[dreg:$0xa] =	wrdreg s17;
	s12 =	sadd.s32 s9, s1  }
0xc: {  	s11 =	simm.s32 $0x17F00;
	s19 =	sadd.s32 $0x2000, s6;
	[dreg:$0x9] =	wrdreg s12  }
0xd: {  	s17 =	simm.s32 $0x0;
	s22 =	sadd.s32 $0x4000, s6;
	[dreg:$0xd] =	wrdreg s19  }
0xe: {  	s2 =	ssub.s32 s26, s10;
	s23 =	sadd.s32 $0x6000, s6;
	[dreg:$0x10] =	wrdreg s22  }
0xf: {  	s26 =	smov.u32 s6;
	s25 =	sadd.s32 $0x8000, s6;
	[dreg:$0x11] =	wrdreg s23  }
0x10: {  	s6 =	simm.s32 $0x15F00;
	s9 =	sadd.s32 $0x2000, s12;
	[dreg:$0x14] =	wrdreg s25  }
0x11: {  	s10 =	simm.s32 $0xC880;
	s14 =	sadd.s32 $0x4000, s12;
	[dreg:$0x5] =	wrdreg s9  }
0x12: {  	s15 =	sadd.s32 $0x6000, s12;
	s12 =	sadd.s32 $0x8000, s12;
	[dreg:$0x6] =	wrdreg s14  }
0x13: {  	s24 =	smax.u32 s2, $0x1;
	s2 =	simm.s32 $0x80;
	[dreg:$0x7] =	wrdreg s15  }
0x14: {  	s25 =	simm.s32 $0xC800;
	[dreg:$0x8] =	wrdreg s12;
	s9 =	sshrl.u32 s13, $0x2  }
0x15: {  	s15 =	sadd.s32 s0, s16;
	[dreg:$0x13] =	wrdreg s24;
	s18 =	sadd.s32 s9, s1  }
.Ltmp0:
0x16: {  	s9 =	sadd.s32 $0x2000, s18;
	[dreg:$0xb] =	wrdreg s18;
	(pc) =	sbr.rel .LBB2_1-.Ltmp0, $4  }
0x17: {  	s12 =	simm.s32 $0x2;
	s20 =	sadd.s32 $0x4000, s18;
	[dreg:$0xc] =	wrdreg s9  }
0x18: {  	s13 =	simm.s32 $0xC980;
	s21 =	sadd.s32 $0x6000, s18;
	[dreg:$0xe] =	wrdreg s20  }
0x19: {  	s16 =	simm.s32 $0x3;
	s0 =	sadd.s32 $0x8000, s18;
	[dreg:$0xf] =	wrdreg s21  }
0x1a: {  	v0 =	vimm.s32 $0x0;
	v1 =	vlaneseq.u32;
	[dreg:$0x12] =	wrdreg s0;
	s0 =	simm.s32 $0x1;
	s9 =	simm.s32 $0xC900  }
.LBB2_13:
0x1b: {  	s17 =	rddreg [dreg:$0x15]  }
0x1c: {  	s14 =	rddreg [dreg:$0x13];
	s17 =	sadd.s32 $0x1, s17  }
0x1d: {  	p0 =	sne.s32 s17, s14  }
.Ltmp1:
0x1e: {  	_ = 	snop;
	(pc) =	sbr.rel @!p0 .LBB2_14-.Ltmp1, $1  }
0x1f: {  	_ =	sdelay $0x3  }
.LBB2_1:
.Ltmp2:
0x20: {  	(pc) =	sbr.rel .LBB2_2-.Ltmp2, $2  }
0x21: {  	_ =	sdelay $0x2  }
0x22: {  	[dreg:$0x15] =	wrdreg s17;
	s18 =	simm.s32 $0x0  }
.LBB2_11:
0x23: {  	[tilespmem:s11], [sflag:$0x2] =	stream.indirect.gather [hbm4b:s15+s2], $0x40, s10, s2, $0xb8;
	[tilespmem:$0x19F00] =	vst v63  }
0x24: {  	_ =	swait.ge [sflag:s12], $0x2000  }
0x25: {  	[sflag:s12] =	ssyncset.done $0x0  }
0x26: {  	[sflag:s12] =	ssyncadd.s32 $0xFFFFE000  }
0x27: {  	_ =	swait.ge [sflag:s12], $0x2000  }
0x28: {  	[sflag:s12] =	ssyncset.done $0x0  }
0x29: {  	[sflag:s12] =	ssyncadd.s32 $0xFFFFE000  }
0x2a: {  	[spmem:s1] =	stream.indirect.scatter.add.f32 [tilespmem:s6], [sflag:$0x3], $0x40, s9, s2, $0xb8;
	[tilespmem:$0x19F00] =	vst v63  }
0x2b: {  	_ = 	snop  }
0x2c: {  	[spmem:s1] =	stream.indirect.scatter.add.f32 [tilespmem:s11], [sflag:$0x3], $0x40, s13, s2, $0xb8;
	[tilespmem:$0x19F00] =	vst v63  }
0x2d: {  	_ =	swait.ge [sflag:s16], $0x2000  }
0x2e: {  	[sflag:s16] =	ssyncset.done $0x0  }
0x2f: {  	[sflag:s16] =	ssyncadd.s32 $0xFFFFE000  }
0x30: {  	_ =	swait.ge [sflag:s16], $0x2000  }
0x31: {  	[sflag:s16] =	ssyncset.done $0x0  }
0x32: {  	[sflag:s16] =	ssyncadd.s32 $0xFFFFE000  }
.LBB2_12:
0x33: {  	[bflag:$0x0] =	sbarrier.arrive $0xFFFF  }
0x34: {  	s14 =	rddreg [dreg:$0xb]  }
0x35: {  	[tilespmem:s6], [sflag:$0x2] =	stream.linear.gather [spmem:s14], $0x2000, $0x38;
	[tilespmem:$0x19F00] =	vst v63  }
0x36: {  	s22 =	rddreg [dreg:$0xc]  }
0x37: {  	[tilespmem:s11], [sflag:$0x2] =	stream.linear.gather [spmem:s22], $0x2000, $0x38;
	[tilespmem:$0x19F00] =	vst v63  }
0x38: {  	_ =	swait.ge [sflag:s12], $0x2000  }
0x39: {  	s23 =	rddreg [dreg:$0xa]  }
0x3a: {  	[sflag:s12] =	ssyncset.done $0x0;
	s14 =	sadd.s32 s23, s19  }
0x3b: {  	[sflag:s12] =	ssyncadd.s32 $0xFFFFE000;
	s14 =	sshll.u32 s14, $0x6  }
0x3c: {  	_ =	swait.ge [sflag:s12], $0x2000;
	s17 =	sadd.s32 s26, s14  }
0x3d: {  	[sflag:s12] =	ssyncset.done $0x0;
	s17 =	sshrl.u32 s17, $0x3  }
0x3e: {  	s24 =	rddreg [dreg:$0xd];
	[sflag:s12] =	ssyncadd.s32 $0xFFFFE000;
	s17 =	sadd.s32 s7, s17  }
0x3f: {  	[hbm4b:s17+s3] =	stream.linear.scatter [tilespmem:s6], [sflag:$0x3], $0x2000, $0x38;
	[tilespmem:$0x19F00] =	vst v63  }
0x40: {  	s17 =	sadd.s32 s24, s14  }
0x41: {  	s17 =	sshrl.u32 s17, $0x3  }
0x42: {  	s17 =	sadd.s32 s7, s17  }
0x43: {  	[hbm4b:s17+s3] =	stream.linear.scatter [tilespmem:s11], [sflag:$0x3], $0x2000, $0x38;
	[tilespmem:$0x19F00] =	vst v63  }
0x44: {  	_ =	swait.ge [sflag:s16], $0x2000  }
0x45: {  	[sflag:s16] =	ssyncset.done $0x0  }
0x46: {  	[sflag:s16] =	ssyncadd.s32 $0xFFFFE000  }
0x47: {  	_ =	swait.ge [sflag:s16], $0x2000  }
0x48: {  	[sflag:s16] =	ssyncset.done $0x0  }
0x49: {  	s19 =	rddreg [dreg:$0xe];
	[sflag:s16] =	ssyncadd.s32 $0xFFFFE000  }
0x4a: {  	[tilespmem:s6], [sflag:$0x2] =	stream.linear.gather [spmem:s19], $0x2000, $0x38;
	[tilespmem:$0x19F00] =	vst v63  }
0x4b: {  	s20 =	rddreg [dreg:$0xf]  }
0x4c: {  	[tilespmem:s11], [sflag:$0x2] =	stream.linear.gather [spmem:s20], $0x2000, $0x38;
	[tilespmem:$0x19F00] =	vst v63  }
0x4d: {  	_ =	swait.ge [sflag:s12], $0x2000  }
0x4e: {  	[sflag:s12] =	ssyncset.done $0x0  }
0x4f: {  	[sflag:s12] =	ssyncadd.s32 $0xFFFFE000  }
0x50: {  	_ =	swait.ge [sflag:s12], $0x2000  }
0x51: {  	s21 =	rddreg [dreg:$0x10]  }
0x52: {  	s17 =	sadd.s32 s21, s14  }
0x53: {  	[sflag:s12] =	ssyncset.done $0x0;
	s17 =	sshrl.u32 s17, $0x3  }
0x54: {  	s22 =	rddreg [dreg:$0x11];
	[sflag:s12] =	ssyncadd.s32 $0xFFFFE000;
	s17 =	sadd.s32 s7, s17  }
0x55: {  	[hbm4b:s17+s3] =	stream.linear.scatter [tilespmem:s6], [sflag:$0x3], $0x2000, $0x38;
	[tilespmem:$0x19F00] =	vst v63  }
0x56: {  	s17 =	sadd.s32 s22, s14  }
0x57: {  	s17 =	sshrl.u32 s17, $0x3  }
0x58: {  	s17 =	sadd.s32 s7, s17  }
0x59: {  	[hbm4b:s17+s3] =	stream.linear.scatter [tilespmem:s11], [sflag:$0x3], $0x2000, $0x38;
	[tilespmem:$0x19F00] =	vst v63  }
0x5a: {  	_ =	swait.ge [sflag:s16], $0x2000  }
0x5b: {  	[sflag:s16] =	ssyncset.done $0x0  }
0x5c: {  	[sflag:s16] =	ssyncadd.s32 $0xFFFFE000  }
0x5d: {  	_ =	swait.ge [sflag:s16], $0x2000  }
0x5e: {  	[sflag:s16] =	ssyncset.done $0x0  }
0x5f: {  	s23 =	rddreg [dreg:$0x12];
	[sflag:s16] =	ssyncadd.s32 $0xFFFFE000  }
0x60: {  	[tilespmem:s28], [sflag:$0x2] =	stream.linear.gather [spmem:s23], $0x1E00, $0x38;
	[tilespmem:$0x19F00] =	vst v63  }
0x61: {  	_ =	swait.ge [sflag:s12], $0x1E00  }
0x62: {  	s24 =	rddreg [dreg:$0x14]  }
0x63: {  	s14 =	sadd.s32 s24, s14  }
0x64: {  	s18 =	sadd.s32 $0x1, s18;
	[sflag:s12] =	ssyncset.done $0x0;
	s14 =	sshrl.u32 s14, $0x3  }
0x65: {  	p0 =	sne.s32 s18, $0x5;
	[sflag:s12] =	ssyncadd.s32 $0xFFFFE200;
	s14 =	sadd.s32 s7, s14  }
0x66: {  	[hbm4b:s14+s3] =	stream.linear.scatter [tilespmem:s28], [sflag:$0x3], $0x1E00, $0x38;
	[tilespmem:$0x19F00] =	vst v63  }
.Ltmp3:
0x67: {  	_ =	swait.ge [sflag:s16], $0x1E00;
	(pc) =	sbr.rel @!p0 .LBB2_13-.Ltmp3, $3  }
0x68: {  	[sflag:s16] =	ssyncset.done $0x0  }
0x69: {  	[sflag:s16] =	ssyncadd.s32 $0xFFFFE200  }
0x6a: {  	[bflag:$0x0] =	sbarrier.arrive $0xFFFF;
	_ =	sdelay $0x1  }
.LBB2_2:
0x6b: {  	s20 =	simm.s32 $0x0;
	s14 =	rddreg [dreg:$0x4]  }
0x6c: {  	[tilespmem:s28], [sflag:$0x4] =	stream.linear.gather [hbm4b:s14+s20], $0x2000, $0x38;
	[tilespmem:$0x19F00] =	vst v63  }
0x6d: {  	_ =	swait.ge [sflag:s29], $0x2000  }
0x6e: {  	[sflag:s29] =	ssyncset.done $0x0  }
0x6f: {  	s19 =	rddreg [dreg:$0x9];
	[sflag:s29] =	ssyncadd.s32 $0xFFFFE000  }
0x70: {  	[spmem:s19] =	stream.linear.scatter [tilespmem:s28], [sflag:$0x4], $0x2000, $0x38;
	[tilespmem:$0x19F00] =	vst v63  }
0x71: {  	_ =	swait.ge [sflag:s29], $0x2000  }
0x72: {  	[sflag:s29] =	ssyncset.done $0x0  }
0x73: {  	s21 =	rddreg [dreg:$0x5];
	[sflag:s29] =	ssyncadd.s32 $0xFFFFE000  }
0x74: {  	[spmem:s21] =	stream.linear.scatter [tilespmem:s28], [sflag:$0x4], $0x2000, $0x38;
	[tilespmem:$0x19F00] =	vst v63  }
0x75: {  	_ =	swait.ge [sflag:s29], $0x2000  }
0x76: {  	[sflag:s29] =	ssyncset.done $0x0  }
0x77: {  	s22 =	rddreg [dreg:$0x6];
	[sflag:s29] =	ssyncadd.s32 $0xFFFFE000  }
0x78: {  	[spmem:s22] =	stream.linear.scatter [tilespmem:s28], [sflag:$0x4], $0x2000, $0x38;
	[tilespmem:$0x19F00] =	vst v63  }
0x79: {  	_ =	swait.ge [sflag:s29], $0x2000  }
0x7a: {  	[sflag:s29] =	ssyncset.done $0x0  }
0x7b: {  	s23 =	rddreg [dreg:$0x7];
	[sflag:s29] =	ssyncadd.s32 $0xFFFFE000  }
0x7c: {  	[spmem:s23] =	stream.linear.scatter [tilespmem:s28], [sflag:$0x4], $0x2000, $0x38;
	[tilespmem:$0x19F00] =	vst v63  }
0x7d: {  	_ =	swait.ge [sflag:s29], $0x2000  }
0x7e: {  	[sflag:s29] =	ssyncset.done $0x0  }
0x7f: {  	s24 =	rddreg [dreg:$0x8];
	[sflag:s29] =	ssyncadd.s32 $0xFFFFE000  }
0x80: {  	[spmem:s24] =	stream.linear.scatter [tilespmem:s28], [sflag:$0x4], $0x2000, $0x38;
	[tilespmem:$0x19F00] =	vst v63  }
0x81: {  	_ =	swait.ge [sflag:s29], $0x2000  }
0x82: {  	s19 =	smul.u32 $0x2780, s18;
	[sflag:s29] =	ssyncset.done $0x0  }
0x83: {  	[sflag:s29] =	ssyncadd.s32 $0xFFFFE000  }
0x84: {  	s14 =	simm.s32 $0x0;
	v2 =	vmov s19;
	s21 =	simm.s32 $0x0;
	[bflag:$0x0] =	sbarrier.arrive $0xFFFF  }
.LBB2_3:
0x85: {  	s17 =	sshll.u32 s14, $0xA  }
0x86: {  	s17 =	sadd.s32 s8, s17  }
0x87: {  	s17 =	sshrl.u32 s17, $0x3  }
0x88: {  	s22 =	sadd.s32 s4, s17  }
0x89: {  	[tilespmem:s30], [sflag:$0x1] =	stream.linear.gather [hbm4b:s22+s20], $0x400, $0x38;
	[tilespmem:$0x19F00] =	vst v63  }
0x8a: {  	s17 =	sadd.s32 s5, s17  }
0x8b: {  	[tilespmem:s31], [sflag:$0x1] =	stream.linear.gather [hbm4b:s17+s20], $0x400, $0x38;
	[tilespmem:$0x19F00] =	vst v63  }
0x8c: {  	_ =	swait.ge [sflag:s0], $0x400  }
0x8d: {  	[sflag:s0] =	ssyncset.done $0x0  }
0x8e: {  	[sflag:s0] =	ssyncadd.s32 $0xFFFFFC00  }
0x8f: {  	_ =	swait.ge [sflag:s0], $0x400  }
0x90: {  	[sflag:s0] =	ssyncset.done $0x0  }
0x91: {  	s17 =	simm.s32 $0x0;
	[sflag:s0] =	ssyncadd.s32 $0xFFFFFC00  }
0x92: {  	v3 =	vld [tilespmem:s17+$0xC400];
	_ =	sdelay $0x1  }
0x93: {  	v4 =	vld [tilespmem:s17+$0xC000];
	_ =	sdelay $0x2  }
0x94: {  	v3 =	vsub.s32 v3, v2  }
0x95: {  	vm0 =	vlt.u32 v3, $0x2780;
	v3 =	vshll.u32 v3, $0xE  }
0x96: {  	v3 =	vor.u32 v4, v3;
	v4 =	vsel vm0, $0x1, v0  }
0x97: {  	(xrf0) =	vadd.scan.msk.s32 $0xffff, v4;
	_ =	sdelay $0x1  }
0x98: {  	[tilespmem:s21+$0xCA00] =	vst.msk vm0, v3  }
0x99: {  	v3 =	vld [tilespmem:s17+$0xC410];
	_ =	sdelay $0x2  }
0x9a: {  	v4, _, _ =	vpop (xrf0)  }
0x9b: {  	(v2sf) =	vpush v4, $0xF  }
0x9c: {  	v3 =	vsub.s32 v3, v2  }
0x9d: {  	vm0 =	vlt.u32 v3, $0x2780  }
0x9e: {  	v4 =	vsel vm0, $0x1, v0  }
0x9f: {  	(xrf0) =	vadd.scan.msk.s32 $0xffff, v4;
	_ =	sdelay $0x5  }
0xa0: {  	v4, _, _ =	vpop (xrf0)  }
0xa1: {  	(v2sf) =	vpush v4, $0xF;
	v4 =	vld [tilespmem:s17+$0xC010];
	_ =	sdelay $0x3  }
0xa2: {  	v3 =	vshll.u32 v3, $0xE;
	s24 =	spop (v2sf)  }
0xa3: {  	v3 =	vor.u32 v4, v3;
	s22 =	sadd.s32 s21, s24  }
0xa4: {  	[tilespmem:s22+$0xCA00] =	vst.msk vm0, v3  }
0xa5: {  	v3 =	vld [tilespmem:s17+$0xC420];
	_ =	sdelay $0x1  }
0xa6: {  	v4 =	vld [tilespmem:s17+$0xC020];
	_ =	sdelay $0x2  }
0xa7: {  	v3 =	vsub.s32 v3, v2  }
0xa8: {  	vm0 =	vlt.u32 v3, $0x2780;
	v3 =	vshll.u32 v3, $0xE  }
0xa9: {  	v3 =	vor.u32 v4, v3;
	v4 =	vsel vm0, $0x1, v0  }
0xaa: {  	s23 =	spop (v2sf);
	(xrf0) =	vadd.scan.msk.s32 $0xffff, v4  }
0xab: {  	s21 =	sadd.s32 s22, s23  }
0xac: {  	[tilespmem:s21+$0xCA00] =	vst.msk vm0, v3  }
0xad: {  	v3 =	vld [tilespmem:s17+$0xC430];
	_ =	sdelay $0x2  }
0xae: {  	v4, _, _ =	vpop (xrf0)  }
0xaf: {  	(v2sf) =	vpush v4, $0xF  }
0xb0: {  	v3 =	vsub.s32 v3, v2  }
0xb1: {  	vm0 =	vlt.u32 v3, $0x2780  }
0xb2: {  	v4 =	vsel vm0, $0x1, v0  }
0xb3: {  	(xrf0) =	vadd.scan.msk.s32 $0xffff, v4;
	_ =	sdelay $0x5  }
0xb4: {  	v4, _, _ =	vpop (xrf0)  }
0xb5: {  	(v2sf) =	vpush v4, $0xF;
	v4 =	vld [tilespmem:s17+$0xC030];
	_ =	sdelay $0x3  }
0xb6: {  	v3 =	vshll.u32 v3, $0xE;
	s24 =	spop (v2sf)  }
0xb7: {  	v3 =	vor.u32 v4, v3;
	s21 =	sadd.s32 s21, s24  }
0xb8: {  	[tilespmem:s21+$0xCA00] =	vst.msk vm0, v3  }
0xb9: {  	v3 =	vld [tilespmem:s17+$0xC440];
	_ =	sdelay $0x1  }
0xba: {  	v4 =	vld [tilespmem:s17+$0xC040];
	_ =	sdelay $0x2  }
0xbb: {  	v3 =	vsub.s32 v3, v2  }
0xbc: {  	vm0 =	vlt.u32 v3, $0x2780;
	v3 =	vshll.u32 v3, $0xE  }
0xbd: {  	v3 =	vor.u32 v4, v3;
	v4 =	vsel vm0, $0x1, v0  }
0xbe: {  	s23 =	spop (v2sf);
	(xrf0) =	vadd.scan.msk.s32 $0xffff, v4  }
0xbf: {  	s21 =	sadd.s32 s21, s23  }
0xc0: {  	[tilespmem:s21+$0xCA00] =	vst.msk vm0, v3  }
0xc1: {  	v3 =	vld [tilespmem:s17+$0xC450];
	_ =	sdelay $0x2  }
0xc2: {  	v4, _, _ =	vpop (xrf0)  }
0xc3: {  	(v2sf) =	vpush v4, $0xF  }
0xc4: {  	v3 =	vsub.s32 v3, v2  }
0xc5: {  	vm0 =	vlt.u32 v3, $0x2780  }
0xc6: {  	v4 =	vsel vm0, $0x1, v0  }
0xc7: {  	(xrf0) =	vadd.scan.msk.s32 $0xffff, v4;
	_ =	sdelay $0x5  }
0xc8: {  	v4, _, _ =	vpop (xrf0)  }
0xc9: {  	(v2sf) =	vpush v4, $0xF;
	v4 =	vld [tilespmem:s17+$0xC050];
	_ =	sdelay $0x3  }
0xca: {  	v3 =	vshll.u32 v3, $0xE;
	s24 =	spop (v2sf)  }
0xcb: {  	v3 =	vor.u32 v4, v3;
	s21 =	sadd.s32 s21, s24  }
0xcc: {  	[tilespmem:s21+$0xCA00] =	vst.msk vm0, v3  }
0xcd: {  	v3 =	vld [tilespmem:s17+$0xC460];
	_ =	sdelay $0x1  }
0xce: {  	v4 =	vld [tilespmem:s17+$0xC060];
	_ =	sdelay $0x2  }
0xcf: {  	v3 =	vsub.s32 v3, v2  }
0xd0: {  	vm0 =	vlt.u32 v3, $0x2780;
	v3 =	vshll.u32 v3, $0xE  }
0xd1: {  	v3 =	vor.u32 v4, v3;
	v4 =	vsel vm0, $0x1, v0  }
0xd2: {  	s23 =	spop (v2sf);
	(xrf0) =	vadd.scan.msk.s32 $0xffff, v4  }
0xd3: {  	s21 =	sadd.s32 s21, s23  }
0xd4: {  	[tilespmem:s21+$0xCA00] =	vst.msk vm0, v3  }
0xd5: {  	v3 =	vld [tilespmem:s17+$0xC470];
	_ =	sdelay $0x2  }
0xd6: {  	v4, _, _ =	vpop (xrf0)  }
0xd7: {  	(v2sf) =	vpush v4, $0xF  }
0xd8: {  	v3 =	vsub.s32 v3, v2  }
0xd9: {  	vm0 =	vlt.u32 v3, $0x2780  }
0xda: {  	v4 =	vsel vm0, $0x1, v0  }
0xdb: {  	(xrf0) =	vadd.scan.msk.s32 $0xffff, v4;
	_ =	sdelay $0x5  }
0xdc: {  	v4, _, _ =	vpop (xrf0)  }
0xdd: {  	(v2sf) =	vpush v4, $0xF;
	v4 =	vld [tilespmem:s17+$0xC070];
	_ =	sdelay $0x3  }
0xde: {  	v3 =	vshll.u32 v3, $0xE;
	s24 =	spop (v2sf)  }
0xdf: {  	v3 =	vor.u32 v4, v3;
	s21 =	sadd.s32 s21, s24  }
0xe0: {  	[tilespmem:s21+$0xCA00] =	vst.msk vm0, v3  }
0xe1: {  	v3 =	vld [tilespmem:s17+$0xC480];
	_ =	sdelay $0x1  }
0xe2: {  	v4 =	vld [tilespmem:s17+$0xC080];
	_ =	sdelay $0x2  }
0xe3: {  	v3 =	vsub.s32 v3, v2  }
0xe4: {  	vm0 =	vlt.u32 v3, $0x2780;
	v3 =	vshll.u32 v3, $0xE  }
0xe5: {  	v3 =	vor.u32 v4, v3;
	v4 =	vsel vm0, $0x1, v0  }
0xe6: {  	s23 =	spop (v2sf);
	(xrf0) =	vadd.scan.msk.s32 $0xffff, v4  }
0xe7: {  	s21 =	sadd.s32 s21, s23  }
0xe8: {  	[tilespmem:s21+$0xCA00] =	vst.msk vm0, v3  }
0xe9: {  	v3 =	vld [tilespmem:s17+$0xC490];
	_ =	sdelay $0x2  }
0xea: {  	v4, _, _ =	vpop (xrf0)  }
0xeb: {  	(v2sf) =	vpush v4, $0xF  }
0xec: {  	v3 =	vsub.s32 v3, v2  }
0xed: {  	vm0 =	vlt.u32 v3, $0x2780  }
0xee: {  	v4 =	vsel vm0, $0x1, v0  }
0xef: {  	(xrf0) =	vadd.scan.msk.s32 $0xffff, v4;
	_ =	sdelay $0x5  }
0xf0: {  	v4, _, _ =	vpop (xrf0)  }
0xf1: {  	(v2sf) =	vpush v4, $0xF;
	v4 =	vld [tilespmem:s17+$0xC090];
	_ =	sdelay $0x3  }
0xf2: {  	v3 =	vshll.u32 v3, $0xE;
	s24 =	spop (v2sf)  }
0xf3: {  	v3 =	vor.u32 v4, v3;
	s21 =	sadd.s32 s21, s24  }
0xf4: {  	[tilespmem:s21+$0xCA00] =	vst.msk vm0, v3  }
0xf5: {  	v3 =	vld [tilespmem:s17+$0xC4A0];
	_ =	sdelay $0x1  }
0xf6: {  	v4 =	vld [tilespmem:s17+$0xC0A0];
	_ =	sdelay $0x2  }
0xf7: {  	v3 =	vsub.s32 v3, v2  }
0xf8: {  	vm0 =	vlt.u32 v3, $0x2780;
	v3 =	vshll.u32 v3, $0xE  }
0xf9: {  	v3 =	vor.u32 v4, v3;
	v4 =	vsel vm0, $0x1, v0  }
0xfa: {  	s23 =	spop (v2sf);
	(xrf0) =	vadd.scan.msk.s32 $0xffff, v4  }
0xfb: {  	s21 =	sadd.s32 s21, s23  }
0xfc: {  	[tilespmem:s21+$0xCA00] =	vst.msk vm0, v3  }
0xfd: {  	v3 =	vld [tilespmem:s17+$0xC4B0];
	_ =	sdelay $0x2  }
0xfe: {  	v4, _, _ =	vpop (xrf0)  }
0xff: {  	(v2sf) =	vpush v4, $0xF  }
0x100: {  	v3 =	vsub.s32 v3, v2  }
0x101: {  	vm0 =	vlt.u32 v3, $0x2780  }
0x102: {  	v4 =	vsel vm0, $0x1, v0  }
0x103: {  	(xrf0) =	vadd.scan.msk.s32 $0xffff, v4;
	_ =	sdelay $0x5  }
0x104: {  	v4, _, _ =	vpop (xrf0)  }
0x105: {  	(v2sf) =	vpush v4, $0xF;
	v4 =	vld [tilespmem:s17+$0xC0B0];
	_ =	sdelay $0x3  }
0x106: {  	v3 =	vshll.u32 v3, $0xE;
	s24 =	spop (v2sf)  }
0x107: {  	v3 =	vor.u32 v4, v3;
	s21 =	sadd.s32 s21, s24  }
0x108: {  	[tilespmem:s21+$0xCA00] =	vst.msk vm0, v3  }
0x109: {  	v3 =	vld [tilespmem:s17+$0xC4C0];
	_ =	sdelay $0x1  }
0x10a: {  	v4 =	vld [tilespmem:s17+$0xC0C0];
	_ =	sdelay $0x2  }
0x10b: {  	v3 =	vsub.s32 v3, v2  }
0x10c: {  	vm0 =	vlt.u32 v3, $0x2780;
	v3 =	vshll.u32 v3, $0xE  }
0x10d: {  	v3 =	vor.u32 v4, v3;
	v4 =	vsel vm0, $0x1, v0  }
0x10e: {  	s23 =	spop (v2sf);
	(xrf0) =	vadd.scan.msk.s32 $0xffff, v4  }
0x10f: {  	s21 =	sadd.s32 s21, s23  }
0x110: {  	[tilespmem:s21+$0xCA00] =	vst.msk vm0, v3  }
0x111: {  	v3 =	vld [tilespmem:s17+$0xC4D0];
	_ =	sdelay $0x2  }
0x112: {  	v4, _, _ =	vpop (xrf0)  }
0x113: {  	(v2sf) =	vpush v4, $0xF  }
0x114: {  	v3 =	vsub.s32 v3, v2  }
0x115: {  	vm0 =	vlt.u32 v3, $0x2780  }
0x116: {  	v4 =	vsel vm0, $0x1, v0  }
0x117: {  	(xrf0) =	vadd.scan.msk.s32 $0xffff, v4;
	_ =	sdelay $0x5  }
0x118: {  	v4, _, _ =	vpop (xrf0)  }
0x119: {  	(v2sf) =	vpush v4, $0xF;
	v4 =	vld [tilespmem:s17+$0xC0D0];
	_ =	sdelay $0x3  }
0x11a: {  	v3 =	vshll.u32 v3, $0xE;
	s24 =	spop (v2sf)  }
0x11b: {  	v3 =	vor.u32 v4, v3;
	s21 =	sadd.s32 s21, s24  }
0x11c: {  	[tilespmem:s21+$0xCA00] =	vst.msk vm0, v3  }
0x11d: {  	v3 =	vld [tilespmem:s17+$0xC4E0];
	_ =	sdelay $0x1  }
0x11e: {  	v4 =	vld [tilespmem:s17+$0xC0E0];
	_ =	sdelay $0x2  }
0x11f: {  	v3 =	vsub.s32 v3, v2  }
0x120: {  	vm0 =	vlt.u32 v3, $0x2780;
	v3 =	vshll.u32 v3, $0xE  }
0x121: {  	v3 =	vor.u32 v4, v3;
	v4 =	vsel vm0, $0x1, v0  }
0x122: {  	s23 =	spop (v2sf);
	(xrf0) =	vadd.scan.msk.s32 $0xffff, v4  }
0x123: {  	s21 =	sadd.s32 s21, s23  }
0x124: {  	[tilespmem:s21+$0xCA00] =	vst.msk vm0, v3  }
0x125: {  	v3 =	vld [tilespmem:s17+$0xC4F0];
	_ =	sdelay $0x2  }
0x126: {  	v4, _, _ =	vpop (xrf0)  }
0x127: {  	(v2sf) =	vpush v4, $0xF  }
0x128: {  	v3 =	vsub.s32 v3, v2  }
0x129: {  	vm0 =	vlt.u32 v3, $0x2780  }
0x12a: {  	v4 =	vsel vm0, $0x1, v0  }
0x12b: {  	(xrf0) =	vadd.scan.msk.s32 $0xffff, v4;
	_ =	sdelay $0x5  }
0x12c: {  	v4, _, _ =	vpop (xrf0)  }
0x12d: {  	(v2sf) =	vpush v4, $0xF;
	v4 =	vld [tilespmem:s17+$0xC0F0];
	_ =	sdelay $0x3  }
0x12e: {  	v3 =	vshll.u32 v3, $0xE;
	s24 =	spop (v2sf)  }
0x12f: {  	v3 =	vor.u32 v4, v3;
	s23 =	sadd.s32 s21, s24  }
0x130: {  	s21 =	simm.s32 $0x100;
	[tilespmem:s23+$0xCA00] =	vst.msk vm0, v3  }
0x131: {  	v3 =	vld [tilespmem:s21+$0xC400];
	_ =	sdelay $0x4  }
0x132: {  	v4 =	vsub.s32 v3, v2;
	v3 =	vld [tilespmem:s21+$0xC000];
	_ =	sdelay $0x2  }
0x133: {  	s22 =	simm.s32 $0x800;
	vm0 =	vlt.u32 v4, $0x2780;
	v4 =	vshll.u32 v4, $0xE;
	s17 =	spop (v2sf)  }
.LBB2_4:
0x134: {  	p0 =	sne.s32 s22, $0xC00  }
0x135: {  	v3 =	vor.u32 v3, v4;
	v4 =	vsel vm0, $0x1, v0;
	s23 =	sadd.s32 s23, s17;
	s17 =	smov.u32 s22;
	s22 =	sadd.s32 $0x400, s22  }
0x136: {  	[tilespmem:s23+$0xCA00] =	vst.msk vm0, v3;
	(xrf0) =	vadd.scan.msk.s32 $0xffff, v4  }
0x137: {  	v3 =	vld [tilespmem:s21+$0xC410];
	_ =	sdelay $0x4  }
0x138: {  	v3 =	vsub.s32 v3, v2;
	v4, _, _ =	vpop (xrf0)  }
0x139: {  	vm0 =	vlt.u32 v3, $0x2780;
	v3 =	vshll.u32 v3, $0xE;
	(v2sf) =	vpush v4, $0xF  }
0x13a: {  	v4 =	vsel vm0, $0x1, v0  }
0x13b: {  	(xrf0) =	vadd.scan.msk.s32 $0xffff, v4;
	_ =	sdelay $0x5  }
0x13c: {  	v4, _, _ =	vpop (xrf0)  }
0x13d: {  	(v2sf) =	vpush v4, $0xF;
	_ =	sdelay $0x1  }
0x13e: {  	v4 =	vld [tilespmem:s21+$0xC010];
	_ =	sdelay $0x3  }
0x13f: {  	s24 =	spop (v2sf)  }
0x140: {  	s23 =	sadd.s32 s23, s24;
	v3 =	vor.u32 v4, v3  }
0x141: {  	[tilespmem:s23+$0xCA00] =	vst.msk vm0, v3  }
0x142: {  	v3 =	vld [tilespmem:s21+$0xC420];
	_ =	sdelay $0x1  }
0x143: {  	v4 =	vld [tilespmem:s21+$0xC020];
	_ =	sdelay $0x2  }
0x144: {  	v3 =	vsub.s32 v3, v2  }
0x145: {  	vm0 =	vlt.u32 v3, $0x2780;
	v3 =	vshll.u32 v3, $0xE;
	s24 =	spop (v2sf)  }
0x146: {  	s23 =	sadd.s32 s23, s24;
	v3 =	vor.u32 v4, v3;
	v4 =	vsel vm0, $0x1, v0  }
0x147: {  	[tilespmem:s23+$0xCA00] =	vst.msk vm0, v3;
	(xrf0) =	vadd.scan.msk.s32 $0xffff, v4  }
0x148: {  	v3 =	vld [tilespmem:s21+$0xC430];
	_ =	sdelay $0x4  }
0x149: {  	v3 =	vsub.s32 v3, v2;
	v4, _, _ =	vpop (xrf0)  }
0x14a: {  	vm0 =	vlt.u32 v3, $0x2780;
	v3 =	vshll.u32 v3, $0xE;
	(v2sf) =	vpush v4, $0xF  }
0x14b: {  	v4 =	vsel vm0, $0x1, v0  }
0x14c: {  	(xrf0) =	vadd.scan.msk.s32 $0xffff, v4;
	_ =	sdelay $0x5  }
0x14d: {  	v4, _, _ =	vpop (xrf0)  }
0x14e: {  	(v2sf) =	vpush v4, $0xF;
	_ =	sdelay $0x1  }
0x14f: {  	v4 =	vld [tilespmem:s21+$0xC030];
	_ =	sdelay $0x3  }
0x150: {  	s24 =	spop (v2sf)  }
0x151: {  	s23 =	sadd.s32 s23, s24;
	v3 =	vor.u32 v4, v3  }
0x152: {  	[tilespmem:s23+$0xCA00] =	vst.msk vm0, v3  }
0x153: {  	v3 =	vld [tilespmem:s21+$0xC440];
	_ =	sdelay $0x1  }
0x154: {  	v4 =	vld [tilespmem:s21+$0xC040];
	_ =	sdelay $0x2  }
0x155: {  	v3 =	vsub.s32 v3, v2  }
0x156: {  	vm0 =	vlt.u32 v3, $0x2780;
	v3 =	vshll.u32 v3, $0xE;
	s24 =	spop (v2sf)  }
0x157: {  	s23 =	sadd.s32 s23, s24;
	v3 =	vor.u32 v4, v3;
	v4 =	vsel vm0, $0x1, v0  }
0x158: {  	[tilespmem:s23+$0xCA00] =	vst.msk vm0, v3;
	(xrf0) =	vadd.scan.msk.s32 $0xffff, v4  }
0x159: {  	v3 =	vld [tilespmem:s21+$0xC450];
	_ =	sdelay $0x4  }
0x15a: {  	v3 =	vsub.s32 v3, v2;
	v4, _, _ =	vpop (xrf0)  }
0x15b: {  	vm0 =	vlt.u32 v3, $0x2780;
	v3 =	vshll.u32 v3, $0xE;
	(v2sf) =	vpush v4, $0xF  }
0x15c: {  	v4 =	vsel vm0, $0x1, v0  }
0x15d: {  	(xrf0) =	vadd.scan.msk.s32 $0xffff, v4;
	_ =	sdelay $0x5  }
0x15e: {  	v4, _, _ =	vpop (xrf0)  }
0x15f: {  	(v2sf) =	vpush v4, $0xF;
	_ =	sdelay $0x1  }
0x160: {  	v4 =	vld [tilespmem:s21+$0xC050];
	_ =	sdelay $0x3  }
0x161: {  	s24 =	spop (v2sf)  }
0x162: {  	s23 =	sadd.s32 s23, s24;
	v3 =	vor.u32 v4, v3  }
0x163: {  	[tilespmem:s23+$0xCA00] =	vst.msk vm0, v3  }
0x164: {  	v3 =	vld [tilespmem:s21+$0xC460];
	_ =	sdelay $0x1  }
0x165: {  	v4 =	vld [tilespmem:s21+$0xC060];
	_ =	sdelay $0x2  }
0x166: {  	v3 =	vsub.s32 v3, v2  }
0x167: {  	vm0 =	vlt.u32 v3, $0x2780;
	v3 =	vshll.u32 v3, $0xE;
	s24 =	spop (v2sf)  }
0x168: {  	s23 =	sadd.s32 s23, s24;
	v3 =	vor.u32 v4, v3;
	v4 =	vsel vm0, $0x1, v0  }
0x169: {  	[tilespmem:s23+$0xCA00] =	vst.msk vm0, v3;
	(xrf0) =	vadd.scan.msk.s32 $0xffff, v4  }
0x16a: {  	v3 =	vld [tilespmem:s21+$0xC470];
	_ =	sdelay $0x4  }
0x16b: {  	v3 =	vsub.s32 v3, v2;
	v4, _, _ =	vpop (xrf0)  }
0x16c: {  	vm0 =	vlt.u32 v3, $0x2780;
	v3 =	vshll.u32 v3, $0xE;
	(v2sf) =	vpush v4, $0xF  }
0x16d: {  	v4 =	vsel vm0, $0x1, v0  }
0x16e: {  	(xrf0) =	vadd.scan.msk.s32 $0xffff, v4;
	_ =	sdelay $0x5  }
0x16f: {  	v4, _, _ =	vpop (xrf0)  }
0x170: {  	(v2sf) =	vpush v4, $0xF;
	_ =	sdelay $0x1  }
0x171: {  	v4 =	vld [tilespmem:s21+$0xC070];
	_ =	sdelay $0x3  }
0x172: {  	s24 =	spop (v2sf)  }
0x173: {  	s23 =	sadd.s32 s23, s24;
	v3 =	vor.u32 v4, v3  }
0x174: {  	[tilespmem:s23+$0xCA00] =	vst.msk vm0, v3  }
0x175: {  	v3 =	vld [tilespmem:s21+$0xC480];
	_ =	sdelay $0x1  }
0x176: {  	v4 =	vld [tilespmem:s21+$0xC080];
	_ =	sdelay $0x2  }
0x177: {  	v3 =	vsub.s32 v3, v2  }
0x178: {  	vm0 =	vlt.u32 v3, $0x2780;
	v3 =	vshll.u32 v3, $0xE;
	s24 =	spop (v2sf)  }
0x179: {  	s23 =	sadd.s32 s23, s24;
	v3 =	vor.u32 v4, v3;
	v4 =	vsel vm0, $0x1, v0  }
0x17a: {  	[tilespmem:s23+$0xCA00] =	vst.msk vm0, v3;
	(xrf0) =	vadd.scan.msk.s32 $0xffff, v4  }
0x17b: {  	v3 =	vld [tilespmem:s21+$0xC490]  }
0x17c: {  	v4 =	vld [tilespmem:s21+$0xC090];
	_ =	sdelay $0x3  }
0x17d: {  	v3 =	vsub.s32 v3, v2;
	v5, _, _ =	vpop (xrf0)  }
0x17e: {  	vm0 =	vlt.u32 v3, $0x2780;
	v3 =	vshll.u32 v3, $0xE;
	(v2sf) =	vpush v5, $0xF  }
0x17f: {  	v5 =	vsel vm0, $0x1, v0  }
0x180: {  	(xrf0) =	vadd.scan.msk.s32 $0xffff, v5;
	_ =	sdelay $0x5  }
0x181: {  	v5, _, _ =	vpop (xrf0)  }
0x182: {  	(v2sf) =	vpush v5, $0xF;
	_ =	sdelay $0x5  }
0x183: {  	s24 =	spop (v2sf)  }
0x184: {  	v3 =	vor.u32 v4, v3;
	s23 =	sadd.s32 s23, s24  }
0x185: {  	[tilespmem:s23+$0xCA00] =	vst.msk vm0, v3  }
0x186: {  	v3 =	vld [tilespmem:s21+$0xC4A0]  }
0x187: {  	v4 =	vld [tilespmem:s21+$0xC0A0];
	_ =	sdelay $0x3  }
0x188: {  	v3 =	vsub.s32 v3, v2  }
0x189: {  	vm0 =	vlt.u32 v3, $0x2780;
	v3 =	vshll.u32 v3, $0xE;
	s24 =	spop (v2sf)  }
0x18a: {  	s23 =	sadd.s32 s23, s24;
	v3 =	vor.u32 v4, v3;
	v4 =	vsel vm0, $0x1, v0  }
0x18b: {  	[tilespmem:s23+$0xCA00] =	vst.msk vm0, v3;
	(xrf0) =	vadd.scan.msk.s32 $0xffff, v4  }
0x18c: {  	v3 =	vld [tilespmem:s21+$0xC4B0]  }
0x18d: {  	v4 =	vld [tilespmem:s21+$0xC0B0];
	_ =	sdelay $0x3  }
0x18e: {  	v3 =	vsub.s32 v3, v2;
	v5, _, _ =	vpop (xrf0)  }
0x18f: {  	vm0 =	vlt.u32 v3, $0x2780;
	v3 =	vshll.u32 v3, $0xE;
	(v2sf) =	vpush v5, $0xF  }
0x190: {  	v5 =	vsel vm0, $0x1, v0  }
0x191: {  	(xrf0) =	vadd.scan.msk.s32 $0xffff, v5;
	_ =	sdelay $0x5  }
0x192: {  	v5, _, _ =	vpop (xrf0)  }
0x193: {  	(v2sf) =	vpush v5, $0xF;
	_ =	sdelay $0x5  }
0x194: {  	s24 =	spop (v2sf)  }
0x195: {  	v3 =	vor.u32 v4, v3;
	s23 =	sadd.s32 s23, s24  }
0x196: {  	[tilespmem:s23+$0xCA00] =	vst.msk vm0, v3  }
0x197: {  	v3 =	vld [tilespmem:s21+$0xC4C0]  }
0x198: {  	v4 =	vld [tilespmem:s21+$0xC0C0];
	_ =	sdelay $0x3  }
0x199: {  	v3 =	vsub.s32 v3, v2  }
0x19a: {  	vm0 =	vlt.u32 v3, $0x2780;
	v3 =	vshll.u32 v3, $0xE;
	s24 =	spop (v2sf)  }
0x19b: {  	s23 =	sadd.s32 s23, s24;
	v3 =	vor.u32 v4, v3;
	v4 =	vsel vm0, $0x1, v0  }
0x19c: {  	[tilespmem:s23+$0xCA00] =	vst.msk vm0, v3;
	(xrf0) =	vadd.scan.msk.s32 $0xffff, v4  }
0x19d: {  	v3 =	vld [tilespmem:s21+$0xC4D0]  }
0x19e: {  	v4 =	vld [tilespmem:s21+$0xC0D0];
	_ =	sdelay $0x3  }
0x19f: {  	v3 =	vsub.s32 v3, v2;
	v5, _, _ =	vpop (xrf0)  }
0x1a0: {  	vm0 =	vlt.u32 v3, $0x2780;
	v3 =	vshll.u32 v3, $0xE;
	(v2sf) =	vpush v5, $0xF  }
0x1a1: {  	v5 =	vsel vm0, $0x1, v0  }
0x1a2: {  	(xrf0) =	vadd.scan.msk.s32 $0xffff, v5;
	_ =	sdelay $0x5  }
0x1a3: {  	v5, _, _ =	vpop (xrf0)  }
0x1a4: {  	(v2sf) =	vpush v5, $0xF;
	_ =	sdelay $0x5  }
0x1a5: {  	s24 =	spop (v2sf)  }
0x1a6: {  	v3 =	vor.u32 v4, v3;
	s23 =	sadd.s32 s23, s24  }
0x1a7: {  	[tilespmem:s23+$0xCA00] =	vst.msk vm0, v3  }
0x1a8: {  	v3 =	vld [tilespmem:s21+$0xC4E0]  }
0x1a9: {  	v4 =	vld [tilespmem:s21+$0xC0E0];
	_ =	sdelay $0x3  }
0x1aa: {  	v3 =	vsub.s32 v3, v2  }
0x1ab: {  	vm0 =	vlt.u32 v3, $0x2780;
	v3 =	vshll.u32 v3, $0xE;
	s24 =	spop (v2sf)  }
0x1ac: {  	s23 =	sadd.s32 s23, s24;
	v3 =	vor.u32 v4, v3;
	v4 =	vsel vm0, $0x1, v0  }
0x1ad: {  	[tilespmem:s23+$0xCA00] =	vst.msk vm0, v3;
	(xrf0) =	vadd.scan.msk.s32 $0xffff, v4  }
0x1ae: {  	v3 =	vld [tilespmem:s21+$0xC4F0]  }
0x1af: {  	v4 =	vld [tilespmem:s21+$0xC0F0];
	_ =	sdelay $0x3  }
0x1b0: {  	v3 =	vsub.s32 v3, v2;
	v5, _, _ =	vpop (xrf0)  }
0x1b1: {  	vm0 =	vlt.u32 v3, $0x2780;
	v3 =	vshll.u32 v3, $0xE;
	(v2sf) =	vpush v5, $0xF  }
0x1b2: {  	v5 =	vsel vm0, $0x1, v0  }
0x1b3: {  	(xrf0) =	vadd.scan.msk.s32 $0xffff, v5;
	_ =	sdelay $0x5  }
0x1b4: {  	v5, _, _ =	vpop (xrf0)  }
0x1b5: {  	(v2sf) =	vpush v5, $0xF;
	_ =	sdelay $0x5  }
0x1b6: {  	s21 =	spop (v2sf)  }
0x1b7: {  	v3 =	vor.u32 v4, v3;
	s23 =	sadd.s32 s23, s21  }
0x1b8: {  	s21 =	sshra.s32 s17, $0x2;
	[tilespmem:s23+$0xCA00] =	vst.msk vm0, v3  }
0x1b9: {  	v4 =	vld [tilespmem:s21+$0xC400];
	_ =	sdelay $0x1  }
.Ltmp4:
0x1ba: {  	v3 =	vld [tilespmem:s21+$0xC000];
	(pc) =	sbr.rel @p0 .LBB2_4-.Ltmp4, $3  }
0x1bb: {  	_ =	sdelay $0x1  }
0x1bc: {  	v4 =	vsub.s32 v4, v2  }
0x1bd: {  	vm0 =	vlt.u32 v4, $0x2780;
	v4 =	vshll.u32 v4, $0xE;
	s17 =	spop (v2sf)  }
0x1be: {  	v3 =	vor.u32 v3, v4;
	v31 =	vsel vm0, $0x1, v0;
	s17 =	sadd.s32 s23, s17  }
0x1bf: {  	[tilespmem:s17+$0xCA00] =	vst.msk vm0, v3;
	(xrf0) =	vadd.scan.msk.s32 $0xffff, v31  }
0x1c0: {  	v3 =	vld [tilespmem:s21+$0xC410];
	_ =	sdelay $0x4  }
0x1c1: {  	v3 =	vsub.s32 v3, v2;
	v4, _, _ =	vpop (xrf0)  }
0x1c2: {  	vm13 =	vlt.u32 v3, $0x2780;
	(v2sf) =	vpush v4, $0xF  }
0x1c3: {  	v32 =	vsel vm13, $0x1, v0  }
0x1c4: {  	(xrf0) =	vadd.scan.msk.s32 $0xffff, v32;
	_ =	sdelay $0x5  }
0x1c5: {  	v4, _, _ =	vpop (xrf0)  }
0x1c6: {  	(v2sf) =	vpush v4, $0xF;
	_ =	sdelay $0x1  }
0x1c7: {  	v33 =	vld [tilespmem:s21+$0xC010];
	_ =	sdelay $0x3  }
0x1c8: {  	v3 =	vshll.u32 v3, $0xE;
	s22 =	spop (v2sf)  }
0x1c9: {  	v3 =	vor.u32 v33, v3;
	s17 =	sadd.s32 s17, s22  }
0x1ca: {  	[tilespmem:s17+$0xCA00] =	vst.msk vm13, v3  }
0x1cb: {  	v3 =	vld [tilespmem:s21+$0xC420];
	_ =	sdelay $0x1  }
0x1cc: {  	v34 =	vld [tilespmem:s21+$0xC020];
	_ =	sdelay $0x2  }
0x1cd: {  	v3 =	vsub.s32 v3, v2  }
0x1ce: {  	vm14 =	vlt.u32 v3, $0x2780;
	v3 =	vshll.u32 v3, $0xE;
	s24 =	spop (v2sf)  }
0x1cf: {  	s17 =	sadd.s32 s17, s24;
	v3 =	vor.u32 v34, v3;
	v35 =	vsel vm14, $0x1, v0  }
0x1d0: {  	[tilespmem:s17+$0xCA00] =	vst.msk vm14, v3;
	(xrf0) =	vadd.scan.msk.s32 $0xffff, v35  }
0x1d1: {  	v3 =	vld [tilespmem:s21+$0xC430];
	_ =	sdelay $0x4  }
0x1d2: {  	v3 =	vsub.s32 v3, v2;
	v4, _, _ =	vpop (xrf0)  }
0x1d3: {  	vm15 =	vlt.u32 v3, $0x2780;
	(v2sf) =	vpush v4, $0xF  }
0x1d4: {  	v36 =	vsel vm15, $0x1, v0  }
0x1d5: {  	(xrf0) =	vadd.scan.msk.s32 $0xffff, v36;
	_ =	sdelay $0x5  }
0x1d6: {  	v4, _, _ =	vpop (xrf0)  }
0x1d7: {  	(v2sf) =	vpush v4, $0xF;
	_ =	sdelay $0x1  }
0x1d8: {  	v37 =	vld [tilespmem:s21+$0xC030];
	_ =	sdelay $0x3  }
0x1d9: {  	v3 =	vshll.u32 v3, $0xE;
	s23 =	spop (v2sf)  }
0x1da: {  	v3 =	vor.u32 v37, v3;
	s17 =	sadd.s32 s17, s23  }
0x1db: {  	[tilespmem:s17+$0xCA00] =	vst.msk vm15, v3  }
0x1dc: {  	v3 =	vld [tilespmem:s21+$0xC440];
	_ =	sdelay $0x1  }
0x1dd: {  	v38 =	vld [tilespmem:s21+$0xC040];
	_ =	sdelay $0x2  }
0x1de: {  	v3 =	vsub.s32 v3, v2  }
0x1df: {  	vm4 =	vlt.u32 v3, $0x2780;
	v3 =	vshll.u32 v3, $0xE;
	s24 =	spop (v2sf)  }
0x1e0: {  	s17 =	sadd.s32 s17, s24;
	v3 =	vor.u32 v38, v3;
	v39 =	vsel vm4, $0x1, v0  }
0x1e1: {  	[tilespmem:s17+$0xCA00] =	vst.msk vm4, v3;
	(xrf0) =	vadd.scan.msk.s32 $0xffff, v39  }
0x1e2: {  	v3 =	vld [tilespmem:s21+$0xC450];
	_ =	sdelay $0x4  }
0x1e3: {  	v3 =	vsub.s32 v3, v2;
	v4, _, _ =	vpop (xrf0)  }
0x1e4: {  	vm5 =	vlt.u32 v3, $0x2780;
	(v2sf) =	vpush v4, $0xF  }
0x1e5: {  	v40 =	vsel vm5, $0x1, v0  }
0x1e6: {  	(xrf0) =	vadd.scan.msk.s32 $0xffff, v40;
	_ =	sdelay $0x5  }
0x1e7: {  	v4, _, _ =	vpop (xrf0)  }
0x1e8: {  	(v2sf) =	vpush v4, $0xF;
	_ =	sdelay $0x1  }
0x1e9: {  	v41 =	vld [tilespmem:s21+$0xC050];
	_ =	sdelay $0x3  }
0x1ea: {  	v3 =	vshll.u32 v3, $0xE;
	s23 =	spop (v2sf)  }
0x1eb: {  	v3 =	vor.u32 v41, v3;
	s17 =	sadd.s32 s17, s23  }
0x1ec: {  	[tilespmem:s17+$0xCA00] =	vst.msk vm5, v3  }
0x1ed: {  	v3 =	vld [tilespmem:s21+$0xC460];
	_ =	sdelay $0x1  }
0x1ee: {  	v42 =	vld [tilespmem:s21+$0xC060];
	_ =	sdelay $0x2  }
0x1ef: {  	v3 =	vsub.s32 v3, v2  }
0x1f0: {  	vm6 =	vlt.u32 v3, $0x2780;
	v3 =	vshll.u32 v3, $0xE;
	s24 =	spop (v2sf)  }
0x1f1: {  	s17 =	sadd.s32 s17, s24;
	v3 =	vor.u32 v42, v3;
	v43 =	vsel vm6, $0x1, v0  }
0x1f2: {  	[tilespmem:s17+$0xCA00] =	vst.msk vm6, v3;
	(xrf0) =	vadd.scan.msk.s32 $0xffff, v43  }
0x1f3: {  	v3 =	vld [tilespmem:s21+$0xC470];
	_ =	sdelay $0x4  }
0x1f4: {  	v3 =	vsub.s32 v3, v2;
	v4, _, _ =	vpop (xrf0)  }
0x1f5: {  	vm7 =	vlt.u32 v3, $0x2780;
	(v2sf) =	vpush v4, $0xF  }
0x1f6: {  	v44 =	vsel vm7, $0x1, v0  }
0x1f7: {  	(xrf0) =	vadd.scan.msk.s32 $0xffff, v44;
	_ =	sdelay $0x5  }
0x1f8: {  	v4, _, _ =	vpop (xrf0)  }
0x1f9: {  	(v2sf) =	vpush v4, $0xF;
	_ =	sdelay $0x1  }
0x1fa: {  	v45 =	vld [tilespmem:s21+$0xC070];
	_ =	sdelay $0x3  }
0x1fb: {  	v3 =	vshll.u32 v3, $0xE;
	s23 =	spop (v2sf)  }
0x1fc: {  	v3 =	vor.u32 v45, v3;
	s17 =	sadd.s32 s17, s23  }
0x1fd: {  	[tilespmem:s17+$0xCA00] =	vst.msk vm7, v3  }
0x1fe: {  	v3 =	vld [tilespmem:s21+$0xC480];
	_ =	sdelay $0x1  }
0x1ff: {  	v46 =	vld [tilespmem:s21+$0xC080];
	_ =	sdelay $0x2  }
0x200: {  	v3 =	vsub.s32 v3, v2  }
0x201: {  	vm8 =	vlt.u32 v3, $0x2780;
	v3 =	vshll.u32 v3, $0xE;
	s24 =	spop (v2sf)  }
0x202: {  	s17 =	sadd.s32 s17, s24;
	v3 =	vor.u32 v46, v3;
	v47 =	vsel vm8, $0x1, v0  }
0x203: {  	[tilespmem:s17+$0xCA00] =	vst.msk vm8, v3;
	(xrf0) =	vadd.scan.msk.s32 $0xffff, v47  }
0x204: {  	v3 =	vld [tilespmem:s21+$0xC490];
	_ =	sdelay $0x4  }
0x205: {  	v3 =	vsub.s32 v3, v2;
	v4, _, _ =	vpop (xrf0)  }
0x206: {  	vm9 =	vlt.u32 v3, $0x2780;
	(v2sf) =	vpush v4, $0xF  }
0x207: {  	v48 =	vsel vm9, $0x1, v0  }
0x208: {  	(xrf0) =	vadd.scan.msk.s32 $0xffff, v48;
	_ =	sdelay $0x5  }
0x209: {  	v4, _, _ =	vpop (xrf0)  }
0x20a: {  	(v2sf) =	vpush v4, $0xF;
	_ =	sdelay $0x1  }
0x20b: {  	v49 =	vld [tilespmem:s21+$0xC090];
	_ =	sdelay $0x3  }
0x20c: {  	v3 =	vshll.u32 v3, $0xE;
	s23 =	spop (v2sf)  }
0x20d: {  	v3 =	vor.u32 v49, v3;
	s17 =	sadd.s32 s17, s23  }
0x20e: {  	[tilespmem:s17+$0xCA00] =	vst.msk vm9, v3  }
0x20f: {  	v3 =	vld [tilespmem:s21+$0xC4A0];
	_ =	sdelay $0x1  }
0x210: {  	v50 =	vld [tilespmem:s21+$0xC0A0];
	_ =	sdelay $0x2  }
0x211: {  	v3 =	vsub.s32 v3, v2  }
0x212: {  	vm10 =	vlt.u32 v3, $0x2780;
	v3 =	vshll.u32 v3, $0xE;
	s24 =	spop (v2sf)  }
0x213: {  	s17 =	sadd.s32 s17, s24;
	v3 =	vor.u32 v50, v3;
	v51 =	vsel vm10, $0x1, v0  }
0x214: {  	[tilespmem:s17+$0xCA00] =	vst.msk vm10, v3;
	(xrf0) =	vadd.scan.msk.s32 $0xffff, v51  }
0x215: {  	v3 =	vld [tilespmem:s21+$0xC4B0];
	_ =	sdelay $0x4  }
0x216: {  	v3 =	vsub.s32 v3, v2;
	v4, _, _ =	vpop (xrf0)  }
0x217: {  	vm11 =	vlt.u32 v3, $0x2780;
	(v2sf) =	vpush v4, $0xF  }
0x218: {  	v52 =	vsel vm11, $0x1, v0  }
0x219: {  	(xrf0) =	vadd.scan.msk.s32 $0xffff, v52;
	_ =	sdelay $0x5  }
0x21a: {  	v4, _, _ =	vpop (xrf0)  }
0x21b: {  	(v2sf) =	vpush v4, $0xF;
	_ =	sdelay $0x1  }
0x21c: {  	v53 =	vld [tilespmem:s21+$0xC0B0];
	_ =	sdelay $0x3  }
0x21d: {  	v3 =	vshll.u32 v3, $0xE;
	s23 =	spop (v2sf)  }
0x21e: {  	v3 =	vor.u32 v53, v3;
	s17 =	sadd.s32 s17, s23  }
0x21f: {  	[tilespmem:s17+$0xCA00] =	vst.msk vm11, v3  }
0x220: {  	v3 =	vld [tilespmem:s21+$0xC4C0];
	_ =	sdelay $0x1  }
0x221: {  	v54 =	vld [tilespmem:s21+$0xC0C0];
	_ =	sdelay $0x2  }
0x222: {  	v3 =	vsub.s32 v3, v2  }
0x223: {  	vm12 =	vlt.u32 v3, $0x2780;
	v3 =	vshll.u32 v3, $0xE;
	s24 =	spop (v2sf)  }
0x224: {  	s17 =	sadd.s32 s17, s24;
	v3 =	vor.u32 v54, v3;
	v55 =	vsel vm12, $0x1, v0  }
0x225: {  	[tilespmem:s17+$0xCA00] =	vst.msk vm12, v3;
	(xrf0) =	vadd.scan.msk.s32 $0xffff, v55  }
0x226: {  	v3 =	vld [tilespmem:s21+$0xC4D0];
	_ =	sdelay $0x4  }
0x227: {  	v3 =	vsub.s32 v3, v2;
	v4, _, _ =	vpop (xrf0)  }
0x228: {  	vm13 =	vlt.u32 v3, $0x2780;
	(v2sf) =	vpush v4, $0xF  }
0x229: {  	v56 =	vsel vm13, $0x1, v0  }
0x22a: {  	(xrf0) =	vadd.scan.msk.s32 $0xffff, v56;
	_ =	sdelay $0x5  }
0x22b: {  	v4, _, _ =	vpop (xrf0)  }
0x22c: {  	(v2sf) =	vpush v4, $0xF;
	_ =	sdelay $0x1  }
0x22d: {  	v57 =	vld [tilespmem:s21+$0xC0D0];
	_ =	sdelay $0x3  }
0x22e: {  	v3 =	vshll.u32 v3, $0xE;
	s23 =	spop (v2sf)  }
0x22f: {  	v3 =	vor.u32 v57, v3;
	s17 =	sadd.s32 s17, s23  }
0x230: {  	[tilespmem:s17+$0xCA00] =	vst.msk vm13, v3  }
0x231: {  	v3 =	vld [tilespmem:s21+$0xC4E0];
	_ =	sdelay $0x1  }
0x232: {  	v58 =	vld [tilespmem:s21+$0xC0E0];
	_ =	sdelay $0x2  }
0x233: {  	v3 =	vsub.s32 v3, v2  }
0x234: {  	v5 =	vshll.u32 v3, $0xE;
	s24 =	spop (v2sf)  }
0x235: {  	vm14 =	vlt.u32 v3, $0x2780;
	s17 =	sadd.s32 s17, s24;
	v3 =	vor.u32 v58, v5  }
0x236: {  	[tilespmem:s17+$0xCA00] =	vst.msk vm14, v3  }
0x237: {  	v3 =	vld [tilespmem:s21+$0xC4F0];
	_ =	sdelay $0x4  }
0x238: {  	v3 =	vsub.s32 v3, v2  }
0x239: {  	v59 =	vsel vm14, $0x1, v0;
	vm15 =	vlt.u32 v3, $0x2780  }
0x23a: {  	(xrf0) =	vadd.scan.msk.s32 $0xffff, v59;
	v60 =	vsel vm15, $0x1, v0  }
0x23b: {  	(xrf0) =	vadd.scan.msk.s32 $0xffff, v60;
	_ =	sdelay $0x4  }
0x23c: {  	v61, _, _ =	vpop (xrf0)  }
0x23d: {  	(v2sf) =	vpush v61, $0xF;
	v62, _, _ =	vpop (xrf0)  }
0x23e: {  	(v2sf) =	vpush v62, $0xF;
	_ =	sdelay $0x9  }
0x23f: {  	s14 =	sadd.s32 $0x1, s14;
	v63 =	vld [tilespmem:s21+$0xC0F0]  }
0x240: {  	p0 =	sne.s32 s14, $0x25  }
.Ltmp5:
0x241: {  	_ = 	snop;
	(pc) =	sbr.rel @p0 .LBB2_3-.Ltmp5, $4  }
0x242: {  	_ = 	snop  }
0x243: {  	v3 =	vshll.u32 v3, $0xE;
	s23 =	spop (v2sf)  }
0x244: {  	v3 =	vor.u32 v63, v3;
	s17 =	sadd.s32 s17, s23;
	s24 =	spop (v2sf)  }
0x245: {  	[tilespmem:s17+$0xCA00] =	vst.msk vm15, v3;
	s21 =	sadd.s32 s17, s24  }
0x246: {  	s14 =	sadd.s32 $0xFF, s21  }
0x247: {  	s17 =	sand.u32 $0xFF, s14  }
0x248: {  	p0 =	slt.s32 s14, $0x1;
	p1 =	sne.s32 s17, $0x0  }
0x249: {  	p0 =	por !p0, !p1  }
0x24a: {  	s17 =	simm.s32 $0x1;
	p0 =	por !p0, !p0  }
0x24b: {  	s17 =	simm.s32 @!p0 $0x0;
	p0 =	slt.s32 s21, $0x1  }
.Ltmp6:
0x24c: {  	s20 =	sshra.s32 s14, $0x1F;
	(pc) =	sbr.rel @p0 .LBB2_8-.Ltmp6, $4  }
0x24d: {  	s24 =	sshrl.u32 s20, $0x18  }
0x24e: {  	s14 =	sadd.s32 s24, s14  }
0x24f: {  	s14 =	sshra.s32 s14, $0x8  }
0x250: {  	s17 =	ssub.s32 s14, s17  }
0x251: {  	s14 =	sshll.u32 s17, $0x8  }
0x252: {  	v2 =	vld [tilespmem:s14+$0xC900]  }
0x253: {  	v3 =	vld [tilespmem:s14+$0xC910]  }
0x254: {  	s20 =	sadd.s32 $0xFFFFFF00, s14;
	v4 =	vld [tilespmem:s14+$0xC920]  }
0x255: {  	s22 =	sadd.s32 $0xFFFFFF10, s14;
	v6 =	vld [tilespmem:s14+$0xC930];
	v5 =	vor.u32 s20, v1  }
0x256: {  	s23 =	sadd.s32 $0xFFFFFF20, s14;
	v7 =	vld [tilespmem:s14+$0xC940];
	v52 =	vor.u32 s22, v1;
	vm0 =	vlt.s32 v5, s21  }
0x257: {  	s24 =	sadd.s32 $0xFFFFFF30, s14;
	v8 =	vld [tilespmem:s14+$0xC950];
	v53 =	vor.u32 s23, v1;
	vm13 =	vlt.s32 v52, s21;
	v2 =	vnsel vm0, $0x9E00000, v2  }
0x258: {  	v54 =	vld [tilespmem:s14+$0xC960];
	s22 =	sadd.s32 $0xFFFFFF40, s14;
	vm14 =	vlt.s32 v53, s21;
	[tilespmem:s14+$0xC900] =	vst v2;
	v2 =	vnsel vm13, $0x9E00000, v3;
	v3 =	vor.u32 s24, v1  }
0x259: {  	v55 =	vld [tilespmem:s14+$0xC970];
	s23 =	sadd.s32 $0xFFFFFF50, s14;
	[tilespmem:s14+$0xC910] =	vst v2;
	v2 =	vnsel vm14, $0x9E00000, v4;
	vm15 =	vlt.s32 v3, s21;
	v3 =	vor.u32 s22, v1  }
0x25a: {  	v56 =	vld [tilespmem:s14+$0xC980];
	s24 =	sadd.s32 $0xFFFFFF60, s14;
	[tilespmem:s14+$0xC920] =	vst v2;
	v2 =	vnsel vm15, $0x9E00000, v6;
	vm4 =	vlt.s32 v3, s21;
	v3 =	vor.u32 s23, v1  }
0x25b: {  	v57 =	vld [tilespmem:s14+$0xC990];
	s22 =	sadd.s32 $0xFFFFFF70, s14;
	[tilespmem:s14+$0xC930] =	vst v2;
	v2 =	vnsel vm4, $0x9E00000, v7;
	vm5 =	vlt.s32 v3, s21;
	v3 =	vor.u32 s24, v1  }
0x25c: {  	v58 =	vld [tilespmem:s14+$0xC9A0];
	s23 =	sadd.s32 $0xFFFFFF80, s14;
	[tilespmem:s14+$0xC940] =	vst v2;
	v2 =	vnsel vm5, $0x9E00000, v8;
	vm6 =	vlt.s32 v3, s21;
	v3 =	vor.u32 s22, v1  }
0x25d: {  	v59 =	vld [tilespmem:s14+$0xC9B0];
	s24 =	sadd.s32 $0xFFFFFF90, s14;
	[tilespmem:s14+$0xC950] =	vst v2;
	v2 =	vnsel vm6, $0x9E00000, v54;
	vm7 =	vlt.s32 v3, s21;
	v3 =	vor.u32 s23, v1  }
0x25e: {  	v60 =	vld [tilespmem:s14+$0xC9C0];
	s22 =	sadd.s32 $0xFFFFFFA0, s14;
	[tilespmem:s14+$0xC960] =	vst v2;
	v2 =	vnsel vm7, $0x9E00000, v55;
	vm8 =	vlt.s32 v3, s21;
	v3 =	vor.u32 s24, v1  }
0x25f: {  	v61 =	vld [tilespmem:s14+$0xC9D0];
	s23 =	sadd.s32 $0xFFFFFFB0, s14;
	[tilespmem:s14+$0xC970] =	vst v2;
	v2 =	vnsel vm8, $0x9E00000, v56;
	vm9 =	vlt.s32 v3, s21;
	v3 =	vor.u32 s22, v1  }
0x260: {  	v62 =	vld [tilespmem:s14+$0xC9E0];
	s24 =	sadd.s32 $0xFFFFFFC0, s14;
	[tilespmem:s14+$0xC980] =	vst v2;
	v2 =	vnsel vm9, $0x9E00000, v57;
	vm10 =	vlt.s32 v3, s21;
	v3 =	vor.u32 s23, v1  }
0x261: {  	v63 =	vld [tilespmem:s14+$0xC9F0];
	s22 =	sadd.s32 $0xFFFFFFD0, s14;
	[tilespmem:s14+$0xC990] =	vst v2;
	v2 =	vnsel vm10, $0x9E00000, v58;
	vm11 =	vlt.s32 v3, s21;
	v3 =	vor.u32 s24, v1  }
0x262: {  	s23 =	sadd.s32 $0xFFFFFFE0, s14;
	[tilespmem:s14+$0xC9A0] =	vst v2;
	v2 =	vnsel vm11, $0x9E00000, v59;
	vm12 =	vlt.s32 v3, s21;
	v3 =	vor.u32 s22, v1  }
0x263: {  	s24 =	sadd.s32 $0xFFFFFFF0, s14;
	[tilespmem:s14+$0xC9B0] =	vst v2;
	v2 =	vnsel vm12, $0x9E00000, v60;
	vm13 =	vlt.s32 v3, s21;
	v3 =	vor.u32 s23, v1  }
0x264: {  	[tilespmem:s14+$0xC9C0] =	vst v2;
	v2 =	vnsel vm13, $0x9E00000, v61;
	vm14 =	vlt.s32 v3, s21;
	v3 =	vor.u32 s24, v1  }
0x265: {  	[tilespmem:s14+$0xC9D0] =	vst v2;
	v2 =	vnsel vm14, $0x9E00000, v62;
	vm15 =	vlt.s32 v3, s21  }
0x266: {  	[tilespmem:s14+$0xC9E0] =	vst v2;
	v2 =	vnsel vm15, $0x9E00000, v63  }
0x267: {  	[tilespmem:s14+$0xC9F0] =	vst v2  }
.LBB2_8:
0x268: {  	p0 =	slt.s32 s17, $0x1  }
.Ltmp7:
0x269: {  	_ = 	snop;
	(pc) =	sbr.rel @p0 .LBB2_12-.Ltmp7, $1  }
0x26a: {  	_ =	sdelay $0x3  }
0x26b: {  	s14 =	simm.s32 $0xCA80  }
0x26c: {  	v2 =	vld [tilespmem:s14+$0xFFFFFF80];
	_ =	sdelay $0x4  }
0x26d: {  	v3 =	vand.u32 $0x3FFF, v2  }
0x26e: {  	v2 =	vshra.s32 v2, $0xE;
	[tilespmem:$0xC800] =	vst v3  }
0x26f: {  	[tilespmem:$0xC900] =	vst v2  }
0x270: {  	v2 =	vld [tilespmem:s14+$0xFFFFFF90];
	_ =	sdelay $0x4  }
0x271: {  	v3 =	vand.u32 $0x3FFF, v2  }
0x272: {  	v2 =	vshra.s32 v2, $0xE;
	[tilespmem:$0xC810] =	vst v3  }
0x273: {  	[tilespmem:$0xC910] =	vst v2  }
0x274: {  	v2 =	vld [tilespmem:s14+$0xFFFFFFA0];
	_ =	sdelay $0x4  }
0x275: {  	v3 =	vand.u32 $0x3FFF, v2  }
0x276: {  	v2 =	vshra.s32 v2, $0xE;
	[tilespmem:$0xC820] =	vst v3  }
0x277: {  	[tilespmem:$0xC920] =	vst v2  }
0x278: {  	v2 =	vld [tilespmem:s14+$0xFFFFFFB0];
	_ =	sdelay $0x4  }
0x279: {  	v3 =	vand.u32 $0x3FFF, v2  }
0x27a: {  	v2 =	vshra.s32 v2, $0xE;
	[tilespmem:$0xC830] =	vst v3  }
0x27b: {  	[tilespmem:$0xC930] =	vst v2  }
0x27c: {  	v2 =	vld [tilespmem:s14+$0xFFFFFFC0];
	_ =	sdelay $0x4  }
0x27d: {  	v3 =	vand.u32 $0x3FFF, v2  }
0x27e: {  	v2 =	vshra.s32 v2, $0xE;
	[tilespmem:$0xC840] =	vst v3  }
0x27f: {  	[tilespmem:$0xC940] =	vst v2  }
0x280: {  	v2 =	vld [tilespmem:s14+$0xFFFFFFD0];
	_ =	sdelay $0x4  }
0x281: {  	v3 =	vand.u32 $0x3FFF, v2  }
0x282: {  	v2 =	vshra.s32 v2, $0xE;
	[tilespmem:$0xC850] =	vst v3  }
0x283: {  	[tilespmem:$0xC950] =	vst v2  }
0x284: {  	v2 =	vld [tilespmem:s14+$0xFFFFFFE0];
	_ =	sdelay $0x4  }
0x285: {  	v3 =	vand.u32 $0x3FFF, v2  }
0x286: {  	v2 =	vshra.s32 v2, $0xE;
	[tilespmem:$0xC860] =	vst v3  }
0x287: {  	[tilespmem:$0xC960] =	vst v2  }
0x288: {  	v2 =	vld [tilespmem:s14+$0xFFFFFFF0];
	_ =	sdelay $0x4  }
0x289: {  	v3 =	vand.u32 $0x3FFF, v2  }
0x28a: {  	v2 =	vshra.s32 v2, $0xE;
	[tilespmem:$0xC870] =	vst v3  }
0x28b: {  	[tilespmem:$0xC970] =	vst v2  }
0x28c: {  	v2 =	vld [tilespmem:s14+$0x0];
	_ =	sdelay $0x4  }
0x28d: {  	v3 =	vand.u32 $0x3FFF, v2  }
0x28e: {  	v2 =	vshra.s32 v2, $0xE;
	[tilespmem:$0xC880] =	vst v3  }
0x28f: {  	[tilespmem:$0xC980] =	vst v2  }
0x290: {  	v2 =	vld [tilespmem:s14+$0x10];
	_ =	sdelay $0x4  }
0x291: {  	v3 =	vand.u32 $0x3FFF, v2  }
0x292: {  	v2 =	vshra.s32 v2, $0xE;
	[tilespmem:$0xC890] =	vst v3  }
0x293: {  	[tilespmem:$0xC990] =	vst v2  }
0x294: {  	v2 =	vld [tilespmem:s14+$0x20];
	_ =	sdelay $0x4  }
0x295: {  	v3 =	vand.u32 $0x3FFF, v2  }
0x296: {  	v2 =	vshra.s32 v2, $0xE;
	[tilespmem:$0xC8A0] =	vst v3  }
0x297: {  	[tilespmem:$0xC9A0] =	vst v2  }
0x298: {  	v2 =	vld [tilespmem:s14+$0x30];
	_ =	sdelay $0x4  }
0x299: {  	v3 =	vand.u32 $0x3FFF, v2  }
0x29a: {  	v2 =	vshra.s32 v2, $0xE;
	[tilespmem:$0xC8B0] =	vst v3  }
0x29b: {  	[tilespmem:$0xC9B0] =	vst v2  }
0x29c: {  	v2 =	vld [tilespmem:s14+$0x40];
	_ =	sdelay $0x4  }
0x29d: {  	v3 =	vand.u32 $0x3FFF, v2  }
0x29e: {  	v2 =	vshra.s32 v2, $0xE;
	[tilespmem:$0xC8C0] =	vst v3  }
0x29f: {  	[tilespmem:$0xC9C0] =	vst v2  }
0x2a0: {  	v2 =	vld [tilespmem:s14+$0x50];
	_ =	sdelay $0x4  }
0x2a1: {  	v3 =	vand.u32 $0x3FFF, v2  }
0x2a2: {  	v2 =	vshra.s32 v2, $0xE;
	[tilespmem:$0xC8D0] =	vst v3  }
0x2a3: {  	[tilespmem:$0xC9D0] =	vst v2  }
0x2a4: {  	v2 =	vld [tilespmem:s14+$0x60];
	_ =	sdelay $0x4  }
0x2a5: {  	v3 =	vand.u32 $0x3FFF, v2  }
0x2a6: {  	v2 =	vshra.s32 v2, $0xE;
	[tilespmem:$0xC8E0] =	vst v3  }
0x2a7: {  	[tilespmem:$0xC9E0] =	vst v2  }
0x2a8: {  	v2 =	vld [tilespmem:s14+$0x70];
	_ =	sdelay $0x2  }
0x2a9: {  	p0 =	sne.s32 s17, $0x1  }
.Ltmp8:
0x2aa: {  	_ = 	snop;
	(pc) =	sbr.rel @!p0 .LBB2_11-.Ltmp8, $4  }
0x2ab: {  	v3 =	vand.u32 $0x3FFF, v2  }
0x2ac: {  	v2 =	vshra.s32 v2, $0xE;
	[tilespmem:$0xC8F0] =	vst v3  }
0x2ad: {  	s17 =	sadd.s32 $0xFFFFFFFF, s17;
	[tilespmem:$0xC9F0] =	vst v2  }
0x2ae: {  	[tilespmem:s6], [sflag:$0x2] =	stream.indirect.gather [hbm4b:s15+s2], $0x40, s25, s2, $0xb8;
	[tilespmem:$0x19F00] =	vst v63  }
.LBB2_10:
0x2af: {  	p0 =	sne.s32 s17, $0x1;
	s17 =	sadd.s32 $0xFFFFFFFF, s17;
	s14 =	sadd.s32 $0x100, s14  }
0x2b0: {  	[tilespmem:s11], [sflag:$0x2] =	stream.indirect.gather [hbm4b:s15+s2], $0x40, s10, s2, $0xb8;
	[tilespmem:$0x19F00] =	vst v63  }
0x2b1: {  	_ =	swait.ge [sflag:s12], $0x2000  }
0x2b2: {  	[sflag:s12] =	ssyncset.done $0x0  }
0x2b3: {  	[sflag:s12] =	ssyncadd.s32 $0xFFFFE000  }
0x2b4: {  	_ =	swait.ge [sflag:s12], $0x2000  }
0x2b5: {  	[sflag:s12] =	ssyncset.done $0x0  }
0x2b6: {  	[sflag:s12] =	ssyncadd.s32 $0xFFFFE000  }
0x2b7: {  	[spmem:s1] =	stream.indirect.scatter.add.f32 [tilespmem:s6], [sflag:$0x3], $0x40, s9, s2, $0xb8;
	[tilespmem:$0x19F00] =	vst v63  }
0x2b8: {  	_ = 	snop  }
0x2b9: {  	[spmem:s1] =	stream.indirect.scatter.add.f32 [tilespmem:s11], [sflag:$0x3], $0x40, s13, s2, $0xb8;
	[tilespmem:$0x19F00] =	vst v63  }
0x2ba: {  	_ =	swait.ge [sflag:s16], $0x2000  }
0x2bb: {  	[sflag:s16] =	ssyncset.done $0x0  }
0x2bc: {  	[sflag:s16] =	ssyncadd.s32 $0xFFFFE000  }
0x2bd: {  	_ =	swait.ge [sflag:s16], $0x2000  }
0x2be: {  	[sflag:s16] =	ssyncset.done $0x0  }
0x2bf: {  	[sflag:s16] =	ssyncadd.s32 $0xFFFFE000  }
0x2c0: {  	v2 =	vld [tilespmem:s14+$0xFFFFFF80];
	_ =	sdelay $0x4  }
0x2c1: {  	v3 =	vand.u32 $0x3FFF, v2;
	v2 =	vshra.s32 v2, $0xE  }
0x2c2: {  	[tilespmem:$0xC800] =	vst v3  }
0x2c3: {  	[tilespmem:$0xC900] =	vst v2  }
0x2c4: {  	v2 =	vld [tilespmem:s14+$0xFFFFFF90];
	_ =	sdelay $0x4  }
0x2c5: {  	v3 =	vand.u32 $0x3FFF, v2;
	v2 =	vshra.s32 v2, $0xE  }
0x2c6: {  	[tilespmem:$0xC810] =	vst v3  }
0x2c7: {  	[tilespmem:$0xC910] =	vst v2  }
0x2c8: {  	v2 =	vld [tilespmem:s14+$0xFFFFFFA0];
	_ =	sdelay $0x4  }
0x2c9: {  	v3 =	vand.u32 $0x3FFF, v2;
	v2 =	vshra.s32 v2, $0xE  }
0x2ca: {  	[tilespmem:$0xC820] =	vst v3  }
0x2cb: {  	[tilespmem:$0xC920] =	vst v2  }
0x2cc: {  	v2 =	vld [tilespmem:s14+$0xFFFFFFB0];
	_ =	sdelay $0x4  }
0x2cd: {  	v3 =	vand.u32 $0x3FFF, v2;
	v2 =	vshra.s32 v2, $0xE  }
0x2ce: {  	[tilespmem:$0xC830] =	vst v3  }
0x2cf: {  	[tilespmem:$0xC930] =	vst v2  }
0x2d0: {  	v2 =	vld [tilespmem:s14+$0xFFFFFFC0];
	_ =	sdelay $0x4  }
0x2d1: {  	v3 =	vand.u32 $0x3FFF, v2;
	v2 =	vshra.s32 v2, $0xE  }
0x2d2: {  	[tilespmem:$0xC840] =	vst v3  }
0x2d3: {  	[tilespmem:$0xC940] =	vst v2  }
0x2d4: {  	v2 =	vld [tilespmem:s14+$0xFFFFFFD0];
	_ =	sdelay $0x4  }
0x2d5: {  	v3 =	vand.u32 $0x3FFF, v2;
	v2 =	vshra.s32 v2, $0xE  }
0x2d6: {  	[tilespmem:$0xC850] =	vst v3  }
0x2d7: {  	[tilespmem:$0xC950] =	vst v2  }
0x2d8: {  	v2 =	vld [tilespmem:s14+$0xFFFFFFE0];
	_ =	sdelay $0x4  }
0x2d9: {  	v3 =	vand.u32 $0x3FFF, v2;
	v2 =	vshra.s32 v2, $0xE  }
0x2da: {  	[tilespmem:$0xC860] =	vst v3  }
0x2db: {  	[tilespmem:$0xC960] =	vst v2  }
0x2dc: {  	v2 =	vld [tilespmem:s14+$0xFFFFFFF0];
	_ =	sdelay $0x4  }
0x2dd: {  	v3 =	vand.u32 $0x3FFF, v2;
	v2 =	vshra.s32 v2, $0xE  }
0x2de: {  	[tilespmem:$0xC870] =	vst v3  }
0x2df: {  	[tilespmem:$0xC970] =	vst v2  }
0x2e0: {  	v2 =	vld [tilespmem:s14+$0x0];
	_ =	sdelay $0x4  }
0x2e1: {  	v3 =	vand.u32 $0x3FFF, v2;
	v2 =	vshra.s32 v2, $0xE  }
0x2e2: {  	[tilespmem:$0xC880] =	vst v3  }
0x2e3: {  	[tilespmem:$0xC980] =	vst v2  }
0x2e4: {  	v2 =	vld [tilespmem:s14+$0x10];
	_ =	sdelay $0x4  }
0x2e5: {  	v3 =	vand.u32 $0x3FFF, v2;
	v2 =	vshra.s32 v2, $0xE  }
0x2e6: {  	[tilespmem:$0xC890] =	vst v3  }
0x2e7: {  	[tilespmem:$0xC990] =	vst v2  }
0x2e8: {  	v2 =	vld [tilespmem:s14+$0x20];
	_ =	sdelay $0x4  }
0x2e9: {  	v3 =	vand.u32 $0x3FFF, v2;
	v2 =	vshra.s32 v2, $0xE  }
0x2ea: {  	[tilespmem:$0xC8A0] =	vst v3  }
0x2eb: {  	[tilespmem:$0xC9A0] =	vst v2  }
0x2ec: {  	v2 =	vld [tilespmem:s14+$0x30];
	_ =	sdelay $0x4  }
0x2ed: {  	v3 =	vand.u32 $0x3FFF, v2;
	v2 =	vshra.s32 v2, $0xE  }
0x2ee: {  	[tilespmem:$0xC8B0] =	vst v3  }
0x2ef: {  	[tilespmem:$0xC9B0] =	vst v2  }
0x2f0: {  	v2 =	vld [tilespmem:s14+$0x40];
	_ =	sdelay $0x4  }
0x2f1: {  	v3 =	vand.u32 $0x3FFF, v2;
	v2 =	vshra.s32 v2, $0xE  }
0x2f2: {  	[tilespmem:$0xC8C0] =	vst v3  }
0x2f3: {  	[tilespmem:$0xC9C0] =	vst v2  }
0x2f4: {  	v2 =	vld [tilespmem:s14+$0x50];
	_ =	sdelay $0x4  }
0x2f5: {  	v3 =	vand.u32 $0x3FFF, v2;
	v2 =	vshra.s32 v2, $0xE  }
0x2f6: {  	[tilespmem:$0xC8D0] =	vst v3  }
0x2f7: {  	[tilespmem:$0xC9D0] =	vst v2  }
0x2f8: {  	v2 =	vld [tilespmem:s14+$0x60];
	_ =	sdelay $0x4  }
0x2f9: {  	v3 =	vand.u32 $0x3FFF, v2;
	v2 =	vshra.s32 v2, $0xE  }
0x2fa: {  	[tilespmem:$0xC8E0] =	vst v3  }
0x2fb: {  	[tilespmem:$0xC9E0] =	vst v2  }
0x2fc: {  	v2 =	vld [tilespmem:s14+$0x70];
	_ =	sdelay $0x3  }
.Ltmp9:
0x2fd: {  	(pc) =	sbr.rel @p0 .LBB2_10-.Ltmp9, $4  }
0x2fe: {  	v3 =	vand.u32 $0x3FFF, v2;
	v2 =	vshra.s32 v2, $0xE  }
0x2ff: {  	[tilespmem:$0xC8F0] =	vst v3  }
0x300: {  	[tilespmem:$0xC9F0] =	vst v2  }
0x301: {  	[tilespmem:s6], [sflag:$0x2] =	stream.indirect.gather [hbm4b:s15+s2], $0x40, s25, s2, $0xb8;
	[tilespmem:$0x19F00] =	vst v63  }
.Ltmp10:
0x302: {  	_ = 	snop;
	(pc) =	sbr.rel .LBB2_11-.Ltmp10, $1  }
0x303: {  	_ =	sdelay $0x3  }
.LBB2_14:
0x304: {  	_ =	sfence.sel $0x180000  }
0x305: {  	[bflag:$0x0] =	sbarrier.arrive $0xFFFF  }
0x306: {  	_ =	strace $0x9000004D  }
0x307: {  	s0 =	stileid.u32;
	[bflag:$0x2] =	sbarrier.arrive $0xFFFF  }
0x308: {  	p0 =	sne.s32 s0, $0x0;
	s0 =	rddreg [dreg:$0x3]  }
0x309: {  	s0 =	sadd.s32 @!p0 $0x100000, s0  }
0x30a: {  	[sflag:s0] =	ssyncadd.tile.s32 @!p0 $0x1;
	_ =	shalt  }
.Lfunc_end2:
_tile_overlayer_lowered:
.L_overlay_start_2:
0x30b: {  	(tag) =	ssettag $0x2  }
0x30c: {  	s0 =	rddreg [dreg:$0x0];
	s2 =	stileid.u32  }
0x30d: {  	s1 =	rddreg [dreg:$0x1];
	p0 =	sne.s32 s2, $0x0  }
0x30e: {  	s3 =	rddreg [dreg:$0x2];
	[bflag:$0x3] =	sbarrier.arrive $0xFFFF;
	s2 =	simm.s32 @!p0 $0x1C04  }
0x30f: {  	[timem:s3], [sflag:s2] =	dma.local @!p0 [hbm:s0], s1  }
0x310: {  	s0 =	simm.s32 @!p0 $0x4  }
0x311: {  	_ =	swait.ge @!p0 [sflag:s0], s1  }
0x312: {  	s1 =	ssub.s32 @!p0 $0x0, s1;
	[sflag:s0] =	ssyncset.done @!p0 $0x0  }
0x313: {  	[sflag:s0] =	ssyncadd.s32 @!p0 s1  }
0x314: {  	[bflag:$0x3] =	sbarrier.arrive $0xFFFF  }
0x315: {  	_ =	shalt  }

// kernel: kernel.9.cloned.1.call-start
scs
__scs_entry_jumppad:
0x0: {  	(pc) =	sbr.rel $0x88, $3  }
0x1: {  	(tag) =	ssettag $0x0;
	lr =	simm.s32 $0x1  }
0x2: {  	[smem:$0x3F94] =	sst lr;
	_ =	strace $0xD0000000  }
0x3: {  	_ = 	snop  }
0x4: {  	_ = 	snop  }
0x5: {  	_ = 	snop  }
0x6: {  	_ = 	snop  }
0x7: {  	_ = 	snop  }
__scs_overlays_trampoline_lowered:
0x8: {  	[smem:$0x3FA3] =	sst s0  }
0x9: {  	[smem:$0x3FA4] =	sst s1  }
0xa: {  	[smem:$0x3FA5] =	sst s2  }
0xb: {  	[smem:$0x3FA6] =	sst s3  }
0xc: {  	[smem:$0x3FA7] =	sst s4  }
0xd: {  	[smem:$0x3FA8] =	sst s5  }
0xe: {  	[smem:$0x3FA9] =	sst s6  }
0xf: {  	[smem:$0x3FAA] =	sst s7  }
0x10: {  	[smem:$0x3FAB] =	sst s8  }
0x11: {  	[smem:$0x3FAC] =	sst s9;
	s0 =	simm.s32 @!p0 $0x0  }
0x12: {  	s1 =	sld [smem:$0x3F92];
	s0 =	simm.s32 @p0 $0x1  }
0x13: {  	[smem:$0x3FAD] =	sst s0;
	s0 =	simm.s32 @!p1 $0x0  }
0x14: {  	s2 =	sld [smem:$0x3F91];
	s0 =	simm.s32 @p1 $0x1  }
0x15: {  	[smem:$0x3FAE] =	sst s0;
	s0 =	simm.s32 @!p2 $0x0  }
0x16: {  	s3 =	sld [smem:$0x3FDB];
	s0 =	simm.s32 @p2 $0x1  }
0x17: {  	s4 =	simm.s32 $0x1BF5;
	[smem:$0x3FB0] =	sst s0  }
0x18: {  	s0 =	sld [smem:$0x3F93];
	_ =	swait.ge [sflag:s4], $0x0  }
0x19: {  	s7 =	sld [smem:$0x3F94]  }
0x1a: {  	s8 =	sadd.s32 $0xFFFFE003, lr  }
0x1b: {  	s9 =	sadd.s32 $0xFFFFFEF7, lr;
	s5 =	simm.s32 $0xFFFFFFFF;
	p2 =	slt.u32 s8, $0xFFFFF086  }
0x1c: {  	p1 =	slt.u32 s9, $0xF7A;
	s5 =	simm.s32 @!p2 $0x0  }
0x1d: {  	s5 =	simm.s32 @p1 $0x1;
	p0 =	seq.s32 s7, s2  }
0x1e: {  	s7 =	smul.u32 @!p0 $0xF7A, s2;
	p2 =	seq.s32 @!p0 s5, $0x0  }
0x1f: {  	s9 =	smul.u32 $0xF7A, s1;
	s8 =	simm.s32 @!p0 $0x1BF5;
	p2 =	por !p2, p0  }
0x20: {  	[sflag:s8] =	ssyncset.s32 @!p0 $0xFFFFF086;
	s6 =	sadd.s32 @!p0 s3, s7;
	s7 =	simm.s32 @!p0 $0x108  }
0x21: {  	s3 =	sadd.s32 s3, s9;
	s6 =	sadd.s32 @!p0 $0x88, s6;
	s7 =	simm.s32 @p2 $0x1082  }
0x22: {  	[simem:s7], [sflag:s8] =	dma.local @!p0 [hbm:s6], $0xF7A  }
0x23: {  	s9 =	sor.u32 $0xD0000000, s2;
	s6 =	simm.s32 $0x108;
	_ =	swait.ge @!p0 [sflag:s8], $0x0  }
0x24: {  	s3 =	sadd.s32 $0x88, s3;
	s6 =	simm.s32 @!p1 $0x1082;
	[sflag:s4] =	ssyncset.s32 $0xFFFFF086  }
0x25: {  	[simem:s6], [sflag:s4] =	dma.local [hbm:s3], $0xF7A  }
0x26: {  	[smem:$0x3F94] =	sst s1;
	(tag) =	ssettag s2;
	_ =	strace s9  }
0x27: {  	s1 =	sld [smem:$0x3FA4]  }
0x28: {  	s2 =	sld [smem:$0x3FA5]  }
0x29: {  	s4 =	sld [smem:$0x3FA7]  }
0x2a: {  	p0 =	seq.s32 s5, $0x0;
	s5 =	sld [smem:$0x3FA8]  }
0x2b: {  	s6 =	sld [smem:$0x3FA9]  }
0x2c: {  	s7 =	sld [smem:$0x3FAA]  }
0x2d: {  	s3 =	simm.s32 $0x108;
	s8 =	sld [smem:$0x3FAB]  }
0x2e: {  	s3 =	simm.s32 @!p0 $0x1082;
	s9 =	sld [smem:$0x3FAC]  }
0x2f: {  	lr =	sadd.s32 s0, s3;
	s0 =	sld [smem:$0x3FA3]  }
0x30: {  	s3 =	sld [smem:$0x3FA6]  }
0x31: {  	[smem:$0x3FAF] =	sst s10  }
0x32: {  	s10 =	sld [smem:$0x3FAD];
	_ =	sdelay $0x3  }
0x33: {  	p0 =	seq.s32 s10, $0x1;
	s10 =	sld [smem:$0x3FAF];
	_ =	sdelay $0x3  }
0x34: {  	[smem:$0x3FAF] =	sst s10  }
0x35: {  	s10 =	sld [smem:$0x3FAE];
	_ =	sdelay $0x3  }
0x36: {  	p1 =	seq.s32 s10, $0x1;
	s10 =	sld [smem:$0x3FAF];
	_ =	sdelay $0x3  }
0x37: {  	[smem:$0x3FAF] =	sst s10  }
0x38: {  	s10 =	sld [smem:$0x3FB0]  }
0x39: {  	_ = 	snop;
	(pc) =	sbr.ind lr, $3  }
0x3a: {  	_ = 	snop  }
0x3b: {  	_ = 	snop  }
0x3c: {  	p2 =	seq.s32 s10, $0x1;
	s10 =	sld [smem:$0x3FAF]  }
0x3d: {  	_ =	shalt  }
0x3e: {  	_ =	shalt  }
0x3f: {  	_ =	shalt  }
0x40: {  	_ =	shalt  }
0x41: {  	_ =	shalt  }
0x42: {  	_ =	shalt  }
0x43: {  	_ =	shalt  }
0x44: {  	_ =	shalt  }
0x45: {  	_ =	shalt  }
0x46: {  	_ =	shalt  }
0x47: {  	_ =	shalt  }
0x48: {  	_ =	shalt  }
0x49: {  	_ =	shalt  }
0x4a: {  	_ =	shalt  }
0x4b: {  	_ =	shalt  }
0x4c: {  	_ =	shalt  }
0x4d: {  	_ =	shalt  }
0x4e: {  	_ =	shalt  }
0x4f: {  	_ =	shalt  }
0x50: {  	_ =	shalt  }
0x51: {  	_ =	shalt  }
0x52: {  	_ =	shalt  }
0x53: {  	_ =	shalt  }
0x54: {  	_ =	shalt  }
0x55: {  	_ =	shalt  }
0x56: {  	_ =	shalt  }
0x57: {  	_ =	shalt  }
0x58: {  	_ =	shalt  }
0x59: {  	_ =	shalt  }
0x5a: {  	_ =	shalt  }
0x5b: {  	_ =	shalt  }
0x5c: {  	_ =	shalt  }
0x5d: {  	_ =	shalt  }
0x5e: {  	_ =	shalt  }
0x5f: {  	_ =	shalt  }
0x60: {  	_ =	shalt  }
0x61: {  	_ =	shalt  }
0x62: {  	_ =	shalt  }
0x63: {  	_ =	shalt  }
0x64: {  	_ =	shalt  }
0x65: {  	_ =	shalt  }
0x66: {  	_ =	shalt  }
0x67: {  	_ =	shalt  }
0x68: {  	_ =	shalt  }
0x69: {  	_ =	shalt  }
0x6a: {  	_ =	shalt  }
0x6b: {  	_ =	shalt  }
0x6c: {  	_ =	shalt  }
0x6d: {  	_ =	shalt  }
0x6e: {  	_ =	shalt  }
0x6f: {  	_ =	shalt  }
0x70: {  	_ =	shalt  }
0x71: {  	_ =	shalt  }
0x72: {  	_ =	shalt  }
0x73: {  	_ =	shalt  }
0x74: {  	_ =	shalt  }
0x75: {  	_ =	shalt  }
0x76: {  	_ =	shalt  }
0x77: {  	_ =	shalt  }
0x78: {  	_ =	shalt  }
0x79: {  	_ =	shalt  }
0x7a: {  	_ =	shalt  }
0x7b: {  	_ =	shalt  }
0x7c: {  	_ =	shalt  }
0x7d: {  	_ =	shalt  }
0x7e: {  	_ =	shalt  }
0x7f: {  	_ =	shalt  }
0x80: {  	_ =	shalt  }
0x81: {  	_ =	shalt  }
0x82: {  	_ =	shalt  }
0x83: {  	_ =	shalt  }
0x84: {  	_ =	shalt  }
0x85: {  	_ =	shalt  }
0x86: {  	_ =	shalt  }
0x87: {  	_ =	shalt  }
.Lfunc_end0:
.L_simem_size_0:
called_computation_lowered:
.L_overlay_start_0:
0x88: {  	s2 =	sld [smem:$0x3FD9]  }
0x89: {  	s3 =	sld [smem:$0x3FFE];
	_ =	sdelay $0x1  }
0x8a: {  	s1 =	srdreg.scid  }
0x8b: {  	s0 =	sand.u32 $0x1, s1  }
0x8c: {  	s17 =	sshll.u32 s0, $0xA;
	s2 =	sadd.s32 s3, s2  }
0x8d: {  	s2 =	sadd.s32 s2, s17  }
0x8e: {  	[smem:$0x3FBB] =	sst s2  }
0x8f: {  	_ = 	snop  }
0x90: {  	s2 =	sld [smem:$0x3FD0];
	(tm) =	ssettm $0x1  }
0x91: {  	s18 =	sld [smem:$0x3FFB];
	_ =	sdelay $0x3  }
0x92: {  	_ =	strace s18  }
0x93: {  	s3 =	sld [smem:$0x3FFC];
	_ =	sdelay $0x3  }
0x94: {  	_ =	strace s3  }
0x95: {  	s3 =	sld [smem:$0x3FFD];
	_ =	sdelay $0x3  }
0x96: {  	_ =	strace s3  }
0x97: {  	_ =	strace $0x8FFFFFFF  }
0x98: {  	s19 =	sld [smem:$0x3FDB];
	_ =	sdelay $0x1  }
0x99: {  	s4 =	simm.s32 $_scs_section_size  }
0x9a: {  	s5 =	simm.s32 $_size__tile_overlayer_lowered;
	s6 =	simm.s32 $_tile_overlayer_lowered  }
0x9b: {  	s22 =	simm.s32 $0x1BFF;
	s21 =	sshll.u32 s6, $0x1;
	s3 =	sadd.s32 s4, s19  }
0x9c: {  	s7 =	simm.s32 $0x0;
	s20 =	sshll.u32 s5, $0x1;
	s5 =	sadd.s32 s21, s3  }
0x9d: {  	[timem:s7], [sflag:s22] =	dma.local [hbm:s5], s20  }
0x9e: {  	_ =	swait.ge [sflag:s22], s20  }
0x9f: {  	s4 =	ssub.s32 $0x0, s20;
	[sflag:s22] =	ssyncset.done $0x0  }
0xa0: {  	[sflag:s22] =	ssyncadd.s32 s4;
	_ =	sdelay $0x1  }
0xa1: {  	s23 =	simm.s32 $0x1B8B  }
0xa2: {  	_ =	swait.ge [sflag:s23], $0x1  }
0xa3: {  	[sflag:s23] =	ssyncset.done $0x0  }
0xa4: {  	s25 =	simm.s32 $0x1B8E;
	s24 =	sld [smem:$0x3FFE];
	[sflag:s23] =	ssyncadd.s32 $0xFFFFFFFF  }
0xa5: {  	s26 =	simm.s32 $execute0_lowered;
	[smem:$0x3FD2] =	sst s25  }
0xa6: {  	s5 =	sshll.u32 s26, $0x1;
	_ =	strace $0x80000046;
	[dreg:$0x1] =	wrdreg $0xFFFFFFFF  }
0xa7: {  	s28 =	simm.s32 $_size_execute0_lowered;
	s3 =	sadd.s32 s3, s5;
	[dreg:$0x0] =	wrdreg $0x0  }
0xa8: {  	s5 =	sshll.u32 s28, $0x1;
	[dreg:$0x2] =	wrdreg s3  }
0xa9: {  	[dreg:$0x3] =	wrdreg s5  }
0xaa: {  	[dreg:$0x4] =	wrdreg $0xC0  }
0xab: {  	_ =	task [dreg:s7], $0x5FFFF  }
0xac: {  	[dreg:$0x1] =	wrdreg $0xFFFFFFFF  }
0xad: {  	[dreg:$0x0] =	wrdreg $0x60  }
0xae: {  	[dreg:$0x2] =	wrdreg s24  }
0xaf: {  	[dreg:$0x3] =	wrdreg s2  }
0xb0: {  	[dreg:$0x4] =	wrdreg $0x0  }
0xb1: {  	[dreg:$0x5] =	wrdreg $0x9  }
0xb2: {  	_ =	task.clear_ibuf [dreg:s7], $0x6FFFF;
	_ =	strace $0x90000046  }
0xb3: {  	s29 =	simm.s32 $0x9;
	_ =	strace $0x80000048  }
0xb4: {  	_ =	swait.ge [sflag:s29], $0x1  }
0xb5: {  	[sflag:s29] =	ssyncadd.s32 $0xFFFFFFFF  }
0xb6: {  	_ =	strace $0x90000048  }
0xb7: {  	_ =	sfence  }
0xb8: {  	s30 =	sld [smem:$0x0];
	_ =	sdelay $0x2  }
0xb9: {  	s31 =	sshll.u32 s1, $0xD;
	s1 =	sshrl.u32 s1, $0x2  }
0xba: {  	s3 =	sand.u32 $0x4000, s31;
	s1 =	sadd.s32 s1, s30  }
0xbb: {  	s0 =	sor.u32 s3, s0;
	s1 =	sshll.u32 s1, $0x11  }
0xbc: {  	s0 =	sor.u32 s1, s0  }
0xbd: {  	s0 =	sadd.s32 $0x8F2B, s0  }
0xbe: {  	[sflag:s0] =	ssyncadd.remote.s32 $0x1  }
0xbf: {  	_ =	sfence.sel $0xFFFF  }
0xc0: {  	[dreg:$0x0] =	wrdreg $0xFFFFFFFF;
	(pc) =	sbr.abs _section_cstart, $3  }
0xc1: {  	[dreg:$0x1] =	wrdreg $0xFFFFFFFF  }
0xc2: {  	_ =	task.clear_ibuf [dreg:s7], $0x2FFFF;
	_ =	strace $0x9FFFFFFF  }
0xc3: {  	(tm) =	ssettm $0x7FFFFFFF  }
tec
execute0_lowered:
.L_overlay_start_1:
0x0: {  	(tag) =	ssettag $0x1  }
0x1: {  	s0 =	rddreg [dreg:$0x0]  }
0x2: {  	s2 =	rddreg [dreg:$0x1]  }
0x3: {  	s1 =	rddreg [dreg:$0x2];
	s3 =	srdreg.scid  }
0x4: {  	s7 =	stileid.u32;
	s28 =	simm.s32 $0x2;
	s30 =	simm.s32 $0xC380  }
0x5: {  	s31 =	simm.s32 $0xC000;
	s4 =	sand.u32 $0x1, s3;
	s6 =	smul.u32 $0x1280, s7  }
0x6: {  	s3 =	simm.s32 $0x0;
	s7 =	smul.u32 $0x9E00, s7;
	s9 =	sadd.s32 $0xD9200, s0  }
0x7: {  	s5 =	smul.u32 $0x61A80, s4;
	[smem:$0x7FF] =	sst s3;
	s22 =	ssub.s32 $0x2, s4  }
0x8: {  	s4 =	smul.u32 $0x9E000, s4;
	_ =	strace $0x80000047;
	s8 =	sadd.s32 s6, s0  }
0x9: {  	[dreg:$0xa] =	wrdreg s9;
	s10 =	sshrl.u32 s22, $0x1;
	s11 =	sadd.s32 $0x2000, s7  }
0xa: {  	s23 =	sadd.s32 s7, s1;
	s12 =	sadd.s32 $0x4000, s7;
	s13 =	sadd.s32 $0x6000, s7  }
0xb: {  	s14 =	sadd.s32 $0x8000, s7;
	s5 =	sadd.s32 s5, s0;
	s0 =	sadd.s32 $0xD9600, s0  }
0xc: {  	s9 =	ssub.s32 s22, s10;
	[dreg:$0xb] =	wrdreg s23;
	s17 =	sadd.s32 s11, s1  }
0xd: {  	s24 =	sadd.s32 s12, s1;
	s15 =	sadd.s32 s13, s1;
	s25 =	sadd.s32 s14, s1  }
0xe: {  	s7 =	sadd.s32 s7, s4;
	s11 =	sadd.s32 s4, s11;
	s16 =	sadd.s32 s4, s12  }
0xf: {  	s18 =	sadd.s32 s4, s13;
	s4 =	sadd.s32 s4, s14;
	s20 =	sadd.s32 $0xC6A00, s8  }
0x10: {  	s22 =	sadd.s32 s6, s2;
	s23 =	simm.s32 $0xBE80;
	s2 =	simm.s32 $0xC080  }
0x11: {  	s12 =	simm.s32 $0x18600;
	s13 =	simm.s32 $0xC180;
	[dreg:$0xd] =	wrdreg s24  }
0x12: {  	s14 =	simm.s32 $0x1A600;
	s6 =	simm.s32 $0xC580;
	[dreg:$0xf] =	wrdreg s25  }
0x13: {  	s10 =	sadd.s32 $0x3400, s5;
	s26 =	sshrl.u32 s7, $0x3;
	s29 =	sshrl.u32 s11, $0x3  }
0x14: {  	s19 =	sshrl.u32 s18, $0x3;
	s4 =	sshrl.u32 s4, $0x3;
	[dreg:$0x4] =	wrdreg s20  }
0x15: {  	s21 =	smax.u32 s9, $0x1;
	s9 =	smov.u32 s15;
	[dreg:$0x5] =	wrdreg s22  }
0x16: {  	s18 =	simm.s32 $0x9E00;
	s20 =	simm.s32 $0xC200;
	[dreg:$0x6] =	wrdreg s23  }
0x17: {  	s24 =	simm.s32 $0xBF00;
	s22 =	simm.s32 $0x80;
	[dreg:$0xc] =	wrdreg s17  }
0x18: {  	s25 =	simm.s32 $0xBF80;
	s23 =	simm.s32 $0xC600;
	[dreg:$0x15] =	wrdreg s21  }
0x19: {  	s15 =	simm.s32 $0xC400;
	s7 =	simm.s32 $0x3;
	[dreg:$0x7] =	wrdreg s24  }
0x1a: {  	s5 =	sadd.s32 s0, s26;
	s11 =	sadd.s32 s0, s29;
	[dreg:$0x8] =	wrdreg s25  }
0x1b: {  	s21 =	simm.s32 $0x1;
	s26 =	simm.s32 $0xC280;
	[dreg:$0xe] =	wrdreg s9  }
0x1c: {  	s24 =	simm.s32 $0xE600;
	s25 =	simm.s32 $0x10600;
	[dreg:$0x10] =	wrdreg s5  }
0x1d: {  	s29 =	simm.s32 $0x0;
	[dreg:$0x11] =	wrdreg s11;
	s5 =	sshrl.u32 s16, $0x3  }
0x1e: {  	[dreg:$0x9] =	wrdreg s26;
	s26 =	simm.s32 $0x12600;
	s11 =	simm.s32 $0xC100  }
0x1f: {  	s16 =	simm.s32 $0xC480;
	[dreg:$0x16] =	wrdreg s29;
	s5 =	sadd.s32 s0, s5  }
0x20: {  	[dreg:$0x12] =	wrdreg s5;
	s5 =	sadd.s32 s0, s19;
	s0 =	sadd.s32 s0, s4  }
0x21: {  	s19 =	simm.s32 $0xBE00;
	s4 =	simm.s32 $0x16600;
	[dreg:$0x13] =	wrdreg s5  }
0x22: {  	[dreg:$0x14] =	wrdreg s0;
	s0 =	simm.s32 $0x14600;
	s5 =	simm.s32 $0xC500  }
.LBB2_1:
0x23: {  	s8 =	rddreg [dreg:$0xa]  }
0x24: {  	[tilespmem:s18], [sflag:$0x4] =	stream.linear.gather [hbm4b:s8+s3], $0x2000, $0x38;
	[tilespmem:$0x1C600] =	vst v63  }
0x25: {  	s8 =	simm.s32 $0x4  }
0x26: {  	_ =	swait.ge [sflag:s8], $0x2000  }
0x27: {  	[sflag:s8] =	ssyncset.done $0x0  }
0x28: {  	s29 =	rddreg [dreg:$0xb];
	[sflag:s8] =	ssyncadd.s32 $0xFFFFE000  }
0x29: {  	[spmem:s29] =	stream.linear.scatter [tilespmem:s18], [sflag:$0x4], $0x2000, $0x38;
	[tilespmem:$0x1C600] =	vst v63  }
0x2a: {  	_ =	swait.ge [sflag:s8], $0x2000  }
0x2b: {  	[sflag:s8] =	ssyncset.done $0x0  }
0x2c: {  	[sflag:s8] =	ssyncadd.s32 $0xFFFFE000  }
0x2d: {  	[spmem:s17] =	stream.linear.scatter [tilespmem:s18], [sflag:$0x4], $0x2000, $0x38;
	[tilespmem:$0x1C600] =	vst v63  }
0x2e: {  	_ =	swait.ge [sflag:s8], $0x2000  }
0x2f: {  	[sflag:s8] =	ssyncset.done $0x0  }
0x30: {  	s29 =	rddreg [dreg:$0xd];
	[sflag:s8] =	ssyncadd.s32 $0xFFFFE000  }
0x31: {  	[spmem:s29] =	stream.linear.scatter [tilespmem:s18], [sflag:$0x4], $0x2000, $0x38;
	[tilespmem:$0x1C600] =	vst v63  }
0x32: {  	_ =	swait.ge [sflag:s8], $0x2000  }
0x33: {  	[sflag:s8] =	ssyncset.done $0x0  }
0x34: {  	[sflag:s8] =	ssyncadd.s32 $0xFFFFE000  }
0x35: {  	[spmem:s9] =	stream.linear.scatter [tilespmem:s18], [sflag:$0x4], $0x2000, $0x38;
	[tilespmem:$0x1C600] =	vst v63  }
0x36: {  	_ =	swait.ge [sflag:s8], $0x2000  }
0x37: {  	[sflag:s8] =	ssyncset.done $0x0  }
0x38: {  	s17 =	rddreg [dreg:$0xf];
	[sflag:s8] =	ssyncadd.s32 $0xFFFFE000  }
0x39: {  	[spmem:s17] =	stream.linear.scatter [tilespmem:s18], [sflag:$0x4], $0x1E00, $0x38;
	[tilespmem:$0x1C600] =	vst v63  }
0x3a: {  	_ =	swait.ge [sflag:s8], $0x1E00  }
0x3b: {  	[sflag:s8] =	ssyncset.done $0x0  }
0x3c: {  	[sflag:s8] =	ssyncadd.s32 $0xFFFFE200  }
0x3d: {  	[bflag:$0x0] =	sbarrier.arrive $0xFFFF  }
0x3e: {  	s18 =	rddreg [dreg:$0x5]  }
0x3f: {  	s29 =	rddreg [dreg:$0x4];
	s8 =	sadd.s32 $0x0, s18  }
0x40: {  	[tilespmem:s19], [sflag:$0x1] =	stream.linear.gather [hbm4b:s8+s3], $0x400, $0x38;
	[tilespmem:$0x1C600] =	vst v63  }
0x41: {  	s17 =	sadd.s32 $0x0, s29  }
0x42: {  	[tilespmem:s20], [sflag:$0x1] =	stream.linear.gather [hbm4b:s17+s3], $0x400, $0x38;
	[tilespmem:$0x1C600] =	vst v63  }
0x43: {  	_ =	swait.ge [sflag:s21], $0x400  }
0x44: {  	[sflag:s21] =	ssyncset.done $0x0  }
0x45: {  	[sflag:s21] =	ssyncadd.s32 $0xFFFFFC00  }
0x46: {  	_ =	swait.ge [sflag:s21], $0x400  }
0x47: {  	[sflag:s21] =	ssyncset.done $0x0  }
0x48: {  	[sflag:s21] =	ssyncadd.s32 $0xFFFFFC00  }
0x49: {  	[tilespmem:s23], [sflag:$0x2] =	stream.indirect.gather [hbm4b:s10+s22], $0x40, s19, s22, $0xb8;
	[tilespmem:$0x1C600] =	vst v63  }
0x4a: {  	s18 =	rddreg [dreg:$0x6]  }
0x4b: {  	[tilespmem:s24], [sflag:$0x2] =	stream.indirect.gather [hbm4b:s10+s22], $0x40, s18, s22, $0xb8;
	[tilespmem:$0x1C600] =	vst v63  }
0x4c: {  	s29 =	rddreg [dreg:$0x7]  }
0x4d: {  	[tilespmem:s25], [sflag:$0x2] =	stream.indirect.gather [hbm4b:s10+s22], $0x40, s29, s22, $0xb8;
	[tilespmem:$0x1C600] =	vst v63  }
0x4e: {  	s17 =	rddreg [dreg:$0x8]  }
0x4f: {  	[tilespmem:s26], [sflag:$0x2] =	stream.indirect.gather [hbm4b:s10+s22], $0x40, s17, s22, $0xb8;
	[tilespmem:$0x1C600] =	vst v63  }
0x50: {  	_ =	swait.ge [sflag:s28], $0x2000  }
0x51: {  	[sflag:s28] =	ssyncset.done $0x0  }
0x52: {  	[sflag:s28] =	ssyncadd.s32 $0xFFFFE000  }
0x53: {  	_ =	swait.ge [sflag:s28], $0x2000  }
0x54: {  	[sflag:s28] =	ssyncset.done $0x0  }
0x55: {  	[sflag:s28] =	ssyncadd.s32 $0xFFFFE000  }
0x56: {  	_ =	swait.ge [sflag:s28], $0x2000  }
0x57: {  	[sflag:s28] =	ssyncset.done $0x0  }
0x58: {  	[sflag:s28] =	ssyncadd.s32 $0xFFFFE000  }
0x59: {  	_ =	swait.ge [sflag:s28], $0x2000  }
0x5a: {  	[sflag:s28] =	ssyncset.done $0x0  }
0x5b: {  	[sflag:s28] =	ssyncadd.s32 $0xFFFFE000  }
0x5c: {  	[spmem:s1] =	stream.indirect.scatter.add.f32 [tilespmem:s23], [sflag:$0x3], $0x40, s20, s22, $0xb8;
	[tilespmem:$0x1C600] =	vst v63  }
0x5d: {  	s18 =	rddreg [dreg:$0x9]  }
0x5e: {  	[spmem:s1] =	stream.indirect.scatter.add.f32 [tilespmem:s24], [sflag:$0x3], $0x40, s18, s22, $0xb8;
	[tilespmem:$0x1C600] =	vst v63  }
0x5f: {  	s29 =	simm.s32 $0xC300  }
0x60: {  	[spmem:s1] =	stream.indirect.scatter.add.f32 [tilespmem:s25], [sflag:$0x3], $0x40, s29, s22, $0xb8;
	[tilespmem:$0x1C600] =	vst v63  }
0x61: {  	_ = 	snop  }
0x62: {  	[spmem:s1] =	stream.indirect.scatter.add.f32 [tilespmem:s26], [sflag:$0x3], $0x40, s30, s22, $0xb8;
	[tilespmem:$0x1C600] =	vst v63  }
0x63: {  	_ = 	snop  }
0x64: {  	[tilespmem:s0], [sflag:$0x2] =	stream.indirect.gather [hbm4b:s10+s22], $0x40, s31, s22, $0xb8;
	[tilespmem:$0x1C600] =	vst v63  }
0x65: {  	_ = 	snop  }
0x66: {  	[tilespmem:s4], [sflag:$0x2] =	stream.indirect.gather [hbm4b:s10+s22], $0x40, s2, s22, $0xb8;
	[tilespmem:$0x1C600] =	vst v63  }
0x67: {  	_ = 	snop  }
0x68: {  	[tilespmem:s12], [sflag:$0x2] =	stream.indirect.gather [hbm4b:s10+s22], $0x40, s11, s22, $0xb8;
	[tilespmem:$0x1C600] =	vst v63  }
0x69: {  	_ = 	snop  }
0x6a: {  	[tilespmem:s14], [sflag:$0x2] =	stream.indirect.gather [hbm4b:s10+s22], $0x40, s13, s22, $0xb8;
	[tilespmem:$0x1C600] =	vst v63  }
0x6b: {  	_ =	swait.ge [sflag:s28], $0x2000  }
0x6c: {  	[sflag:s28] =	ssyncset.done $0x0  }
0x6d: {  	[sflag:s28] =	ssyncadd.s32 $0xFFFFE000  }
0x6e: {  	_ =	swait.ge [sflag:s28], $0x2000  }
0x6f: {  	[sflag:s28] =	ssyncset.done $0x0  }
0x70: {  	[sflag:s28] =	ssyncadd.s32 $0xFFFFE000  }
0x71: {  	_ =	swait.ge [sflag:s28], $0x2000  }
0x72: {  	[sflag:s28] =	ssyncset.done $0x0  }
0x73: {  	[sflag:s28] =	ssyncadd.s32 $0xFFFFE000  }
0x74: {  	_ =	swait.ge [sflag:s28], $0x2000  }
0x75: {  	[sflag:s28] =	ssyncset.done $0x0  }
0x76: {  	[sflag:s28] =	ssyncadd.s32 $0xFFFFE000  }
0x77: {  	[spmem:s1] =	stream.indirect.scatter.add.f32 [tilespmem:s0], [sflag:$0x3], $0x40, s15, s22, $0xb8;
	[tilespmem:$0x1C600] =	vst v63  }
0x78: {  	_ = 	snop  }
0x79: {  	[spmem:s1] =	stream.indirect.scatter.add.f32 [tilespmem:s4], [sflag:$0x3], $0x40, s16, s22, $0xb8;
	[tilespmem:$0x1C600] =	vst v63  }
0x7a: {  	_ = 	snop  }
0x7b: {  	[spmem:s1] =	stream.indirect.scatter.add.f32 [tilespmem:s12], [sflag:$0x3], $0x40, s5, s22, $0xb8;
	[tilespmem:$0x1C600] =	vst v63  }
0x7c: {  	_ = 	snop  }
0x7d: {  	[spmem:s1] =	stream.indirect.scatter.add.f32 [tilespmem:s14], [sflag:$0x3], $0x40, s6, s22, $0xb8;
	[tilespmem:$0x1C600] =	vst v63  }
0x7e: {  	_ =	swait.ge [sflag:s7], $0x2000  }
0x7f: {  	[sflag:s7] =	ssyncset.done $0x0  }
0x80: {  	[sflag:s7] =	ssyncadd.s32 $0xFFFFE000  }
0x81: {  	_ =	swait.ge [sflag:s7], $0x2000  }
0x82: {  	[sflag:s7] =	ssyncset.done $0x0  }
0x83: {  	[sflag:s7] =	ssyncadd.s32 $0xFFFFE000  }
0x84: {  	_ =	swait.ge [sflag:s7], $0x2000  }
0x85: {  	[sflag:s7] =	ssyncset.done $0x0  }
0x86: {  	[sflag:s7] =	ssyncadd.s32 $0xFFFFE000  }
0x87: {  	_ =	swait.ge [sflag:s7], $0x2000  }
0x88: {  	[sflag:s7] =	ssyncset.done $0x0  }
0x89: {  	[sflag:s7] =	ssyncadd.s32 $0xFFFFE000  }
0x8a: {  	_ =	swait.ge [sflag:s7], $0x2000  }
0x8b: {  	[sflag:s7] =	ssyncset.done $0x0  }
0x8c: {  	[sflag:s7] =	ssyncadd.s32 $0xFFFFE000  }
0x8d: {  	_ =	swait.ge [sflag:s7], $0x2000  }
0x8e: {  	[sflag:s7] =	ssyncset.done $0x0  }
0x8f: {  	[sflag:s7] =	ssyncadd.s32 $0xFFFFE000  }
0x90: {  	_ =	swait.ge [sflag:s7], $0x2000  }
0x91: {  	[sflag:s7] =	ssyncset.done $0x0  }
0x92: {  	[sflag:s7] =	ssyncadd.s32 $0xFFFFE000  }
0x93: {  	s9 =	simm.s32 $0x80;
	_ =	swait.ge [sflag:s7], $0x2000  }
0x94: {  	s17 =	simm.s32 $0x100;
	s8 =	rddreg [dreg:$0x5];
	[sflag:s7] =	ssyncset.done $0x0  }
.LBB2_2:
0x95: {  	[sflag:s7] =	ssyncadd.s32 $0xFFFFE000;
	s29 =	rddreg [dreg:$0x4];
	s8 =	sadd.s32 s9, s8  }
0x96: {  	[tilespmem:s19], [sflag:$0x1] =	stream.linear.gather [hbm4b:s8+s3], $0x400, $0x38;
	[tilespmem:$0x1C600] =	vst v63  }
0x97: {  	s29 =	sadd.s32 s9, s29  }
0x98: {  	[tilespmem:s20], [sflag:$0x1] =	stream.linear.gather [hbm4b:s29+s3], $0x400, $0x38;
	[tilespmem:$0x1C600] =	vst v63  }
0x99: {  	_ =	swait.ge [sflag:s21], $0x400  }
0x9a: {  	[sflag:s21] =	ssyncset.done $0x0  }
0x9b: {  	[sflag:s21] =	ssyncadd.s32 $0xFFFFFC00  }
0x9c: {  	_ =	swait.ge [sflag:s21], $0x400  }
0x9d: {  	[sflag:s21] =	ssyncset.done $0x0  }
0x9e: {  	[sflag:s21] =	ssyncadd.s32 $0xFFFFFC00  }
0x9f: {  	[tilespmem:s23], [sflag:$0x2] =	stream.indirect.gather [hbm4b:s10+s22], $0x40, s19, s22, $0xb8;
	[tilespmem:$0x1C600] =	vst v63  }
0xa0: {  	s18 =	smov.u32 s17;
	s29 =	rddreg [dreg:$0x6]  }
0xa1: {  	[tilespmem:s24], [sflag:$0x2] =	stream.indirect.gather [hbm4b:s10+s22], $0x40, s29, s22, $0xb8;
	[tilespmem:$0x1C600] =	vst v63  }
0xa2: {  	s9 =	smov.u32 s18;
	s18 =	rddreg [dreg:$0x7]  }
0xa3: {  	[tilespmem:s25], [sflag:$0x2] =	stream.indirect.gather [hbm4b:s10+s22], $0x40, s18, s22, $0xb8;
	[tilespmem:$0x1C600] =	vst v63  }
0xa4: {  	s29 =	rddreg [dreg:$0x8]  }
0xa5: {  	[tilespmem:s26], [sflag:$0x2] =	stream.indirect.gather [hbm4b:s10+s22], $0x40, s29, s22, $0xb8;
	[tilespmem:$0x1C600] =	vst v63  }
0xa6: {  	_ =	swait.ge [sflag:s28], $0x2000  }
0xa7: {  	[sflag:s28] =	ssyncset.done $0x0  }
0xa8: {  	[sflag:s28] =	ssyncadd.s32 $0xFFFFE000  }
0xa9: {  	_ =	swait.ge [sflag:s28], $0x2000  }
0xaa: {  	[sflag:s28] =	ssyncset.done $0x0  }
0xab: {  	[sflag:s28] =	ssyncadd.s32 $0xFFFFE000  }
0xac: {  	_ =	swait.ge [sflag:s28], $0x2000  }
0xad: {  	[sflag:s28] =	ssyncset.done $0x0  }
0xae: {  	[sflag:s28] =	ssyncadd.s32 $0xFFFFE000  }
0xaf: {  	_ =	swait.ge [sflag:s28], $0x2000  }
0xb0: {  	[sflag:s28] =	ssyncset.done $0x0  }
0xb1: {  	[sflag:s28] =	ssyncadd.s32 $0xFFFFE000  }
0xb2: {  	[spmem:s1] =	stream.indirect.scatter.add.f32 [tilespmem:s23], [sflag:$0x3], $0x40, s20, s22, $0xb8;
	[tilespmem:$0x1C600] =	vst v63  }
0xb3: {  	s18 =	rddreg [dreg:$0x9]  }
0xb4: {  	[spmem:s1] =	stream.indirect.scatter.add.f32 [tilespmem:s24], [sflag:$0x3], $0x40, s18, s22, $0xb8;
	[tilespmem:$0x1C600] =	vst v63  }
0xb5: {  	s29 =	simm.s32 $0xC300  }
0xb6: {  	[spmem:s1] =	stream.indirect.scatter.add.f32 [tilespmem:s25], [sflag:$0x3], $0x40, s29, s22, $0xb8;
	[tilespmem:$0x1C600] =	vst v63  }
0xb7: {  	_ = 	snop  }
0xb8: {  	[spmem:s1] =	stream.indirect.scatter.add.f32 [tilespmem:s26], [sflag:$0x3], $0x40, s30, s22, $0xb8;
	[tilespmem:$0x1C600] =	vst v63  }
0xb9: {  	_ = 	snop  }
0xba: {  	[tilespmem:s0], [sflag:$0x2] =	stream.indirect.gather [hbm4b:s10+s22], $0x40, s31, s22, $0xb8;
	[tilespmem:$0x1C600] =	vst v63  }
0xbb: {  	_ = 	snop  }
0xbc: {  	[tilespmem:s4], [sflag:$0x2] =	stream.indirect.gather [hbm4b:s10+s22], $0x40, s2, s22, $0xb8;
	[tilespmem:$0x1C600] =	vst v63  }
0xbd: {  	_ = 	snop  }
0xbe: {  	[tilespmem:s12], [sflag:$0x2] =	stream.indirect.gather [hbm4b:s10+s22], $0x40, s11, s22, $0xb8;
	[tilespmem:$0x1C600] =	vst v63  }
0xbf: {  	_ = 	snop  }
0xc0: {  	[tilespmem:s14], [sflag:$0x2] =	stream.indirect.gather [hbm4b:s10+s22], $0x40, s13, s22, $0xb8;
	[tilespmem:$0x1C600] =	vst v63  }
0xc1: {  	_ =	swait.ge [sflag:s28], $0x2000  }
0xc2: {  	[sflag:s28] =	ssyncset.done $0x0  }
0xc3: {  	[sflag:s28] =	ssyncadd.s32 $0xFFFFE000  }
0xc4: {  	_ =	swait.ge [sflag:s28], $0x2000  }
0xc5: {  	[sflag:s28] =	ssyncset.done $0x0  }
0xc6: {  	[sflag:s28] =	ssyncadd.s32 $0xFFFFE000  }
0xc7: {  	_ =	swait.ge [sflag:s28], $0x2000  }
0xc8: {  	[sflag:s28] =	ssyncset.done $0x0  }
0xc9: {  	[sflag:s28] =	ssyncadd.s32 $0xFFFFE000  }
0xca: {  	_ =	swait.ge [sflag:s28], $0x2000  }
0xcb: {  	[sflag:s28] =	ssyncset.done $0x0  }
0xcc: {  	[sflag:s28] =	ssyncadd.s32 $0xFFFFE000  }
0xcd: {  	[spmem:s1] =	stream.indirect.scatter.add.f32 [tilespmem:s0], [sflag:$0x3], $0x40, s15, s22, $0xb8;
	[tilespmem:$0x1C600] =	vst v63  }
0xce: {  	_ = 	snop  }
0xcf: {  	[spmem:s1] =	stream.indirect.scatter.add.f32 [tilespmem:s4], [sflag:$0x3], $0x40, s16, s22, $0xb8;
	[tilespmem:$0x1C600] =	vst v63  }
0xd0: {  	_ = 	snop  }
0xd1: {  	[spmem:s1] =	stream.indirect.scatter.add.f32 [tilespmem:s12], [sflag:$0x3], $0x40, s5, s22, $0xb8;
	[tilespmem:$0x1C600] =	vst v63  }
0xd2: {  	_ = 	snop  }
0xd3: {  	[spmem:s1] =	stream.indirect.scatter.add.f32 [tilespmem:s14], [sflag:$0x3], $0x40, s6, s22, $0xb8;
	[tilespmem:$0x1C600] =	vst v63  }
0xd4: {  	_ =	swait.ge [sflag:s7], $0x2000  }
0xd5: {  	[sflag:s7] =	ssyncset.done $0x0  }
0xd6: {  	[sflag:s7] =	ssyncadd.s32 $0xFFFFE000  }
0xd7: {  	_ =	swait.ge [sflag:s7], $0x2000  }
0xd8: {  	[sflag:s7] =	ssyncset.done $0x0  }
0xd9: {  	[sflag:s7] =	ssyncadd.s32 $0xFFFFE000  }
0xda: {  	_ =	swait.ge [sflag:s7], $0x2000  }
0xdb: {  	[sflag:s7] =	ssyncset.done $0x0  }
0xdc: {  	[sflag:s7] =	ssyncadd.s32 $0xFFFFE000  }
0xdd: {  	_ =	swait.ge [sflag:s7], $0x2000  }
0xde: {  	[sflag:s7] =	ssyncset.done $0x0  }
0xdf: {  	[sflag:s7] =	ssyncadd.s32 $0xFFFFE000  }
0xe0: {  	_ =	swait.ge [sflag:s7], $0x2000  }
0xe1: {  	[sflag:s7] =	ssyncset.done $0x0  }
0xe2: {  	[sflag:s7] =	ssyncadd.s32 $0xFFFFE000  }
0xe3: {  	_ =	swait.ge [sflag:s7], $0x2000  }
0xe4: {  	[sflag:s7] =	ssyncset.done $0x0  }
0xe5: {  	p0 =	sne.s32 s17, $0x1200;
	[sflag:s7] =	ssyncadd.s32 $0xFFFFE000  }
.Ltmp0:
0xe6: {  	_ =	swait.ge [sflag:s7], $0x2000;
	(pc) =	sbr.rel @p0 .LBB2_2-.Ltmp0, $4  }
0xe7: {  	[sflag:s7] =	ssyncset.done $0x0  }
0xe8: {  	[sflag:s7] =	ssyncadd.s32 $0xFFFFE000  }
0xe9: {  	_ =	swait.ge [sflag:s7], $0x2000  }
0xea: {  	s17 =	sadd.s32 $0x80, s17;
	s8 =	rddreg [dreg:$0x5];
	[sflag:s7] =	ssyncset.done $0x0  }
0xeb: {  	s17 =	rddreg [dreg:$0x4];
	[sflag:s7] =	ssyncadd.s32 $0xFFFFE000;
	s8 =	sadd.s32 s9, s8  }
0xec: {  	[tilespmem:s19], [sflag:$0x1] =	stream.linear.gather [hbm4b:s8+s3], $0x400, $0x38;
	[tilespmem:$0x1C600] =	vst v63  }
0xed: {  	s29 =	sadd.s32 s9, s17  }
0xee: {  	[tilespmem:s20], [sflag:$0x1] =	stream.linear.gather [hbm4b:s29+s3], $0x400, $0x38;
	[tilespmem:$0x1C600] =	vst v63  }
0xef: {  	_ =	swait.ge [sflag:s21], $0x400  }
0xf0: {  	[sflag:s21] =	ssyncset.done $0x0  }
0xf1: {  	[sflag:s21] =	ssyncadd.s32 $0xFFFFFC00  }
0xf2: {  	_ =	swait.ge [sflag:s21], $0x400  }
0xf3: {  	[sflag:s21] =	ssyncset.done $0x0  }
0xf4: {  	[sflag:s21] =	ssyncadd.s32 $0xFFFFFC00  }
0xf5: {  	[tilespmem:s23], [sflag:$0x2] =	stream.indirect.gather [hbm4b:s10+s22], $0x40, s19, s22, $0xb8;
	[tilespmem:$0x1C600] =	vst v63  }
0xf6: {  	s9 =	rddreg [dreg:$0x6]  }
0xf7: {  	[tilespmem:s24], [sflag:$0x2] =	stream.indirect.gather [hbm4b:s10+s22], $0x40, s9, s22, $0xb8;
	[tilespmem:$0x1C600] =	vst v63  }
0xf8: {  	s17 =	rddreg [dreg:$0x7]  }
0xf9: {  	[tilespmem:s25], [sflag:$0x2] =	stream.indirect.gather [hbm4b:s10+s22], $0x40, s17, s22, $0xb8;
	[tilespmem:$0x1C600] =	vst v63  }
0xfa: {  	s18 =	rddreg [dreg:$0x8]  }
0xfb: {  	[tilespmem:s26], [sflag:$0x2] =	stream.indirect.gather [hbm4b:s10+s22], $0x40, s18, s22, $0xb8;
	[tilespmem:$0x1C600] =	vst v63  }
0xfc: {  	_ =	swait.ge [sflag:s28], $0x2000  }
0xfd: {  	[sflag:s28] =	ssyncset.done $0x0  }
0xfe: {  	[sflag:s28] =	ssyncadd.s32 $0xFFFFE000  }
0xff: {  	_ =	swait.ge [sflag:s28], $0x2000  }
0x100: {  	[sflag:s28] =	ssyncset.done $0x0  }
0x101: {  	[sflag:s28] =	ssyncadd.s32 $0xFFFFE000  }
0x102: {  	_ =	swait.ge [sflag:s28], $0x2000  }
0x103: {  	[sflag:s28] =	ssyncset.done $0x0  }
0x104: {  	[sflag:s28] =	ssyncadd.s32 $0xFFFFE000  }
0x105: {  	_ =	swait.ge [sflag:s28], $0x2000  }
0x106: {  	[sflag:s28] =	ssyncset.done $0x0  }
0x107: {  	[sflag:s28] =	ssyncadd.s32 $0xFFFFE000  }
0x108: {  	[spmem:s1] =	stream.indirect.scatter.add.f32 [tilespmem:s23], [sflag:$0x3], $0x40, s20, s22, $0xb8;
	[tilespmem:$0x1C600] =	vst v63  }
0x109: {  	s29 =	rddreg [dreg:$0x9]  }
0x10a: {  	[spmem:s1] =	stream.indirect.scatter.add.f32 [tilespmem:s24], [sflag:$0x3], $0x40, s29, s22, $0xb8;
	[tilespmem:$0x1C600] =	vst v63  }
0x10b: {  	s9 =	simm.s32 $0xC300  }
0x10c: {  	[spmem:s1] =	stream.indirect.scatter.add.f32 [tilespmem:s25], [sflag:$0x3], $0x40, s9, s22, $0xb8;
	[tilespmem:$0x1C600] =	vst v63  }
0x10d: {  	_ = 	snop  }
0x10e: {  	[spmem:s1] =	stream.indirect.scatter.add.f32 [tilespmem:s26], [sflag:$0x3], $0x40, s30, s22, $0xb8;
	[tilespmem:$0x1C600] =	vst v63  }
0x10f: {  	_ = 	snop  }
0x110: {  	[tilespmem:s0], [sflag:$0x2] =	stream.indirect.gather [hbm4b:s10+s22], $0x40, s31, s22, $0xb8;
	[tilespmem:$0x1C600] =	vst v63  }
0x111: {  	_ = 	snop  }
0x112: {  	[tilespmem:s4], [sflag:$0x2] =	stream.indirect.gather [hbm4b:s10+s22], $0x40, s2, s22, $0xb8;
	[tilespmem:$0x1C600] =	vst v63  }
0x113: {  	_ = 	snop  }
0x114: {  	[tilespmem:s12], [sflag:$0x2] =	stream.indirect.gather [hbm4b:s10+s22], $0x40, s11, s22, $0xb8;
	[tilespmem:$0x1C600] =	vst v63  }
0x115: {  	_ = 	snop  }
0x116: {  	[tilespmem:s14], [sflag:$0x2] =	stream.indirect.gather [hbm4b:s10+s22], $0x40, s13, s22, $0xb8;
	[tilespmem:$0x1C600] =	vst v63  }
0x117: {  	_ =	swait.ge [sflag:s28], $0x2000  }
0x118: {  	[sflag:s28] =	ssyncset.done $0x0  }
0x119: {  	[sflag:s28] =	ssyncadd.s32 $0xFFFFE000  }
0x11a: {  	_ =	swait.ge [sflag:s28], $0x2000  }
0x11b: {  	[sflag:s28] =	ssyncset.done $0x0  }
0x11c: {  	[sflag:s28] =	ssyncadd.s32 $0xFFFFE000  }
0x11d: {  	_ =	swait.ge [sflag:s28], $0x2000  }
0x11e: {  	[sflag:s28] =	ssyncset.done $0x0  }
0x11f: {  	[sflag:s28] =	ssyncadd.s32 $0xFFFFE000  }
0x120: {  	_ =	swait.ge [sflag:s28], $0x2000  }
0x121: {  	[sflag:s28] =	ssyncset.done $0x0  }
0x122: {  	[sflag:s28] =	ssyncadd.s32 $0xFFFFE000  }
0x123: {  	[spmem:s1] =	stream.indirect.scatter.add.f32 [tilespmem:s0], [sflag:$0x3], $0x40, s15, s22, $0xb8;
	[tilespmem:$0x1C600] =	vst v63  }
0x124: {  	_ = 	snop  }
0x125: {  	[spmem:s1] =	stream.indirect.scatter.add.f32 [tilespmem:s4], [sflag:$0x3], $0x40, s16, s22, $0xb8;
	[tilespmem:$0x1C600] =	vst v63  }
0x126: {  	_ = 	snop  }
0x127: {  	[spmem:s1] =	stream.indirect.scatter.add.f32 [tilespmem:s12], [sflag:$0x3], $0x40, s5, s22, $0xb8;
	[tilespmem:$0x1C600] =	vst v63  }
0x128: {  	_ = 	snop  }
0x129: {  	[spmem:s1] =	stream.indirect.scatter.add.f32 [tilespmem:s14], [sflag:$0x3], $0x40, s6, s22, $0xb8;
	[tilespmem:$0x1C600] =	vst v63  }
0x12a: {  	_ =	swait.ge [sflag:s7], $0x2000  }
0x12b: {  	[sflag:s7] =	ssyncset.done $0x0  }
0x12c: {  	[sflag:s7] =	ssyncadd.s32 $0xFFFFE000  }
0x12d: {  	_ =	swait.ge [sflag:s7], $0x2000  }
0x12e: {  	[sflag:s7] =	ssyncset.done $0x0  }
0x12f: {  	[sflag:s7] =	ssyncadd.s32 $0xFFFFE000  }
0x130: {  	_ =	swait.ge [sflag:s7], $0x2000  }
0x131: {  	[sflag:s7] =	ssyncset.done $0x0  }
0x132: {  	[sflag:s7] =	ssyncadd.s32 $0xFFFFE000  }
0x133: {  	_ =	swait.ge [sflag:s7], $0x2000  }
0x134: {  	[sflag:s7] =	ssyncset.done $0x0  }
0x135: {  	[sflag:s7] =	ssyncadd.s32 $0xFFFFE000  }
0x136: {  	_ =	swait.ge [sflag:s7], $0x2000  }
0x137: {  	[sflag:s7] =	ssyncset.done $0x0  }
0x138: {  	[sflag:s7] =	ssyncadd.s32 $0xFFFFE000  }
0x139: {  	_ =	swait.ge [sflag:s7], $0x2000  }
0x13a: {  	[sflag:s7] =	ssyncset.done $0x0  }
0x13b: {  	[sflag:s7] =	ssyncadd.s32 $0xFFFFE000  }
0x13c: {  	_ =	swait.ge [sflag:s7], $0x2000  }
0x13d: {  	[sflag:s7] =	ssyncset.done $0x0  }
0x13e: {  	[sflag:s7] =	ssyncadd.s32 $0xFFFFE000  }
0x13f: {  	_ =	swait.ge [sflag:s7], $0x2000  }
0x140: {  	[sflag:s7] =	ssyncset.done $0x0  }
0x141: {  	[sflag:s7] =	ssyncadd.s32 $0xFFFFE000  }
0x142: {  	[bflag:$0x0] =	sbarrier.arrive $0xFFFF  }
0x143: {  	s17 =	rddreg [dreg:$0xb]  }
0x144: {  	[tilespmem:s23], [sflag:$0x2] =	stream.linear.gather [spmem:s17], $0x2000, $0x38;
	[tilespmem:$0x1C600] =	vst v63  }
0x145: {  	s17 =	rddreg [dreg:$0xc]  }
0x146: {  	[tilespmem:s24], [sflag:$0x2] =	stream.linear.gather [spmem:s17], $0x2000, $0x38;
	[tilespmem:$0x1C600] =	vst v63  }
0x147: {  	s18 =	rddreg [dreg:$0xd]  }
0x148: {  	[tilespmem:s25], [sflag:$0x2] =	stream.linear.gather [spmem:s18], $0x2000, $0x38;
	[tilespmem:$0x1C600] =	vst v63  }
0x149: {  	s9 =	rddreg [dreg:$0xe]  }
0x14a: {  	[tilespmem:s26], [sflag:$0x2] =	stream.linear.gather [spmem:s9], $0x2000, $0x38;
	[tilespmem:$0x1C600] =	vst v63  }
0x14b: {  	s29 =	rddreg [dreg:$0xf];
	s18 =	simm.s32 $0x9E00  }
0x14c: {  	[tilespmem:s18], [sflag:$0x2] =	stream.linear.gather [spmem:s29], $0x1E00, $0x38;
	[tilespmem:$0x1C600] =	vst v63  }
0x14d: {  	_ =	swait.ge [sflag:s28], $0x2000  }
0x14e: {  	[sflag:s28] =	ssyncset.done $0x0  }
0x14f: {  	[sflag:s28] =	ssyncadd.s32 $0xFFFFE000  }
0x150: {  	_ =	swait.ge [sflag:s28], $0x2000  }
0x151: {  	[sflag:s28] =	ssyncset.done $0x0  }
0x152: {  	[sflag:s28] =	ssyncadd.s32 $0xFFFFE000  }
0x153: {  	_ =	swait.ge [sflag:s28], $0x2000  }
0x154: {  	[sflag:s28] =	ssyncset.done $0x0  }
0x155: {  	[sflag:s28] =	ssyncadd.s32 $0xFFFFE000  }
0x156: {  	_ =	swait.ge [sflag:s28], $0x2000  }
0x157: {  	[sflag:s28] =	ssyncset.done $0x0  }
0x158: {  	[sflag:s28] =	ssyncadd.s32 $0xFFFFE000  }
0x159: {  	_ =	swait.ge [sflag:s28], $0x1E00  }
0x15a: {  	[sflag:s28] =	ssyncset.done $0x0  }
0x15b: {  	s29 =	rddreg [dreg:$0x10];
	[sflag:s28] =	ssyncadd.s32 $0xFFFFE200  }
0x15c: {  	[hbm4b:s29+s3] =	stream.linear.scatter [tilespmem:s23], [sflag:$0x3], $0x2000, $0x38;
	[tilespmem:$0x1C600] =	vst v63  }
0x15d: {  	s29 =	rddreg [dreg:$0x11]  }
0x15e: {  	[hbm4b:s29+s3] =	stream.linear.scatter [tilespmem:s24], [sflag:$0x3], $0x2000, $0x38;
	[tilespmem:$0x1C600] =	vst v63  }
0x15f: {  	s29 =	rddreg [dreg:$0x12]  }
0x160: {  	[hbm4b:s29+s3] =	stream.linear.scatter [tilespmem:s25], [sflag:$0x3], $0x2000, $0x38;
	[tilespmem:$0x1C600] =	vst v63  }
0x161: {  	s29 =	rddreg [dreg:$0x13]  }
0x162: {  	[hbm4b:s29+s3] =	stream.linear.scatter [tilespmem:s26], [sflag:$0x3], $0x2000, $0x38;
	[tilespmem:$0x1C600] =	vst v63  }
0x163: {  	s29 =	rddreg [dreg:$0x14]  }
0x164: {  	[hbm4b:s29+s3] =	stream.linear.scatter [tilespmem:s18], [sflag:$0x3], $0x1E00, $0x38;
	[tilespmem:$0x1C600] =	vst v63  }
0x165: {  	_ =	swait.ge [sflag:s7], $0x2000  }
0x166: {  	[sflag:s7] =	ssyncset.done $0x0  }
0x167: {  	[sflag:s7] =	ssyncadd.s32 $0xFFFFE000  }
0x168: {  	_ =	swait.ge [sflag:s7], $0x2000  }
0x169: {  	[sflag:s7] =	ssyncset.done $0x0  }
0x16a: {  	[sflag:s7] =	ssyncadd.s32 $0xFFFFE000  }
0x16b: {  	_ =	swait.ge [sflag:s7], $0x2000  }
0x16c: {  	[sflag:s7] =	ssyncset.done $0x0  }
0x16d: {  	[sflag:s7] =	ssyncadd.s32 $0xFFFFE000  }
0x16e: {  	_ =	swait.ge [sflag:s7], $0x2000  }
0x16f: {  	[sflag:s7] =	ssyncset.done $0x0  }
0x170: {  	[sflag:s7] =	ssyncadd.s32 $0xFFFFE000  }
0x171: {  	_ =	swait.ge [sflag:s7], $0x1E00  }
0x172: {  	s29 =	rddreg [dreg:$0x16]  }
0x173: {  	s8 =	rddreg [dreg:$0x15];
	s29 =	sadd.s32 $0x1, s29  }
0x174: {  	p0 =	sne.s32 s29, s8  }
.Ltmp1:
0x175: {  	_ = 	snop;
	(pc) =	sbr.rel @p0 .LBB2_1-.Ltmp1, $3  }
0x176: {  	_ =	sdelay $0x1  }
0x177: {  	[sflag:s7] =	ssyncset.done $0x0  }
0x178: {  	[sflag:s7] =	ssyncadd.s32 $0xFFFFE200;
	[dreg:$0x16] =	wrdreg s29  }
0x179: {  	_ =	sfence.sel $0x180000  }
0x17a: {  	[bflag:$0x0] =	sbarrier.arrive $0xFFFF  }
0x17b: {  	_ =	strace $0x90000047  }
0x17c: {  	s0 =	stileid.u32;
	[bflag:$0x2] =	sbarrier.arrive $0xFFFF  }
0x17d: {  	p0 =	sne.s32 s0, $0x0;
	s0 =	rddreg [dreg:$0x3]  }
0x17e: {  	s0 =	sadd.s32 @!p0 $0x100000, s0  }
0x17f: {  	[sflag:s0] =	ssyncadd.tile.s32 @!p0 $0x1;
	_ =	shalt  }
.Lfunc_end2:
_tile_overlayer_lowered:
.L_overlay_start_2:
0x180: {  	(tag) =	ssettag $0x2  }
0x181: {  	s0 =	rddreg [dreg:$0x0];
	s2 =	stileid.u32  }
0x182: {  	s1 =	rddreg [dreg:$0x1];
	p0 =	sne.s32 s2, $0x0  }
0x183: {  	s3 =	rddreg [dreg:$0x2];
	[bflag:$0x3] =	sbarrier.arrive $0xFFFF;
	s2 =	simm.s32 @!p0 $0x1C04  }
0x184: {  	[timem:s3], [sflag:s2] =	dma.local @!p0 [hbm:s0], s1  }
0x185: {  	s0 =	simm.s32 @!p0 $0x4  }
0x186: {  	_ =	swait.ge @!p0 [sflag:s0], s1  }
0x187: {  	s1 =	ssub.s32 @!p0 $0x0, s1;
	[sflag:s0] =	ssyncset.done @!p0 $0x0  }
0x188: {  	[sflag:s0] =	ssyncadd.s32 @!p0 s1  }
0x189: {  	[bflag:$0x3] =	sbarrier.arrive $0xFFFF  }
0x18a: {  	_ =	shalt  }

</sc_bundles>
